<compile_context>
chip_gen: v7x
topology: tpu7x:2x2x1
jax: 0.10.2.dev20260603
libtpu: 0.0.44.dev20260713+nightly
codegen_flags: <defaults>
</compile_context>

<pallas_src>
import functools

import jax
import jax.numpy as jnp
from jax import lax
from jax.experimental import pallas as pl
from jax.experimental.pallas import tpu as pltpu
from jax.experimental.pallas import tpu_sc as plsc

B = 8
N = 10000
NPAD = 10240
E = 160000
ESH = E // 4
EDEG = E // 16
CH = 8000
L = 16
UE = 8
U = 4
NB = 4096
MLP_OUT = 80000
INV_S = 1.0 / (1.0 + 1e-5) ** 0.5


def _sc_graph(pck, z):
    mesh = plsc.VectorSubcoreMesh(
        core_axis_name="c", subcore_axis_name="s", num_cores=2, num_subcores=16
    )

    @functools.partial(
        pl.kernel,
        out_type=[
            jax.ShapeDtypeStruct((B, NPAD), jnp.float32),
            jax.ShapeDtypeStruct((NPAD,), jnp.float32),
        ],
        mesh=mesh,
        compiler_params=pltpu.CompilerParams(needs_layout_passes=False),
        scratch_types=[
            pltpu.VMEM((NPAD,), jnp.float32),
            pltpu.VMEM((NPAD,), jnp.float32),
            pltpu.VMEM((NPAD,), jnp.float32),
            pltpu.VMEM((NPAD,), jnp.float32),
            pltpu.VMEM((2 * CH,), jnp.int32),
            pltpu.VMEM((16, 640), jnp.float32),
            pltpu.VMEM((4, 2560), jnp.float32),
            pltpu.VMEM((2560,), jnp.float32),
            pltpu.VMEM_SHARED((16, NPAD), jnp.float32),
            pltpu.VMEM_SHARED((16, NPAD), jnp.float32),
            pltpu.VMEM_SHARED((NPAD,), jnp.float32),
            pltpu.VMEM_SHARED((4, NPAD), jnp.float32),
            pltpu.SemaphoreType.DMA,
            pltpu.SemaphoreType.DMA,
        ],
    )
    def k(pck_h, z_h, a2_h, w_h, dinvl, featl, acc, wacc,
          pckbuf, red16, red4, accsl, parts, wparts, dinvsh, a1sh, sem0, sem1):
        c = lax.axis_index("c")
        s = lax.axis_index("s")
        b_loc = s // 4
        q = s % 4
        b = c * 4 + b_loc
        on_sc0 = c == 0

        zero16 = jnp.zeros((L,), jnp.float32)
        ones16 = jnp.ones((L,), jnp.float32)

        def zero_ref(ref, n):
            def body(i, carry):
                for u in range(U):
                    ref[pl.ds(i * (U * L) + u * L, L)] = zero16
                return carry
            lax.fori_loop(0, n // (U * L), body, 0)

        mask14 = jnp.full((L,), 16383, jnp.int32)

        def count_block(off, nblk):
            p_l = [pckbuf[pl.ds(off + u * L, L)] for u in range(nblk)]
            d_l = [jnp.bitwise_and(pv, mask14) for pv in p_l]
            for dv in d_l:
                plsc.addupdate_scatter(acc, [dv], ones16)

        def gather_block(featref, accref):
            def fn(off, nblk):
                p_l = [pckbuf[pl.ds(off + u * L, L)] for u in range(nblk)]
                s_l = [lax.shift_right_logical(pv, 14) for pv in p_l]
                d_l = [jnp.bitwise_and(pv, mask14) for pv in p_l]
                f_l = [plsc.load_gather(featref, [sv]) for sv in s_l]
                for dv, fv in zip(d_l, f_l):
                    plsc.addupdate_scatter(accref, [dv], fv)
            return fn

        def edge_loop_at(bufbase, total, fn):
            nfull = total // (UE * L)
            rem = (total - nfull * UE * L) // L

            def body(i, carry):
                fn(bufbase + i * (UE * L), UE)
                return carry
            lax.fori_loop(0, nfull, body, 0)
            if rem:
                fn(bufbase + nfull * UE * L, rem)

        sems = [sem0, sem1]

        def run_chunks(base, chunks, fn):
            handles = {}

            def start(ci):
                off, sz = chunks[ci]
                slot = ci % 2
                cb = pl.multiple_of(base + off, 8)
                handles[ci] = pltpu.async_copy(
                    pck_h.at[pl.ds(cb, sz)],
                    pckbuf.at[pl.ds(slot * CH, sz)],
                    sems[slot],
                )
            start(0)
            for ci in range(len(chunks)):
                if ci + 1 < len(chunks):
                    start(ci + 1)
                handles[ci].wait()
                edge_loop_at((ci % 2) * CH, chunks[ci][1], fn)

        DEG_CHUNKS = [(0, CH), (CH, EDEG - CH)]
        LAYER_CHUNKS = [(i * CH, CH) for i in range(ESH // CH)]

        zero_ref(acc, NPAD)
        dbase = pl.multiple_of(s * EDEG, 8)
        run_chunks(dbase, DEG_CHUNKS, count_block)

        pltpu.sync_copy(acc, parts.at[s])
        plsc.subcore_barrier()
        lo = pl.multiple_of(s * 640, 8)
        pltpu.sync_copy(parts.at[:, pl.ds(lo, 640)], red16)

        def red16_sum(i, carry):
            o = i * L
            v_l = [red16[p, pl.ds(o, L)] for p in range(16)]
            t = ((v_l[0] + v_l[1]) + (v_l[2] + v_l[3])) + (
                (v_l[4] + v_l[5]) + (v_l[6] + v_l[7])
            )
            t2 = ((v_l[8] + v_l[9]) + (v_l[10] + v_l[11])) + (
                (v_l[12] + v_l[13]) + (v_l[14] + v_l[15])
            )
            accsl[pl.ds(o, L)] = t + t2
            return carry
        lax.fori_loop(0, 640 // L, red16_sum, 0)

        magic = jnp.full((L,), 0x5F3759DF, jnp.int32)

        def rsqrt_body(i, carry):
            dg = accsl[pl.ds(i * L, L)] + 1.0
            ii = magic - lax.shift_right_logical(plsc.bitcast(dg, jnp.int32), 1)
            y = plsc.bitcast(ii, jnp.float32)
            y = y * (1.5 - 0.5 * dg * y * y)
            y = y * (1.5 - 0.5 * dg * y * y)
            y = y * (1.5 - 0.5 * dg * y * y)
            accsl[pl.ds(i * L, L)] = y
            return carry
        lax.fori_loop(0, 640 // L, rsqrt_body, 0)
        pltpu.sync_copy(accsl.at[pl.ds(0, 640)], dinvsh.at[pl.ds(lo, 640)])
        plsc.subcore_barrier()
        pltpu.sync_copy(dinvsh, dinvl)

        pltpu.sync_copy(z_h.at[b], featl)

        def scaleb(i, carry):
            offs = [i * (U * L) + u * L for u in range(U)]
            f_l = [featl[pl.ds(o, L)] for o in offs]
            d_l = [dinvl[pl.ds(o, L)] for o in offs]
            for o, fv, dv in zip(offs, f_l, d_l):
                featl[pl.ds(o, L)] = fv * dv
            return carry
        lax.fori_loop(0, NPAD // (U * L), scaleb, 0)

        ebase = pl.multiple_of(q * ESH, 8)

        zero_ref(acc, NPAD)
        run_chunks(ebase, LAYER_CHUNKS, gather_block(featl, acc))

        @pl.when(on_sc0)
        def _():
            zero_ref(wacc, NPAD)
            run_chunks(dbase, DEG_CHUNKS, gather_block(dinvl, wacc))
            pltpu.sync_copy(wacc, wparts.at[s])

        pltpu.sync_copy(acc, parts.at[s])
        plsc.subcore_barrier()

        nlo = pl.multiple_of(q * 2560, 8)

        def sum4():
            pltpu.sync_copy(parts.at[pl.ds(b_loc * 4, 4), pl.ds(nlo, 2560)], red4)

            def body(i, carry):
                o = i * L
                v_l = [red4[p, pl.ds(o, L)] for p in range(4)]
                accsl[pl.ds(o, L)] = (v_l[0] + v_l[1]) + (v_l[2] + v_l[3])
                return carry
            lax.fori_loop(0, 2560 // L, body, 0)

        sum4()

        def f2b(i, carry):
            offs = [i * (U * L) + u * L for u in range(U)]
            a_l = [accsl[pl.ds(o, L)] for o in offs]
            d_l = [dinvl[pl.ds(nlo + o, L)] for o in offs]
            z_l = [featl[pl.ds(nlo + o, L)] for o in offs]
            for o, av, dv, zv in zip(offs, a_l, d_l, z_l):
                accsl[pl.ds(o, L)] = dv * dv * (av + zv)
            return carry
        lax.fori_loop(0, 2560 // (U * L), f2b, 0)
        pltpu.sync_copy(accsl, a1sh.at[b_loc, pl.ds(nlo, 2560)])

        @pl.when(on_sc0)
        def _():
            pltpu.sync_copy(wparts.at[:, pl.ds(lo, 640)], red16)

            def wsum(i, carry):
                o = i * L
                v_l = [red16[p, pl.ds(o, L)] for p in range(16)]
                t = ((v_l[0] + v_l[1]) + (v_l[2] + v_l[3])) + (
                    (v_l[4] + v_l[5]) + (v_l[6] + v_l[7])
                )
                t2 = ((v_l[8] + v_l[9]) + (v_l[10] + v_l[11])) + (
                    (v_l[12] + v_l[13]) + (v_l[14] + v_l[15])
                )
                dv = dinvl[pl.ds(lo + o, L)]
                red16[0, pl.ds(o, L)] = dv * ((t + t2) + dv)
                return carry
            lax.fori_loop(0, 640 // L, wsum, 0)
            pltpu.sync_copy(red16.at[0], w_h.at[pl.ds(lo, 640)])

        plsc.subcore_barrier()
        pltpu.sync_copy(a1sh.at[b_loc], featl)

        zero_ref(acc, NPAD)
        run_chunks(ebase, LAYER_CHUNKS, gather_block(featl, acc))

        pltpu.sync_copy(acc, parts.at[s])
        plsc.subcore_barrier()
        sum4()

        def outb(i, carry):
            offs = [i * (U * L) + u * L for u in range(U)]
            a_l = [accsl[pl.ds(o, L)] for o in offs]
            d_l = [dinvl[pl.ds(nlo + o, L)] for o in offs]
            f_l = [featl[pl.ds(nlo + o, L)] for o in offs]
            for o, av, dv, fv in zip(offs, a_l, d_l, f_l):
                accsl[pl.ds(o, L)] = dv * (av + fv)
            return carry
        lax.fori_loop(0, 2560 // (U * L), outb, 0)
        pltpu.sync_copy(accsl, a2_h.at[b, pl.ds(nlo, 2560)])

    return k(pck, z)


def _mlp_body(x_ref, wih_ref, bih_ref, bhh_ref, wm_ref, bm_ref, pa_ref, bg_ref,
              bb_ref, f_ref, ym_ref, hid_ref, hid_s):
    pid = pl.program_id(0)

    @pl.when(pid == 0)
    def _():
        gi = lax.dot_general(
            x_ref[...], wih_ref[...], (((1,), (1,)), ((), ())),
            preferred_element_type=jnp.float32,
        ) + bih_ref[...]
        gh = bhh_ref[...]
        r = jax.nn.sigmoid(gi[:, 0:256] + gh[:, 0:256])
        zg = jax.nn.sigmoid(gi[:, 256:512] + gh[:, 256:512])
        nn = jnp.tanh(gi[:, 512:768] + r * gh[:, 512:768])
        hid = (1.0 - zg) * nn
        hid_s[...] = hid
        hid_ref[...] = hid

    hid = hid_s[...]
    mm = jnp.dot(hid, wm_ref[...], preferred_element_type=jnp.float32) + bm_ref[...]
    mm = jnp.where(mm >= 0, mm, pa_ref[...] * mm)
    mm = bg_ref[...] * (mm * INV_S) + bb_ref[...]
    col = pid * NB + lax.broadcasted_iota(jnp.int32, (B, NB), 1)
    mm = jnp.where(col < MLP_OUT, mm, 0.0)
    ym_ref[...] = jnp.dot(mm, f_ref[...], preferred_element_type=jnp.float32)


def _tc_mlp(x, W_ih, b_ihr, b_hhr, W_mlp, bmr, par, bgr, bbr, F):
    grid = (MLP_OUT // NB + 1,)
    full = lambda shape: pl.BlockSpec(shape, lambda i: (0, 0))
    blk = lambda shape: pl.BlockSpec(shape, lambda i: (0, i))
    return pl.pallas_call(
        _mlp_body,
        grid=grid,
        in_specs=[
            full((B, 128)),
            full((768, 128)),
            full((1, 768)),
            full((1, 768)),
            blk((256, NB)),
            blk((1, NB)),
            blk((1, NB)),
            blk((1, NB)),
            blk((1, NB)),
            full((NB, NB // 8)),
        ],
        out_specs=[
            pl.BlockSpec((B, NB // 8), lambda i: (0, i)),
            full((B, 256)),
        ],
        out_shape=[
            jax.ShapeDtypeStruct((B, NPAD), jnp.float32),
            jax.ShapeDtypeStruct((B, 256), jnp.float32),
        ],
        scratch_shapes=[pltpu.VMEM((B, 256), jnp.float32)],
    )(x, W_ih, b_ihr, b_hhr, W_mlp, bmr, par, bgr, bbr, F)


def _combine_body(ym_ref, a2_ref, w_ref, w1_ref, w2_ref, b1_ref, b2_ref,
                  u_ref, bo_ref, y_ref):
    vrow = jnp.dot(w1_ref[...], w2_ref[...], preferred_element_type=jnp.float32)
    crow = jnp.dot(b1_ref[...], w2_ref[...], preferred_element_type=jnp.float32)
    dims = (((1,), (1,)), ((), ()))
    alpha = lax.dot_general(vrow, u_ref[...], dims, preferred_element_type=jnp.float32)
    beta = lax.dot_general(crow, u_ref[...], dims, preferred_element_type=jnp.float32)
    gamma = lax.dot_general(b2_ref[...], u_ref[...], dims, preferred_element_type=jnp.float32)
    y_ref[...] = (
        ym_ref[...] + alpha[0, 0] * a2_ref[...] + beta[0, 0] * w_ref[...]
        + (gamma[0, 0] + bo_ref[0, 0])
    )


def _tc_combine(ym, a2, wrow, W1, W2, b1r, b2r, u128, bo):
    return pl.pallas_call(
        _combine_body,
        out_shape=jax.ShapeDtypeStruct((B, NPAD), jnp.float32),
    )(ym, a2, wrow, W1, W2, b1r, b2r, u128, bo)


def kernel(x, smoothed_vert_pos, edge_index, W_gcn1, b_gcn1, W_gcn2, b_gcn2,
           W_ih, W_hh, b_ih, b_hh, W_mlp, b_mlp, prelu_a, bn_gamma, bn_beta,
           W_out, b_out):
    z = smoothed_vert_pos.reshape(B, N, 3)[:, :, 2]
    zp = jnp.pad(z, ((0, 0), (0, NPAD - N)))
    pck = jnp.bitwise_or(jnp.left_shift(edge_index[0], 14), edge_index[1])

    u8 = W_out[0:8, 0]
    F = jnp.kron(jnp.eye(NB // 8, dtype=jnp.float32), u8[:, None])
    ym, hid = _tc_mlp(
        x, W_ih, b_ih[None, :], b_hh[None, :], W_mlp, b_mlp[None, :],
        prelu_a[None, :], bn_gamma[None, :], bn_beta[None, :], F,
    )
    a2p, wp = _sc_graph(pck, zp)
    y = _tc_combine(
        ym, a2p, wp[None, :], W_gcn1, W_gcn2, b_gcn1[None, :], b_gcn2[None, :],
        W_out[8:, 0][None, :], b_out[None, :],
    )
    return (y[:, :N], hid)

# --- scband reference (transcript-rebuilt; emitter-appended) ---
"""Pipeline reference for scband-my-gru-gcn-model-18253611008141 (READ-ONLY COPY).

The authoritative reference and input builder live on the scoring server;
editing this copy changes nothing except your own understanding.
"""

import jax, jax.numpy as jnp
import numpy as np

N_NODES = 10000
N_EDGES = 160000
B = 8
INPUT_NUM = 128
HIDDEN_NUM = 256
GRU_OUT_DIM = 8
GCN_DIM = (1, 128, 128)
MLP_OUT = 80000  # == N_NODES * GRU_OUT_DIM (output_num[-1])


def setup_inputs(seed: int = 0) -> dict:
    key = jax.random.key(seed)
    ks = jax.random.split(key, 12)
    s = 0.05
    inp = {}
    inp["x"] = jax.random.normal(ks[0], (B, INPUT_NUM), dtype=jnp.float32)
    inp["smoothed_vert_pos"] = jax.random.normal(ks[1], (B, N_NODES * 3), dtype=jnp.float32)
    inp["edge_index"] = jax.random.randint(ks[2], (2, N_EDGES), 0, N_NODES, dtype=jnp.int32)
    inp["W_gcn1"] = jax.random.normal(ks[3], (GCN_DIM[0], GCN_DIM[1]), dtype=jnp.float32) * s
    inp["b_gcn1"] = jnp.zeros((GCN_DIM[1],), jnp.float32)
    inp["W_gcn2"] = jax.random.normal(ks[4], (GCN_DIM[1], GCN_DIM[2]), dtype=jnp.float32) * s
    inp["b_gcn2"] = jnp.zeros((GCN_DIM[2],), jnp.float32)
    inp["W_ih"] = jax.random.normal(ks[5], (3 * HIDDEN_NUM, INPUT_NUM), dtype=jnp.float32) * s
    inp["W_hh"] = jax.random.normal(ks[6], (3 * HIDDEN_NUM, HIDDEN_NUM), dtype=jnp.float32) * s
    inp["b_ih"] = jax.random.normal(ks[7], (3 * HIDDEN_NUM,), dtype=jnp.float32) * s
    inp["b_hh"] = jax.random.normal(ks[8], (3 * HIDDEN_NUM,), dtype=jnp.float32) * s
    inp["W_mlp"] = jax.random.normal(ks[9], (HIDDEN_NUM, MLP_OUT), dtype=jnp.float32) * s
    inp["b_mlp"] = jnp.zeros((MLP_OUT,), jnp.float32)
    inp["prelu_a"] = jnp.full((MLP_OUT,), 0.25, jnp.float32)
    inp["bn_gamma"] = jnp.ones((MLP_OUT,), jnp.float32)
    inp["bn_beta"] = jnp.zeros((MLP_OUT,), jnp.float32)
    inp["W_out"] = jax.random.normal(ks[10], (GCN_DIM[2] + GRU_OUT_DIM, 1), dtype=jnp.float32) * s
    inp["b_out"] = jnp.zeros((1,), jnp.float32)
    return inp


def _forward(x, svp_flat, edge_index, W_gcn1, b_gcn1, W_gcn2, b_gcn2, W_ih, W_hh, b_ih, b_hh, W_mlp, b_mlp, prelu_a, bn_gamma, bn_beta, W_out, b_out):
    # GCNConv normalization (add self loops, symmetric D^-1/2 (A+I) D^-1/2)
    loop = jnp.arange(N_NODES, dtype=edge_index.dtype)
    src = jnp.concatenate([edge_index[0], loop])
    dst = jnp.concatenate([edge_index[1], loop])
    deg = jnp.zeros((N_NODES,), jnp.float32).at[dst].add(1.0)
    dinv = jnp.where(deg > 0, 1.0 / jnp.sqrt(deg), 0.0)
    norm = dinv[src] * dinv[dst]

    def gcn(feat, W, b):
        h = feat @ W
        msg = h[src] * norm[:, None]
        return jax.ops.segment_sum(msg, dst, num_segments=N_NODES) + b

    svp = svp_flat.reshape(B, N_NODES, 3)
    z = svp[:, :, 2:3]  # j=0 -> channel j+2

    def per_sample(f):
        return gcn(gcn(f, W_gcn1, b_gcn1), W_gcn2, b_gcn2)

    res0 = jax.vmap(per_sample)(z)  # [B, N, gcn_dim[-1]]

    # GRUCell (torch gate order r, z, n), hidden starts at zeros
    hidden = jnp.zeros((B, HIDDEN_NUM), jnp.float32)
    gi = x @ W_ih.T + b_ih
    gh = hidden @ W_hh.T + b_hh
    i_r, i_z, i_n = jnp.split(gi, 3, axis=1)
    h_r, h_z, h_n = jnp.split(gh, 3, axis=1)
    r = jax.nn.sigmoid(i_r + h_r)
    zg = jax.nn.sigmoid(i_z + h_z)
    n = jnp.tanh(i_n + r * h_n)
    next_hidden = (1.0 - zg) * n + zg * hidden

    # MLP: Dropout(eval=identity) -> Linear -> PReLU -> BatchNorm1d (eval: running mean 0, var 1)
    m = next_hidden @ W_mlp + b_mlp
    m = jnp.where(m >= 0, m, prelu_a * m)
    m = bn_gamma * (m / jnp.sqrt(1.0 + 1e-5)) + bn_beta
    gru_out = m.reshape(B, N_NODES, GRU_OUT_DIM)

    cat = jnp.concatenate([gru_out, res0], axis=2)
    y = (cat @ W_out + b_out).reshape(B, -1)
    return (y, next_hidden)


def reference(x, smoothed_vert_pos, edge_index, W_gcn1, b_gcn1, W_gcn2, b_gcn2, W_ih, W_hh, b_ih, b_hh, W_mlp, b_mlp, prelu_a, bn_gamma, bn_beta, W_out, b_out):
    return _forward(x, smoothed_vert_pos, edge_index, W_gcn1, b_gcn1, W_gcn2, b_gcn2, W_ih, W_hh, b_ih, b_hh, W_mlp, b_mlp, prelu_a, bn_gamma, bn_beta, W_out, b_out)

if __name__ == "__main__":
    import jax
    _d = setup_inputs()
    print(jax.jit(kernel)(*tuple(_d.values())))

</pallas_src>

<mosaic_0001>
#map = affine_map<(d0, d1) -> (0)>
#map1 = affine_map<(d0, d1) -> (0, 0)>
module attributes {stable_mosaic.version = 14 : i64} {
  func.func @k(%arg0: i32, %arg1: i32, %arg2: memref<160000xi32, #tpu.memory_space<hbm>>, %arg3: memref<8x10240xf32, #tpu.memory_space<hbm>>, %arg4: memref<8x10240xf32, #tpu.memory_space<hbm>>, %arg5: memref<10240xf32, #tpu.memory_space<hbm>>, %arg6: memref<10240xf32, #tpu.memory_space<vmem>>, %arg7: memref<10240xf32, #tpu.memory_space<vmem>>, %arg8: memref<10240xf32, #tpu.memory_space<vmem>>, %arg9: memref<10240xf32, #tpu.memory_space<vmem>>, %arg10: memref<16000xi32, #tpu.memory_space<vmem>>, %arg11: memref<16x640xf32, #tpu.memory_space<vmem>>, %arg12: memref<4x2560xf32, #tpu.memory_space<vmem>>, %arg13: memref<2560xf32, #tpu.memory_space<vmem>>, %arg14: memref<16x10240xf32, #tpu.memory_space<vmem_shared>>, %arg15: memref<16x10240xf32, #tpu.memory_space<vmem_shared>>, %arg16: memref<10240xf32, #tpu.memory_space<vmem_shared>>, %arg17: memref<4x10240xf32, #tpu.memory_space<vmem_shared>>, %arg18: memref<!tpu.dma_semaphore, #tpu.memory_space<semaphore_mem>>, %arg19: memref<!tpu.dma_semaphore, #tpu.memory_space<semaphore_mem>>) attributes {dimension_semantics = [#tpu.dimension_semantics<core_parallel>, #tpu.dimension_semantics<subcore_parallel>], iteration_bounds = array<i64: 2, 16>, scalar_prefetch = 0 : i64, scratch_operands = 14 : i64, tpu.core_type = #tpu.core_type<sc_vector_subcore>, window_params = [{transform_indices = #map}, {transform_indices = #map1}, {transform_indices = #map1}, {transform_indices = #map}]} {
    %jit3A = arith.constant 4 : i32
    %div3A = arith.divsi %arg1, %jit3A : i32
    %sign3A = arith.constant 0 : i32
    %sign3A_0 = arith.cmpi sgt, %arg1, %sign3A : i32
    %sign3A_1 = arith.extui %sign3A_0 : i1 to i32
    %sign3A_2 = arith.constant 0 : i32
    %sign3A_3 = arith.cmpi slt, %arg1, %sign3A_2 : i32
    %sign3A_4 = arith.extui %sign3A_3 : i1 to i32
    %sign3A_5 = arith.subi %sign3A_1, %sign3A_4 : i32
    %sign3A_6 = arith.constant 0 : i32
    %sign3A_7 = arith.cmpi sgt, %jit3A, %sign3A_6 : i32
    %sign3A_8 = arith.extui %sign3A_7 : i1 to i32
    %sign3A_9 = arith.constant 0 : i32
    %sign3A_10 = arith.cmpi slt, %jit3A, %sign3A_9 : i32
    %sign3A_11 = arith.extui %sign3A_10 : i1 to i32
    %sign3A_12 = arith.subi %sign3A_8, %sign3A_11 : i32
    %ne3A = arith.cmpi ne, %sign3A_5, %sign3A_12 : i32
    %rem3A = arith.remsi %arg1, %jit3A : i32
    %ne3A_13 = arith.constant 0 : i32
    %ne3A_14 = arith.cmpi ne, %rem3A, %ne3A_13 : i32
    %and3A = arith.andi %ne3A, %ne3A_14 : i1
    %sub3A = arith.constant 1 : i32
    %sub3A_15 = arith.subi %div3A, %sub3A : i32
    %select_n3A = arith.select %and3A, %sub3A_15, %div3A : i32
    %jit3A_16 = arith.constant 4 : i32
    %eq3A = arith.constant 0 : i32
    %eq3A_17 = arith.cmpi eq, %jit3A_16, %eq3A : i32
    %jit3A_18 = arith.constant 1 : i32
    %select_n3A_19 = arith.select %eq3A_17, %jit3A_18, %jit3A_16 : i32
    %rem3A_20 = arith.remsi %arg1, %select_n3A_19 : i32
    %ne3A_21 = arith.constant 0 : i32
    %ne3A_22 = arith.cmpi ne, %rem3A_20, %ne3A_21 : i32
    %lt3A = arith.constant 0 : i32
    %lt3A_23 = arith.cmpi slt, %rem3A_20, %lt3A : i32
    %lt3A_24 = arith.constant 0 : i32
    %lt3A_25 = arith.cmpi slt, %select_n3A_19, %lt3A_24 : i32
    %ne3A_26 = arith.xori %lt3A_23, %lt3A_25 : i1
    %and3A_27 = arith.andi %ne3A_26, %ne3A_22 : i1
    %add3A = arith.addi %rem3A_20, %select_n3A_19 : i32
    %select_n3A_28 = arith.select %and3A_27, %add3A, %rem3A_20 : i32
    %mul3A = arith.constant 4 : i32
    %mul3A_29 = arith.muli %arg0, %mul3A : i32
    %add3A_30 = arith.addi %mul3A_29, %select_n3A : i32
    %eq3A_31 = arith.constant 0 : i32
    %eq3A_32 = arith.cmpi eq, %arg0, %eq3A_31 : i32
    %broadcast_in_dim3A = arith.constant 0.000000e+00 : f32
    %broadcast_in_dim3A_33 = vector.broadcast %broadcast_in_dim3A : f32 to vector<16xf32>
    %broadcast_in_dim3A_34 = arith.constant 1.000000e+00 : f32
    %broadcast_in_dim3A_35 = vector.broadcast %broadcast_in_dim3A_34 : f32 to vector<16xf32>
    %broadcast_in_dim3A_36 = arith.constant 16383 : i32
    %broadcast_in_dim3A_37 = vector.broadcast %broadcast_in_dim3A_36 : i32 to vector<16xi32>
    %scan3A = arith.constant 0 : i32
    %scan3A_38 = arith.constant 0 : i32
    %scan3A_39 = arith.constant 160 : i32
    %scan3A_40 = arith.addi %scan3A_38, %scan3A_39 : i32
    %scan3A_41 = arith.constant 1 : i32
    scf.for %scan3A_676 = %scan3A_38 to %scan3A_40 step %scan3A_41  : i32 {
      %mul3A_677 = arith.constant 64 : i32
      %mul3A_678 = arith.muli %scan3A_676, %mul3A_677 : i32
      %add3A_679 = arith.constant 0 : i32
      %add3A_680 = arith.addi %mul3A_678, %add3A_679 : i32
      %swap3A = arith.index_cast %add3A_680 : i32 to index
      %swap3A_681 = tpu.vector_load %arg8[%swap3A] {strides = array<i32>} : memref<10240xf32, #tpu.memory_space<vmem>>, vector<16xf32>,
      tpu.vector_store %arg8[%swap3A], %broadcast_in_dim3A_33 {strides = array<i32>} : memref<10240xf32, #tpu.memory_space<vmem>>, vector<16xf32>,
      %mul3A_682 = arith.constant 64 : i32
      %mul3A_683 = arith.muli %scan3A_676, %mul3A_682 : i32
      %add3A_684 = arith.constant 16 : i32
      %add3A_685 = arith.addi %mul3A_683, %add3A_684 : i32
      %swap3A_686 = arith.index_cast %add3A_685 : i32 to index
      %swap3A_687 = tpu.vector_load %arg8[%swap3A_686] {strides = array<i32>} : memref<10240xf32, #tpu.memory_space<vmem>>, vector<16xf32>,
      tpu.vector_store %arg8[%swap3A_686], %broadcast_in_dim3A_33 {strides = array<i32>} : memref<10240xf32, #tpu.memory_space<vmem>>, vector<16xf32>,
      %mul3A_688 = arith.constant 64 : i32
      %mul3A_689 = arith.muli %scan3A_676, %mul3A_688 : i32
      %add3A_690 = arith.constant 32 : i32
      %add3A_691 = arith.addi %mul3A_689, %add3A_690 : i32
      %swap3A_692 = arith.index_cast %add3A_691 : i32 to index
      %swap3A_693 = tpu.vector_load %arg8[%swap3A_692] {strides = array<i32>} : memref<10240xf32, #tpu.memory_space<vmem>>, vector<16xf32>,
      tpu.vector_store %arg8[%swap3A_692], %broadcast_in_dim3A_33 {strides = array<i32>} : memref<10240xf32, #tpu.memory_space<vmem>>, vector<16xf32>,
      %mul3A_694 = arith.constant 64 : i32
      %mul3A_695 = arith.muli %scan3A_676, %mul3A_694 : i32
      %add3A_696 = arith.constant 48 : i32
      %add3A_697 = arith.addi %mul3A_695, %add3A_696 : i32
      %swap3A_698 = arith.index_cast %add3A_697 : i32 to index
      %swap3A_699 = tpu.vector_load %arg8[%swap3A_698] {strides = array<i32>} : memref<10240xf32, #tpu.memory_space<vmem>>, vector<16xf32>,
      tpu.vector_store %arg8[%swap3A_698], %broadcast_in_dim3A_33 {strides = array<i32>} : memref<10240xf32, #tpu.memory_space<vmem>>, vector<16xf32>,
    }
    %scan3A_42 = arith.constant 160 : i32
    %mul3A_43 = arith.constant 10000 : i32
    %mul3A_44 = arith.muli %arg1, %mul3A_43 : i32
    %multiple_of3A = tpu.assume_multiple %mul3A_44, 8 : i32
    %add3A_45 = arith.constant 0 : i32
    %add3A_46 = arith.addi %multiple_of3A, %add3A_45 : i32
    %multiple_of3A_47 = tpu.assume_multiple %add3A_46, 8 : i32
    %dma_start3A = arith.constant 0 : i32
    %dma_start3A_48 = tpu.memref_slice %arg10[%dma_start3A] : memref<16000xi32, #tpu.memory_space<vmem>> -> memref<8000xi32, #tpu.memory_space<vmem>>
    %dma_start3A_49 = tpu.memref_slice %arg2[%multiple_of3A_47] : memref<160000xi32, #tpu.memory_space<hbm>> -> memref<8000xi32, #tpu.memory_space<hbm>>
    %dma_start3A_50 = arith.constant 0 : i32
    %dma_start3A_51 = tpu.memref_slice %arg10[%dma_start3A_50] : memref<16000xi32, #tpu.memory_space<vmem>> -> memref<8000xi32, #tpu.memory_space<vmem>>
    %dma_start3A_52 = tpu.memref_slice %arg2[%multiple_of3A_47] : memref<160000xi32, #tpu.memory_space<hbm>> -> memref<8000xi32, #tpu.memory_space<hbm>>
    tpu.enqueue_dma source(%dma_start3A_52 : memref<8000xi32, #tpu.memory_space<hbm>>) target(%dma_start3A_51 : memref<8000xi32, #tpu.memory_space<vmem>>) target_semaphore(%arg18 : memref<!tpu.dma_semaphore, #tpu.memory_space<semaphore_mem>>)
    %add3A_53 = arith.constant 8000 : i32
    %add3A_54 = arith.addi %multiple_of3A, %add3A_53 : i32
    %multiple_of3A_55 = tpu.assume_multiple %add3A_54, 8 : i32
    %dma_start3A_56 = arith.constant 8000 : i32
    %dma_start3A_57 = tpu.memref_slice %arg10[%dma_start3A_56] : memref<16000xi32, #tpu.memory_space<vmem>> -> memref<2000xi32, #tpu.memory_space<vmem>>
    %dma_start3A_58 = tpu.memref_slice %arg2[%multiple_of3A_55] : memref<160000xi32, #tpu.memory_space<hbm>> -> memref<2000xi32, #tpu.memory_space<hbm>>
    %dma_start3A_59 = arith.constant 8000 : i32
    %dma_start3A_60 = tpu.memref_slice %arg10[%dma_start3A_59] : memref<16000xi32, #tpu.memory_space<vmem>> -> memref<2000xi32, #tpu.memory_space<vmem>>
    %dma_start3A_61 = tpu.memref_slice %arg2[%multiple_of3A_55] : memref<160000xi32, #tpu.memory_space<hbm>> -> memref<2000xi32, #tpu.memory_space<hbm>>
    tpu.enqueue_dma source(%dma_start3A_61 : memref<2000xi32, #tpu.memory_space<hbm>>) target(%dma_start3A_60 : memref<2000xi32, #tpu.memory_space<vmem>>) target_semaphore(%arg19 : memref<!tpu.dma_semaphore, #tpu.memory_space<semaphore_mem>>)
    %dma_wait3A = arith.constant 0 : i32
    %dma_wait3A_62 = tpu.memref_slice %arg10[%dma_wait3A] : memref<16000xi32, #tpu.memory_space<vmem>> -> memref<8000xi32, #tpu.memory_space<vmem>>
    %dma_wait3A_63 = tpu.memref_slice %arg2[%multiple_of3A_47] : memref<160000xi32, #tpu.memory_space<hbm>> -> memref<8000xi32, #tpu.memory_space<hbm>>
    %dma_wait3A_64 = arith.constant 0 : i32
    %dma_wait3A_65 = tpu.memref_slice %arg10[%dma_wait3A_64] : memref<16000xi32, #tpu.memory_space<vmem>> -> memref<8000xi32, #tpu.memory_space<vmem>>
    %dma_wait3A_66 = tpu.memref_slice %arg2[%multiple_of3A_47] : memref<160000xi32, #tpu.memory_space<hbm>> -> memref<8000xi32, #tpu.memory_space<hbm>>
    tpu.wait_dma2 semaphore(%arg18 : memref<!tpu.dma_semaphore, #tpu.memory_space<semaphore_mem>>) src(%dma_wait3A_66 : memref<8000xi32, #tpu.memory_space<hbm>>) dst(%dma_wait3A_65 : memref<8000xi32, #tpu.memory_space<vmem>>)
    %scan3A_67 = arith.constant 0 : i32
    %scan3A_68 = arith.constant 0 : i32
    %scan3A_69 = arith.constant 62 : i32
    %scan3A_70 = arith.addi %scan3A_68, %scan3A_69 : i32
    %scan3A_71 = arith.constant 1 : i32
    scf.for %scan3A_676 = %scan3A_68 to %scan3A_70 step %scan3A_71  : i32 {
      %mul3A_677 = arith.constant 128 : i32
      %mul3A_678 = arith.muli %scan3A_676, %mul3A_677 : i32
      %add3A_679 = arith.constant 0 : i32
      %add3A_680 = arith.addi %add3A_679, %mul3A_678 : i32
      %add3A_681 = arith.constant 0 : i32
      %add3A_682 = arith.addi %add3A_680, %add3A_681 : i32
      %get3A_683 = arith.index_cast %add3A_682 : i32 to index
      %get3A_684 = tpu.vector_load %arg10[%get3A_683] {strides = array<i32>} : memref<16000xi32, #tpu.memory_space<vmem>>, vector<16xi32>,
      %add3A_685 = arith.constant 16 : i32
      %add3A_686 = arith.addi %add3A_680, %add3A_685 : i32
      %get3A_687 = arith.index_cast %add3A_686 : i32 to index
      %get3A_688 = tpu.vector_load %arg10[%get3A_687] {strides = array<i32>} : memref<16000xi32, #tpu.memory_space<vmem>>, vector<16xi32>,
      %add3A_689 = arith.constant 32 : i32
      %add3A_690 = arith.addi %add3A_680, %add3A_689 : i32
      %get3A_691 = arith.index_cast %add3A_690 : i32 to index
      %get3A_692 = tpu.vector_load %arg10[%get3A_691] {strides = array<i32>} : memref<16000xi32, #tpu.memory_space<vmem>>, vector<16xi32>,
      %add3A_693 = arith.constant 48 : i32
      %add3A_694 = arith.addi %add3A_680, %add3A_693 : i32
      %get3A_695 = arith.index_cast %add3A_694 : i32 to index
      %get3A_696 = tpu.vector_load %arg10[%get3A_695] {strides = array<i32>} : memref<16000xi32, #tpu.memory_space<vmem>>, vector<16xi32>,
      %add3A_697 = arith.constant 64 : i32
      %add3A_698 = arith.addi %add3A_680, %add3A_697 : i32
      %get3A_699 = arith.index_cast %add3A_698 : i32 to index
      %get3A_700 = tpu.vector_load %arg10[%get3A_699] {strides = array<i32>} : memref<16000xi32, #tpu.memory_space<vmem>>, vector<16xi32>,
      %add3A_701 = arith.constant 80 : i32
      %add3A_702 = arith.addi %add3A_680, %add3A_701 : i32
      %get3A_703 = arith.index_cast %add3A_702 : i32 to index
      %get3A_704 = tpu.vector_load %arg10[%get3A_703] {strides = array<i32>} : memref<16000xi32, #tpu.memory_space<vmem>>, vector<16xi32>,
      %add3A_705 = arith.constant 96 : i32
      %add3A_706 = arith.addi %add3A_680, %add3A_705 : i32
      %get3A_707 = arith.index_cast %add3A_706 : i32 to index
      %get3A_708 = tpu.vector_load %arg10[%get3A_707] {strides = array<i32>} : memref<16000xi32, #tpu.memory_space<vmem>>, vector<16xi32>,
      %add3A_709 = arith.constant 112 : i32
      %add3A_710 = arith.addi %add3A_680, %add3A_709 : i32
      %get3A_711 = arith.index_cast %add3A_710 : i32 to index
      %get3A_712 = tpu.vector_load %arg10[%get3A_711] {strides = array<i32>} : memref<16000xi32, #tpu.memory_space<vmem>>, vector<16xi32>,
      %and3A_713 = arith.andi %get3A_684, %broadcast_in_dim3A_37 : vector<16xi32>
      %and3A_714 = arith.andi %get3A_688, %broadcast_in_dim3A_37 : vector<16xi32>
      %and3A_715 = arith.andi %get3A_692, %broadcast_in_dim3A_37 : vector<16xi32>
      %and3A_716 = arith.andi %get3A_696, %broadcast_in_dim3A_37 : vector<16xi32>
      %and3A_717 = arith.andi %get3A_700, %broadcast_in_dim3A_37 : vector<16xi32>
      %and3A_718 = arith.andi %get3A_704, %broadcast_in_dim3A_37 : vector<16xi32>
      %and3A_719 = arith.andi %get3A_708, %broadcast_in_dim3A_37 : vector<16xi32>
      %and3A_720 = arith.andi %get3A_712, %broadcast_in_dim3A_37 : vector<16xi32>
      tpu.vector_store_idx %arg8[%and3A_713], %broadcast_in_dim3A_35 {add = true} : memref<10240xf32, #tpu.memory_space<vmem>>[vector<16xi32>], vector<16xf32>,
      tpu.vector_store_idx %arg8[%and3A_714], %broadcast_in_dim3A_35 {add = true} : memref<10240xf32, #tpu.memory_space<vmem>>[vector<16xi32>], vector<16xf32>,
      tpu.vector_store_idx %arg8[%and3A_715], %broadcast_in_dim3A_35 {add = true} : memref<10240xf32, #tpu.memory_space<vmem>>[vector<16xi32>], vector<16xf32>,
      tpu.vector_store_idx %arg8[%and3A_716], %broadcast_in_dim3A_35 {add = true} : memref<10240xf32, #tpu.memory_space<vmem>>[vector<16xi32>], vector<16xf32>,
      tpu.vector_store_idx %arg8[%and3A_717], %broadcast_in_dim3A_35 {add = true} : memref<10240xf32, #tpu.memory_space<vmem>>[vector<16xi32>], vector<16xf32>,
      tpu.vector_store_idx %arg8[%and3A_718], %broadcast_in_dim3A_35 {add = true} : memref<10240xf32, #tpu.memory_space<vmem>>[vector<16xi32>], vector<16xf32>,
      tpu.vector_store_idx %arg8[%and3A_719], %broadcast_in_dim3A_35 {add = true} : memref<10240xf32, #tpu.memory_space<vmem>>[vector<16xi32>], vector<16xf32>,
      tpu.vector_store_idx %arg8[%and3A_720], %broadcast_in_dim3A_35 {add = true} : memref<10240xf32, #tpu.memory_space<vmem>>[vector<16xi32>], vector<16xf32>,
    }
    %scan3A_72 = arith.constant 62 : i32
    %get3A = arith.constant 7936 : index
    %get3A_73 = tpu.vector_load %arg10[%get3A] {strides = array<i32>} : memref<16000xi32, #tpu.memory_space<vmem>>, vector<16xi32>,
    %get3A_74 = arith.constant 7952 : index
    %get3A_75 = tpu.vector_load %arg10[%get3A_74] {strides = array<i32>} : memref<16000xi32, #tpu.memory_space<vmem>>, vector<16xi32>,
    %get3A_76 = arith.constant 7968 : index
    %get3A_77 = tpu.vector_load %arg10[%get3A_76] {strides = array<i32>} : memref<16000xi32, #tpu.memory_space<vmem>>, vector<16xi32>,
    %get3A_78 = arith.constant 7984 : index
    %get3A_79 = tpu.vector_load %arg10[%get3A_78] {strides = array<i32>} : memref<16000xi32, #tpu.memory_space<vmem>>, vector<16xi32>,
    %and3A_80 = arith.andi %get3A_73, %broadcast_in_dim3A_37 : vector<16xi32>
    %and3A_81 = arith.andi %get3A_75, %broadcast_in_dim3A_37 : vector<16xi32>
    %and3A_82 = arith.andi %get3A_77, %broadcast_in_dim3A_37 : vector<16xi32>
    %and3A_83 = arith.andi %get3A_79, %broadcast_in_dim3A_37 : vector<16xi32>
    tpu.vector_store_idx %arg8[%and3A_80], %broadcast_in_dim3A_35 {add = true} : memref<10240xf32, #tpu.memory_space<vmem>>[vector<16xi32>], vector<16xf32>,
    tpu.vector_store_idx %arg8[%and3A_81], %broadcast_in_dim3A_35 {add = true} : memref<10240xf32, #tpu.memory_space<vmem>>[vector<16xi32>], vector<16xf32>,
    tpu.vector_store_idx %arg8[%and3A_82], %broadcast_in_dim3A_35 {add = true} : memref<10240xf32, #tpu.memory_space<vmem>>[vector<16xi32>], vector<16xf32>,
    tpu.vector_store_idx %arg8[%and3A_83], %broadcast_in_dim3A_35 {add = true} : memref<10240xf32, #tpu.memory_space<vmem>>[vector<16xi32>], vector<16xf32>,
    %dma_wait3A_84 = arith.constant 8000 : i32
    %dma_wait3A_85 = tpu.memref_slice %arg10[%dma_wait3A_84] : memref<16000xi32, #tpu.memory_space<vmem>> -> memref<2000xi32, #tpu.memory_space<vmem>>
    %dma_wait3A_86 = tpu.memref_slice %arg2[%multiple_of3A_55] : memref<160000xi32, #tpu.memory_space<hbm>> -> memref<2000xi32, #tpu.memory_space<hbm>>
    %dma_wait3A_87 = arith.constant 8000 : i32
    %dma_wait3A_88 = tpu.memref_slice %arg10[%dma_wait3A_87] : memref<16000xi32, #tpu.memory_space<vmem>> -> memref<2000xi32, #tpu.memory_space<vmem>>
    %dma_wait3A_89 = tpu.memref_slice %arg2[%multiple_of3A_55] : memref<160000xi32, #tpu.memory_space<hbm>> -> memref<2000xi32, #tpu.memory_space<hbm>>
    tpu.wait_dma2 semaphore(%arg19 : memref<!tpu.dma_semaphore, #tpu.memory_space<semaphore_mem>>) src(%dma_wait3A_89 : memref<2000xi32, #tpu.memory_space<hbm>>) dst(%dma_wait3A_88 : memref<2000xi32, #tpu.memory_space<vmem>>)
    %scan3A_90 = arith.constant 0 : i32
    %scan3A_91 = arith.constant 0 : i32
    %scan3A_92 = arith.constant 15 : i32
    %scan3A_93 = arith.addi %scan3A_91, %scan3A_92 : i32
    %scan3A_94 = arith.constant 1 : i32
    scf.for %scan3A_676 = %scan3A_91 to %scan3A_93 step %scan3A_94  : i32 {
      %mul3A_677 = arith.constant 128 : i32
      %mul3A_678 = arith.muli %scan3A_676, %mul3A_677 : i32
      %add3A_679 = arith.constant 8000 : i32
      %add3A_680 = arith.addi %add3A_679, %mul3A_678 : i32
      %add3A_681 = arith.constant 0 : i32
      %add3A_682 = arith.addi %add3A_680, %add3A_681 : i32
      %get3A_683 = arith.index_cast %add3A_682 : i32 to index
      %get3A_684 = tpu.vector_load %arg10[%get3A_683] {strides = array<i32>} : memref<16000xi32, #tpu.memory_space<vmem>>, vector<16xi32>,
      %add3A_685 = arith.constant 16 : i32
      %add3A_686 = arith.addi %add3A_680, %add3A_685 : i32
      %get3A_687 = arith.index_cast %add3A_686 : i32 to index
      %get3A_688 = tpu.vector_load %arg10[%get3A_687] {strides = array<i32>} : memref<16000xi32, #tpu.memory_space<vmem>>, vector<16xi32>,
      %add3A_689 = arith.constant 32 : i32
      %add3A_690 = arith.addi %add3A_680, %add3A_689 : i32
      %get3A_691 = arith.index_cast %add3A_690 : i32 to index
      %get3A_692 = tpu.vector_load %arg10[%get3A_691] {strides = array<i32>} : memref<16000xi32, #tpu.memory_space<vmem>>, vector<16xi32>,
      %add3A_693 = arith.constant 48 : i32
      %add3A_694 = arith.addi %add3A_680, %add3A_693 : i32
      %get3A_695 = arith.index_cast %add3A_694 : i32 to index
      %get3A_696 = tpu.vector_load %arg10[%get3A_695] {strides = array<i32>} : memref<16000xi32, #tpu.memory_space<vmem>>, vector<16xi32>,
      %add3A_697 = arith.constant 64 : i32
      %add3A_698 = arith.addi %add3A_680, %add3A_697 : i32
      %get3A_699 = arith.index_cast %add3A_698 : i32 to index
      %get3A_700 = tpu.vector_load %arg10[%get3A_699] {strides = array<i32>} : memref<16000xi32, #tpu.memory_space<vmem>>, vector<16xi32>,
      %add3A_701 = arith.constant 80 : i32
      %add3A_702 = arith.addi %add3A_680, %add3A_701 : i32
      %get3A_703 = arith.index_cast %add3A_702 : i32 to index
      %get3A_704 = tpu.vector_load %arg10[%get3A_703] {strides = array<i32>} : memref<16000xi32, #tpu.memory_space<vmem>>, vector<16xi32>,
      %add3A_705 = arith.constant 96 : i32
      %add3A_706 = arith.addi %add3A_680, %add3A_705 : i32
      %get3A_707 = arith.index_cast %add3A_706 : i32 to index
      %get3A_708 = tpu.vector_load %arg10[%get3A_707] {strides = array<i32>} : memref<16000xi32, #tpu.memory_space<vmem>>, vector<16xi32>,
      %add3A_709 = arith.constant 112 : i32
      %add3A_710 = arith.addi %add3A_680, %add3A_709 : i32
      %get3A_711 = arith.index_cast %add3A_710 : i32 to index
      %get3A_712 = tpu.vector_load %arg10[%get3A_711] {strides = array<i32>} : memref<16000xi32, #tpu.memory_space<vmem>>, vector<16xi32>,
      %and3A_713 = arith.andi %get3A_684, %broadcast_in_dim3A_37 : vector<16xi32>
      %and3A_714 = arith.andi %get3A_688, %broadcast_in_dim3A_37 : vector<16xi32>
      %and3A_715 = arith.andi %get3A_692, %broadcast_in_dim3A_37 : vector<16xi32>
      %and3A_716 = arith.andi %get3A_696, %broadcast_in_dim3A_37 : vector<16xi32>
      %and3A_717 = arith.andi %get3A_700, %broadcast_in_dim3A_37 : vector<16xi32>
      %and3A_718 = arith.andi %get3A_704, %broadcast_in_dim3A_37 : vector<16xi32>
      %and3A_719 = arith.andi %get3A_708, %broadcast_in_dim3A_37 : vector<16xi32>
      %and3A_720 = arith.andi %get3A_712, %broadcast_in_dim3A_37 : vector<16xi32>
      tpu.vector_store_idx %arg8[%and3A_713], %broadcast_in_dim3A_35 {add = true} : memref<10240xf32, #tpu.memory_space<vmem>>[vector<16xi32>], vector<16xf32>,
      tpu.vector_store_idx %arg8[%and3A_714], %broadcast_in_dim3A_35 {add = true} : memref<10240xf32, #tpu.memory_space<vmem>>[vector<16xi32>], vector<16xf32>,
      tpu.vector_store_idx %arg8[%and3A_715], %broadcast_in_dim3A_35 {add = true} : memref<10240xf32, #tpu.memory_space<vmem>>[vector<16xi32>], vector<16xf32>,
      tpu.vector_store_idx %arg8[%and3A_716], %broadcast_in_dim3A_35 {add = true} : memref<10240xf32, #tpu.memory_space<vmem>>[vector<16xi32>], vector<16xf32>,
      tpu.vector_store_idx %arg8[%and3A_717], %broadcast_in_dim3A_35 {add = true} : memref<10240xf32, #tpu.memory_space<vmem>>[vector<16xi32>], vector<16xf32>,
      tpu.vector_store_idx %arg8[%and3A_718], %broadcast_in_dim3A_35 {add = true} : memref<10240xf32, #tpu.memory_space<vmem>>[vector<16xi32>], vector<16xf32>,
      tpu.vector_store_idx %arg8[%and3A_719], %broadcast_in_dim3A_35 {add = true} : memref<10240xf32, #tpu.memory_space<vmem>>[vector<16xi32>], vector<16xf32>,
      tpu.vector_store_idx %arg8[%and3A_720], %broadcast_in_dim3A_35 {add = true} : memref<10240xf32, #tpu.memory_space<vmem>>[vector<16xi32>], vector<16xf32>,
    }
    %scan3A_95 = arith.constant 15 : i32
    %get3A_96 = arith.constant 9920 : index
    %get3A_97 = tpu.vector_load %arg10[%get3A_96] {strides = array<i32>} : memref<16000xi32, #tpu.memory_space<vmem>>, vector<16xi32>,
    %get3A_98 = arith.constant 9936 : index
    %get3A_99 = tpu.vector_load %arg10[%get3A_98] {strides = array<i32>} : memref<16000xi32, #tpu.memory_space<vmem>>, vector<16xi32>,
    %get3A_100 = arith.constant 9952 : index
    %get3A_101 = tpu.vector_load %arg10[%get3A_100] {strides = array<i32>} : memref<16000xi32, #tpu.memory_space<vmem>>, vector<16xi32>,
    %get3A_102 = arith.constant 9968 : index
    %get3A_103 = tpu.vector_load %arg10[%get3A_102] {strides = array<i32>} : memref<16000xi32, #tpu.memory_space<vmem>>, vector<16xi32>,
    %get3A_104 = arith.constant 9984 : index
    %get3A_105 = tpu.vector_load %arg10[%get3A_104] {strides = array<i32>} : memref<16000xi32, #tpu.memory_space<vmem>>, vector<16xi32>,
    %and3A_106 = arith.andi %get3A_97, %broadcast_in_dim3A_37 : vector<16xi32>
    %and3A_107 = arith.andi %get3A_99, %broadcast_in_dim3A_37 : vector<16xi32>
    %and3A_108 = arith.andi %get3A_101, %broadcast_in_dim3A_37 : vector<16xi32>
    %and3A_109 = arith.andi %get3A_103, %broadcast_in_dim3A_37 : vector<16xi32>
    %and3A_110 = arith.andi %get3A_105, %broadcast_in_dim3A_37 : vector<16xi32>
    tpu.vector_store_idx %arg8[%and3A_106], %broadcast_in_dim3A_35 {add = true} : memref<10240xf32, #tpu.memory_space<vmem>>[vector<16xi32>], vector<16xf32>,
    tpu.vector_store_idx %arg8[%and3A_107], %broadcast_in_dim3A_35 {add = true} : memref<10240xf32, #tpu.memory_space<vmem>>[vector<16xi32>], vector<16xf32>,
    tpu.vector_store_idx %arg8[%and3A_108], %broadcast_in_dim3A_35 {add = true} : memref<10240xf32, #tpu.memory_space<vmem>>[vector<16xi32>], vector<16xf32>,
    tpu.vector_store_idx %arg8[%and3A_109], %broadcast_in_dim3A_35 {add = true} : memref<10240xf32, #tpu.memory_space<vmem>>[vector<16xi32>], vector<16xf32>,
    tpu.vector_store_idx %arg8[%and3A_110], %broadcast_in_dim3A_35 {add = true} : memref<10240xf32, #tpu.memory_space<vmem>>[vector<16xi32>], vector<16xf32>,
    "tpu.region"() ({
      %run_scoped3A = tpu.sem_alloc : memref<!tpu.dma_semaphore, #tpu.memory_space<semaphore_mem>>
      %dma_start3A_676 = arith.constant 0 : i32
      %dma_start3A_677 = tpu.memref_slice %arg14[%arg1, %dma_start3A_676] : memref<16x10240xf32, #tpu.memory_space<vmem_shared>> -> memref<1x10240xf32, #tpu.memory_space<vmem_shared>>
      %dma_start3A_678 = tpu.memref_squeeze %dma_start3A_677 : memref<1x10240xf32, #tpu.memory_space<vmem_shared>> -> memref<10240xf32, #tpu.memory_space<vmem_shared>>
      %dma_start3A_679 = arith.constant 0 : i32
      %dma_start3A_680 = tpu.memref_slice %arg14[%arg1, %dma_start3A_679] : memref<16x10240xf32, #tpu.memory_space<vmem_shared>> -> memref<1x10240xf32, #tpu.memory_space<vmem_shared>>
      %dma_start3A_681 = tpu.memref_squeeze %dma_start3A_680 : memref<1x10240xf32, #tpu.memory_space<vmem_shared>> -> memref<10240xf32, #tpu.memory_space<vmem_shared>>
      tpu.enqueue_dma source(%arg8 : memref<10240xf32, #tpu.memory_space<vmem>>) target(%dma_start3A_681 : memref<10240xf32, #tpu.memory_space<vmem_shared>>) target_semaphore(%run_scoped3A : memref<!tpu.dma_semaphore, #tpu.memory_space<semaphore_mem>>)
      %dma_wait3A_682 = arith.constant 0 : i32
      %dma_wait3A_683 = tpu.memref_slice %arg14[%arg1, %dma_wait3A_682] : memref<16x10240xf32, #tpu.memory_space<vmem_shared>> -> memref<1x10240xf32, #tpu.memory_space<vmem_shared>>
      %dma_wait3A_684 = tpu.memref_squeeze %dma_wait3A_683 : memref<1x10240xf32, #tpu.memory_space<vmem_shared>> -> memref<10240xf32, #tpu.memory_space<vmem_shared>>
      %dma_wait3A_685 = arith.constant 0 : i32
      %dma_wait3A_686 = tpu.memref_slice %arg14[%arg1, %dma_wait3A_685] : memref<16x10240xf32, #tpu.memory_space<vmem_shared>> -> memref<1x10240xf32, #tpu.memory_space<vmem_shared>>
      %dma_wait3A_687 = tpu.memref_squeeze %dma_wait3A_686 : memref<1x10240xf32, #tpu.memory_space<vmem_shared>> -> memref<10240xf32, #tpu.memory_space<vmem_shared>>
      tpu.wait_dma2 semaphore(%run_scoped3A : memref<!tpu.dma_semaphore, #tpu.memory_space<semaphore_mem>>) src(%arg8 : memref<10240xf32, #tpu.memory_space<vmem>>) dst(%dma_wait3A_687 : memref<10240xf32, #tpu.memory_space<vmem_shared>>)
      tpu.yield
    }) : () -> ()
    %barrier3A = arith.constant 0 : index
    tpu.barrier barrier_id(%barrier3A)
    %mul3A_111 = arith.constant 640 : i32
    %mul3A_112 = arith.muli %arg1, %mul3A_111 : i32
    %multiple_of3A_113 = tpu.assume_multiple %mul3A_112, 8 : i32
    "tpu.region"() ({
      %run_scoped3A = tpu.sem_alloc : memref<!tpu.dma_semaphore, #tpu.memory_space<semaphore_mem>>
      %dma_start3A_676 = arith.constant 0 : i32
      %dma_start3A_677 = tpu.memref_slice %arg14[%dma_start3A_676, %multiple_of3A_113] : memref<16x10240xf32, #tpu.memory_space<vmem_shared>> -> memref<16x640xf32, #tpu.memory_space<vmem_shared>>
      %dma_start3A_678 = arith.constant 0 : i32
      %dma_start3A_679 = tpu.memref_slice %arg14[%dma_start3A_678, %multiple_of3A_113] : memref<16x10240xf32, #tpu.memory_space<vmem_shared>> -> memref<16x640xf32, #tpu.memory_space<vmem_shared>>
      tpu.enqueue_dma source(%dma_start3A_679 : memref<16x640xf32, #tpu.memory_space<vmem_shared>>) target(%arg11 : memref<16x640xf32, #tpu.memory_space<vmem>>) target_semaphore(%run_scoped3A : memref<!tpu.dma_semaphore, #tpu.memory_space<semaphore_mem>>)
      %dma_wait3A_680 = arith.constant 0 : i32
      %dma_wait3A_681 = tpu.memref_slice %arg14[%dma_wait3A_680, %multiple_of3A_113] : memref<16x10240xf32, #tpu.memory_space<vmem_shared>> -> memref<16x640xf32, #tpu.memory_space<vmem_shared>>
      %dma_wait3A_682 = arith.constant 0 : i32
      %dma_wait3A_683 = tpu.memref_slice %arg14[%dma_wait3A_682, %multiple_of3A_113] : memref<16x10240xf32, #tpu.memory_space<vmem_shared>> -> memref<16x640xf32, #tpu.memory_space<vmem_shared>>
      tpu.wait_dma2 semaphore(%run_scoped3A : memref<!tpu.dma_semaphore, #tpu.memory_space<semaphore_mem>>) src(%dma_wait3A_683 : memref<16x640xf32, #tpu.memory_space<vmem_shared>>) dst(%arg11 : memref<16x640xf32, #tpu.memory_space<vmem>>)
      tpu.yield
    }) : () -> ()
    %scan3A_114 = arith.constant 0 : i32
    %scan3A_115 = arith.constant 0 : i32
    %scan3A_116 = arith.constant 40 : i32
    %scan3A_117 = arith.addi %scan3A_115, %scan3A_116 : i32
    %scan3A_118 = arith.constant 1 : i32
    scf.for %scan3A_676 = %scan3A_115 to %scan3A_117 step %scan3A_118  : i32 {
      %mul3A_677 = arith.constant 16 : i32
      %mul3A_678 = arith.muli %scan3A_676, %mul3A_677 : i32
      %get3A_679 = arith.constant 0 : i32
      %get3A_680 = arith.index_cast %get3A_679 : i32 to index
      %get3A_681 = arith.index_cast %mul3A_678 : i32 to index
      %get3A_682 = tpu.vector_load %arg11[%get3A_680, %get3A_681] {strides = array<i32>} : memref<16x640xf32, #tpu.memory_space<vmem>>, vector<16xf32>,
      %get3A_683 = arith.constant 1 : i32
      %get3A_684 = arith.index_cast %get3A_683 : i32 to index
      %get3A_685 = arith.index_cast %mul3A_678 : i32 to index
      %get3A_686 = tpu.vector_load %arg11[%get3A_684, %get3A_685] {strides = array<i32>} : memref<16x640xf32, #tpu.memory_space<vmem>>, vector<16xf32>,
      %get3A_687 = arith.constant 2 : i32
      %get3A_688 = arith.index_cast %get3A_687 : i32 to index
      %get3A_689 = arith.index_cast %mul3A_678 : i32 to index
      %get3A_690 = tpu.vector_load %arg11[%get3A_688, %get3A_689] {strides = array<i32>} : memref<16x640xf32, #tpu.memory_space<vmem>>, vector<16xf32>,
      %get3A_691 = arith.constant 3 : i32
      %get3A_692 = arith.index_cast %get3A_691 : i32 to index
      %get3A_693 = arith.index_cast %mul3A_678 : i32 to index
      %get3A_694 = tpu.vector_load %arg11[%get3A_692, %get3A_693] {strides = array<i32>} : memref<16x640xf32, #tpu.memory_space<vmem>>, vector<16xf32>,
      %get3A_695 = arith.constant 4 : i32
      %get3A_696 = arith.index_cast %get3A_695 : i32 to index
      %get3A_697 = arith.index_cast %mul3A_678 : i32 to index
      %get3A_698 = tpu.vector_load %arg11[%get3A_696, %get3A_697] {strides = array<i32>} : memref<16x640xf32, #tpu.memory_space<vmem>>, vector<16xf32>,
      %get3A_699 = arith.constant 5 : i32
      %get3A_700 = arith.index_cast %get3A_699 : i32 to index
      %get3A_701 = arith.index_cast %mul3A_678 : i32 to index
      %get3A_702 = tpu.vector_load %arg11[%get3A_700, %get3A_701] {strides = array<i32>} : memref<16x640xf32, #tpu.memory_space<vmem>>, vector<16xf32>,
      %get3A_703 = arith.constant 6 : i32
      %get3A_704 = arith.index_cast %get3A_703 : i32 to index
      %get3A_705 = arith.index_cast %mul3A_678 : i32 to index
      %get3A_706 = tpu.vector_load %arg11[%get3A_704, %get3A_705] {strides = array<i32>} : memref<16x640xf32, #tpu.memory_space<vmem>>, vector<16xf32>,
      %get3A_707 = arith.constant 7 : i32
      %get3A_708 = arith.index_cast %get3A_707 : i32 to index
      %get3A_709 = arith.index_cast %mul3A_678 : i32 to index
      %get3A_710 = tpu.vector_load %arg11[%get3A_708, %get3A_709] {strides = array<i32>} : memref<16x640xf32, #tpu.memory_space<vmem>>, vector<16xf32>,
      %get3A_711 = arith.constant 8 : i32
      %get3A_712 = arith.index_cast %get3A_711 : i32 to index
      %get3A_713 = arith.index_cast %mul3A_678 : i32 to index
      %get3A_714 = tpu.vector_load %arg11[%get3A_712, %get3A_713] {strides = array<i32>} : memref<16x640xf32, #tpu.memory_space<vmem>>, vector<16xf32>,
      %get3A_715 = arith.constant 9 : i32
      %get3A_716 = arith.index_cast %get3A_715 : i32 to index
      %get3A_717 = arith.index_cast %mul3A_678 : i32 to index
      %get3A_718 = tpu.vector_load %arg11[%get3A_716, %get3A_717] {strides = array<i32>} : memref<16x640xf32, #tpu.memory_space<vmem>>, vector<16xf32>,
      %get3A_719 = arith.constant 10 : i32
      %get3A_720 = arith.index_cast %get3A_719 : i32 to index
      %get3A_721 = arith.index_cast %mul3A_678 : i32 to index
      %get3A_722 = tpu.vector_load %arg11[%get3A_720, %get3A_721] {strides = array<i32>} : memref<16x640xf32, #tpu.memory_space<vmem>>, vector<16xf32>,
      %get3A_723 = arith.constant 11 : i32
      %get3A_724 = arith.index_cast %get3A_723 : i32 to index
      %get3A_725 = arith.index_cast %mul3A_678 : i32 to index
      %get3A_726 = tpu.vector_load %arg11[%get3A_724, %get3A_725] {strides = array<i32>} : memref<16x640xf32, #tpu.memory_space<vmem>>, vector<16xf32>,
      %get3A_727 = arith.constant 12 : i32
      %get3A_728 = arith.index_cast %get3A_727 : i32 to index
      %get3A_729 = arith.index_cast %mul3A_678 : i32 to index
      %get3A_730 = tpu.vector_load %arg11[%get3A_728, %get3A_729] {strides = array<i32>} : memref<16x640xf32, #tpu.memory_space<vmem>>, vector<16xf32>,
      %get3A_731 = arith.constant 13 : i32
      %get3A_732 = arith.index_cast %get3A_731 : i32 to index
      %get3A_733 = arith.index_cast %mul3A_678 : i32 to index
      %get3A_734 = tpu.vector_load %arg11[%get3A_732, %get3A_733] {strides = array<i32>} : memref<16x640xf32, #tpu.memory_space<vmem>>, vector<16xf32>,
      %get3A_735 = arith.constant 14 : i32
      %get3A_736 = arith.index_cast %get3A_735 : i32 to index
      %get3A_737 = arith.index_cast %mul3A_678 : i32 to index
      %get3A_738 = tpu.vector_load %arg11[%get3A_736, %get3A_737] {strides = array<i32>} : memref<16x640xf32, #tpu.memory_space<vmem>>, vector<16xf32>,
      %get3A_739 = arith.constant 15 : i32
      %get3A_740 = arith.index_cast %get3A_739 : i32 to index
      %get3A_741 = arith.index_cast %mul3A_678 : i32 to index
      %get3A_742 = tpu.vector_load %arg11[%get3A_740, %get3A_741] {strides = array<i32>} : memref<16x640xf32, #tpu.memory_space<vmem>>, vector<16xf32>,
      %add3A_743 = arith.addf %get3A_682, %get3A_686 : vector<16xf32>
      %add3A_744 = arith.addf %get3A_690, %get3A_694 : vector<16xf32>
      %add3A_745 = arith.addf %add3A_743, %add3A_744 : vector<16xf32>
      %add3A_746 = arith.addf %get3A_698, %get3A_702 : vector<16xf32>
      %add3A_747 = arith.addf %get3A_706, %get3A_710 : vector<16xf32>
      %add3A_748 = arith.addf %add3A_746, %add3A_747 : vector<16xf32>
      %add3A_749 = arith.addf %add3A_745, %add3A_748 : vector<16xf32>
      %add3A_750 = arith.addf %get3A_714, %get3A_718 : vector<16xf32>
      %add3A_751 = arith.addf %get3A_722, %get3A_726 : vector<16xf32>
      %add3A_752 = arith.addf %add3A_750, %add3A_751 : vector<16xf32>
      %add3A_753 = arith.addf %get3A_730, %get3A_734 : vector<16xf32>
      %add3A_754 = arith.addf %get3A_738, %get3A_742 : vector<16xf32>
      %add3A_755 = arith.addf %add3A_753, %add3A_754 : vector<16xf32>
      %add3A_756 = arith.addf %add3A_752, %add3A_755 : vector<16xf32>
      %add3A_757 = arith.addf %add3A_749, %add3A_756 : vector<16xf32>
      %swap3A = arith.index_cast %mul3A_678 : i32 to index
      %swap3A_758 = tpu.vector_load %arg13[%swap3A] {strides = array<i32>} : memref<2560xf32, #tpu.memory_space<vmem>>, vector<16xf32>,
      tpu.vector_store %arg13[%swap3A], %add3A_757 {strides = array<i32>} : memref<2560xf32, #tpu.memory_space<vmem>>, vector<16xf32>,
    }
    %scan3A_119 = arith.constant 40 : i32
    %broadcast_in_dim3A_120 = arith.constant 1597463007 : i32
    %broadcast_in_dim3A_121 = vector.broadcast %broadcast_in_dim3A_120 : i32 to vector<16xi32>
    %scan3A_122 = arith.constant 0 : i32
    %scan3A_123 = arith.constant 0 : i32
    %scan3A_124 = arith.constant 40 : i32
    %scan3A_125 = arith.addi %scan3A_123, %scan3A_124 : i32
    %scan3A_126 = arith.constant 1 : i32
    scf.for %scan3A_676 = %scan3A_123 to %scan3A_125 step %scan3A_126  : i32 {
      %mul3A_677 = arith.constant 16 : i32
      %mul3A_678 = arith.muli %scan3A_676, %mul3A_677 : i32
      %get3A_679 = arith.index_cast %mul3A_678 : i32 to index
      %get3A_680 = tpu.vector_load %arg13[%get3A_679] {strides = array<i32>} : memref<2560xf32, #tpu.memory_space<vmem>>, vector<16xf32>,
      %add3A_681 = arith.constant 1.000000e+00 : f32
      %add3A_682 = vector.broadcast %add3A_681 : f32 to vector<16xf32>
      %add3A_683 = arith.addf %get3A_680, %add3A_682 : vector<16xf32>
      %bitcast3A = vector.bitcast %add3A_683 : vector<16xf32> to vector<16xi32>
      %shift_right_logical3A_684 = arith.constant 1 : i32
      %shift_right_logical3A_685 = vector.broadcast %shift_right_logical3A_684 : i32 to vector<16xi32>
      %shift_right_logical3A_686 = arith.shrui %bitcast3A, %shift_right_logical3A_685 : vector<16xi32>
      %sub3A_687 = arith.subi %broadcast_in_dim3A_121, %shift_right_logical3A_686 : vector<16xi32>
      %bitcast3A_688 = vector.bitcast %sub3A_687 : vector<16xi32> to vector<16xf32>
      %mul3A_689 = arith.constant 5.000000e-01 : f32
      %mul3A_690 = vector.broadcast %mul3A_689 : f32 to vector<16xf32>
      %mul3A_691 = arith.mulf %mul3A_690, %add3A_683 : vector<16xf32>
      %mul3A_692 = arith.mulf %mul3A_691, %bitcast3A_688 : vector<16xf32>
      %mul3A_693 = arith.mulf %mul3A_692, %bitcast3A_688 : vector<16xf32>
      %sub3A_694 = arith.constant 1.500000e+00 : f32
      %sub3A_695 = vector.broadcast %sub3A_694 : f32 to vector<16xf32>
      %sub3A_696 = arith.subf %sub3A_695, %mul3A_693 : vector<16xf32>
      %mul3A_697 = arith.mulf %bitcast3A_688, %sub3A_696 : vector<16xf32>
      %mul3A_698 = arith.constant 5.000000e-01 : f32
      %mul3A_699 = vector.broadcast %mul3A_698 : f32 to vector<16xf32>
      %mul3A_700 = arith.mulf %mul3A_699, %add3A_683 : vector<16xf32>
      %mul3A_701 = arith.mulf %mul3A_700, %mul3A_697 : vector<16xf32>
      %mul3A_702 = arith.mulf %mul3A_701, %mul3A_697 : vector<16xf32>
      %sub3A_703 = arith.constant 1.500000e+00 : f32
      %sub3A_704 = vector.broadcast %sub3A_703 : f32 to vector<16xf32>
      %sub3A_705 = arith.subf %sub3A_704, %mul3A_702 : vector<16xf32>
      %mul3A_706 = arith.mulf %mul3A_697, %sub3A_705 : vector<16xf32>
      %mul3A_707 = arith.constant 5.000000e-01 : f32
      %mul3A_708 = vector.broadcast %mul3A_707 : f32 to vector<16xf32>
      %mul3A_709 = arith.mulf %mul3A_708, %add3A_683 : vector<16xf32>
      %mul3A_710 = arith.mulf %mul3A_709, %mul3A_706 : vector<16xf32>
      %mul3A_711 = arith.mulf %mul3A_710, %mul3A_706 : vector<16xf32>
      %sub3A_712 = arith.constant 1.500000e+00 : f32
      %sub3A_713 = vector.broadcast %sub3A_712 : f32 to vector<16xf32>
      %sub3A_714 = arith.subf %sub3A_713, %mul3A_711 : vector<16xf32>
      %mul3A_715 = arith.mulf %mul3A_706, %sub3A_714 : vector<16xf32>
      %mul3A_716 = arith.constant 16 : i32
      %mul3A_717 = arith.muli %scan3A_676, %mul3A_716 : i32
      %swap3A = arith.index_cast %mul3A_717 : i32 to index
      %swap3A_718 = tpu.vector_load %arg13[%swap3A] {strides = array<i32>} : memref<2560xf32, #tpu.memory_space<vmem>>, vector<16xf32>,
      tpu.vector_store %arg13[%swap3A], %mul3A_715 {strides = array<i32>} : memref<2560xf32, #tpu.memory_space<vmem>>, vector<16xf32>,
    }
    %scan3A_127 = arith.constant 40 : i32
    "tpu.region"() ({
      %run_scoped3A = tpu.sem_alloc : memref<!tpu.dma_semaphore, #tpu.memory_space<semaphore_mem>>
      %dma_start3A_676 = arith.constant 0 : i32
      %dma_start3A_677 = tpu.memref_slice %arg13[%dma_start3A_676] : memref<2560xf32, #tpu.memory_space<vmem>> -> memref<640xf32, #tpu.memory_space<vmem>>
      %dma_start3A_678 = tpu.memref_slice %arg16[%multiple_of3A_113] : memref<10240xf32, #tpu.memory_space<vmem_shared>> -> memref<640xf32, #tpu.memory_space<vmem_shared>>
      %dma_start3A_679 = tpu.memref_slice %arg16[%multiple_of3A_113] : memref<10240xf32, #tpu.memory_space<vmem_shared>> -> memref<640xf32, #tpu.memory_space<vmem_shared>>
      %dma_start3A_680 = arith.constant 0 : i32
      %dma_start3A_681 = tpu.memref_slice %arg13[%dma_start3A_680] : memref<2560xf32, #tpu.memory_space<vmem>> -> memref<640xf32, #tpu.memory_space<vmem>>
      tpu.enqueue_dma source(%dma_start3A_681 : memref<640xf32, #tpu.memory_space<vmem>>) target(%dma_start3A_679 : memref<640xf32, #tpu.memory_space<vmem_shared>>) target_semaphore(%run_scoped3A : memref<!tpu.dma_semaphore, #tpu.memory_space<semaphore_mem>>)
      %dma_wait3A_682 = arith.constant 0 : i32
      %dma_wait3A_683 = tpu.memref_slice %arg13[%dma_wait3A_682] : memref<2560xf32, #tpu.memory_space<vmem>> -> memref<640xf32, #tpu.memory_space<vmem>>
      %dma_wait3A_684 = tpu.memref_slice %arg16[%multiple_of3A_113] : memref<10240xf32, #tpu.memory_space<vmem_shared>> -> memref<640xf32, #tpu.memory_space<vmem_shared>>
      %dma_wait3A_685 = tpu.memref_slice %arg16[%multiple_of3A_113] : memref<10240xf32, #tpu.memory_space<vmem_shared>> -> memref<640xf32, #tpu.memory_space<vmem_shared>>
      %dma_wait3A_686 = arith.constant 0 : i32
      %dma_wait3A_687 = tpu.memref_slice %arg13[%dma_wait3A_686] : memref<2560xf32, #tpu.memory_space<vmem>> -> memref<640xf32, #tpu.memory_space<vmem>>
      tpu.wait_dma2 semaphore(%run_scoped3A : memref<!tpu.dma_semaphore, #tpu.memory_space<semaphore_mem>>) src(%dma_wait3A_687 : memref<640xf32, #tpu.memory_space<vmem>>) dst(%dma_wait3A_685 : memref<640xf32, #tpu.memory_space<vmem_shared>>)
      tpu.yield
    }) : () -> ()
    %barrier3A_128 = arith.constant 0 : index
    tpu.barrier barrier_id(%barrier3A_128)
    "tpu.region"() ({
      %run_scoped3A = tpu.sem_alloc : memref<!tpu.dma_semaphore, #tpu.memory_space<semaphore_mem>>
      tpu.enqueue_dma source(%arg16 : memref<10240xf32, #tpu.memory_space<vmem_shared>>) target(%arg6 : memref<10240xf32, #tpu.memory_space<vmem>>) target_semaphore(%run_scoped3A : memref<!tpu.dma_semaphore, #tpu.memory_space<semaphore_mem>>)
      tpu.wait_dma2 semaphore(%run_scoped3A : memref<!tpu.dma_semaphore, #tpu.memory_space<semaphore_mem>>) src(%arg16 : memref<10240xf32, #tpu.memory_space<vmem_shared>>) dst(%arg6 : memref<10240xf32, #tpu.memory_space<vmem>>)
      tpu.yield
    }) : () -> ()
    "tpu.region"() ({
      %run_scoped3A = tpu.sem_alloc : memref<!tpu.dma_semaphore, #tpu.memory_space<semaphore_mem>>
      %dma_start3A_676 = arith.constant 0 : i32
      %dma_start3A_677 = tpu.memref_slice %arg3[%add3A_30, %dma_start3A_676] : memref<8x10240xf32, #tpu.memory_space<hbm>> -> memref<1x10240xf32, #tpu.memory_space<hbm>>
      %dma_start3A_678 = tpu.memref_squeeze %dma_start3A_677 : memref<1x10240xf32, #tpu.memory_space<hbm>> -> memref<10240xf32, #tpu.memory_space<hbm>>
      %dma_start3A_679 = arith.constant 0 : i32
      %dma_start3A_680 = tpu.memref_slice %arg3[%add3A_30, %dma_start3A_679] : memref<8x10240xf32, #tpu.memory_space<hbm>> -> memref<1x10240xf32, #tpu.memory_space<hbm>>
      %dma_start3A_681 = tpu.memref_squeeze %dma_start3A_680 : memref<1x10240xf32, #tpu.memory_space<hbm>> -> memref<10240xf32, #tpu.memory_space<hbm>>
      tpu.enqueue_dma source(%dma_start3A_681 : memref<10240xf32, #tpu.memory_space<hbm>>) target(%arg7 : memref<10240xf32, #tpu.memory_space<vmem>>) target_semaphore(%run_scoped3A : memref<!tpu.dma_semaphore, #tpu.memory_space<semaphore_mem>>)
      %dma_wait3A_682 = arith.constant 0 : i32
      %dma_wait3A_683 = tpu.memref_slice %arg3[%add3A_30, %dma_wait3A_682] : memref<8x10240xf32, #tpu.memory_space<hbm>> -> memref<1x10240xf32, #tpu.memory_space<hbm>>
      %dma_wait3A_684 = tpu.memref_squeeze %dma_wait3A_683 : memref<1x10240xf32, #tpu.memory_space<hbm>> -> memref<10240xf32, #tpu.memory_space<hbm>>
      %dma_wait3A_685 = arith.constant 0 : i32
      %dma_wait3A_686 = tpu.memref_slice %arg3[%add3A_30, %dma_wait3A_685] : memref<8x10240xf32, #tpu.memory_space<hbm>> -> memref<1x10240xf32, #tpu.memory_space<hbm>>
      %dma_wait3A_687 = tpu.memref_squeeze %dma_wait3A_686 : memref<1x10240xf32, #tpu.memory_space<hbm>> -> memref<10240xf32, #tpu.memory_space<hbm>>
      tpu.wait_dma2 semaphore(%run_scoped3A : memref<!tpu.dma_semaphore, #tpu.memory_space<semaphore_mem>>) src(%dma_wait3A_687 : memref<10240xf32, #tpu.memory_space<hbm>>) dst(%arg7 : memref<10240xf32, #tpu.memory_space<vmem>>)
      tpu.yield
    }) : () -> ()
    %scan3A_129 = arith.constant 0 : i32
    %scan3A_130 = arith.constant 0 : i32
    %scan3A_131 = arith.constant 160 : i32
    %scan3A_132 = arith.addi %scan3A_130, %scan3A_131 : i32
    %scan3A_133 = arith.constant 1 : i32
    scf.for %scan3A_676 = %scan3A_130 to %scan3A_132 step %scan3A_133  : i32 {
      %mul3A_677 = arith.constant 64 : i32
      %mul3A_678 = arith.muli %scan3A_676, %mul3A_677 : i32
      %add3A_679 = arith.constant 0 : i32
      %add3A_680 = arith.addi %mul3A_678, %add3A_679 : i32
      %mul3A_681 = arith.constant 64 : i32
      %mul3A_682 = arith.muli %scan3A_676, %mul3A_681 : i32
      %add3A_683 = arith.constant 16 : i32
      %add3A_684 = arith.addi %mul3A_682, %add3A_683 : i32
      %mul3A_685 = arith.constant 64 : i32
      %mul3A_686 = arith.muli %scan3A_676, %mul3A_685 : i32
      %add3A_687 = arith.constant 32 : i32
      %add3A_688 = arith.addi %mul3A_686, %add3A_687 : i32
      %mul3A_689 = arith.constant 64 : i32
      %mul3A_690 = arith.muli %scan3A_676, %mul3A_689 : i32
      %add3A_691 = arith.constant 48 : i32
      %add3A_692 = arith.addi %mul3A_690, %add3A_691 : i32
      %get3A_693 = arith.index_cast %add3A_680 : i32 to index
      %get3A_694 = tpu.vector_load %arg7[%get3A_693] {strides = array<i32>} : memref<10240xf32, #tpu.memory_space<vmem>>, vector<16xf32>,
      %get3A_695 = arith.index_cast %add3A_684 : i32 to index
      %get3A_696 = tpu.vector_load %arg7[%get3A_695] {strides = array<i32>} : memref<10240xf32, #tpu.memory_space<vmem>>, vector<16xf32>,
      %get3A_697 = arith.index_cast %add3A_688 : i32 to index
      %get3A_698 = tpu.vector_load %arg7[%get3A_697] {strides = array<i32>} : memref<10240xf32, #tpu.memory_space<vmem>>, vector<16xf32>,
      %get3A_699 = arith.index_cast %add3A_692 : i32 to index
      %get3A_700 = tpu.vector_load %arg7[%get3A_699] {strides = array<i32>} : memref<10240xf32, #tpu.memory_space<vmem>>, vector<16xf32>,
      %get3A_701 = arith.index_cast %add3A_680 : i32 to index
      %get3A_702 = tpu.vector_load %arg6[%get3A_701] {strides = array<i32>} : memref<10240xf32, #tpu.memory_space<vmem>>, vector<16xf32>,
      %get3A_703 = arith.index_cast %add3A_684 : i32 to index
      %get3A_704 = tpu.vector_load %arg6[%get3A_703] {strides = array<i32>} : memref<10240xf32, #tpu.memory_space<vmem>>, vector<16xf32>,
      %get3A_705 = arith.index_cast %add3A_688 : i32 to index
      %get3A_706 = tpu.vector_load %arg6[%get3A_705] {strides = array<i32>} : memref<10240xf32, #tpu.memory_space<vmem>>, vector<16xf32>,
      %get3A_707 = arith.index_cast %add3A_692 : i32 to index
      %get3A_708 = tpu.vector_load %arg6[%get3A_707] {strides = array<i32>} : memref<10240xf32, #tpu.memory_space<vmem>>, vector<16xf32>,
      %mul3A_709 = arith.mulf %get3A_694, %get3A_702 : vector<16xf32>
      %swap3A = arith.index_cast %add3A_680 : i32 to index
      %swap3A_710 = tpu.vector_load %arg7[%swap3A] {strides = array<i32>} : memref<10240xf32, #tpu.memory_space<vmem>>, vector<16xf32>,
      tpu.vector_store %arg7[%swap3A], %mul3A_709 {strides = array<i32>} : memref<10240xf32, #tpu.memory_space<vmem>>, vector<16xf32>,
      %mul3A_711 = arith.mulf %get3A_696, %get3A_704 : vector<16xf32>
      %swap3A_712 = arith.index_cast %add3A_684 : i32 to index
      %swap3A_713 = tpu.vector_load %arg7[%swap3A_712] {strides = array<i32>} : memref<10240xf32, #tpu.memory_space<vmem>>, vector<16xf32>,
      tpu.vector_store %arg7[%swap3A_712], %mul3A_711 {strides = array<i32>} : memref<10240xf32, #tpu.memory_space<vmem>>, vector<16xf32>,
      %mul3A_714 = arith.mulf %get3A_698, %get3A_706 : vector<16xf32>
      %swap3A_715 = arith.index_cast %add3A_688 : i32 to index
      %swap3A_716 = tpu.vector_load %arg7[%swap3A_715] {strides = array<i32>} : memref<10240xf32, #tpu.memory_space<vmem>>, vector<16xf32>,
      tpu.vector_store %arg7[%swap3A_715], %mul3A_714 {strides = array<i32>} : memref<10240xf32, #tpu.memory_space<vmem>>, vector<16xf32>,
      %mul3A_717 = arith.mulf %get3A_700, %get3A_708 : vector<16xf32>
      %swap3A_718 = arith.index_cast %add3A_692 : i32 to index
      %swap3A_719 = tpu.vector_load %arg7[%swap3A_718] {strides = array<i32>} : memref<10240xf32, #tpu.memory_space<vmem>>, vector<16xf32>,
      tpu.vector_store %arg7[%swap3A_718], %mul3A_717 {strides = array<i32>} : memref<10240xf32, #tpu.memory_space<vmem>>, vector<16xf32>,
    }
    %scan3A_134 = arith.constant 160 : i32
    %mul3A_135 = arith.constant 40000 : i32
    %mul3A_136 = arith.muli %select_n3A_28, %mul3A_135 : i32
    %multiple_of3A_137 = tpu.assume_multiple %mul3A_136, 8 : i32
    %scan3A_138 = arith.constant 0 : i32
    %scan3A_139 = arith.constant 0 : i32
    %scan3A_140 = arith.constant 160 : i32
    %scan3A_141 = arith.addi %scan3A_139, %scan3A_140 : i32
    %scan3A_142 = arith.constant 1 : i32
    scf.for %scan3A_676 = %scan3A_139 to %scan3A_141 step %scan3A_142  : i32 {
      %mul3A_677 = arith.constant 64 : i32
      %mul3A_678 = arith.muli %scan3A_676, %mul3A_677 : i32
      %add3A_679 = arith.constant 0 : i32
      %add3A_680 = arith.addi %mul3A_678, %add3A_679 : i32
      %swap3A = arith.index_cast %add3A_680 : i32 to index
      %swap3A_681 = tpu.vector_load %arg8[%swap3A] {strides = array<i32>} : memref<10240xf32, #tpu.memory_space<vmem>>, vector<16xf32>,
      tpu.vector_store %arg8[%swap3A], %broadcast_in_dim3A_33 {strides = array<i32>} : memref<10240xf32, #tpu.memory_space<vmem>>, vector<16xf32>,
      %mul3A_682 = arith.constant 64 : i32
      %mul3A_683 = arith.muli %scan3A_676, %mul3A_682 : i32
      %add3A_684 = arith.constant 16 : i32
      %add3A_685 = arith.addi %mul3A_683, %add3A_684 : i32
      %swap3A_686 = arith.index_cast %add3A_685 : i32 to index
      %swap3A_687 = tpu.vector_load %arg8[%swap3A_686] {strides = array<i32>} : memref<10240xf32, #tpu.memory_space<vmem>>, vector<16xf32>,
      tpu.vector_store %arg8[%swap3A_686], %broadcast_in_dim3A_33 {strides = array<i32>} : memref<10240xf32, #tpu.memory_space<vmem>>, vector<16xf32>,
      %mul3A_688 = arith.constant 64 : i32
      %mul3A_689 = arith.muli %scan3A_676, %mul3A_688 : i32
      %add3A_690 = arith.constant 32 : i32
      %add3A_691 = arith.addi %mul3A_689, %add3A_690 : i32
      %swap3A_692 = arith.index_cast %add3A_691 : i32 to index
      %swap3A_693 = tpu.vector_load %arg8[%swap3A_692] {strides = array<i32>} : memref<10240xf32, #tpu.memory_space<vmem>>, vector<16xf32>,
      tpu.vector_store %arg8[%swap3A_692], %broadcast_in_dim3A_33 {strides = array<i32>} : memref<10240xf32, #tpu.memory_space<vmem>>, vector<16xf32>,
      %mul3A_694 = arith.constant 64 : i32
      %mul3A_695 = arith.muli %scan3A_676, %mul3A_694 : i32
      %add3A_696 = arith.constant 48 : i32
      %add3A_697 = arith.addi %mul3A_695, %add3A_696 : i32
      %swap3A_698 = arith.index_cast %add3A_697 : i32 to index
      %swap3A_699 = tpu.vector_load %arg8[%swap3A_698] {strides = array<i32>} : memref<10240xf32, #tpu.memory_space<vmem>>, vector<16xf32>,
      tpu.vector_store %arg8[%swap3A_698], %broadcast_in_dim3A_33 {strides = array<i32>} : memref<10240xf32, #tpu.memory_space<vmem>>, vector<16xf32>,
    }
    %scan3A_143 = arith.constant 160 : i32
    %add3A_144 = arith.constant 0 : i32
    %add3A_145 = arith.addi %multiple_of3A_137, %add3A_144 : i32
    %multiple_of3A_146 = tpu.assume_multiple %add3A_145, 8 : i32
    %dma_start3A_147 = arith.constant 0 : i32
    %dma_start3A_148 = tpu.memref_slice %arg10[%dma_start3A_147] : memref<16000xi32, #tpu.memory_space<vmem>> -> memref<8000xi32, #tpu.memory_space<vmem>>
    %dma_start3A_149 = tpu.memref_slice %arg2[%multiple_of3A_146] : memref<160000xi32, #tpu.memory_space<hbm>> -> memref<8000xi32, #tpu.memory_space<hbm>>
    %dma_start3A_150 = arith.constant 0 : i32
    %dma_start3A_151 = tpu.memref_slice %arg10[%dma_start3A_150] : memref<16000xi32, #tpu.memory_space<vmem>> -> memref<8000xi32, #tpu.memory_space<vmem>>
    %dma_start3A_152 = tpu.memref_slice %arg2[%multiple_of3A_146] : memref<160000xi32, #tpu.memory_space<hbm>> -> memref<8000xi32, #tpu.memory_space<hbm>>
    tpu.enqueue_dma source(%dma_start3A_152 : memref<8000xi32, #tpu.memory_space<hbm>>) target(%dma_start3A_151 : memref<8000xi32, #tpu.memory_space<vmem>>) target_semaphore(%arg18 : memref<!tpu.dma_semaphore, #tpu.memory_space<semaphore_mem>>)
    %add3A_153 = arith.constant 8000 : i32
    %add3A_154 = arith.addi %multiple_of3A_137, %add3A_153 : i32
    %multiple_of3A_155 = tpu.assume_multiple %add3A_154, 8 : i32
    %dma_start3A_156 = arith.constant 8000 : i32
    %dma_start3A_157 = tpu.memref_slice %arg10[%dma_start3A_156] : memref<16000xi32, #tpu.memory_space<vmem>> -> memref<8000xi32, #tpu.memory_space<vmem>>
    %dma_start3A_158 = tpu.memref_slice %arg2[%multiple_of3A_155] : memref<160000xi32, #tpu.memory_space<hbm>> -> memref<8000xi32, #tpu.memory_space<hbm>>
    %dma_start3A_159 = arith.constant 8000 : i32
    %dma_start3A_160 = tpu.memref_slice %arg10[%dma_start3A_159] : memref<16000xi32, #tpu.memory_space<vmem>> -> memref<8000xi32, #tpu.memory_space<vmem>>
    %dma_start3A_161 = tpu.memref_slice %arg2[%multiple_of3A_155] : memref<160000xi32, #tpu.memory_space<hbm>> -> memref<8000xi32, #tpu.memory_space<hbm>>
    tpu.enqueue_dma source(%dma_start3A_161 : memref<8000xi32, #tpu.memory_space<hbm>>) target(%dma_start3A_160 : memref<8000xi32, #tpu.memory_space<vmem>>) target_semaphore(%arg19 : memref<!tpu.dma_semaphore, #tpu.memory_space<semaphore_mem>>)
    %dma_wait3A_162 = arith.constant 0 : i32
    %dma_wait3A_163 = tpu.memref_slice %arg10[%dma_wait3A_162] : memref<16000xi32, #tpu.memory_space<vmem>> -> memref<8000xi32, #tpu.memory_space<vmem>>
    %dma_wait3A_164 = tpu.memref_slice %arg2[%multiple_of3A_146] : memref<160000xi32, #tpu.memory_space<hbm>> -> memref<8000xi32, #tpu.memory_space<hbm>>
    %dma_wait3A_165 = arith.constant 0 : i32
    %dma_wait3A_166 = tpu.memref_slice %arg10[%dma_wait3A_165] : memref<16000xi32, #tpu.memory_space<vmem>> -> memref<8000xi32, #tpu.memory_space<vmem>>
    %dma_wait3A_167 = tpu.memref_slice %arg2[%multiple_of3A_146] : memref<160000xi32, #tpu.memory_space<hbm>> -> memref<8000xi32, #tpu.memory_space<hbm>>
    tpu.wait_dma2 semaphore(%arg18 : memref<!tpu.dma_semaphore, #tpu.memory_space<semaphore_mem>>) src(%dma_wait3A_167 : memref<8000xi32, #tpu.memory_space<hbm>>) dst(%dma_wait3A_166 : memref<8000xi32, #tpu.memory_space<vmem>>)
    %scan3A_168 = arith.constant 0 : i32
    %scan3A_169 = arith.constant 0 : i32
    %scan3A_170 = arith.constant 62 : i32
    %scan3A_171 = arith.addi %scan3A_169, %scan3A_170 : i32
    %scan3A_172 = arith.constant 1 : i32
    scf.for %scan3A_676 = %scan3A_169 to %scan3A_171 step %scan3A_172  : i32 {
      %mul3A_677 = arith.constant 128 : i32
      %mul3A_678 = arith.muli %scan3A_676, %mul3A_677 : i32
      %add3A_679 = arith.constant 0 : i32
      %add3A_680 = arith.addi %add3A_679, %mul3A_678 : i32
      %add3A_681 = arith.constant 0 : i32
      %add3A_682 = arith.addi %add3A_680, %add3A_681 : i32
      %get3A_683 = arith.index_cast %add3A_682 : i32 to index
      %get3A_684 = tpu.vector_load %arg10[%get3A_683] {strides = array<i32>} : memref<16000xi32, #tpu.memory_space<vmem>>, vector<16xi32>,
      %add3A_685 = arith.constant 16 : i32
      %add3A_686 = arith.addi %add3A_680, %add3A_685 : i32
      %get3A_687 = arith.index_cast %add3A_686 : i32 to index
      %get3A_688 = tpu.vector_load %arg10[%get3A_687] {strides = array<i32>} : memref<16000xi32, #tpu.memory_space<vmem>>, vector<16xi32>,
      %add3A_689 = arith.constant 32 : i32
      %add3A_690 = arith.addi %add3A_680, %add3A_689 : i32
      %get3A_691 = arith.index_cast %add3A_690 : i32 to index
      %get3A_692 = tpu.vector_load %arg10[%get3A_691] {strides = array<i32>} : memref<16000xi32, #tpu.memory_space<vmem>>, vector<16xi32>,
      %add3A_693 = arith.constant 48 : i32
      %add3A_694 = arith.addi %add3A_680, %add3A_693 : i32
      %get3A_695 = arith.index_cast %add3A_694 : i32 to index
      %get3A_696 = tpu.vector_load %arg10[%get3A_695] {strides = array<i32>} : memref<16000xi32, #tpu.memory_space<vmem>>, vector<16xi32>,
      %add3A_697 = arith.constant 64 : i32
      %add3A_698 = arith.addi %add3A_680, %add3A_697 : i32
      %get3A_699 = arith.index_cast %add3A_698 : i32 to index
      %get3A_700 = tpu.vector_load %arg10[%get3A_699] {strides = array<i32>} : memref<16000xi32, #tpu.memory_space<vmem>>, vector<16xi32>,
      %add3A_701 = arith.constant 80 : i32
      %add3A_702 = arith.addi %add3A_680, %add3A_701 : i32
      %get3A_703 = arith.index_cast %add3A_702 : i32 to index
      %get3A_704 = tpu.vector_load %arg10[%get3A_703] {strides = array<i32>} : memref<16000xi32, #tpu.memory_space<vmem>>, vector<16xi32>,
      %add3A_705 = arith.constant 96 : i32
      %add3A_706 = arith.addi %add3A_680, %add3A_705 : i32
      %get3A_707 = arith.index_cast %add3A_706 : i32 to index
      %get3A_708 = tpu.vector_load %arg10[%get3A_707] {strides = array<i32>} : memref<16000xi32, #tpu.memory_space<vmem>>, vector<16xi32>,
      %add3A_709 = arith.constant 112 : i32
      %add3A_710 = arith.addi %add3A_680, %add3A_709 : i32
      %get3A_711 = arith.index_cast %add3A_710 : i32 to index
      %get3A_712 = tpu.vector_load %arg10[%get3A_711] {strides = array<i32>} : memref<16000xi32, #tpu.memory_space<vmem>>, vector<16xi32>,
      %shift_right_logical3A_713 = arith.constant 14 : i32
      %shift_right_logical3A_714 = vector.broadcast %shift_right_logical3A_713 : i32 to vector<16xi32>
      %shift_right_logical3A_715 = arith.shrui %get3A_684, %shift_right_logical3A_714 : vector<16xi32>
      %shift_right_logical3A_716 = arith.constant 14 : i32
      %shift_right_logical3A_717 = vector.broadcast %shift_right_logical3A_716 : i32 to vector<16xi32>
      %shift_right_logical3A_718 = arith.shrui %get3A_688, %shift_right_logical3A_717 : vector<16xi32>
      %shift_right_logical3A_719 = arith.constant 14 : i32
      %shift_right_logical3A_720 = vector.broadcast %shift_right_logical3A_719 : i32 to vector<16xi32>
      %shift_right_logical3A_721 = arith.shrui %get3A_692, %shift_right_logical3A_720 : vector<16xi32>
      %shift_right_logical3A_722 = arith.constant 14 : i32
      %shift_right_logical3A_723 = vector.broadcast %shift_right_logical3A_722 : i32 to vector<16xi32>
      %shift_right_logical3A_724 = arith.shrui %get3A_696, %shift_right_logical3A_723 : vector<16xi32>
      %shift_right_logical3A_725 = arith.constant 14 : i32
      %shift_right_logical3A_726 = vector.broadcast %shift_right_logical3A_725 : i32 to vector<16xi32>
      %shift_right_logical3A_727 = arith.shrui %get3A_700, %shift_right_logical3A_726 : vector<16xi32>
      %shift_right_logical3A_728 = arith.constant 14 : i32
      %shift_right_logical3A_729 = vector.broadcast %shift_right_logical3A_728 : i32 to vector<16xi32>
      %shift_right_logical3A_730 = arith.shrui %get3A_704, %shift_right_logical3A_729 : vector<16xi32>
      %shift_right_logical3A_731 = arith.constant 14 : i32
      %shift_right_logical3A_732 = vector.broadcast %shift_right_logical3A_731 : i32 to vector<16xi32>
      %shift_right_logical3A_733 = arith.shrui %get3A_708, %shift_right_logical3A_732 : vector<16xi32>
      %shift_right_logical3A_734 = arith.constant 14 : i32
      %shift_right_logical3A_735 = vector.broadcast %shift_right_logical3A_734 : i32 to vector<16xi32>
      %shift_right_logical3A_736 = arith.shrui %get3A_712, %shift_right_logical3A_735 : vector<16xi32>
      %and3A_737 = arith.andi %get3A_684, %broadcast_in_dim3A_37 : vector<16xi32>
      %and3A_738 = arith.andi %get3A_688, %broadcast_in_dim3A_37 : vector<16xi32>
      %and3A_739 = arith.andi %get3A_692, %broadcast_in_dim3A_37 : vector<16xi32>
      %and3A_740 = arith.andi %get3A_696, %broadcast_in_dim3A_37 : vector<16xi32>
      %and3A_741 = arith.andi %get3A_700, %broadcast_in_dim3A_37 : vector<16xi32>
      %and3A_742 = arith.andi %get3A_704, %broadcast_in_dim3A_37 : vector<16xi32>
      %and3A_743 = arith.andi %get3A_708, %broadcast_in_dim3A_37 : vector<16xi32>
      %and3A_744 = arith.andi %get3A_712, %broadcast_in_dim3A_37 : vector<16xi32>
      %gather3A_745 = tpu.vector_load_idx %arg7[%shift_right_logical3A_715] : memref<10240xf32, #tpu.memory_space<vmem>>[vector<16xi32>], vector<16xf32>,
      %gather3A_746 = tpu.vector_load_idx %arg7[%shift_right_logical3A_718] : memref<10240xf32, #tpu.memory_space<vmem>>[vector<16xi32>], vector<16xf32>,
      %gather3A_747 = tpu.vector_load_idx %arg7[%shift_right_logical3A_721] : memref<10240xf32, #tpu.memory_space<vmem>>[vector<16xi32>], vector<16xf32>,
      %gather3A_748 = tpu.vector_load_idx %arg7[%shift_right_logical3A_724] : memref<10240xf32, #tpu.memory_space<vmem>>[vector<16xi32>], vector<16xf32>,
      %gather3A_749 = tpu.vector_load_idx %arg7[%shift_right_logical3A_727] : memref<10240xf32, #tpu.memory_space<vmem>>[vector<16xi32>], vector<16xf32>,
      %gather3A_750 = tpu.vector_load_idx %arg7[%shift_right_logical3A_730] : memref<10240xf32, #tpu.memory_space<vmem>>[vector<16xi32>], vector<16xf32>,
      %gather3A_751 = tpu.vector_load_idx %arg7[%shift_right_logical3A_733] : memref<10240xf32, #tpu.memory_space<vmem>>[vector<16xi32>], vector<16xf32>,
      %gather3A_752 = tpu.vector_load_idx %arg7[%shift_right_logical3A_736] : memref<10240xf32, #tpu.memory_space<vmem>>[vector<16xi32>], vector<16xf32>,
      tpu.vector_store_idx %arg8[%and3A_737], %gather3A_745 {add = true} : memref<10240xf32, #tpu.memory_space<vmem>>[vector<16xi32>], vector<16xf32>,
      tpu.vector_store_idx %arg8[%and3A_738], %gather3A_746 {add = true} : memref<10240xf32, #tpu.memory_space<vmem>>[vector<16xi32>], vector<16xf32>,
      tpu.vector_store_idx %arg8[%and3A_739], %gather3A_747 {add = true} : memref<10240xf32, #tpu.memory_space<vmem>>[vector<16xi32>], vector<16xf32>,
      tpu.vector_store_idx %arg8[%and3A_740], %gather3A_748 {add = true} : memref<10240xf32, #tpu.memory_space<vmem>>[vector<16xi32>], vector<16xf32>,
      tpu.vector_store_idx %arg8[%and3A_741], %gather3A_749 {add = true} : memref<10240xf32, #tpu.memory_space<vmem>>[vector<16xi32>], vector<16xf32>,
      tpu.vector_store_idx %arg8[%and3A_742], %gather3A_750 {add = true} : memref<10240xf32, #tpu.memory_space<vmem>>[vector<16xi32>], vector<16xf32>,
      tpu.vector_store_idx %arg8[%and3A_743], %gather3A_751 {add = true} : memref<10240xf32, #tpu.memory_space<vmem>>[vector<16xi32>], vector<16xf32>,
      tpu.vector_store_idx %arg8[%and3A_744], %gather3A_752 {add = true} : memref<10240xf32, #tpu.memory_space<vmem>>[vector<16xi32>], vector<16xf32>,
    }
    %scan3A_173 = arith.constant 62 : i32
    %get3A_174 = arith.constant 7936 : index
    %get3A_175 = tpu.vector_load %arg10[%get3A_174] {strides = array<i32>} : memref<16000xi32, #tpu.memory_space<vmem>>, vector<16xi32>,
    %get3A_176 = arith.constant 7952 : index
    %get3A_177 = tpu.vector_load %arg10[%get3A_176] {strides = array<i32>} : memref<16000xi32, #tpu.memory_space<vmem>>, vector<16xi32>,
    %get3A_178 = arith.constant 7968 : index
    %get3A_179 = tpu.vector_load %arg10[%get3A_178] {strides = array<i32>} : memref<16000xi32, #tpu.memory_space<vmem>>, vector<16xi32>,
    %get3A_180 = arith.constant 7984 : index
    %get3A_181 = tpu.vector_load %arg10[%get3A_180] {strides = array<i32>} : memref<16000xi32, #tpu.memory_space<vmem>>, vector<16xi32>,
    %shift_right_logical3A = arith.constant 14 : i32
    %shift_right_logical3A_182 = vector.broadcast %shift_right_logical3A : i32 to vector<16xi32>
    %shift_right_logical3A_183 = arith.shrui %get3A_175, %shift_right_logical3A_182 : vector<16xi32>
    %shift_right_logical3A_184 = arith.constant 14 : i32
    %shift_right_logical3A_185 = vector.broadcast %shift_right_logical3A_184 : i32 to vector<16xi32>
    %shift_right_logical3A_186 = arith.shrui %get3A_177, %shift_right_logical3A_185 : vector<16xi32>
    %shift_right_logical3A_187 = arith.constant 14 : i32
    %shift_right_logical3A_188 = vector.broadcast %shift_right_logical3A_187 : i32 to vector<16xi32>
    %shift_right_logical3A_189 = arith.shrui %get3A_179, %shift_right_logical3A_188 : vector<16xi32>
    %shift_right_logical3A_190 = arith.constant 14 : i32
    %shift_right_logical3A_191 = vector.broadcast %shift_right_logical3A_190 : i32 to vector<16xi32>
    %shift_right_logical3A_192 = arith.shrui %get3A_181, %shift_right_logical3A_191 : vector<16xi32>
    %and3A_193 = arith.andi %get3A_175, %broadcast_in_dim3A_37 : vector<16xi32>
    %and3A_194 = arith.andi %get3A_177, %broadcast_in_dim3A_37 : vector<16xi32>
    %and3A_195 = arith.andi %get3A_179, %broadcast_in_dim3A_37 : vector<16xi32>
    %and3A_196 = arith.andi %get3A_181, %broadcast_in_dim3A_37 : vector<16xi32>
    %gather3A = tpu.vector_load_idx %arg7[%shift_right_logical3A_183] : memref<10240xf32, #tpu.memory_space<vmem>>[vector<16xi32>], vector<16xf32>,
    %gather3A_197 = tpu.vector_load_idx %arg7[%shift_right_logical3A_186] : memref<10240xf32, #tpu.memory_space<vmem>>[vector<16xi32>], vector<16xf32>,
    %gather3A_198 = tpu.vector_load_idx %arg7[%shift_right_logical3A_189] : memref<10240xf32, #tpu.memory_space<vmem>>[vector<16xi32>], vector<16xf32>,
    %gather3A_199 = tpu.vector_load_idx %arg7[%shift_right_logical3A_192] : memref<10240xf32, #tpu.memory_space<vmem>>[vector<16xi32>], vector<16xf32>,
    tpu.vector_store_idx %arg8[%and3A_193], %gather3A {add = true} : memref<10240xf32, #tpu.memory_space<vmem>>[vector<16xi32>], vector<16xf32>,
    tpu.vector_store_idx %arg8[%and3A_194], %gather3A_197 {add = true} : memref<10240xf32, #tpu.memory_space<vmem>>[vector<16xi32>], vector<16xf32>,
    tpu.vector_store_idx %arg8[%and3A_195], %gather3A_198 {add = true} : memref<10240xf32, #tpu.memory_space<vmem>>[vector<16xi32>], vector<16xf32>,
    tpu.vector_store_idx %arg8[%and3A_196], %gather3A_199 {add = true} : memref<10240xf32, #tpu.memory_space<vmem>>[vector<16xi32>], vector<16xf32>,
    %add3A_200 = arith.constant 16000 : i32
    %add3A_201 = arith.addi %multiple_of3A_137, %add3A_200 : i32
    %multiple_of3A_202 = tpu.assume_multiple %add3A_201, 8 : i32
    %dma_start3A_203 = arith.constant 0 : i32
    %dma_start3A_204 = tpu.memref_slice %arg10[%dma_start3A_203] : memref<16000xi32, #tpu.memory_space<vmem>> -> memref<8000xi32, #tpu.memory_space<vmem>>
    %dma_start3A_205 = tpu.memref_slice %arg2[%multiple_of3A_202] : memref<160000xi32, #tpu.memory_space<hbm>> -> memref<8000xi32, #tpu.memory_space<hbm>>
    %dma_start3A_206 = arith.constant 0 : i32
    %dma_start3A_207 = tpu.memref_slice %arg10[%dma_start3A_206] : memref<16000xi32, #tpu.memory_space<vmem>> -> memref<8000xi32, #tpu.memory_space<vmem>>
    %dma_start3A_208 = tpu.memref_slice %arg2[%multiple_of3A_202] : memref<160000xi32, #tpu.memory_space<hbm>> -> memref<8000xi32, #tpu.memory_space<hbm>>
    tpu.enqueue_dma source(%dma_start3A_208 : memref<8000xi32, #tpu.memory_space<hbm>>) target(%dma_start3A_207 : memref<8000xi32, #tpu.memory_space<vmem>>) target_semaphore(%arg18 : memref<!tpu.dma_semaphore, #tpu.memory_space<semaphore_mem>>)
    %dma_wait3A_209 = arith.constant 8000 : i32
    %dma_wait3A_210 = tpu.memref_slice %arg10[%dma_wait3A_209] : memref<16000xi32, #tpu.memory_space<vmem>> -> memref<8000xi32, #tpu.memory_space<vmem>>
    %dma_wait3A_211 = tpu.memref_slice %arg2[%multiple_of3A_155] : memref<160000xi32, #tpu.memory_space<hbm>> -> memref<8000xi32, #tpu.memory_space<hbm>>
    %dma_wait3A_212 = arith.constant 8000 : i32
    %dma_wait3A_213 = tpu.memref_slice %arg10[%dma_wait3A_212] : memref<16000xi32, #tpu.memory_space<vmem>> -> memref<8000xi32, #tpu.memory_space<vmem>>
    %dma_wait3A_214 = tpu.memref_slice %arg2[%multiple_of3A_155] : memref<160000xi32, #tpu.memory_space<hbm>> -> memref<8000xi32, #tpu.memory_space<hbm>>
    tpu.wait_dma2 semaphore(%arg19 : memref<!tpu.dma_semaphore, #tpu.memory_space<semaphore_mem>>) src(%dma_wait3A_214 : memref<8000xi32, #tpu.memory_space<hbm>>) dst(%dma_wait3A_213 : memref<8000xi32, #tpu.memory_space<vmem>>)
    %scan3A_215 = arith.constant 0 : i32
    %scan3A_216 = arith.constant 0 : i32
    %scan3A_217 = arith.constant 62 : i32
    %scan3A_218 = arith.addi %scan3A_216, %scan3A_217 : i32
    %scan3A_219 = arith.constant 1 : i32
    scf.for %scan3A_676 = %scan3A_216 to %scan3A_218 step %scan3A_219  : i32 {
      %mul3A_677 = arith.constant 128 : i32
      %mul3A_678 = arith.muli %scan3A_676, %mul3A_677 : i32
      %add3A_679 = arith.constant 8000 : i32
      %add3A_680 = arith.addi %add3A_679, %mul3A_678 : i32
      %add3A_681 = arith.constant 0 : i32
      %add3A_682 = arith.addi %add3A_680, %add3A_681 : i32
      %get3A_683 = arith.index_cast %add3A_682 : i32 to index
      %get3A_684 = tpu.vector_load %arg10[%get3A_683] {strides = array<i32>} : memref<16000xi32, #tpu.memory_space<vmem>>, vector<16xi32>,
      %add3A_685 = arith.constant 16 : i32
      %add3A_686 = arith.addi %add3A_680, %add3A_685 : i32
      %get3A_687 = arith.index_cast %add3A_686 : i32 to index
      %get3A_688 = tpu.vector_load %arg10[%get3A_687] {strides = array<i32>} : memref<16000xi32, #tpu.memory_space<vmem>>, vector<16xi32>,
      %add3A_689 = arith.constant 32 : i32
      %add3A_690 = arith.addi %add3A_680, %add3A_689 : i32
      %get3A_691 = arith.index_cast %add3A_690 : i32 to index
      %get3A_692 = tpu.vector_load %arg10[%get3A_691] {strides = array<i32>} : memref<16000xi32, #tpu.memory_space<vmem>>, vector<16xi32>,
      %add3A_693 = arith.constant 48 : i32
      %add3A_694 = arith.addi %add3A_680, %add3A_693 : i32
      %get3A_695 = arith.index_cast %add3A_694 : i32 to index
      %get3A_696 = tpu.vector_load %arg10[%get3A_695] {strides = array<i32>} : memref<16000xi32, #tpu.memory_space<vmem>>, vector<16xi32>,
      %add3A_697 = arith.constant 64 : i32
      %add3A_698 = arith.addi %add3A_680, %add3A_697 : i32
      %get3A_699 = arith.index_cast %add3A_698 : i32 to index
      %get3A_700 = tpu.vector_load %arg10[%get3A_699] {strides = array<i32>} : memref<16000xi32, #tpu.memory_space<vmem>>, vector<16xi32>,
      %add3A_701 = arith.constant 80 : i32
      %add3A_702 = arith.addi %add3A_680, %add3A_701 : i32
      %get3A_703 = arith.index_cast %add3A_702 : i32 to index
      %get3A_704 = tpu.vector_load %arg10[%get3A_703] {strides = array<i32>} : memref<16000xi32, #tpu.memory_space<vmem>>, vector<16xi32>,
      %add3A_705 = arith.constant 96 : i32
      %add3A_706 = arith.addi %add3A_680, %add3A_705 : i32
      %get3A_707 = arith.index_cast %add3A_706 : i32 to index
      %get3A_708 = tpu.vector_load %arg10[%get3A_707] {strides = array<i32>} : memref<16000xi32, #tpu.memory_space<vmem>>, vector<16xi32>,
      %add3A_709 = arith.constant 112 : i32
      %add3A_710 = arith.addi %add3A_680, %add3A_709 : i32
      %get3A_711 = arith.index_cast %add3A_710 : i32 to index
      %get3A_712 = tpu.vector_load %arg10[%get3A_711] {strides = array<i32>} : memref<16000xi32, #tpu.memory_space<vmem>>, vector<16xi32>,
      %shift_right_logical3A_713 = arith.constant 14 : i32
      %shift_right_logical3A_714 = vector.broadcast %shift_right_logical3A_713 : i32 to vector<16xi32>
      %shift_right_logical3A_715 = arith.shrui %get3A_684, %shift_right_logical3A_714 : vector<16xi32>
      %shift_right_logical3A_716 = arith.constant 14 : i32
      %shift_right_logical3A_717 = vector.broadcast %shift_right_logical3A_716 : i32 to vector<16xi32>
      %shift_right_logical3A_718 = arith.shrui %get3A_688, %shift_right_logical3A_717 : vector<16xi32>
      %shift_right_logical3A_719 = arith.constant 14 : i32
      %shift_right_logical3A_720 = vector.broadcast %shift_right_logical3A_719 : i32 to vector<16xi32>
      %shift_right_logical3A_721 = arith.shrui %get3A_692, %shift_right_logical3A_720 : vector<16xi32>
      %shift_right_logical3A_722 = arith.constant 14 : i32
      %shift_right_logical3A_723 = vector.broadcast %shift_right_logical3A_722 : i32 to vector<16xi32>
      %shift_right_logical3A_724 = arith.shrui %get3A_696, %shift_right_logical3A_723 : vector<16xi32>
      %shift_right_logical3A_725 = arith.constant 14 : i32
      %shift_right_logical3A_726 = vector.broadcast %shift_right_logical3A_725 : i32 to vector<16xi32>
      %shift_right_logical3A_727 = arith.shrui %get3A_700, %shift_right_logical3A_726 : vector<16xi32>
      %shift_right_logical3A_728 = arith.constant 14 : i32
      %shift_right_logical3A_729 = vector.broadcast %shift_right_logical3A_728 : i32 to vector<16xi32>
      %shift_right_logical3A_730 = arith.shrui %get3A_704, %shift_right_logical3A_729 : vector<16xi32>
      %shift_right_logical3A_731 = arith.constant 14 : i32
      %shift_right_logical3A_732 = vector.broadcast %shift_right_logical3A_731 : i32 to vector<16xi32>
      %shift_right_logical3A_733 = arith.shrui %get3A_708, %shift_right_logical3A_732 : vector<16xi32>
      %shift_right_logical3A_734 = arith.constant 14 : i32
      %shift_right_logical3A_735 = vector.broadcast %shift_right_logical3A_734 : i32 to vector<16xi32>
      %shift_right_logical3A_736 = arith.shrui %get3A_712, %shift_right_logical3A_735 : vector<16xi32>
      %and3A_737 = arith.andi %get3A_684, %broadcast_in_dim3A_37 : vector<16xi32>
      %and3A_738 = arith.andi %get3A_688, %broadcast_in_dim3A_37 : vector<16xi32>
      %and3A_739 = arith.andi %get3A_692, %broadcast_in_dim3A_37 : vector<16xi32>
      %and3A_740 = arith.andi %get3A_696, %broadcast_in_dim3A_37 : vector<16xi32>
      %and3A_741 = arith.andi %get3A_700, %broadcast_in_dim3A_37 : vector<16xi32>
      %and3A_742 = arith.andi %get3A_704, %broadcast_in_dim3A_37 : vector<16xi32>
      %and3A_743 = arith.andi %get3A_708, %broadcast_in_dim3A_37 : vector<16xi32>
      %and3A_744 = arith.andi %get3A_712, %broadcast_in_dim3A_37 : vector<16xi32>
      %gather3A_745 = tpu.vector_load_idx %arg7[%shift_right_logical3A_715] : memref<10240xf32, #tpu.memory_space<vmem>>[vector<16xi32>], vector<16xf32>,
      %gather3A_746 = tpu.vector_load_idx %arg7[%shift_right_logical3A_718] : memref<10240xf32, #tpu.memory_space<vmem>>[vector<16xi32>], vector<16xf32>,
      %gather3A_747 = tpu.vector_load_idx %arg7[%shift_right_logical3A_721] : memref<10240xf32, #tpu.memory_space<vmem>>[vector<16xi32>], vector<16xf32>,
      %gather3A_748 = tpu.vector_load_idx %arg7[%shift_right_logical3A_724] : memref<10240xf32, #tpu.memory_space<vmem>>[vector<16xi32>], vector<16xf32>,
      %gather3A_749 = tpu.vector_load_idx %arg7[%shift_right_logical3A_727] : memref<10240xf32, #tpu.memory_space<vmem>>[vector<16xi32>], vector<16xf32>,
      %gather3A_750 = tpu.vector_load_idx %arg7[%shift_right_logical3A_730] : memref<10240xf32, #tpu.memory_space<vmem>>[vector<16xi32>], vector<16xf32>,
      %gather3A_751 = tpu.vector_load_idx %arg7[%shift_right_logical3A_733] : memref<10240xf32, #tpu.memory_space<vmem>>[vector<16xi32>], vector<16xf32>,
      %gather3A_752 = tpu.vector_load_idx %arg7[%shift_right_logical3A_736] : memref<10240xf32, #tpu.memory_space<vmem>>[vector<16xi32>], vector<16xf32>,
      tpu.vector_store_idx %arg8[%and3A_737], %gather3A_745 {add = true} : memref<10240xf32, #tpu.memory_space<vmem>>[vector<16xi32>], vector<16xf32>,
      tpu.vector_store_idx %arg8[%and3A_738], %gather3A_746 {add = true} : memref<10240xf32, #tpu.memory_space<vmem>>[vector<16xi32>], vector<16xf32>,
      tpu.vector_store_idx %arg8[%and3A_739], %gather3A_747 {add = true} : memref<10240xf32, #tpu.memory_space<vmem>>[vector<16xi32>], vector<16xf32>,
      tpu.vector_store_idx %arg8[%and3A_740], %gather3A_748 {add = true} : memref<10240xf32, #tpu.memory_space<vmem>>[vector<16xi32>], vector<16xf32>,
      tpu.vector_store_idx %arg8[%and3A_741], %gather3A_749 {add = true} : memref<10240xf32, #tpu.memory_space<vmem>>[vector<16xi32>], vector<16xf32>,
      tpu.vector_store_idx %arg8[%and3A_742], %gather3A_750 {add = true} : memref<10240xf32, #tpu.memory_space<vmem>>[vector<16xi32>], vector<16xf32>,
      tpu.vector_store_idx %arg8[%and3A_743], %gather3A_751 {add = true} : memref<10240xf32, #tpu.memory_space<vmem>>[vector<16xi32>], vector<16xf32>,
      tpu.vector_store_idx %arg8[%and3A_744], %gather3A_752 {add = true} : memref<10240xf32, #tpu.memory_space<vmem>>[vector<16xi32>], vector<16xf32>,
    }
    %scan3A_220 = arith.constant 62 : i32
    %get3A_221 = arith.constant 15936 : index
    %get3A_222 = tpu.vector_load %arg10[%get3A_221] {strides = array<i32>} : memref<16000xi32, #tpu.memory_space<vmem>>, vector<16xi32>,
    %get3A_223 = arith.constant 15952 : index
    %get3A_224 = tpu.vector_load %arg10[%get3A_223] {strides = array<i32>} : memref<16000xi32, #tpu.memory_space<vmem>>, vector<16xi32>,
    %get3A_225 = arith.constant 15968 : index
    %get3A_226 = tpu.vector_load %arg10[%get3A_225] {strides = array<i32>} : memref<16000xi32, #tpu.memory_space<vmem>>, vector<16xi32>,
    %get3A_227 = arith.constant 15984 : index
    %get3A_228 = tpu.vector_load %arg10[%get3A_227] {strides = array<i32>} : memref<16000xi32, #tpu.memory_space<vmem>>, vector<16xi32>,
    %shift_right_logical3A_229 = arith.constant 14 : i32
    %shift_right_logical3A_230 = vector.broadcast %shift_right_logical3A_229 : i32 to vector<16xi32>
    %shift_right_logical3A_231 = arith.shrui %get3A_222, %shift_right_logical3A_230 : vector<16xi32>
    %shift_right_logical3A_232 = arith.constant 14 : i32
    %shift_right_logical3A_233 = vector.broadcast %shift_right_logical3A_232 : i32 to vector<16xi32>
    %shift_right_logical3A_234 = arith.shrui %get3A_224, %shift_right_logical3A_233 : vector<16xi32>
    %shift_right_logical3A_235 = arith.constant 14 : i32
    %shift_right_logical3A_236 = vector.broadcast %shift_right_logical3A_235 : i32 to vector<16xi32>
    %shift_right_logical3A_237 = arith.shrui %get3A_226, %shift_right_logical3A_236 : vector<16xi32>
    %shift_right_logical3A_238 = arith.constant 14 : i32
    %shift_right_logical3A_239 = vector.broadcast %shift_right_logical3A_238 : i32 to vector<16xi32>
    %shift_right_logical3A_240 = arith.shrui %get3A_228, %shift_right_logical3A_239 : vector<16xi32>
    %and3A_241 = arith.andi %get3A_222, %broadcast_in_dim3A_37 : vector<16xi32>
    %and3A_242 = arith.andi %get3A_224, %broadcast_in_dim3A_37 : vector<16xi32>
    %and3A_243 = arith.andi %get3A_226, %broadcast_in_dim3A_37 : vector<16xi32>
    %and3A_244 = arith.andi %get3A_228, %broadcast_in_dim3A_37 : vector<16xi32>
    %gather3A_245 = tpu.vector_load_idx %arg7[%shift_right_logical3A_231] : memref<10240xf32, #tpu.memory_space<vmem>>[vector<16xi32>], vector<16xf32>,
    %gather3A_246 = tpu.vector_load_idx %arg7[%shift_right_logical3A_234] : memref<10240xf32, #tpu.memory_space<vmem>>[vector<16xi32>], vector<16xf32>,
    %gather3A_247 = tpu.vector_load_idx %arg7[%shift_right_logical3A_237] : memref<10240xf32, #tpu.memory_space<vmem>>[vector<16xi32>], vector<16xf32>,
    %gather3A_248 = tpu.vector_load_idx %arg7[%shift_right_logical3A_240] : memref<10240xf32, #tpu.memory_space<vmem>>[vector<16xi32>], vector<16xf32>,
    tpu.vector_store_idx %arg8[%and3A_241], %gather3A_245 {add = true} : memref<10240xf32, #tpu.memory_space<vmem>>[vector<16xi32>], vector<16xf32>,
    tpu.vector_store_idx %arg8[%and3A_242], %gather3A_246 {add = true} : memref<10240xf32, #tpu.memory_space<vmem>>[vector<16xi32>], vector<16xf32>,
    tpu.vector_store_idx %arg8[%and3A_243], %gather3A_247 {add = true} : memref<10240xf32, #tpu.memory_space<vmem>>[vector<16xi32>], vector<16xf32>,
    tpu.vector_store_idx %arg8[%and3A_244], %gather3A_248 {add = true} : memref<10240xf32, #tpu.memory_space<vmem>>[vector<16xi32>], vector<16xf32>,
    %add3A_249 = arith.constant 24000 : i32
    %add3A_250 = arith.addi %multiple_of3A_137, %add3A_249 : i32
    %multiple_of3A_251 = tpu.assume_multiple %add3A_250, 8 : i32
    %dma_start3A_252 = arith.constant 8000 : i32
    %dma_start3A_253 = tpu.memref_slice %arg10[%dma_start3A_252] : memref<16000xi32, #tpu.memory_space<vmem>> -> memref<8000xi32, #tpu.memory_space<vmem>>
    %dma_start3A_254 = tpu.memref_slice %arg2[%multiple_of3A_251] : memref<160000xi32, #tpu.memory_space<hbm>> -> memref<8000xi32, #tpu.memory_space<hbm>>
    %dma_start3A_255 = arith.constant 8000 : i32
    %dma_start3A_256 = tpu.memref_slice %arg10[%dma_start3A_255] : memref<16000xi32, #tpu.memory_space<vmem>> -> memref<8000xi32, #tpu.memory_space<vmem>>
    %dma_start3A_257 = tpu.memref_slice %arg2[%multiple_of3A_251] : memref<160000xi32, #tpu.memory_space<hbm>> -> memref<8000xi32, #tpu.memory_space<hbm>>
    tpu.enqueue_dma source(%dma_start3A_257 : memref<8000xi32, #tpu.memory_space<hbm>>) target(%dma_start3A_256 : memref<8000xi32, #tpu.memory_space<vmem>>) target_semaphore(%arg19 : memref<!tpu.dma_semaphore, #tpu.memory_space<semaphore_mem>>)
    %dma_wait3A_258 = arith.constant 0 : i32
    %dma_wait3A_259 = tpu.memref_slice %arg10[%dma_wait3A_258] : memref<16000xi32, #tpu.memory_space<vmem>> -> memref<8000xi32, #tpu.memory_space<vmem>>
    %dma_wait3A_260 = tpu.memref_slice %arg2[%multiple_of3A_202] : memref<160000xi32, #tpu.memory_space<hbm>> -> memref<8000xi32, #tpu.memory_space<hbm>>
    %dma_wait3A_261 = arith.constant 0 : i32
    %dma_wait3A_262 = tpu.memref_slice %arg10[%dma_wait3A_261] : memref<16000xi32, #tpu.memory_space<vmem>> -> memref<8000xi32, #tpu.memory_space<vmem>>
    %dma_wait3A_263 = tpu.memref_slice %arg2[%multiple_of3A_202] : memref<160000xi32, #tpu.memory_space<hbm>> -> memref<8000xi32, #tpu.memory_space<hbm>>
    tpu.wait_dma2 semaphore(%arg18 : memref<!tpu.dma_semaphore, #tpu.memory_space<semaphore_mem>>) src(%dma_wait3A_263 : memref<8000xi32, #tpu.memory_space<hbm>>) dst(%dma_wait3A_262 : memref<8000xi32, #tpu.memory_space<vmem>>)
    %scan3A_264 = arith.constant 0 : i32
    %scan3A_265 = arith.constant 0 : i32
    %scan3A_266 = arith.constant 62 : i32
    %scan3A_267 = arith.addi %scan3A_265, %scan3A_266 : i32
    %scan3A_268 = arith.constant 1 : i32
    scf.for %scan3A_676 = %scan3A_265 to %scan3A_267 step %scan3A_268  : i32 {
      %mul3A_677 = arith.constant 128 : i32
      %mul3A_678 = arith.muli %scan3A_676, %mul3A_677 : i32
      %add3A_679 = arith.constant 0 : i32
      %add3A_680 = arith.addi %add3A_679, %mul3A_678 : i32
      %add3A_681 = arith.constant 0 : i32
      %add3A_682 = arith.addi %add3A_680, %add3A_681 : i32
      %get3A_683 = arith.index_cast %add3A_682 : i32 to index
      %get3A_684 = tpu.vector_load %arg10[%get3A_683] {strides = array<i32>} : memref<16000xi32, #tpu.memory_space<vmem>>, vector<16xi32>,
      %add3A_685 = arith.constant 16 : i32
      %add3A_686 = arith.addi %add3A_680, %add3A_685 : i32
      %get3A_687 = arith.index_cast %add3A_686 : i32 to index
      %get3A_688 = tpu.vector_load %arg10[%get3A_687] {strides = array<i32>} : memref<16000xi32, #tpu.memory_space<vmem>>, vector<16xi32>,
      %add3A_689 = arith.constant 32 : i32
      %add3A_690 = arith.addi %add3A_680, %add3A_689 : i32
      %get3A_691 = arith.index_cast %add3A_690 : i32 to index
      %get3A_692 = tpu.vector_load %arg10[%get3A_691] {strides = array<i32>} : memref<16000xi32, #tpu.memory_space<vmem>>, vector<16xi32>,
      %add3A_693 = arith.constant 48 : i32
      %add3A_694 = arith.addi %add3A_680, %add3A_693 : i32
      %get3A_695 = arith.index_cast %add3A_694 : i32 to index
      %get3A_696 = tpu.vector_load %arg10[%get3A_695] {strides = array<i32>} : memref<16000xi32, #tpu.memory_space<vmem>>, vector<16xi32>,
      %add3A_697 = arith.constant 64 : i32
      %add3A_698 = arith.addi %add3A_680, %add3A_697 : i32
      %get3A_699 = arith.index_cast %add3A_698 : i32 to index
      %get3A_700 = tpu.vector_load %arg10[%get3A_699] {strides = array<i32>} : memref<16000xi32, #tpu.memory_space<vmem>>, vector<16xi32>,
      %add3A_701 = arith.constant 80 : i32
      %add3A_702 = arith.addi %add3A_680, %add3A_701 : i32
      %get3A_703 = arith.index_cast %add3A_702 : i32 to index
      %get3A_704 = tpu.vector_load %arg10[%get3A_703] {strides = array<i32>} : memref<16000xi32, #tpu.memory_space<vmem>>, vector<16xi32>,
      %add3A_705 = arith.constant 96 : i32
      %add3A_706 = arith.addi %add3A_680, %add3A_705 : i32
      %get3A_707 = arith.index_cast %add3A_706 : i32 to index
      %get3A_708 = tpu.vector_load %arg10[%get3A_707] {strides = array<i32>} : memref<16000xi32, #tpu.memory_space<vmem>>, vector<16xi32>,
      %add3A_709 = arith.constant 112 : i32
      %add3A_710 = arith.addi %add3A_680, %add3A_709 : i32
      %get3A_711 = arith.index_cast %add3A_710 : i32 to index
      %get3A_712 = tpu.vector_load %arg10[%get3A_711] {strides = array<i32>} : memref<16000xi32, #tpu.memory_space<vmem>>, vector<16xi32>,
      %shift_right_logical3A_713 = arith.constant 14 : i32
      %shift_right_logical3A_714 = vector.broadcast %shift_right_logical3A_713 : i32 to vector<16xi32>
      %shift_right_logical3A_715 = arith.shrui %get3A_684, %shift_right_logical3A_714 : vector<16xi32>
      %shift_right_logical3A_716 = arith.constant 14 : i32
      %shift_right_logical3A_717 = vector.broadcast %shift_right_logical3A_716 : i32 to vector<16xi32>
      %shift_right_logical3A_718 = arith.shrui %get3A_688, %shift_right_logical3A_717 : vector<16xi32>
      %shift_right_logical3A_719 = arith.constant 14 : i32
      %shift_right_logical3A_720 = vector.broadcast %shift_right_logical3A_719 : i32 to vector<16xi32>
      %shift_right_logical3A_721 = arith.shrui %get3A_692, %shift_right_logical3A_720 : vector<16xi32>
      %shift_right_logical3A_722 = arith.constant 14 : i32
      %shift_right_logical3A_723 = vector.broadcast %shift_right_logical3A_722 : i32 to vector<16xi32>
      %shift_right_logical3A_724 = arith.shrui %get3A_696, %shift_right_logical3A_723 : vector<16xi32>
      %shift_right_logical3A_725 = arith.constant 14 : i32
      %shift_right_logical3A_726 = vector.broadcast %shift_right_logical3A_725 : i32 to vector<16xi32>
      %shift_right_logical3A_727 = arith.shrui %get3A_700, %shift_right_logical3A_726 : vector<16xi32>
      %shift_right_logical3A_728 = arith.constant 14 : i32
      %shift_right_logical3A_729 = vector.broadcast %shift_right_logical3A_728 : i32 to vector<16xi32>
      %shift_right_logical3A_730 = arith.shrui %get3A_704, %shift_right_logical3A_729 : vector<16xi32>
      %shift_right_logical3A_731 = arith.constant 14 : i32
      %shift_right_logical3A_732 = vector.broadcast %shift_right_logical3A_731 : i32 to vector<16xi32>
      %shift_right_logical3A_733 = arith.shrui %get3A_708, %shift_right_logical3A_732 : vector<16xi32>
      %shift_right_logical3A_734 = arith.constant 14 : i32
      %shift_right_logical3A_735 = vector.broadcast %shift_right_logical3A_734 : i32 to vector<16xi32>
      %shift_right_logical3A_736 = arith.shrui %get3A_712, %shift_right_logical3A_735 : vector<16xi32>
      %and3A_737 = arith.andi %get3A_684, %broadcast_in_dim3A_37 : vector<16xi32>
      %and3A_738 = arith.andi %get3A_688, %broadcast_in_dim3A_37 : vector<16xi32>
      %and3A_739 = arith.andi %get3A_692, %broadcast_in_dim3A_37 : vector<16xi32>
      %and3A_740 = arith.andi %get3A_696, %broadcast_in_dim3A_37 : vector<16xi32>
      %and3A_741 = arith.andi %get3A_700, %broadcast_in_dim3A_37 : vector<16xi32>
      %and3A_742 = arith.andi %get3A_704, %broadcast_in_dim3A_37 : vector<16xi32>
      %and3A_743 = arith.andi %get3A_708, %broadcast_in_dim3A_37 : vector<16xi32>
      %and3A_744 = arith.andi %get3A_712, %broadcast_in_dim3A_37 : vector<16xi32>
      %gather3A_745 = tpu.vector_load_idx %arg7[%shift_right_logical3A_715] : memref<10240xf32, #tpu.memory_space<vmem>>[vector<16xi32>], vector<16xf32>,
      %gather3A_746 = tpu.vector_load_idx %arg7[%shift_right_logical3A_718] : memref<10240xf32, #tpu.memory_space<vmem>>[vector<16xi32>], vector<16xf32>,
      %gather3A_747 = tpu.vector_load_idx %arg7[%shift_right_logical3A_721] : memref<10240xf32, #tpu.memory_space<vmem>>[vector<16xi32>], vector<16xf32>,
      %gather3A_748 = tpu.vector_load_idx %arg7[%shift_right_logical3A_724] : memref<10240xf32, #tpu.memory_space<vmem>>[vector<16xi32>], vector<16xf32>,
      %gather3A_749 = tpu.vector_load_idx %arg7[%shift_right_logical3A_727] : memref<10240xf32, #tpu.memory_space<vmem>>[vector<16xi32>], vector<16xf32>,
      %gather3A_750 = tpu.vector_load_idx %arg7[%shift_right_logical3A_730] : memref<10240xf32, #tpu.memory_space<vmem>>[vector<16xi32>], vector<16xf32>,
      %gather3A_751 = tpu.vector_load_idx %arg7[%shift_right_logical3A_733] : memref<10240xf32, #tpu.memory_space<vmem>>[vector<16xi32>], vector<16xf32>,
      %gather3A_752 = tpu.vector_load_idx %arg7[%shift_right_logical3A_736] : memref<10240xf32, #tpu.memory_space<vmem>>[vector<16xi32>], vector<16xf32>,
      tpu.vector_store_idx %arg8[%and3A_737], %gather3A_745 {add = true} : memref<10240xf32, #tpu.memory_space<vmem>>[vector<16xi32>], vector<16xf32>,
      tpu.vector_store_idx %arg8[%and3A_738], %gather3A_746 {add = true} : memref<10240xf32, #tpu.memory_space<vmem>>[vector<16xi32>], vector<16xf32>,
      tpu.vector_store_idx %arg8[%and3A_739], %gather3A_747 {add = true} : memref<10240xf32, #tpu.memory_space<vmem>>[vector<16xi32>], vector<16xf32>,
      tpu.vector_store_idx %arg8[%and3A_740], %gather3A_748 {add = true} : memref<10240xf32, #tpu.memory_space<vmem>>[vector<16xi32>], vector<16xf32>,
      tpu.vector_store_idx %arg8[%and3A_741], %gather3A_749 {add = true} : memref<10240xf32, #tpu.memory_space<vmem>>[vector<16xi32>], vector<16xf32>,
      tpu.vector_store_idx %arg8[%and3A_742], %gather3A_750 {add = true} : memref<10240xf32, #tpu.memory_space<vmem>>[vector<16xi32>], vector<16xf32>,
      tpu.vector_store_idx %arg8[%and3A_743], %gather3A_751 {add = true} : memref<10240xf32, #tpu.memory_space<vmem>>[vector<16xi32>], vector<16xf32>,
      tpu.vector_store_idx %arg8[%and3A_744], %gather3A_752 {add = true} : memref<10240xf32, #tpu.memory_space<vmem>>[vector<16xi32>], vector<16xf32>,
    }
    %scan3A_269 = arith.constant 62 : i32
    %get3A_270 = arith.constant 7936 : index
    %get3A_271 = tpu.vector_load %arg10[%get3A_270] {strides = array<i32>} : memref<16000xi32, #tpu.memory_space<vmem>>, vector<16xi32>,
    %get3A_272 = arith.constant 7952 : index
    %get3A_273 = tpu.vector_load %arg10[%get3A_272] {strides = array<i32>} : memref<16000xi32, #tpu.memory_space<vmem>>, vector<16xi32>,
    %get3A_274 = arith.constant 7968 : index
    %get3A_275 = tpu.vector_load %arg10[%get3A_274] {strides = array<i32>} : memref<16000xi32, #tpu.memory_space<vmem>>, vector<16xi32>,
    %get3A_276 = arith.constant 7984 : index
    %get3A_277 = tpu.vector_load %arg10[%get3A_276] {strides = array<i32>} : memref<16000xi32, #tpu.memory_space<vmem>>, vector<16xi32>,
    %shift_right_logical3A_278 = arith.constant 14 : i32
    %shift_right_logical3A_279 = vector.broadcast %shift_right_logical3A_278 : i32 to vector<16xi32>
    %shift_right_logical3A_280 = arith.shrui %get3A_271, %shift_right_logical3A_279 : vector<16xi32>
    %shift_right_logical3A_281 = arith.constant 14 : i32
    %shift_right_logical3A_282 = vector.broadcast %shift_right_logical3A_281 : i32 to vector<16xi32>
    %shift_right_logical3A_283 = arith.shrui %get3A_273, %shift_right_logical3A_282 : vector<16xi32>
    %shift_right_logical3A_284 = arith.constant 14 : i32
    %shift_right_logical3A_285 = vector.broadcast %shift_right_logical3A_284 : i32 to vector<16xi32>
    %shift_right_logical3A_286 = arith.shrui %get3A_275, %shift_right_logical3A_285 : vector<16xi32>
    %shift_right_logical3A_287 = arith.constant 14 : i32
    %shift_right_logical3A_288 = vector.broadcast %shift_right_logical3A_287 : i32 to vector<16xi32>
    %shift_right_logical3A_289 = arith.shrui %get3A_277, %shift_right_logical3A_288 : vector<16xi32>
    %and3A_290 = arith.andi %get3A_271, %broadcast_in_dim3A_37 : vector<16xi32>
    %and3A_291 = arith.andi %get3A_273, %broadcast_in_dim3A_37 : vector<16xi32>
    %and3A_292 = arith.andi %get3A_275, %broadcast_in_dim3A_37 : vector<16xi32>
    %and3A_293 = arith.andi %get3A_277, %broadcast_in_dim3A_37 : vector<16xi32>
    %gather3A_294 = tpu.vector_load_idx %arg7[%shift_right_logical3A_280] : memref<10240xf32, #tpu.memory_space<vmem>>[vector<16xi32>], vector<16xf32>,
    %gather3A_295 = tpu.vector_load_idx %arg7[%shift_right_logical3A_283] : memref<10240xf32, #tpu.memory_space<vmem>>[vector<16xi32>], vector<16xf32>,
    %gather3A_296 = tpu.vector_load_idx %arg7[%shift_right_logical3A_286] : memref<10240xf32, #tpu.memory_space<vmem>>[vector<16xi32>], vector<16xf32>,
    %gather3A_297 = tpu.vector_load_idx %arg7[%shift_right_logical3A_289] : memref<10240xf32, #tpu.memory_space<vmem>>[vector<16xi32>], vector<16xf32>,
    tpu.vector_store_idx %arg8[%and3A_290], %gather3A_294 {add = true} : memref<10240xf32, #tpu.memory_space<vmem>>[vector<16xi32>], vector<16xf32>,
    tpu.vector_store_idx %arg8[%and3A_291], %gather3A_295 {add = true} : memref<10240xf32, #tpu.memory_space<vmem>>[vector<16xi32>], vector<16xf32>,
    tpu.vector_store_idx %arg8[%and3A_292], %gather3A_296 {add = true} : memref<10240xf32, #tpu.memory_space<vmem>>[vector<16xi32>], vector<16xf32>,
    tpu.vector_store_idx %arg8[%and3A_293], %gather3A_297 {add = true} : memref<10240xf32, #tpu.memory_space<vmem>>[vector<16xi32>], vector<16xf32>,
    %add3A_298 = arith.constant 32000 : i32
    %add3A_299 = arith.addi %multiple_of3A_137, %add3A_298 : i32
    %multiple_of3A_300 = tpu.assume_multiple %add3A_299, 8 : i32
    %dma_start3A_301 = arith.constant 0 : i32
    %dma_start3A_302 = tpu.memref_slice %arg10[%dma_start3A_301] : memref<16000xi32, #tpu.memory_space<vmem>> -> memref<8000xi32, #tpu.memory_space<vmem>>
    %dma_start3A_303 = tpu.memref_slice %arg2[%multiple_of3A_300] : memref<160000xi32, #tpu.memory_space<hbm>> -> memref<8000xi32, #tpu.memory_space<hbm>>
    %dma_start3A_304 = arith.constant 0 : i32
    %dma_start3A_305 = tpu.memref_slice %arg10[%dma_start3A_304] : memref<16000xi32, #tpu.memory_space<vmem>> -> memref<8000xi32, #tpu.memory_space<vmem>>
    %dma_start3A_306 = tpu.memref_slice %arg2[%multiple_of3A_300] : memref<160000xi32, #tpu.memory_space<hbm>> -> memref<8000xi32, #tpu.memory_space<hbm>>
    tpu.enqueue_dma source(%dma_start3A_306 : memref<8000xi32, #tpu.memory_space<hbm>>) target(%dma_start3A_305 : memref<8000xi32, #tpu.memory_space<vmem>>) target_semaphore(%arg18 : memref<!tpu.dma_semaphore, #tpu.memory_space<semaphore_mem>>)
    %dma_wait3A_307 = arith.constant 8000 : i32
    %dma_wait3A_308 = tpu.memref_slice %arg10[%dma_wait3A_307] : memref<16000xi32, #tpu.memory_space<vmem>> -> memref<8000xi32, #tpu.memory_space<vmem>>
    %dma_wait3A_309 = tpu.memref_slice %arg2[%multiple_of3A_251] : memref<160000xi32, #tpu.memory_space<hbm>> -> memref<8000xi32, #tpu.memory_space<hbm>>
    %dma_wait3A_310 = arith.constant 8000 : i32
    %dma_wait3A_311 = tpu.memref_slice %arg10[%dma_wait3A_310] : memref<16000xi32, #tpu.memory_space<vmem>> -> memref<8000xi32, #tpu.memory_space<vmem>>
    %dma_wait3A_312 = tpu.memref_slice %arg2[%multiple_of3A_251] : memref<160000xi32, #tpu.memory_space<hbm>> -> memref<8000xi32, #tpu.memory_space<hbm>>
    tpu.wait_dma2 semaphore(%arg19 : memref<!tpu.dma_semaphore, #tpu.memory_space<semaphore_mem>>) src(%dma_wait3A_312 : memref<8000xi32, #tpu.memory_space<hbm>>) dst(%dma_wait3A_311 : memref<8000xi32, #tpu.memory_space<vmem>>)
    %scan3A_313 = arith.constant 0 : i32
    %scan3A_314 = arith.constant 0 : i32
    %scan3A_315 = arith.constant 62 : i32
    %scan3A_316 = arith.addi %scan3A_314, %scan3A_315 : i32
    %scan3A_317 = arith.constant 1 : i32
    scf.for %scan3A_676 = %scan3A_314 to %scan3A_316 step %scan3A_317  : i32 {
      %mul3A_677 = arith.constant 128 : i32
      %mul3A_678 = arith.muli %scan3A_676, %mul3A_677 : i32
      %add3A_679 = arith.constant 8000 : i32
      %add3A_680 = arith.addi %add3A_679, %mul3A_678 : i32
      %add3A_681 = arith.constant 0 : i32
      %add3A_682 = arith.addi %add3A_680, %add3A_681 : i32
      %get3A_683 = arith.index_cast %add3A_682 : i32 to index
      %get3A_684 = tpu.vector_load %arg10[%get3A_683] {strides = array<i32>} : memref<16000xi32, #tpu.memory_space<vmem>>, vector<16xi32>,
      %add3A_685 = arith.constant 16 : i32
      %add3A_686 = arith.addi %add3A_680, %add3A_685 : i32
      %get3A_687 = arith.index_cast %add3A_686 : i32 to index
      %get3A_688 = tpu.vector_load %arg10[%get3A_687] {strides = array<i32>} : memref<16000xi32, #tpu.memory_space<vmem>>, vector<16xi32>,
      %add3A_689 = arith.constant 32 : i32
      %add3A_690 = arith.addi %add3A_680, %add3A_689 : i32
      %get3A_691 = arith.index_cast %add3A_690 : i32 to index
      %get3A_692 = tpu.vector_load %arg10[%get3A_691] {strides = array<i32>} : memref<16000xi32, #tpu.memory_space<vmem>>, vector<16xi32>,
      %add3A_693 = arith.constant 48 : i32
      %add3A_694 = arith.addi %add3A_680, %add3A_693 : i32
      %get3A_695 = arith.index_cast %add3A_694 : i32 to index
      %get3A_696 = tpu.vector_load %arg10[%get3A_695] {strides = array<i32>} : memref<16000xi32, #tpu.memory_space<vmem>>, vector<16xi32>,
      %add3A_697 = arith.constant 64 : i32
      %add3A_698 = arith.addi %add3A_680, %add3A_697 : i32
      %get3A_699 = arith.index_cast %add3A_698 : i32 to index
      %get3A_700 = tpu.vector_load %arg10[%get3A_699] {strides = array<i32>} : memref<16000xi32, #tpu.memory_space<vmem>>, vector<16xi32>,
      %add3A_701 = arith.constant 80 : i32
      %add3A_702 = arith.addi %add3A_680, %add3A_701 : i32
      %get3A_703 = arith.index_cast %add3A_702 : i32 to index
      %get3A_704 = tpu.vector_load %arg10[%get3A_703] {strides = array<i32>} : memref<16000xi32, #tpu.memory_space<vmem>>, vector<16xi32>,
      %add3A_705 = arith.constant 96 : i32
      %add3A_706 = arith.addi %add3A_680, %add3A_705 : i32
      %get3A_707 = arith.index_cast %add3A_706 : i32 to index
      %get3A_708 = tpu.vector_load %arg10[%get3A_707] {strides = array<i32>} : memref<16000xi32, #tpu.memory_space<vmem>>, vector<16xi32>,
      %add3A_709 = arith.constant 112 : i32
      %add3A_710 = arith.addi %add3A_680, %add3A_709 : i32
      %get3A_711 = arith.index_cast %add3A_710 : i32 to index
      %get3A_712 = tpu.vector_load %arg10[%get3A_711] {strides = array<i32>} : memref<16000xi32, #tpu.memory_space<vmem>>, vector<16xi32>,
      %shift_right_logical3A_713 = arith.constant 14 : i32
      %shift_right_logical3A_714 = vector.broadcast %shift_right_logical3A_713 : i32 to vector<16xi32>
      %shift_right_logical3A_715 = arith.shrui %get3A_684, %shift_right_logical3A_714 : vector<16xi32>
      %shift_right_logical3A_716 = arith.constant 14 : i32
      %shift_right_logical3A_717 = vector.broadcast %shift_right_logical3A_716 : i32 to vector<16xi32>
      %shift_right_logical3A_718 = arith.shrui %get3A_688, %shift_right_logical3A_717 : vector<16xi32>
      %shift_right_logical3A_719 = arith.constant 14 : i32
      %shift_right_logical3A_720 = vector.broadcast %shift_right_logical3A_719 : i32 to vector<16xi32>
      %shift_right_logical3A_721 = arith.shrui %get3A_692, %shift_right_logical3A_720 : vector<16xi32>
      %shift_right_logical3A_722 = arith.constant 14 : i32
      %shift_right_logical3A_723 = vector.broadcast %shift_right_logical3A_722 : i32 to vector<16xi32>
      %shift_right_logical3A_724 = arith.shrui %get3A_696, %shift_right_logical3A_723 : vector<16xi32>
      %shift_right_logical3A_725 = arith.constant 14 : i32
      %shift_right_logical3A_726 = vector.broadcast %shift_right_logical3A_725 : i32 to vector<16xi32>
      %shift_right_logical3A_727 = arith.shrui %get3A_700, %shift_right_logical3A_726 : vector<16xi32>
      %shift_right_logical3A_728 = arith.constant 14 : i32
      %shift_right_logical3A_729 = vector.broadcast %shift_right_logical3A_728 : i32 to vector<16xi32>
      %shift_right_logical3A_730 = arith.shrui %get3A_704, %shift_right_logical3A_729 : vector<16xi32>
      %shift_right_logical3A_731 = arith.constant 14 : i32
      %shift_right_logical3A_732 = vector.broadcast %shift_right_logical3A_731 : i32 to vector<16xi32>
      %shift_right_logical3A_733 = arith.shrui %get3A_708, %shift_right_logical3A_732 : vector<16xi32>
      %shift_right_logical3A_734 = arith.constant 14 : i32
      %shift_right_logical3A_735 = vector.broadcast %shift_right_logical3A_734 : i32 to vector<16xi32>
      %shift_right_logical3A_736 = arith.shrui %get3A_712, %shift_right_logical3A_735 : vector<16xi32>
      %and3A_737 = arith.andi %get3A_684, %broadcast_in_dim3A_37 : vector<16xi32>
      %and3A_738 = arith.andi %get3A_688, %broadcast_in_dim3A_37 : vector<16xi32>
      %and3A_739 = arith.andi %get3A_692, %broadcast_in_dim3A_37 : vector<16xi32>
      %and3A_740 = arith.andi %get3A_696, %broadcast_in_dim3A_37 : vector<16xi32>
      %and3A_741 = arith.andi %get3A_700, %broadcast_in_dim3A_37 : vector<16xi32>
      %and3A_742 = arith.andi %get3A_704, %broadcast_in_dim3A_37 : vector<16xi32>
      %and3A_743 = arith.andi %get3A_708, %broadcast_in_dim3A_37 : vector<16xi32>
      %and3A_744 = arith.andi %get3A_712, %broadcast_in_dim3A_37 : vector<16xi32>
      %gather3A_745 = tpu.vector_load_idx %arg7[%shift_right_logical3A_715] : memref<10240xf32, #tpu.memory_space<vmem>>[vector<16xi32>], vector<16xf32>,
      %gather3A_746 = tpu.vector_load_idx %arg7[%shift_right_logical3A_718] : memref<10240xf32, #tpu.memory_space<vmem>>[vector<16xi32>], vector<16xf32>,
      %gather3A_747 = tpu.vector_load_idx %arg7[%shift_right_logical3A_721] : memref<10240xf32, #tpu.memory_space<vmem>>[vector<16xi32>], vector<16xf32>,
      %gather3A_748 = tpu.vector_load_idx %arg7[%shift_right_logical3A_724] : memref<10240xf32, #tpu.memory_space<vmem>>[vector<16xi32>], vector<16xf32>,
      %gather3A_749 = tpu.vector_load_idx %arg7[%shift_right_logical3A_727] : memref<10240xf32, #tpu.memory_space<vmem>>[vector<16xi32>], vector<16xf32>,
      %gather3A_750 = tpu.vector_load_idx %arg7[%shift_right_logical3A_730] : memref<10240xf32, #tpu.memory_space<vmem>>[vector<16xi32>], vector<16xf32>,
      %gather3A_751 = tpu.vector_load_idx %arg7[%shift_right_logical3A_733] : memref<10240xf32, #tpu.memory_space<vmem>>[vector<16xi32>], vector<16xf32>,
      %gather3A_752 = tpu.vector_load_idx %arg7[%shift_right_logical3A_736] : memref<10240xf32, #tpu.memory_space<vmem>>[vector<16xi32>], vector<16xf32>,
      tpu.vector_store_idx %arg8[%and3A_737], %gather3A_745 {add = true} : memref<10240xf32, #tpu.memory_space<vmem>>[vector<16xi32>], vector<16xf32>,
      tpu.vector_store_idx %arg8[%and3A_738], %gather3A_746 {add = true} : memref<10240xf32, #tpu.memory_space<vmem>>[vector<16xi32>], vector<16xf32>,
      tpu.vector_store_idx %arg8[%and3A_739], %gather3A_747 {add = true} : memref<10240xf32, #tpu.memory_space<vmem>>[vector<16xi32>], vector<16xf32>,
      tpu.vector_store_idx %arg8[%and3A_740], %gather3A_748 {add = true} : memref<10240xf32, #tpu.memory_space<vmem>>[vector<16xi32>], vector<16xf32>,
      tpu.vector_store_idx %arg8[%and3A_741], %gather3A_749 {add = true} : memref<10240xf32, #tpu.memory_space<vmem>>[vector<16xi32>], vector<16xf32>,
      tpu.vector_store_idx %arg8[%and3A_742], %gather3A_750 {add = true} : memref<10240xf32, #tpu.memory_space<vmem>>[vector<16xi32>], vector<16xf32>,
      tpu.vector_store_idx %arg8[%and3A_743], %gather3A_751 {add = true} : memref<10240xf32, #tpu.memory_space<vmem>>[vector<16xi32>], vector<16xf32>,
      tpu.vector_store_idx %arg8[%and3A_744], %gather3A_752 {add = true} : memref<10240xf32, #tpu.memory_space<vmem>>[vector<16xi32>], vector<16xf32>,
    }
    %scan3A_318 = arith.constant 62 : i32
    %get3A_319 = arith.constant 15936 : index
    %get3A_320 = tpu.vector_load %arg10[%get3A_319] {strides = array<i32>} : memref<16000xi32, #tpu.memory_space<vmem>>, vector<16xi32>,
    %get3A_321 = arith.constant 15952 : index
    %get3A_322 = tpu.vector_load %arg10[%get3A_321] {strides = array<i32>} : memref<16000xi32, #tpu.memory_space<vmem>>, vector<16xi32>,
    %get3A_323 = arith.constant 15968 : index
    %get3A_324 = tpu.vector_load %arg10[%get3A_323] {strides = array<i32>} : memref<16000xi32, #tpu.memory_space<vmem>>, vector<16xi32>,
    %get3A_325 = arith.constant 15984 : index
    %get3A_326 = tpu.vector_load %arg10[%get3A_325] {strides = array<i32>} : memref<16000xi32, #tpu.memory_space<vmem>>, vector<16xi32>,
    %shift_right_logical3A_327 = arith.constant 14 : i32
    %shift_right_logical3A_328 = vector.broadcast %shift_right_logical3A_327 : i32 to vector<16xi32>
    %shift_right_logical3A_329 = arith.shrui %get3A_320, %shift_right_logical3A_328 : vector<16xi32>
    %shift_right_logical3A_330 = arith.constant 14 : i32
    %shift_right_logical3A_331 = vector.broadcast %shift_right_logical3A_330 : i32 to vector<16xi32>
    %shift_right_logical3A_332 = arith.shrui %get3A_322, %shift_right_logical3A_331 : vector<16xi32>
    %shift_right_logical3A_333 = arith.constant 14 : i32
    %shift_right_logical3A_334 = vector.broadcast %shift_right_logical3A_333 : i32 to vector<16xi32>
    %shift_right_logical3A_335 = arith.shrui %get3A_324, %shift_right_logical3A_334 : vector<16xi32>
    %shift_right_logical3A_336 = arith.constant 14 : i32
    %shift_right_logical3A_337 = vector.broadcast %shift_right_logical3A_336 : i32 to vector<16xi32>
    %shift_right_logical3A_338 = arith.shrui %get3A_326, %shift_right_logical3A_337 : vector<16xi32>
    %and3A_339 = arith.andi %get3A_320, %broadcast_in_dim3A_37 : vector<16xi32>
    %and3A_340 = arith.andi %get3A_322, %broadcast_in_dim3A_37 : vector<16xi32>
    %and3A_341 = arith.andi %get3A_324, %broadcast_in_dim3A_37 : vector<16xi32>
    %and3A_342 = arith.andi %get3A_326, %broadcast_in_dim3A_37 : vector<16xi32>
    %gather3A_343 = tpu.vector_load_idx %arg7[%shift_right_logical3A_329] : memref<10240xf32, #tpu.memory_space<vmem>>[vector<16xi32>], vector<16xf32>,
    %gather3A_344 = tpu.vector_load_idx %arg7[%shift_right_logical3A_332] : memref<10240xf32, #tpu.memory_space<vmem>>[vector<16xi32>], vector<16xf32>,
    %gather3A_345 = tpu.vector_load_idx %arg7[%shift_right_logical3A_335] : memref<10240xf32, #tpu.memory_space<vmem>>[vector<16xi32>], vector<16xf32>,
    %gather3A_346 = tpu.vector_load_idx %arg7[%shift_right_logical3A_338] : memref<10240xf32, #tpu.memory_space<vmem>>[vector<16xi32>], vector<16xf32>,
    tpu.vector_store_idx %arg8[%and3A_339], %gather3A_343 {add = true} : memref<10240xf32, #tpu.memory_space<vmem>>[vector<16xi32>], vector<16xf32>,
    tpu.vector_store_idx %arg8[%and3A_340], %gather3A_344 {add = true} : memref<10240xf32, #tpu.memory_space<vmem>>[vector<16xi32>], vector<16xf32>,
    tpu.vector_store_idx %arg8[%and3A_341], %gather3A_345 {add = true} : memref<10240xf32, #tpu.memory_space<vmem>>[vector<16xi32>], vector<16xf32>,
    tpu.vector_store_idx %arg8[%and3A_342], %gather3A_346 {add = true} : memref<10240xf32, #tpu.memory_space<vmem>>[vector<16xi32>], vector<16xf32>,
    %dma_wait3A_347 = arith.constant 0 : i32
    %dma_wait3A_348 = tpu.memref_slice %arg10[%dma_wait3A_347] : memref<16000xi32, #tpu.memory_space<vmem>> -> memref<8000xi32, #tpu.memory_space<vmem>>
    %dma_wait3A_349 = tpu.memref_slice %arg2[%multiple_of3A_300] : memref<160000xi32, #tpu.memory_space<hbm>> -> memref<8000xi32, #tpu.memory_space<hbm>>
    %dma_wait3A_350 = arith.constant 0 : i32
    %dma_wait3A_351 = tpu.memref_slice %arg10[%dma_wait3A_350] : memref<16000xi32, #tpu.memory_space<vmem>> -> memref<8000xi32, #tpu.memory_space<vmem>>
    %dma_wait3A_352 = tpu.memref_slice %arg2[%multiple_of3A_300] : memref<160000xi32, #tpu.memory_space<hbm>> -> memref<8000xi32, #tpu.memory_space<hbm>>
    tpu.wait_dma2 semaphore(%arg18 : memref<!tpu.dma_semaphore, #tpu.memory_space<semaphore_mem>>) src(%dma_wait3A_352 : memref<8000xi32, #tpu.memory_space<hbm>>) dst(%dma_wait3A_351 : memref<8000xi32, #tpu.memory_space<vmem>>)
    %scan3A_353 = arith.constant 0 : i32
    %scan3A_354 = arith.constant 0 : i32
    %scan3A_355 = arith.constant 62 : i32
    %scan3A_356 = arith.addi %scan3A_354, %scan3A_355 : i32
    %scan3A_357 = arith.constant 1 : i32
    scf.for %scan3A_676 = %scan3A_354 to %scan3A_356 step %scan3A_357  : i32 {
      %mul3A_677 = arith.constant 128 : i32
      %mul3A_678 = arith.muli %scan3A_676, %mul3A_677 : i32
      %add3A_679 = arith.constant 0 : i32
      %add3A_680 = arith.addi %add3A_679, %mul3A_678 : i32
      %add3A_681 = arith.constant 0 : i32
      %add3A_682 = arith.addi %add3A_680, %add3A_681 : i32
      %get3A_683 = arith.index_cast %add3A_682 : i32 to index
      %get3A_684 = tpu.vector_load %arg10[%get3A_683] {strides = array<i32>} : memref<16000xi32, #tpu.memory_space<vmem>>, vector<16xi32>,
      %add3A_685 = arith.constant 16 : i32
      %add3A_686 = arith.addi %add3A_680, %add3A_685 : i32
      %get3A_687 = arith.index_cast %add3A_686 : i32 to index
      %get3A_688 = tpu.vector_load %arg10[%get3A_687] {strides = array<i32>} : memref<16000xi32, #tpu.memory_space<vmem>>, vector<16xi32>,
      %add3A_689 = arith.constant 32 : i32
      %add3A_690 = arith.addi %add3A_680, %add3A_689 : i32
      %get3A_691 = arith.index_cast %add3A_690 : i32 to index
      %get3A_692 = tpu.vector_load %arg10[%get3A_691] {strides = array<i32>} : memref<16000xi32, #tpu.memory_space<vmem>>, vector<16xi32>,
      %add3A_693 = arith.constant 48 : i32
      %add3A_694 = arith.addi %add3A_680, %add3A_693 : i32
      %get3A_695 = arith.index_cast %add3A_694 : i32 to index
      %get3A_696 = tpu.vector_load %arg10[%get3A_695] {strides = array<i32>} : memref<16000xi32, #tpu.memory_space<vmem>>, vector<16xi32>,
      %add3A_697 = arith.constant 64 : i32
      %add3A_698 = arith.addi %add3A_680, %add3A_697 : i32
      %get3A_699 = arith.index_cast %add3A_698 : i32 to index
      %get3A_700 = tpu.vector_load %arg10[%get3A_699] {strides = array<i32>} : memref<16000xi32, #tpu.memory_space<vmem>>, vector<16xi32>,
      %add3A_701 = arith.constant 80 : i32
      %add3A_702 = arith.addi %add3A_680, %add3A_701 : i32
      %get3A_703 = arith.index_cast %add3A_702 : i32 to index
      %get3A_704 = tpu.vector_load %arg10[%get3A_703] {strides = array<i32>} : memref<16000xi32, #tpu.memory_space<vmem>>, vector<16xi32>,
      %add3A_705 = arith.constant 96 : i32
      %add3A_706 = arith.addi %add3A_680, %add3A_705 : i32
      %get3A_707 = arith.index_cast %add3A_706 : i32 to index
      %get3A_708 = tpu.vector_load %arg10[%get3A_707] {strides = array<i32>} : memref<16000xi32, #tpu.memory_space<vmem>>, vector<16xi32>,
      %add3A_709 = arith.constant 112 : i32
      %add3A_710 = arith.addi %add3A_680, %add3A_709 : i32
      %get3A_711 = arith.index_cast %add3A_710 : i32 to index
      %get3A_712 = tpu.vector_load %arg10[%get3A_711] {strides = array<i32>} : memref<16000xi32, #tpu.memory_space<vmem>>, vector<16xi32>,
      %shift_right_logical3A_713 = arith.constant 14 : i32
      %shift_right_logical3A_714 = vector.broadcast %shift_right_logical3A_713 : i32 to vector<16xi32>
      %shift_right_logical3A_715 = arith.shrui %get3A_684, %shift_right_logical3A_714 : vector<16xi32>
      %shift_right_logical3A_716 = arith.constant 14 : i32
      %shift_right_logical3A_717 = vector.broadcast %shift_right_logical3A_716 : i32 to vector<16xi32>
      %shift_right_logical3A_718 = arith.shrui %get3A_688, %shift_right_logical3A_717 : vector<16xi32>
      %shift_right_logical3A_719 = arith.constant 14 : i32
      %shift_right_logical3A_720 = vector.broadcast %shift_right_logical3A_719 : i32 to vector<16xi32>
      %shift_right_logical3A_721 = arith.shrui %get3A_692, %shift_right_logical3A_720 : vector<16xi32>
      %shift_right_logical3A_722 = arith.constant 14 : i32
      %shift_right_logical3A_723 = vector.broadcast %shift_right_logical3A_722 : i32 to vector<16xi32>
      %shift_right_logical3A_724 = arith.shrui %get3A_696, %shift_right_logical3A_723 : vector<16xi32>
      %shift_right_logical3A_725 = arith.constant 14 : i32
      %shift_right_logical3A_726 = vector.broadcast %shift_right_logical3A_725 : i32 to vector<16xi32>
      %shift_right_logical3A_727 = arith.shrui %get3A_700, %shift_right_logical3A_726 : vector<16xi32>
      %shift_right_logical3A_728 = arith.constant 14 : i32
      %shift_right_logical3A_729 = vector.broadcast %shift_right_logical3A_728 : i32 to vector<16xi32>
      %shift_right_logical3A_730 = arith.shrui %get3A_704, %shift_right_logical3A_729 : vector<16xi32>
      %shift_right_logical3A_731 = arith.constant 14 : i32
      %shift_right_logical3A_732 = vector.broadcast %shift_right_logical3A_731 : i32 to vector<16xi32>
      %shift_right_logical3A_733 = arith.shrui %get3A_708, %shift_right_logical3A_732 : vector<16xi32>
      %shift_right_logical3A_734 = arith.constant 14 : i32
      %shift_right_logical3A_735 = vector.broadcast %shift_right_logical3A_734 : i32 to vector<16xi32>
      %shift_right_logical3A_736 = arith.shrui %get3A_712, %shift_right_logical3A_735 : vector<16xi32>
      %and3A_737 = arith.andi %get3A_684, %broadcast_in_dim3A_37 : vector<16xi32>
      %and3A_738 = arith.andi %get3A_688, %broadcast_in_dim3A_37 : vector<16xi32>
      %and3A_739 = arith.andi %get3A_692, %broadcast_in_dim3A_37 : vector<16xi32>
      %and3A_740 = arith.andi %get3A_696, %broadcast_in_dim3A_37 : vector<16xi32>
      %and3A_741 = arith.andi %get3A_700, %broadcast_in_dim3A_37 : vector<16xi32>
      %and3A_742 = arith.andi %get3A_704, %broadcast_in_dim3A_37 : vector<16xi32>
      %and3A_743 = arith.andi %get3A_708, %broadcast_in_dim3A_37 : vector<16xi32>
      %and3A_744 = arith.andi %get3A_712, %broadcast_in_dim3A_37 : vector<16xi32>
      %gather3A_745 = tpu.vector_load_idx %arg7[%shift_right_logical3A_715] : memref<10240xf32, #tpu.memory_space<vmem>>[vector<16xi32>], vector<16xf32>,
      %gather3A_746 = tpu.vector_load_idx %arg7[%shift_right_logical3A_718] : memref<10240xf32, #tpu.memory_space<vmem>>[vector<16xi32>], vector<16xf32>,
      %gather3A_747 = tpu.vector_load_idx %arg7[%shift_right_logical3A_721] : memref<10240xf32, #tpu.memory_space<vmem>>[vector<16xi32>], vector<16xf32>,
      %gather3A_748 = tpu.vector_load_idx %arg7[%shift_right_logical3A_724] : memref<10240xf32, #tpu.memory_space<vmem>>[vector<16xi32>], vector<16xf32>,
      %gather3A_749 = tpu.vector_load_idx %arg7[%shift_right_logical3A_727] : memref<10240xf32, #tpu.memory_space<vmem>>[vector<16xi32>], vector<16xf32>,
      %gather3A_750 = tpu.vector_load_idx %arg7[%shift_right_logical3A_730] : memref<10240xf32, #tpu.memory_space<vmem>>[vector<16xi32>], vector<16xf32>,
      %gather3A_751 = tpu.vector_load_idx %arg7[%shift_right_logical3A_733] : memref<10240xf32, #tpu.memory_space<vmem>>[vector<16xi32>], vector<16xf32>,
      %gather3A_752 = tpu.vector_load_idx %arg7[%shift_right_logical3A_736] : memref<10240xf32, #tpu.memory_space<vmem>>[vector<16xi32>], vector<16xf32>,
      tpu.vector_store_idx %arg8[%and3A_737], %gather3A_745 {add = true} : memref<10240xf32, #tpu.memory_space<vmem>>[vector<16xi32>], vector<16xf32>,
      tpu.vector_store_idx %arg8[%and3A_738], %gather3A_746 {add = true} : memref<10240xf32, #tpu.memory_space<vmem>>[vector<16xi32>], vector<16xf32>,
      tpu.vector_store_idx %arg8[%and3A_739], %gather3A_747 {add = true} : memref<10240xf32, #tpu.memory_space<vmem>>[vector<16xi32>], vector<16xf32>,
      tpu.vector_store_idx %arg8[%and3A_740], %gather3A_748 {add = true} : memref<10240xf32, #tpu.memory_space<vmem>>[vector<16xi32>], vector<16xf32>,
      tpu.vector_store_idx %arg8[%and3A_741], %gather3A_749 {add = true} : memref<10240xf32, #tpu.memory_space<vmem>>[vector<16xi32>], vector<16xf32>,
      tpu.vector_store_idx %arg8[%and3A_742], %gather3A_750 {add = true} : memref<10240xf32, #tpu.memory_space<vmem>>[vector<16xi32>], vector<16xf32>,
      tpu.vector_store_idx %arg8[%and3A_743], %gather3A_751 {add = true} : memref<10240xf32, #tpu.memory_space<vmem>>[vector<16xi32>], vector<16xf32>,
      tpu.vector_store_idx %arg8[%and3A_744], %gather3A_752 {add = true} : memref<10240xf32, #tpu.memory_space<vmem>>[vector<16xi32>], vector<16xf32>,
    }
    %scan3A_358 = arith.constant 62 : i32
    %get3A_359 = arith.constant 7936 : index
    %get3A_360 = tpu.vector_load %arg10[%get3A_359] {strides = array<i32>} : memref<16000xi32, #tpu.memory_space<vmem>>, vector<16xi32>,
    %get3A_361 = arith.constant 7952 : index
    %get3A_362 = tpu.vector_load %arg10[%get3A_361] {strides = array<i32>} : memref<16000xi32, #tpu.memory_space<vmem>>, vector<16xi32>,
    %get3A_363 = arith.constant 7968 : index
    %get3A_364 = tpu.vector_load %arg10[%get3A_363] {strides = array<i32>} : memref<16000xi32, #tpu.memory_space<vmem>>, vector<16xi32>,
    %get3A_365 = arith.constant 7984 : index
    %get3A_366 = tpu.vector_load %arg10[%get3A_365] {strides = array<i32>} : memref<16000xi32, #tpu.memory_space<vmem>>, vector<16xi32>,
    %shift_right_logical3A_367 = arith.constant 14 : i32
    %shift_right_logical3A_368 = vector.broadcast %shift_right_logical3A_367 : i32 to vector<16xi32>
    %shift_right_logical3A_369 = arith.shrui %get3A_360, %shift_right_logical3A_368 : vector<16xi32>
    %shift_right_logical3A_370 = arith.constant 14 : i32
    %shift_right_logical3A_371 = vector.broadcast %shift_right_logical3A_370 : i32 to vector<16xi32>
    %shift_right_logical3A_372 = arith.shrui %get3A_362, %shift_right_logical3A_371 : vector<16xi32>
    %shift_right_logical3A_373 = arith.constant 14 : i32
    %shift_right_logical3A_374 = vector.broadcast %shift_right_logical3A_373 : i32 to vector<16xi32>
    %shift_right_logical3A_375 = arith.shrui %get3A_364, %shift_right_logical3A_374 : vector<16xi32>
    %shift_right_logical3A_376 = arith.constant 14 : i32
    %shift_right_logical3A_377 = vector.broadcast %shift_right_logical3A_376 : i32 to vector<16xi32>
    %shift_right_logical3A_378 = arith.shrui %get3A_366, %shift_right_logical3A_377 : vector<16xi32>
    %and3A_379 = arith.andi %get3A_360, %broadcast_in_dim3A_37 : vector<16xi32>
    %and3A_380 = arith.andi %get3A_362, %broadcast_in_dim3A_37 : vector<16xi32>
    %and3A_381 = arith.andi %get3A_364, %broadcast_in_dim3A_37 : vector<16xi32>
    %and3A_382 = arith.andi %get3A_366, %broadcast_in_dim3A_37 : vector<16xi32>
    %gather3A_383 = tpu.vector_load_idx %arg7[%shift_right_logical3A_369] : memref<10240xf32, #tpu.memory_space<vmem>>[vector<16xi32>], vector<16xf32>,
    %gather3A_384 = tpu.vector_load_idx %arg7[%shift_right_logical3A_372] : memref<10240xf32, #tpu.memory_space<vmem>>[vector<16xi32>], vector<16xf32>,
    %gather3A_385 = tpu.vector_load_idx %arg7[%shift_right_logical3A_375] : memref<10240xf32, #tpu.memory_space<vmem>>[vector<16xi32>], vector<16xf32>,
    %gather3A_386 = tpu.vector_load_idx %arg7[%shift_right_logical3A_378] : memref<10240xf32, #tpu.memory_space<vmem>>[vector<16xi32>], vector<16xf32>,
    tpu.vector_store_idx %arg8[%and3A_379], %gather3A_383 {add = true} : memref<10240xf32, #tpu.memory_space<vmem>>[vector<16xi32>], vector<16xf32>,
    tpu.vector_store_idx %arg8[%and3A_380], %gather3A_384 {add = true} : memref<10240xf32, #tpu.memory_space<vmem>>[vector<16xi32>], vector<16xf32>,
    tpu.vector_store_idx %arg8[%and3A_381], %gather3A_385 {add = true} : memref<10240xf32, #tpu.memory_space<vmem>>[vector<16xi32>], vector<16xf32>,
    tpu.vector_store_idx %arg8[%and3A_382], %gather3A_386 {add = true} : memref<10240xf32, #tpu.memory_space<vmem>>[vector<16xi32>], vector<16xf32>,
    %convert_element_type3A = arith.extui %eq3A_32 : i1 to i32
    %cond3A = arith.constant 0 : i32
    %cond3A_387 = arith.cmpi ne, %convert_element_type3A, %cond3A : i32
    scf.if %cond3A_387 {
      %scan3A_676 = arith.constant 0 : i32
      %scan3A_677 = arith.constant 0 : i32
      %scan3A_678 = arith.constant 160 : i32
      %scan3A_679 = arith.addi %scan3A_677, %scan3A_678 : i32
      %scan3A_680 = arith.constant 1 : i32
      scf.for %scan3A_787 = %scan3A_677 to %scan3A_679 step %scan3A_680  : i32 {
        %mul3A_788 = arith.constant 64 : i32
        %mul3A_789 = arith.muli %scan3A_787, %mul3A_788 : i32
        %add3A_790 = arith.constant 0 : i32
        %add3A_791 = arith.addi %mul3A_789, %add3A_790 : i32
        %swap3A = arith.index_cast %add3A_791 : i32 to index
        %swap3A_792 = tpu.vector_load %arg9[%swap3A] {strides = array<i32>} : memref<10240xf32, #tpu.memory_space<vmem>>, vector<16xf32>,
        tpu.vector_store %arg9[%swap3A], %broadcast_in_dim3A_33 {strides = array<i32>} : memref<10240xf32, #tpu.memory_space<vmem>>, vector<16xf32>,
        %mul3A_793 = arith.constant 64 : i32
        %mul3A_794 = arith.muli %scan3A_787, %mul3A_793 : i32
        %add3A_795 = arith.constant 16 : i32
        %add3A_796 = arith.addi %mul3A_794, %add3A_795 : i32
        %swap3A_797 = arith.index_cast %add3A_796 : i32 to index
        %swap3A_798 = tpu.vector_load %arg9[%swap3A_797] {strides = array<i32>} : memref<10240xf32, #tpu.memory_space<vmem>>, vector<16xf32>,
        tpu.vector_store %arg9[%swap3A_797], %broadcast_in_dim3A_33 {strides = array<i32>} : memref<10240xf32, #tpu.memory_space<vmem>>, vector<16xf32>,
        %mul3A_799 = arith.constant 64 : i32
        %mul3A_800 = arith.muli %scan3A_787, %mul3A_799 : i32
        %add3A_801 = arith.constant 32 : i32
        %add3A_802 = arith.addi %mul3A_800, %add3A_801 : i32
        %swap3A_803 = arith.index_cast %add3A_802 : i32 to index
        %swap3A_804 = tpu.vector_load %arg9[%swap3A_803] {strides = array<i32>} : memref<10240xf32, #tpu.memory_space<vmem>>, vector<16xf32>,
        tpu.vector_store %arg9[%swap3A_803], %broadcast_in_dim3A_33 {strides = array<i32>} : memref<10240xf32, #tpu.memory_space<vmem>>, vector<16xf32>,
        %mul3A_805 = arith.constant 64 : i32
        %mul3A_806 = arith.muli %scan3A_787, %mul3A_805 : i32
        %add3A_807 = arith.constant 48 : i32
        %add3A_808 = arith.addi %mul3A_806, %add3A_807 : i32
        %swap3A_809 = arith.index_cast %add3A_808 : i32 to index
        %swap3A_810 = tpu.vector_load %arg9[%swap3A_809] {strides = array<i32>} : memref<10240xf32, #tpu.memory_space<vmem>>, vector<16xf32>,
        tpu.vector_store %arg9[%swap3A_809], %broadcast_in_dim3A_33 {strides = array<i32>} : memref<10240xf32, #tpu.memory_space<vmem>>, vector<16xf32>,
      }
      %scan3A_681 = arith.constant 160 : i32
      %add3A_682 = arith.constant 0 : i32
      %add3A_683 = arith.addi %multiple_of3A, %add3A_682 : i32
      %multiple_of3A_684 = tpu.assume_multiple %add3A_683, 8 : i32
      %dma_start3A_685 = arith.constant 0 : i32
      %dma_start3A_686 = tpu.memref_slice %arg10[%dma_start3A_685] : memref<16000xi32, #tpu.memory_space<vmem>> -> memref<8000xi32, #tpu.memory_space<vmem>>
      %dma_start3A_687 = tpu.memref_slice %arg2[%multiple_of3A_684] : memref<160000xi32, #tpu.memory_space<hbm>> -> memref<8000xi32, #tpu.memory_space<hbm>>
      %dma_start3A_688 = arith.constant 0 : i32
      %dma_start3A_689 = tpu.memref_slice %arg10[%dma_start3A_688] : memref<16000xi32, #tpu.memory_space<vmem>> -> memref<8000xi32, #tpu.memory_space<vmem>>
      %dma_start3A_690 = tpu.memref_slice %arg2[%multiple_of3A_684] : memref<160000xi32, #tpu.memory_space<hbm>> -> memref<8000xi32, #tpu.memory_space<hbm>>
      tpu.enqueue_dma source(%dma_start3A_690 : memref<8000xi32, #tpu.memory_space<hbm>>) target(%dma_start3A_689 : memref<8000xi32, #tpu.memory_space<vmem>>) target_semaphore(%arg18 : memref<!tpu.dma_semaphore, #tpu.memory_space<semaphore_mem>>)
      %add3A_691 = arith.constant 8000 : i32
      %add3A_692 = arith.addi %multiple_of3A, %add3A_691 : i32
      %multiple_of3A_693 = tpu.assume_multiple %add3A_692, 8 : i32
      %dma_start3A_694 = arith.constant 8000 : i32
      %dma_start3A_695 = tpu.memref_slice %arg10[%dma_start3A_694] : memref<16000xi32, #tpu.memory_space<vmem>> -> memref<2000xi32, #tpu.memory_space<vmem>>
      %dma_start3A_696 = tpu.memref_slice %arg2[%multiple_of3A_693] : memref<160000xi32, #tpu.memory_space<hbm>> -> memref<2000xi32, #tpu.memory_space<hbm>>
      %dma_start3A_697 = arith.constant 8000 : i32
      %dma_start3A_698 = tpu.memref_slice %arg10[%dma_start3A_697] : memref<16000xi32, #tpu.memory_space<vmem>> -> memref<2000xi32, #tpu.memory_space<vmem>>
      %dma_start3A_699 = tpu.memref_slice %arg2[%multiple_of3A_693] : memref<160000xi32, #tpu.memory_space<hbm>> -> memref<2000xi32, #tpu.memory_space<hbm>>
      tpu.enqueue_dma source(%dma_start3A_699 : memref<2000xi32, #tpu.memory_space<hbm>>) target(%dma_start3A_698 : memref<2000xi32, #tpu.memory_space<vmem>>) target_semaphore(%arg19 : memref<!tpu.dma_semaphore, #tpu.memory_space<semaphore_mem>>)
      %dma_wait3A_700 = arith.constant 0 : i32
      %dma_wait3A_701 = tpu.memref_slice %arg10[%dma_wait3A_700] : memref<16000xi32, #tpu.memory_space<vmem>> -> memref<8000xi32, #tpu.memory_space<vmem>>
      %dma_wait3A_702 = tpu.memref_slice %arg2[%multiple_of3A_684] : memref<160000xi32, #tpu.memory_space<hbm>> -> memref<8000xi32, #tpu.memory_space<hbm>>
      %dma_wait3A_703 = arith.constant 0 : i32
      %dma_wait3A_704 = tpu.memref_slice %arg10[%dma_wait3A_703] : memref<16000xi32, #tpu.memory_space<vmem>> -> memref<8000xi32, #tpu.memory_space<vmem>>
      %dma_wait3A_705 = tpu.memref_slice %arg2[%multiple_of3A_684] : memref<160000xi32, #tpu.memory_space<hbm>> -> memref<8000xi32, #tpu.memory_space<hbm>>
      tpu.wait_dma2 semaphore(%arg18 : memref<!tpu.dma_semaphore, #tpu.memory_space<semaphore_mem>>) src(%dma_wait3A_705 : memref<8000xi32, #tpu.memory_space<hbm>>) dst(%dma_wait3A_704 : memref<8000xi32, #tpu.memory_space<vmem>>)
      %scan3A_706 = arith.constant 0 : i32
      %scan3A_707 = arith.constant 0 : i32
      %scan3A_708 = arith.constant 62 : i32
      %scan3A_709 = arith.addi %scan3A_707, %scan3A_708 : i32
      %scan3A_710 = arith.constant 1 : i32
      scf.for %scan3A_787 = %scan3A_707 to %scan3A_709 step %scan3A_710  : i32 {
        %mul3A_788 = arith.constant 128 : i32
        %mul3A_789 = arith.muli %scan3A_787, %mul3A_788 : i32
        %add3A_790 = arith.constant 0 : i32
        %add3A_791 = arith.addi %add3A_790, %mul3A_789 : i32
        %add3A_792 = arith.constant 0 : i32
        %add3A_793 = arith.addi %add3A_791, %add3A_792 : i32
        %get3A_794 = arith.index_cast %add3A_793 : i32 to index
        %get3A_795 = tpu.vector_load %arg10[%get3A_794] {strides = array<i32>} : memref<16000xi32, #tpu.memory_space<vmem>>, vector<16xi32>,
        %add3A_796 = arith.constant 16 : i32
        %add3A_797 = arith.addi %add3A_791, %add3A_796 : i32
        %get3A_798 = arith.index_cast %add3A_797 : i32 to index
        %get3A_799 = tpu.vector_load %arg10[%get3A_798] {strides = array<i32>} : memref<16000xi32, #tpu.memory_space<vmem>>, vector<16xi32>,
        %add3A_800 = arith.constant 32 : i32
        %add3A_801 = arith.addi %add3A_791, %add3A_800 : i32
        %get3A_802 = arith.index_cast %add3A_801 : i32 to index
        %get3A_803 = tpu.vector_load %arg10[%get3A_802] {strides = array<i32>} : memref<16000xi32, #tpu.memory_space<vmem>>, vector<16xi32>,
        %add3A_804 = arith.constant 48 : i32
        %add3A_805 = arith.addi %add3A_791, %add3A_804 : i32
        %get3A_806 = arith.index_cast %add3A_805 : i32 to index
        %get3A_807 = tpu.vector_load %arg10[%get3A_806] {strides = array<i32>} : memref<16000xi32, #tpu.memory_space<vmem>>, vector<16xi32>,
        %add3A_808 = arith.constant 64 : i32
        %add3A_809 = arith.addi %add3A_791, %add3A_808 : i32
        %get3A_810 = arith.index_cast %add3A_809 : i32 to index
        %get3A_811 = tpu.vector_load %arg10[%get3A_810] {strides = array<i32>} : memref<16000xi32, #tpu.memory_space<vmem>>, vector<16xi32>,
        %add3A_812 = arith.constant 80 : i32
        %add3A_813 = arith.addi %add3A_791, %add3A_812 : i32
        %get3A_814 = arith.index_cast %add3A_813 : i32 to index
        %get3A_815 = tpu.vector_load %arg10[%get3A_814] {strides = array<i32>} : memref<16000xi32, #tpu.memory_space<vmem>>, vector<16xi32>,
        %add3A_816 = arith.constant 96 : i32
        %add3A_817 = arith.addi %add3A_791, %add3A_816 : i32
        %get3A_818 = arith.index_cast %add3A_817 : i32 to index
        %get3A_819 = tpu.vector_load %arg10[%get3A_818] {strides = array<i32>} : memref<16000xi32, #tpu.memory_space<vmem>>, vector<16xi32>,
        %add3A_820 = arith.constant 112 : i32
        %add3A_821 = arith.addi %add3A_791, %add3A_820 : i32
        %get3A_822 = arith.index_cast %add3A_821 : i32 to index
        %get3A_823 = tpu.vector_load %arg10[%get3A_822] {strides = array<i32>} : memref<16000xi32, #tpu.memory_space<vmem>>, vector<16xi32>,
        %shift_right_logical3A_824 = arith.constant 14 : i32
        %shift_right_logical3A_825 = vector.broadcast %shift_right_logical3A_824 : i32 to vector<16xi32>
        %shift_right_logical3A_826 = arith.shrui %get3A_795, %shift_right_logical3A_825 : vector<16xi32>
        %shift_right_logical3A_827 = arith.constant 14 : i32
        %shift_right_logical3A_828 = vector.broadcast %shift_right_logical3A_827 : i32 to vector<16xi32>
        %shift_right_logical3A_829 = arith.shrui %get3A_799, %shift_right_logical3A_828 : vector<16xi32>
        %shift_right_logical3A_830 = arith.constant 14 : i32
        %shift_right_logical3A_831 = vector.broadcast %shift_right_logical3A_830 : i32 to vector<16xi32>
        %shift_right_logical3A_832 = arith.shrui %get3A_803, %shift_right_logical3A_831 : vector<16xi32>
        %shift_right_logical3A_833 = arith.constant 14 : i32
        %shift_right_logical3A_834 = vector.broadcast %shift_right_logical3A_833 : i32 to vector<16xi32>
        %shift_right_logical3A_835 = arith.shrui %get3A_807, %shift_right_logical3A_834 : vector<16xi32>
        %shift_right_logical3A_836 = arith.constant 14 : i32
        %shift_right_logical3A_837 = vector.broadcast %shift_right_logical3A_836 : i32 to vector<16xi32>
        %shift_right_logical3A_838 = arith.shrui %get3A_811, %shift_right_logical3A_837 : vector<16xi32>
        %shift_right_logical3A_839 = arith.constant 14 : i32
        %shift_right_logical3A_840 = vector.broadcast %shift_right_logical3A_839 : i32 to vector<16xi32>
        %shift_right_logical3A_841 = arith.shrui %get3A_815, %shift_right_logical3A_840 : vector<16xi32>
        %shift_right_logical3A_842 = arith.constant 14 : i32
        %shift_right_logical3A_843 = vector.broadcast %shift_right_logical3A_842 : i32 to vector<16xi32>
        %shift_right_logical3A_844 = arith.shrui %get3A_819, %shift_right_logical3A_843 : vector<16xi32>
        %shift_right_logical3A_845 = arith.constant 14 : i32
        %shift_right_logical3A_846 = vector.broadcast %shift_right_logical3A_845 : i32 to vector<16xi32>
        %shift_right_logical3A_847 = arith.shrui %get3A_823, %shift_right_logical3A_846 : vector<16xi32>
        %and3A_848 = arith.andi %get3A_795, %broadcast_in_dim3A_37 : vector<16xi32>
        %and3A_849 = arith.andi %get3A_799, %broadcast_in_dim3A_37 : vector<16xi32>
        %and3A_850 = arith.andi %get3A_803, %broadcast_in_dim3A_37 : vector<16xi32>
        %and3A_851 = arith.andi %get3A_807, %broadcast_in_dim3A_37 : vector<16xi32>
        %and3A_852 = arith.andi %get3A_811, %broadcast_in_dim3A_37 : vector<16xi32>
        %and3A_853 = arith.andi %get3A_815, %broadcast_in_dim3A_37 : vector<16xi32>
        %and3A_854 = arith.andi %get3A_819, %broadcast_in_dim3A_37 : vector<16xi32>
        %and3A_855 = arith.andi %get3A_823, %broadcast_in_dim3A_37 : vector<16xi32>
        %gather3A_856 = tpu.vector_load_idx %arg6[%shift_right_logical3A_826] : memref<10240xf32, #tpu.memory_space<vmem>>[vector<16xi32>], vector<16xf32>,
        %gather3A_857 = tpu.vector_load_idx %arg6[%shift_right_logical3A_829] : memref<10240xf32, #tpu.memory_space<vmem>>[vector<16xi32>], vector<16xf32>,
        %gather3A_858 = tpu.vector_load_idx %arg6[%shift_right_logical3A_832] : memref<10240xf32, #tpu.memory_space<vmem>>[vector<16xi32>], vector<16xf32>,
        %gather3A_859 = tpu.vector_load_idx %arg6[%shift_right_logical3A_835] : memref<10240xf32, #tpu.memory_space<vmem>>[vector<16xi32>], vector<16xf32>,
        %gather3A_860 = tpu.vector_load_idx %arg6[%shift_right_logical3A_838] : memref<10240xf32, #tpu.memory_space<vmem>>[vector<16xi32>], vector<16xf32>,
        %gather3A_861 = tpu.vector_load_idx %arg6[%shift_right_logical3A_841] : memref<10240xf32, #tpu.memory_space<vmem>>[vector<16xi32>], vector<16xf32>,
        %gather3A_862 = tpu.vector_load_idx %arg6[%shift_right_logical3A_844] : memref<10240xf32, #tpu.memory_space<vmem>>[vector<16xi32>], vector<16xf32>,
        %gather3A_863 = tpu.vector_load_idx %arg6[%shift_right_logical3A_847] : memref<10240xf32, #tpu.memory_space<vmem>>[vector<16xi32>], vector<16xf32>,
        tpu.vector_store_idx %arg9[%and3A_848], %gather3A_856 {add = true} : memref<10240xf32, #tpu.memory_space<vmem>>[vector<16xi32>], vector<16xf32>,
        tpu.vector_store_idx %arg9[%and3A_849], %gather3A_857 {add = true} : memref<10240xf32, #tpu.memory_space<vmem>>[vector<16xi32>], vector<16xf32>,
        tpu.vector_store_idx %arg9[%and3A_850], %gather3A_858 {add = true} : memref<10240xf32, #tpu.memory_space<vmem>>[vector<16xi32>], vector<16xf32>,
        tpu.vector_store_idx %arg9[%and3A_851], %gather3A_859 {add = true} : memref<10240xf32, #tpu.memory_space<vmem>>[vector<16xi32>], vector<16xf32>,
        tpu.vector_store_idx %arg9[%and3A_852], %gather3A_860 {add = true} : memref<10240xf32, #tpu.memory_space<vmem>>[vector<16xi32>], vector<16xf32>,
        tpu.vector_store_idx %arg9[%and3A_853], %gather3A_861 {add = true} : memref<10240xf32, #tpu.memory_space<vmem>>[vector<16xi32>], vector<16xf32>,
        tpu.vector_store_idx %arg9[%and3A_854], %gather3A_862 {add = true} : memref<10240xf32, #tpu.memory_space<vmem>>[vector<16xi32>], vector<16xf32>,
        tpu.vector_store_idx %arg9[%and3A_855], %gather3A_863 {add = true} : memref<10240xf32, #tpu.memory_space<vmem>>[vector<16xi32>], vector<16xf32>,
      }
      %scan3A_711 = arith.constant 62 : i32
      %get3A_712 = arith.constant 7936 : index
      %get3A_713 = tpu.vector_load %arg10[%get3A_712] {strides = array<i32>} : memref<16000xi32, #tpu.memory_space<vmem>>, vector<16xi32>,
      %get3A_714 = arith.constant 7952 : index
      %get3A_715 = tpu.vector_load %arg10[%get3A_714] {strides = array<i32>} : memref<16000xi32, #tpu.memory_space<vmem>>, vector<16xi32>,
      %get3A_716 = arith.constant 7968 : index
      %get3A_717 = tpu.vector_load %arg10[%get3A_716] {strides = array<i32>} : memref<16000xi32, #tpu.memory_space<vmem>>, vector<16xi32>,
      %get3A_718 = arith.constant 7984 : index
      %get3A_719 = tpu.vector_load %arg10[%get3A_718] {strides = array<i32>} : memref<16000xi32, #tpu.memory_space<vmem>>, vector<16xi32>,
      %shift_right_logical3A_720 = arith.constant 14 : i32
      %shift_right_logical3A_721 = vector.broadcast %shift_right_logical3A_720 : i32 to vector<16xi32>
      %shift_right_logical3A_722 = arith.shrui %get3A_713, %shift_right_logical3A_721 : vector<16xi32>
      %shift_right_logical3A_723 = arith.constant 14 : i32
      %shift_right_logical3A_724 = vector.broadcast %shift_right_logical3A_723 : i32 to vector<16xi32>
      %shift_right_logical3A_725 = arith.shrui %get3A_715, %shift_right_logical3A_724 : vector<16xi32>
      %shift_right_logical3A_726 = arith.constant 14 : i32
      %shift_right_logical3A_727 = vector.broadcast %shift_right_logical3A_726 : i32 to vector<16xi32>
      %shift_right_logical3A_728 = arith.shrui %get3A_717, %shift_right_logical3A_727 : vector<16xi32>
      %shift_right_logical3A_729 = arith.constant 14 : i32
      %shift_right_logical3A_730 = vector.broadcast %shift_right_logical3A_729 : i32 to vector<16xi32>
      %shift_right_logical3A_731 = arith.shrui %get3A_719, %shift_right_logical3A_730 : vector<16xi32>
      %and3A_732 = arith.andi %get3A_713, %broadcast_in_dim3A_37 : vector<16xi32>
      %and3A_733 = arith.andi %get3A_715, %broadcast_in_dim3A_37 : vector<16xi32>
      %and3A_734 = arith.andi %get3A_717, %broadcast_in_dim3A_37 : vector<16xi32>
      %and3A_735 = arith.andi %get3A_719, %broadcast_in_dim3A_37 : vector<16xi32>
      %gather3A_736 = tpu.vector_load_idx %arg6[%shift_right_logical3A_722] : memref<10240xf32, #tpu.memory_space<vmem>>[vector<16xi32>], vector<16xf32>,
      %gather3A_737 = tpu.vector_load_idx %arg6[%shift_right_logical3A_725] : memref<10240xf32, #tpu.memory_space<vmem>>[vector<16xi32>], vector<16xf32>,
      %gather3A_738 = tpu.vector_load_idx %arg6[%shift_right_logical3A_728] : memref<10240xf32, #tpu.memory_space<vmem>>[vector<16xi32>], vector<16xf32>,
      %gather3A_739 = tpu.vector_load_idx %arg6[%shift_right_logical3A_731] : memref<10240xf32, #tpu.memory_space<vmem>>[vector<16xi32>], vector<16xf32>,
      tpu.vector_store_idx %arg9[%and3A_732], %gather3A_736 {add = true} : memref<10240xf32, #tpu.memory_space<vmem>>[vector<16xi32>], vector<16xf32>,
      tpu.vector_store_idx %arg9[%and3A_733], %gather3A_737 {add = true} : memref<10240xf32, #tpu.memory_space<vmem>>[vector<16xi32>], vector<16xf32>,
      tpu.vector_store_idx %arg9[%and3A_734], %gather3A_738 {add = true} : memref<10240xf32, #tpu.memory_space<vmem>>[vector<16xi32>], vector<16xf32>,
      tpu.vector_store_idx %arg9[%and3A_735], %gather3A_739 {add = true} : memref<10240xf32, #tpu.memory_space<vmem>>[vector<16xi32>], vector<16xf32>,
      %dma_wait3A_740 = arith.constant 8000 : i32
      %dma_wait3A_741 = tpu.memref_slice %arg10[%dma_wait3A_740] : memref<16000xi32, #tpu.memory_space<vmem>> -> memref<2000xi32, #tpu.memory_space<vmem>>
      %dma_wait3A_742 = tpu.memref_slice %arg2[%multiple_of3A_693] : memref<160000xi32, #tpu.memory_space<hbm>> -> memref<2000xi32, #tpu.memory_space<hbm>>
      %dma_wait3A_743 = arith.constant 8000 : i32
      %dma_wait3A_744 = tpu.memref_slice %arg10[%dma_wait3A_743] : memref<16000xi32, #tpu.memory_space<vmem>> -> memref<2000xi32, #tpu.memory_space<vmem>>
      %dma_wait3A_745 = tpu.memref_slice %arg2[%multiple_of3A_693] : memref<160000xi32, #tpu.memory_space<hbm>> -> memref<2000xi32, #tpu.memory_space<hbm>>
      tpu.wait_dma2 semaphore(%arg19 : memref<!tpu.dma_semaphore, #tpu.memory_space<semaphore_mem>>) src(%dma_wait3A_745 : memref<2000xi32, #tpu.memory_space<hbm>>) dst(%dma_wait3A_744 : memref<2000xi32, #tpu.memory_space<vmem>>)
      %scan3A_746 = arith.constant 0 : i32
      %scan3A_747 = arith.constant 0 : i32
      %scan3A_748 = arith.constant 15 : i32
      %scan3A_749 = arith.addi %scan3A_747, %scan3A_748 : i32
      %scan3A_750 = arith.constant 1 : i32
      scf.for %scan3A_787 = %scan3A_747 to %scan3A_749 step %scan3A_750  : i32 {
        %mul3A_788 = arith.constant 128 : i32
        %mul3A_789 = arith.muli %scan3A_787, %mul3A_788 : i32
        %add3A_790 = arith.constant 8000 : i32
        %add3A_791 = arith.addi %add3A_790, %mul3A_789 : i32
        %add3A_792 = arith.constant 0 : i32
        %add3A_793 = arith.addi %add3A_791, %add3A_792 : i32
        %get3A_794 = arith.index_cast %add3A_793 : i32 to index
        %get3A_795 = tpu.vector_load %arg10[%get3A_794] {strides = array<i32>} : memref<16000xi32, #tpu.memory_space<vmem>>, vector<16xi32>,
        %add3A_796 = arith.constant 16 : i32
        %add3A_797 = arith.addi %add3A_791, %add3A_796 : i32
        %get3A_798 = arith.index_cast %add3A_797 : i32 to index
        %get3A_799 = tpu.vector_load %arg10[%get3A_798] {strides = array<i32>} : memref<16000xi32, #tpu.memory_space<vmem>>, vector<16xi32>,
        %add3A_800 = arith.constant 32 : i32
        %add3A_801 = arith.addi %add3A_791, %add3A_800 : i32
        %get3A_802 = arith.index_cast %add3A_801 : i32 to index
        %get3A_803 = tpu.vector_load %arg10[%get3A_802] {strides = array<i32>} : memref<16000xi32, #tpu.memory_space<vmem>>, vector<16xi32>,
        %add3A_804 = arith.constant 48 : i32
        %add3A_805 = arith.addi %add3A_791, %add3A_804 : i32
        %get3A_806 = arith.index_cast %add3A_805 : i32 to index
        %get3A_807 = tpu.vector_load %arg10[%get3A_806] {strides = array<i32>} : memref<16000xi32, #tpu.memory_space<vmem>>, vector<16xi32>,
        %add3A_808 = arith.constant 64 : i32
        %add3A_809 = arith.addi %add3A_791, %add3A_808 : i32
        %get3A_810 = arith.index_cast %add3A_809 : i32 to index
        %get3A_811 = tpu.vector_load %arg10[%get3A_810] {strides = array<i32>} : memref<16000xi32, #tpu.memory_space<vmem>>, vector<16xi32>,
        %add3A_812 = arith.constant 80 : i32
        %add3A_813 = arith.addi %add3A_791, %add3A_812 : i32
        %get3A_814 = arith.index_cast %add3A_813 : i32 to index
        %get3A_815 = tpu.vector_load %arg10[%get3A_814] {strides = array<i32>} : memref<16000xi32, #tpu.memory_space<vmem>>, vector<16xi32>,
        %add3A_816 = arith.constant 96 : i32
        %add3A_817 = arith.addi %add3A_791, %add3A_816 : i32
        %get3A_818 = arith.index_cast %add3A_817 : i32 to index
        %get3A_819 = tpu.vector_load %arg10[%get3A_818] {strides = array<i32>} : memref<16000xi32, #tpu.memory_space<vmem>>, vector<16xi32>,
        %add3A_820 = arith.constant 112 : i32
        %add3A_821 = arith.addi %add3A_791, %add3A_820 : i32
        %get3A_822 = arith.index_cast %add3A_821 : i32 to index
        %get3A_823 = tpu.vector_load %arg10[%get3A_822] {strides = array<i32>} : memref<16000xi32, #tpu.memory_space<vmem>>, vector<16xi32>,
        %shift_right_logical3A_824 = arith.constant 14 : i32
        %shift_right_logical3A_825 = vector.broadcast %shift_right_logical3A_824 : i32 to vector<16xi32>
        %shift_right_logical3A_826 = arith.shrui %get3A_795, %shift_right_logical3A_825 : vector<16xi32>
        %shift_right_logical3A_827 = arith.constant 14 : i32
        %shift_right_logical3A_828 = vector.broadcast %shift_right_logical3A_827 : i32 to vector<16xi32>
        %shift_right_logical3A_829 = arith.shrui %get3A_799, %shift_right_logical3A_828 : vector<16xi32>
        %shift_right_logical3A_830 = arith.constant 14 : i32
        %shift_right_logical3A_831 = vector.broadcast %shift_right_logical3A_830 : i32 to vector<16xi32>
        %shift_right_logical3A_832 = arith.shrui %get3A_803, %shift_right_logical3A_831 : vector<16xi32>
        %shift_right_logical3A_833 = arith.constant 14 : i32
        %shift_right_logical3A_834 = vector.broadcast %shift_right_logical3A_833 : i32 to vector<16xi32>
        %shift_right_logical3A_835 = arith.shrui %get3A_807, %shift_right_logical3A_834 : vector<16xi32>
        %shift_right_logical3A_836 = arith.constant 14 : i32
        %shift_right_logical3A_837 = vector.broadcast %shift_right_logical3A_836 : i32 to vector<16xi32>
        %shift_right_logical3A_838 = arith.shrui %get3A_811, %shift_right_logical3A_837 : vector<16xi32>
        %shift_right_logical3A_839 = arith.constant 14 : i32
        %shift_right_logical3A_840 = vector.broadcast %shift_right_logical3A_839 : i32 to vector<16xi32>
        %shift_right_logical3A_841 = arith.shrui %get3A_815, %shift_right_logical3A_840 : vector<16xi32>
        %shift_right_logical3A_842 = arith.constant 14 : i32
        %shift_right_logical3A_843 = vector.broadcast %shift_right_logical3A_842 : i32 to vector<16xi32>
        %shift_right_logical3A_844 = arith.shrui %get3A_819, %shift_right_logical3A_843 : vector<16xi32>
        %shift_right_logical3A_845 = arith.constant 14 : i32
        %shift_right_logical3A_846 = vector.broadcast %shift_right_logical3A_845 : i32 to vector<16xi32>
        %shift_right_logical3A_847 = arith.shrui %get3A_823, %shift_right_logical3A_846 : vector<16xi32>
        %and3A_848 = arith.andi %get3A_795, %broadcast_in_dim3A_37 : vector<16xi32>
        %and3A_849 = arith.andi %get3A_799, %broadcast_in_dim3A_37 : vector<16xi32>
        %and3A_850 = arith.andi %get3A_803, %broadcast_in_dim3A_37 : vector<16xi32>
        %and3A_851 = arith.andi %get3A_807, %broadcast_in_dim3A_37 : vector<16xi32>
        %and3A_852 = arith.andi %get3A_811, %broadcast_in_dim3A_37 : vector<16xi32>
        %and3A_853 = arith.andi %get3A_815, %broadcast_in_dim3A_37 : vector<16xi32>
        %and3A_854 = arith.andi %get3A_819, %broadcast_in_dim3A_37 : vector<16xi32>
        %and3A_855 = arith.andi %get3A_823, %broadcast_in_dim3A_37 : vector<16xi32>
        %gather3A_856 = tpu.vector_load_idx %arg6[%shift_right_logical3A_826] : memref<10240xf32, #tpu.memory_space<vmem>>[vector<16xi32>], vector<16xf32>,
        %gather3A_857 = tpu.vector_load_idx %arg6[%shift_right_logical3A_829] : memref<10240xf32, #tpu.memory_space<vmem>>[vector<16xi32>], vector<16xf32>,
        %gather3A_858 = tpu.vector_load_idx %arg6[%shift_right_logical3A_832] : memref<10240xf32, #tpu.memory_space<vmem>>[vector<16xi32>], vector<16xf32>,
        %gather3A_859 = tpu.vector_load_idx %arg6[%shift_right_logical3A_835] : memref<10240xf32, #tpu.memory_space<vmem>>[vector<16xi32>], vector<16xf32>,
        %gather3A_860 = tpu.vector_load_idx %arg6[%shift_right_logical3A_838] : memref<10240xf32, #tpu.memory_space<vmem>>[vector<16xi32>], vector<16xf32>,
        %gather3A_861 = tpu.vector_load_idx %arg6[%shift_right_logical3A_841] : memref<10240xf32, #tpu.memory_space<vmem>>[vector<16xi32>], vector<16xf32>,
        %gather3A_862 = tpu.vector_load_idx %arg6[%shift_right_logical3A_844] : memref<10240xf32, #tpu.memory_space<vmem>>[vector<16xi32>], vector<16xf32>,
        %gather3A_863 = tpu.vector_load_idx %arg6[%shift_right_logical3A_847] : memref<10240xf32, #tpu.memory_space<vmem>>[vector<16xi32>], vector<16xf32>,
        tpu.vector_store_idx %arg9[%and3A_848], %gather3A_856 {add = true} : memref<10240xf32, #tpu.memory_space<vmem>>[vector<16xi32>], vector<16xf32>,
        tpu.vector_store_idx %arg9[%and3A_849], %gather3A_857 {add = true} : memref<10240xf32, #tpu.memory_space<vmem>>[vector<16xi32>], vector<16xf32>,
        tpu.vector_store_idx %arg9[%and3A_850], %gather3A_858 {add = true} : memref<10240xf32, #tpu.memory_space<vmem>>[vector<16xi32>], vector<16xf32>,
        tpu.vector_store_idx %arg9[%and3A_851], %gather3A_859 {add = true} : memref<10240xf32, #tpu.memory_space<vmem>>[vector<16xi32>], vector<16xf32>,
        tpu.vector_store_idx %arg9[%and3A_852], %gather3A_860 {add = true} : memref<10240xf32, #tpu.memory_space<vmem>>[vector<16xi32>], vector<16xf32>,
        tpu.vector_store_idx %arg9[%and3A_853], %gather3A_861 {add = true} : memref<10240xf32, #tpu.memory_space<vmem>>[vector<16xi32>], vector<16xf32>,
        tpu.vector_store_idx %arg9[%and3A_854], %gather3A_862 {add = true} : memref<10240xf32, #tpu.memory_space<vmem>>[vector<16xi32>], vector<16xf32>,
        tpu.vector_store_idx %arg9[%and3A_855], %gather3A_863 {add = true} : memref<10240xf32, #tpu.memory_space<vmem>>[vector<16xi32>], vector<16xf32>,
      }
      %scan3A_751 = arith.constant 15 : i32
      %get3A_752 = arith.constant 9920 : index
      %get3A_753 = tpu.vector_load %arg10[%get3A_752] {strides = array<i32>} : memref<16000xi32, #tpu.memory_space<vmem>>, vector<16xi32>,
      %get3A_754 = arith.constant 9936 : index
      %get3A_755 = tpu.vector_load %arg10[%get3A_754] {strides = array<i32>} : memref<16000xi32, #tpu.memory_space<vmem>>, vector<16xi32>,
      %get3A_756 = arith.constant 9952 : index
      %get3A_757 = tpu.vector_load %arg10[%get3A_756] {strides = array<i32>} : memref<16000xi32, #tpu.memory_space<vmem>>, vector<16xi32>,
      %get3A_758 = arith.constant 9968 : index
      %get3A_759 = tpu.vector_load %arg10[%get3A_758] {strides = array<i32>} : memref<16000xi32, #tpu.memory_space<vmem>>, vector<16xi32>,
      %get3A_760 = arith.constant 9984 : index
      %get3A_761 = tpu.vector_load %arg10[%get3A_760] {strides = array<i32>} : memref<16000xi32, #tpu.memory_space<vmem>>, vector<16xi32>,
      %shift_right_logical3A_762 = arith.constant 14 : i32
      %shift_right_logical3A_763 = vector.broadcast %shift_right_logical3A_762 : i32 to vector<16xi32>
      %shift_right_logical3A_764 = arith.shrui %get3A_753, %shift_right_logical3A_763 : vector<16xi32>
      %shift_right_logical3A_765 = arith.constant 14 : i32
      %shift_right_logical3A_766 = vector.broadcast %shift_right_logical3A_765 : i32 to vector<16xi32>
      %shift_right_logical3A_767 = arith.shrui %get3A_755, %shift_right_logical3A_766 : vector<16xi32>
      %shift_right_logical3A_768 = arith.constant 14 : i32
      %shift_right_logical3A_769 = vector.broadcast %shift_right_logical3A_768 : i32 to vector<16xi32>
      %shift_right_logical3A_770 = arith.shrui %get3A_757, %shift_right_logical3A_769 : vector<16xi32>
      %shift_right_logical3A_771 = arith.constant 14 : i32
      %shift_right_logical3A_772 = vector.broadcast %shift_right_logical3A_771 : i32 to vector<16xi32>
      %shift_right_logical3A_773 = arith.shrui %get3A_759, %shift_right_logical3A_772 : vector<16xi32>
      %shift_right_logical3A_774 = arith.constant 14 : i32
      %shift_right_logical3A_775 = vector.broadcast %shift_right_logical3A_774 : i32 to vector<16xi32>
      %shift_right_logical3A_776 = arith.shrui %get3A_761, %shift_right_logical3A_775 : vector<16xi32>
      %and3A_777 = arith.andi %get3A_753, %broadcast_in_dim3A_37 : vector<16xi32>
      %and3A_778 = arith.andi %get3A_755, %broadcast_in_dim3A_37 : vector<16xi32>
      %and3A_779 = arith.andi %get3A_757, %broadcast_in_dim3A_37 : vector<16xi32>
      %and3A_780 = arith.andi %get3A_759, %broadcast_in_dim3A_37 : vector<16xi32>
      %and3A_781 = arith.andi %get3A_761, %broadcast_in_dim3A_37 : vector<16xi32>
      %gather3A_782 = tpu.vector_load_idx %arg6[%shift_right_logical3A_764] : memref<10240xf32, #tpu.memory_space<vmem>>[vector<16xi32>], vector<16xf32>,
      %gather3A_783 = tpu.vector_load_idx %arg6[%shift_right_logical3A_767] : memref<10240xf32, #tpu.memory_space<vmem>>[vector<16xi32>], vector<16xf32>,
      %gather3A_784 = tpu.vector_load_idx %arg6[%shift_right_logical3A_770] : memref<10240xf32, #tpu.memory_space<vmem>>[vector<16xi32>], vector<16xf32>,
      %gather3A_785 = tpu.vector_load_idx %arg6[%shift_right_logical3A_773] : memref<10240xf32, #tpu.memory_space<vmem>>[vector<16xi32>], vector<16xf32>,
      %gather3A_786 = tpu.vector_load_idx %arg6[%shift_right_logical3A_776] : memref<10240xf32, #tpu.memory_space<vmem>>[vector<16xi32>], vector<16xf32>,
      tpu.vector_store_idx %arg9[%and3A_777], %gather3A_782 {add = true} : memref<10240xf32, #tpu.memory_space<vmem>>[vector<16xi32>], vector<16xf32>,
      tpu.vector_store_idx %arg9[%and3A_778], %gather3A_783 {add = true} : memref<10240xf32, #tpu.memory_space<vmem>>[vector<16xi32>], vector<16xf32>,
      tpu.vector_store_idx %arg9[%and3A_779], %gather3A_784 {add = true} : memref<10240xf32, #tpu.memory_space<vmem>>[vector<16xi32>], vector<16xf32>,
      tpu.vector_store_idx %arg9[%and3A_780], %gather3A_785 {add = true} : memref<10240xf32, #tpu.memory_space<vmem>>[vector<16xi32>], vector<16xf32>,
      tpu.vector_store_idx %arg9[%and3A_781], %gather3A_786 {add = true} : memref<10240xf32, #tpu.memory_space<vmem>>[vector<16xi32>], vector<16xf32>,
      "tpu.region"() ({
        %run_scoped3A = tpu.sem_alloc : memref<!tpu.dma_semaphore, #tpu.memory_space<semaphore_mem>>
        %dma_start3A_787 = arith.constant 0 : i32
        %dma_start3A_788 = tpu.memref_slice %arg15[%arg1, %dma_start3A_787] : memref<16x10240xf32, #tpu.memory_space<vmem_shared>> -> memref<1x10240xf32, #tpu.memory_space<vmem_shared>>
        %dma_start3A_789 = tpu.memref_squeeze %dma_start3A_788 : memref<1x10240xf32, #tpu.memory_space<vmem_shared>> -> memref<10240xf32, #tpu.memory_space<vmem_shared>>
        %dma_start3A_790 = arith.constant 0 : i32
        %dma_start3A_791 = tpu.memref_slice %arg15[%arg1, %dma_start3A_790] : memref<16x10240xf32, #tpu.memory_space<vmem_shared>> -> memref<1x10240xf32, #tpu.memory_space<vmem_shared>>
        %dma_start3A_792 = tpu.memref_squeeze %dma_start3A_791 : memref<1x10240xf32, #tpu.memory_space<vmem_shared>> -> memref<10240xf32, #tpu.memory_space<vmem_shared>>
        tpu.enqueue_dma source(%arg9 : memref<10240xf32, #tpu.memory_space<vmem>>) target(%dma_start3A_792 : memref<10240xf32, #tpu.memory_space<vmem_shared>>) target_semaphore(%run_scoped3A : memref<!tpu.dma_semaphore, #tpu.memory_space<semaphore_mem>>)
        %dma_wait3A_793 = arith.constant 0 : i32
        %dma_wait3A_794 = tpu.memref_slice %arg15[%arg1, %dma_wait3A_793] : memref<16x10240xf32, #tpu.memory_space<vmem_shared>> -> memref<1x10240xf32, #tpu.memory_space<vmem_shared>>
        %dma_wait3A_795 = tpu.memref_squeeze %dma_wait3A_794 : memref<1x10240xf32, #tpu.memory_space<vmem_shared>> -> memref<10240xf32, #tpu.memory_space<vmem_shared>>
        %dma_wait3A_796 = arith.constant 0 : i32
        %dma_wait3A_797 = tpu.memref_slice %arg15[%arg1, %dma_wait3A_796] : memref<16x10240xf32, #tpu.memory_space<vmem_shared>> -> memref<1x10240xf32, #tpu.memory_space<vmem_shared>>
        %dma_wait3A_798 = tpu.memref_squeeze %dma_wait3A_797 : memref<1x10240xf32, #tpu.memory_space<vmem_shared>> -> memref<10240xf32, #tpu.memory_space<vmem_shared>>
        tpu.wait_dma2 semaphore(%run_scoped3A : memref<!tpu.dma_semaphore, #tpu.memory_space<semaphore_mem>>) src(%arg9 : memref<10240xf32, #tpu.memory_space<vmem>>) dst(%dma_wait3A_798 : memref<10240xf32, #tpu.memory_space<vmem_shared>>)
        tpu.yield
      }) : () -> ()
    } else {
    }
    "tpu.region"() ({
      %run_scoped3A = tpu.sem_alloc : memref<!tpu.dma_semaphore, #tpu.memory_space<semaphore_mem>>
      %dma_start3A_676 = arith.constant 0 : i32
      %dma_start3A_677 = tpu.memref_slice %arg14[%arg1, %dma_start3A_676] : memref<16x10240xf32, #tpu.memory_space<vmem_shared>> -> memref<1x10240xf32, #tpu.memory_space<vmem_shared>>
      %dma_start3A_678 = tpu.memref_squeeze %dma_start3A_677 : memref<1x10240xf32, #tpu.memory_space<vmem_shared>> -> memref<10240xf32, #tpu.memory_space<vmem_shared>>
      %dma_start3A_679 = arith.constant 0 : i32
      %dma_start3A_680 = tpu.memref_slice %arg14[%arg1, %dma_start3A_679] : memref<16x10240xf32, #tpu.memory_space<vmem_shared>> -> memref<1x10240xf32, #tpu.memory_space<vmem_shared>>
      %dma_start3A_681 = tpu.memref_squeeze %dma_start3A_680 : memref<1x10240xf32, #tpu.memory_space<vmem_shared>> -> memref<10240xf32, #tpu.memory_space<vmem_shared>>
      tpu.enqueue_dma source(%arg8 : memref<10240xf32, #tpu.memory_space<vmem>>) target(%dma_start3A_681 : memref<10240xf32, #tpu.memory_space<vmem_shared>>) target_semaphore(%run_scoped3A : memref<!tpu.dma_semaphore, #tpu.memory_space<semaphore_mem>>)
      %dma_wait3A_682 = arith.constant 0 : i32
      %dma_wait3A_683 = tpu.memref_slice %arg14[%arg1, %dma_wait3A_682] : memref<16x10240xf32, #tpu.memory_space<vmem_shared>> -> memref<1x10240xf32, #tpu.memory_space<vmem_shared>>
      %dma_wait3A_684 = tpu.memref_squeeze %dma_wait3A_683 : memref<1x10240xf32, #tpu.memory_space<vmem_shared>> -> memref<10240xf32, #tpu.memory_space<vmem_shared>>
      %dma_wait3A_685 = arith.constant 0 : i32
      %dma_wait3A_686 = tpu.memref_slice %arg14[%arg1, %dma_wait3A_685] : memref<16x10240xf32, #tpu.memory_space<vmem_shared>> -> memref<1x10240xf32, #tpu.memory_space<vmem_shared>>
      %dma_wait3A_687 = tpu.memref_squeeze %dma_wait3A_686 : memref<1x10240xf32, #tpu.memory_space<vmem_shared>> -> memref<10240xf32, #tpu.memory_space<vmem_shared>>
      tpu.wait_dma2 semaphore(%run_scoped3A : memref<!tpu.dma_semaphore, #tpu.memory_space<semaphore_mem>>) src(%arg8 : memref<10240xf32, #tpu.memory_space<vmem>>) dst(%dma_wait3A_687 : memref<10240xf32, #tpu.memory_space<vmem_shared>>)
      tpu.yield
    }) : () -> ()
    %barrier3A_388 = arith.constant 0 : index
    tpu.barrier barrier_id(%barrier3A_388)
    %mul3A_389 = arith.constant 2560 : i32
    %mul3A_390 = arith.muli %select_n3A_28, %mul3A_389 : i32
    %multiple_of3A_391 = tpu.assume_multiple %mul3A_390, 8 : i32
    %mul3A_392 = arith.constant 4 : i32
    %mul3A_393 = arith.muli %select_n3A, %mul3A_392 : i32
    "tpu.region"() ({
      %run_scoped3A = tpu.sem_alloc : memref<!tpu.dma_semaphore, #tpu.memory_space<semaphore_mem>>
      %dma_start3A_676 = tpu.memref_slice %arg14[%mul3A_393, %multiple_of3A_391] : memref<16x10240xf32, #tpu.memory_space<vmem_shared>> -> memref<4x2560xf32, #tpu.memory_space<vmem_shared>>
      %dma_start3A_677 = tpu.memref_slice %arg14[%mul3A_393, %multiple_of3A_391] : memref<16x10240xf32, #tpu.memory_space<vmem_shared>> -> memref<4x2560xf32, #tpu.memory_space<vmem_shared>>
      tpu.enqueue_dma source(%dma_start3A_677 : memref<4x2560xf32, #tpu.memory_space<vmem_shared>>) target(%arg12 : memref<4x2560xf32, #tpu.memory_space<vmem>>) target_semaphore(%run_scoped3A : memref<!tpu.dma_semaphore, #tpu.memory_space<semaphore_mem>>)
      %dma_wait3A_678 = tpu.memref_slice %arg14[%mul3A_393, %multiple_of3A_391] : memref<16x10240xf32, #tpu.memory_space<vmem_shared>> -> memref<4x2560xf32, #tpu.memory_space<vmem_shared>>
      %dma_wait3A_679 = tpu.memref_slice %arg14[%mul3A_393, %multiple_of3A_391] : memref<16x10240xf32, #tpu.memory_space<vmem_shared>> -> memref<4x2560xf32, #tpu.memory_space<vmem_shared>>
      tpu.wait_dma2 semaphore(%run_scoped3A : memref<!tpu.dma_semaphore, #tpu.memory_space<semaphore_mem>>) src(%dma_wait3A_679 : memref<4x2560xf32, #tpu.memory_space<vmem_shared>>) dst(%arg12 : memref<4x2560xf32, #tpu.memory_space<vmem>>)
      tpu.yield
    }) : () -> ()
    %scan3A_394 = arith.constant 0 : i32
    %scan3A_395 = arith.constant 0 : i32
    %scan3A_396 = arith.constant 160 : i32
    %scan3A_397 = arith.addi %scan3A_395, %scan3A_396 : i32
    %scan3A_398 = arith.constant 1 : i32
    scf.for %scan3A_676 = %scan3A_395 to %scan3A_397 step %scan3A_398  : i32 {
      %mul3A_677 = arith.constant 16 : i32
      %mul3A_678 = arith.muli %scan3A_676, %mul3A_677 : i32
      %get3A_679 = arith.constant 0 : i32
      %get3A_680 = arith.index_cast %get3A_679 : i32 to index
      %get3A_681 = arith.index_cast %mul3A_678 : i32 to index
      %get3A_682 = tpu.vector_load %arg12[%get3A_680, %get3A_681] {strides = array<i32>} : memref<4x2560xf32, #tpu.memory_space<vmem>>, vector<16xf32>,
      %get3A_683 = arith.constant 1 : i32
      %get3A_684 = arith.index_cast %get3A_683 : i32 to index
      %get3A_685 = arith.index_cast %mul3A_678 : i32 to index
      %get3A_686 = tpu.vector_load %arg12[%get3A_684, %get3A_685] {strides = array<i32>} : memref<4x2560xf32, #tpu.memory_space<vmem>>, vector<16xf32>,
      %get3A_687 = arith.constant 2 : i32
      %get3A_688 = arith.index_cast %get3A_687 : i32 to index
      %get3A_689 = arith.index_cast %mul3A_678 : i32 to index
      %get3A_690 = tpu.vector_load %arg12[%get3A_688, %get3A_689] {strides = array<i32>} : memref<4x2560xf32, #tpu.memory_space<vmem>>, vector<16xf32>,
      %get3A_691 = arith.constant 3 : i32
      %get3A_692 = arith.index_cast %get3A_691 : i32 to index
      %get3A_693 = arith.index_cast %mul3A_678 : i32 to index
      %get3A_694 = tpu.vector_load %arg12[%get3A_692, %get3A_693] {strides = array<i32>} : memref<4x2560xf32, #tpu.memory_space<vmem>>, vector<16xf32>,
      %add3A_695 = arith.addf %get3A_682, %get3A_686 : vector<16xf32>
      %add3A_696 = arith.addf %get3A_690, %get3A_694 : vector<16xf32>
      %add3A_697 = arith.addf %add3A_695, %add3A_696 : vector<16xf32>
      %swap3A = arith.index_cast %mul3A_678 : i32 to index
      %swap3A_698 = tpu.vector_load %arg13[%swap3A] {strides = array<i32>} : memref<2560xf32, #tpu.memory_space<vmem>>, vector<16xf32>,
      tpu.vector_store %arg13[%swap3A], %add3A_697 {strides = array<i32>} : memref<2560xf32, #tpu.memory_space<vmem>>, vector<16xf32>,
    }
    %scan3A_399 = arith.constant 160 : i32
    %scan3A_400 = arith.constant 0 : i32
    %scan3A_401 = arith.constant 0 : i32
    %scan3A_402 = arith.constant 40 : i32
    %scan3A_403 = arith.addi %scan3A_401, %scan3A_402 : i32
    %scan3A_404 = arith.constant 1 : i32
    scf.for %scan3A_676 = %scan3A_401 to %scan3A_403 step %scan3A_404  : i32 {
      %mul3A_677 = arith.constant 64 : i32
      %mul3A_678 = arith.muli %scan3A_676, %mul3A_677 : i32
      %add3A_679 = arith.constant 0 : i32
      %add3A_680 = arith.addi %mul3A_678, %add3A_679 : i32
      %mul3A_681 = arith.constant 64 : i32
      %mul3A_682 = arith.muli %scan3A_676, %mul3A_681 : i32
      %add3A_683 = arith.constant 16 : i32
      %add3A_684 = arith.addi %mul3A_682, %add3A_683 : i32
      %mul3A_685 = arith.constant 64 : i32
      %mul3A_686 = arith.muli %scan3A_676, %mul3A_685 : i32
      %add3A_687 = arith.constant 32 : i32
      %add3A_688 = arith.addi %mul3A_686, %add3A_687 : i32
      %mul3A_689 = arith.constant 64 : i32
      %mul3A_690 = arith.muli %scan3A_676, %mul3A_689 : i32
      %add3A_691 = arith.constant 48 : i32
      %add3A_692 = arith.addi %mul3A_690, %add3A_691 : i32
      %get3A_693 = arith.index_cast %add3A_680 : i32 to index
      %get3A_694 = tpu.vector_load %arg13[%get3A_693] {strides = array<i32>} : memref<2560xf32, #tpu.memory_space<vmem>>, vector<16xf32>,
      %get3A_695 = arith.index_cast %add3A_684 : i32 to index
      %get3A_696 = tpu.vector_load %arg13[%get3A_695] {strides = array<i32>} : memref<2560xf32, #tpu.memory_space<vmem>>, vector<16xf32>,
      %get3A_697 = arith.index_cast %add3A_688 : i32 to index
      %get3A_698 = tpu.vector_load %arg13[%get3A_697] {strides = array<i32>} : memref<2560xf32, #tpu.memory_space<vmem>>, vector<16xf32>,
      %get3A_699 = arith.index_cast %add3A_692 : i32 to index
      %get3A_700 = tpu.vector_load %arg13[%get3A_699] {strides = array<i32>} : memref<2560xf32, #tpu.memory_space<vmem>>, vector<16xf32>,
      %add3A_701 = arith.addi %multiple_of3A_391, %add3A_680 : i32
      %get3A_702 = arith.index_cast %add3A_701 : i32 to index
      %get3A_703 = tpu.vector_load %arg6[%get3A_702] {strides = array<i32>} : memref<10240xf32, #tpu.memory_space<vmem>>, vector<16xf32>,
      %add3A_704 = arith.addi %multiple_of3A_391, %add3A_684 : i32
      %get3A_705 = arith.index_cast %add3A_704 : i32 to index
      %get3A_706 = tpu.vector_load %arg6[%get3A_705] {strides = array<i32>} : memref<10240xf32, #tpu.memory_space<vmem>>, vector<16xf32>,
      %add3A_707 = arith.addi %multiple_of3A_391, %add3A_688 : i32
      %get3A_708 = arith.index_cast %add3A_707 : i32 to index
      %get3A_709 = tpu.vector_load %arg6[%get3A_708] {strides = array<i32>} : memref<10240xf32, #tpu.memory_space<vmem>>, vector<16xf32>,
      %add3A_710 = arith.addi %multiple_of3A_391, %add3A_692 : i32
      %get3A_711 = arith.index_cast %add3A_710 : i32 to index
      %get3A_712 = tpu.vector_load %arg6[%get3A_711] {strides = array<i32>} : memref<10240xf32, #tpu.memory_space<vmem>>, vector<16xf32>,
      %add3A_713 = arith.addi %multiple_of3A_391, %add3A_680 : i32
      %get3A_714 = arith.index_cast %add3A_713 : i32 to index
      %get3A_715 = tpu.vector_load %arg7[%get3A_714] {strides = array<i32>} : memref<10240xf32, #tpu.memory_space<vmem>>, vector<16xf32>,
      %add3A_716 = arith.addi %multiple_of3A_391, %add3A_684 : i32
      %get3A_717 = arith.index_cast %add3A_716 : i32 to index
      %get3A_718 = tpu.vector_load %arg7[%get3A_717] {strides = array<i32>} : memref<10240xf32, #tpu.memory_space<vmem>>, vector<16xf32>,
      %add3A_719 = arith.addi %multiple_of3A_391, %add3A_688 : i32
      %get3A_720 = arith.index_cast %add3A_719 : i32 to index
      %get3A_721 = tpu.vector_load %arg7[%get3A_720] {strides = array<i32>} : memref<10240xf32, #tpu.memory_space<vmem>>, vector<16xf32>,
      %add3A_722 = arith.addi %multiple_of3A_391, %add3A_692 : i32
      %get3A_723 = arith.index_cast %add3A_722 : i32 to index
      %get3A_724 = tpu.vector_load %arg7[%get3A_723] {strides = array<i32>} : memref<10240xf32, #tpu.memory_space<vmem>>, vector<16xf32>,
      %mul3A_725 = arith.mulf %get3A_703, %get3A_703 : vector<16xf32>
      %add3A_726 = arith.addf %get3A_694, %get3A_715 : vector<16xf32>
      %mul3A_727 = arith.mulf %mul3A_725, %add3A_726 : vector<16xf32>
      %swap3A = arith.index_cast %add3A_680 : i32 to index
      %swap3A_728 = tpu.vector_load %arg13[%swap3A] {strides = array<i32>} : memref<2560xf32, #tpu.memory_space<vmem>>, vector<16xf32>,
      tpu.vector_store %arg13[%swap3A], %mul3A_727 {strides = array<i32>} : memref<2560xf32, #tpu.memory_space<vmem>>, vector<16xf32>,
      %mul3A_729 = arith.mulf %get3A_706, %get3A_706 : vector<16xf32>
      %add3A_730 = arith.addf %get3A_696, %get3A_718 : vector<16xf32>
      %mul3A_731 = arith.mulf %mul3A_729, %add3A_730 : vector<16xf32>
      %swap3A_732 = arith.index_cast %add3A_684 : i32 to index
      %swap3A_733 = tpu.vector_load %arg13[%swap3A_732] {strides = array<i32>} : memref<2560xf32, #tpu.memory_space<vmem>>, vector<16xf32>,
      tpu.vector_store %arg13[%swap3A_732], %mul3A_731 {strides = array<i32>} : memref<2560xf32, #tpu.memory_space<vmem>>, vector<16xf32>,
      %mul3A_734 = arith.mulf %get3A_709, %get3A_709 : vector<16xf32>
      %add3A_735 = arith.addf %get3A_698, %get3A_721 : vector<16xf32>
      %mul3A_736 = arith.mulf %mul3A_734, %add3A_735 : vector<16xf32>
      %swap3A_737 = arith.index_cast %add3A_688 : i32 to index
      %swap3A_738 = tpu.vector_load %arg13[%swap3A_737] {strides = array<i32>} : memref<2560xf32, #tpu.memory_space<vmem>>, vector<16xf32>,
      tpu.vector_store %arg13[%swap3A_737], %mul3A_736 {strides = array<i32>} : memref<2560xf32, #tpu.memory_space<vmem>>, vector<16xf32>,
      %mul3A_739 = arith.mulf %get3A_712, %get3A_712 : vector<16xf32>
      %add3A_740 = arith.addf %get3A_700, %get3A_724 : vector<16xf32>
      %mul3A_741 = arith.mulf %mul3A_739, %add3A_740 : vector<16xf32>
      %swap3A_742 = arith.index_cast %add3A_692 : i32 to index
      %swap3A_743 = tpu.vector_load %arg13[%swap3A_742] {strides = array<i32>} : memref<2560xf32, #tpu.memory_space<vmem>>, vector<16xf32>,
      tpu.vector_store %arg13[%swap3A_742], %mul3A_741 {strides = array<i32>} : memref<2560xf32, #tpu.memory_space<vmem>>, vector<16xf32>,
    }
    %scan3A_405 = arith.constant 40 : i32
    "tpu.region"() ({
      %run_scoped3A = tpu.sem_alloc : memref<!tpu.dma_semaphore, #tpu.memory_space<semaphore_mem>>
      %dma_start3A_676 = tpu.memref_slice %arg17[%select_n3A, %multiple_of3A_391] : memref<4x10240xf32, #tpu.memory_space<vmem_shared>> -> memref<1x2560xf32, #tpu.memory_space<vmem_shared>>
      %dma_start3A_677 = tpu.memref_squeeze %dma_start3A_676 : memref<1x2560xf32, #tpu.memory_space<vmem_shared>> -> memref<2560xf32, #tpu.memory_space<vmem_shared>>
      %dma_start3A_678 = tpu.memref_slice %arg17[%select_n3A, %multiple_of3A_391] : memref<4x10240xf32, #tpu.memory_space<vmem_shared>> -> memref<1x2560xf32, #tpu.memory_space<vmem_shared>>
      %dma_start3A_679 = tpu.memref_squeeze %dma_start3A_678 : memref<1x2560xf32, #tpu.memory_space<vmem_shared>> -> memref<2560xf32, #tpu.memory_space<vmem_shared>>
      tpu.enqueue_dma source(%arg13 : memref<2560xf32, #tpu.memory_space<vmem>>) target(%dma_start3A_679 : memref<2560xf32, #tpu.memory_space<vmem_shared>>) target_semaphore(%run_scoped3A : memref<!tpu.dma_semaphore, #tpu.memory_space<semaphore_mem>>)
      %dma_wait3A_680 = tpu.memref_slice %arg17[%select_n3A, %multiple_of3A_391] : memref<4x10240xf32, #tpu.memory_space<vmem_shared>> -> memref<1x2560xf32, #tpu.memory_space<vmem_shared>>
      %dma_wait3A_681 = tpu.memref_squeeze %dma_wait3A_680 : memref<1x2560xf32, #tpu.memory_space<vmem_shared>> -> memref<2560xf32, #tpu.memory_space<vmem_shared>>
      %dma_wait3A_682 = tpu.memref_slice %arg17[%select_n3A, %multiple_of3A_391] : memref<4x10240xf32, #tpu.memory_space<vmem_shared>> -> memref<1x2560xf32, #tpu.memory_space<vmem_shared>>
      %dma_wait3A_683 = tpu.memref_squeeze %dma_wait3A_682 : memref<1x2560xf32, #tpu.memory_space<vmem_shared>> -> memref<2560xf32, #tpu.memory_space<vmem_shared>>
      tpu.wait_dma2 semaphore(%run_scoped3A : memref<!tpu.dma_semaphore, #tpu.memory_space<semaphore_mem>>) src(%arg13 : memref<2560xf32, #tpu.memory_space<vmem>>) dst(%dma_wait3A_683 : memref<2560xf32, #tpu.memory_space<vmem_shared>>)
      tpu.yield
    }) : () -> ()
    %convert_element_type3A_406 = arith.extui %eq3A_32 : i1 to i32
    %cond3A_407 = arith.constant 0 : i32
    %cond3A_408 = arith.cmpi ne, %convert_element_type3A_406, %cond3A_407 : i32
    scf.if %cond3A_408 {
      "tpu.region"() ({
        %run_scoped3A_682 = tpu.sem_alloc : memref<!tpu.dma_semaphore, #tpu.memory_space<semaphore_mem>>
        %dma_start3A_683 = arith.constant 0 : i32
        %dma_start3A_684 = tpu.memref_slice %arg15[%dma_start3A_683, %multiple_of3A_113] : memref<16x10240xf32, #tpu.memory_space<vmem_shared>> -> memref<16x640xf32, #tpu.memory_space<vmem_shared>>
        %dma_start3A_685 = arith.constant 0 : i32
        %dma_start3A_686 = tpu.memref_slice %arg15[%dma_start3A_685, %multiple_of3A_113] : memref<16x10240xf32, #tpu.memory_space<vmem_shared>> -> memref<16x640xf32, #tpu.memory_space<vmem_shared>>
        tpu.enqueue_dma source(%dma_start3A_686 : memref<16x640xf32, #tpu.memory_space<vmem_shared>>) target(%arg11 : memref<16x640xf32, #tpu.memory_space<vmem>>) target_semaphore(%run_scoped3A_682 : memref<!tpu.dma_semaphore, #tpu.memory_space<semaphore_mem>>)
        %dma_wait3A_687 = arith.constant 0 : i32
        %dma_wait3A_688 = tpu.memref_slice %arg15[%dma_wait3A_687, %multiple_of3A_113] : memref<16x10240xf32, #tpu.memory_space<vmem_shared>> -> memref<16x640xf32, #tpu.memory_space<vmem_shared>>
        %dma_wait3A_689 = arith.constant 0 : i32
        %dma_wait3A_690 = tpu.memref_slice %arg15[%dma_wait3A_689, %multiple_of3A_113] : memref<16x10240xf32, #tpu.memory_space<vmem_shared>> -> memref<16x640xf32, #tpu.memory_space<vmem_shared>>
        tpu.wait_dma2 semaphore(%run_scoped3A_682 : memref<!tpu.dma_semaphore, #tpu.memory_space<semaphore_mem>>) src(%dma_wait3A_690 : memref<16x640xf32, #tpu.memory_space<vmem_shared>>) dst(%arg11 : memref<16x640xf32, #tpu.memory_space<vmem>>)
        tpu.yield
      }) : () -> ()
      %scan3A_676 = arith.constant 0 : i32
      %scan3A_677 = arith.constant 0 : i32
      %scan3A_678 = arith.constant 40 : i32
      %scan3A_679 = arith.addi %scan3A_677, %scan3A_678 : i32
      %scan3A_680 = arith.constant 1 : i32
      scf.for %scan3A_682 = %scan3A_677 to %scan3A_679 step %scan3A_680  : i32 {
        %mul3A_683 = arith.constant 16 : i32
        %mul3A_684 = arith.muli %scan3A_682, %mul3A_683 : i32
        %get3A_685 = arith.constant 0 : i32
        %get3A_686 = arith.index_cast %get3A_685 : i32 to index
        %get3A_687 = arith.index_cast %mul3A_684 : i32 to index
        %get3A_688 = tpu.vector_load %arg11[%get3A_686, %get3A_687] {strides = array<i32>} : memref<16x640xf32, #tpu.memory_space<vmem>>, vector<16xf32>,
        %get3A_689 = arith.constant 1 : i32
        %get3A_690 = arith.index_cast %get3A_689 : i32 to index
        %get3A_691 = arith.index_cast %mul3A_684 : i32 to index
        %get3A_692 = tpu.vector_load %arg11[%get3A_690, %get3A_691] {strides = array<i32>} : memref<16x640xf32, #tpu.memory_space<vmem>>, vector<16xf32>,
        %get3A_693 = arith.constant 2 : i32
        %get3A_694 = arith.index_cast %get3A_693 : i32 to index
        %get3A_695 = arith.index_cast %mul3A_684 : i32 to index
        %get3A_696 = tpu.vector_load %arg11[%get3A_694, %get3A_695] {strides = array<i32>} : memref<16x640xf32, #tpu.memory_space<vmem>>, vector<16xf32>,
        %get3A_697 = arith.constant 3 : i32
        %get3A_698 = arith.index_cast %get3A_697 : i32 to index
        %get3A_699 = arith.index_cast %mul3A_684 : i32 to index
        %get3A_700 = tpu.vector_load %arg11[%get3A_698, %get3A_699] {strides = array<i32>} : memref<16x640xf32, #tpu.memory_space<vmem>>, vector<16xf32>,
        %get3A_701 = arith.constant 4 : i32
        %get3A_702 = arith.index_cast %get3A_701 : i32 to index
        %get3A_703 = arith.index_cast %mul3A_684 : i32 to index
        %get3A_704 = tpu.vector_load %arg11[%get3A_702, %get3A_703] {strides = array<i32>} : memref<16x640xf32, #tpu.memory_space<vmem>>, vector<16xf32>,
        %get3A_705 = arith.constant 5 : i32
        %get3A_706 = arith.index_cast %get3A_705 : i32 to index
        %get3A_707 = arith.index_cast %mul3A_684 : i32 to index
        %get3A_708 = tpu.vector_load %arg11[%get3A_706, %get3A_707] {strides = array<i32>} : memref<16x640xf32, #tpu.memory_space<vmem>>, vector<16xf32>,
        %get3A_709 = arith.constant 6 : i32
        %get3A_710 = arith.index_cast %get3A_709 : i32 to index
        %get3A_711 = arith.index_cast %mul3A_684 : i32 to index
        %get3A_712 = tpu.vector_load %arg11[%get3A_710, %get3A_711] {strides = array<i32>} : memref<16x640xf32, #tpu.memory_space<vmem>>, vector<16xf32>,
        %get3A_713 = arith.constant 7 : i32
        %get3A_714 = arith.index_cast %get3A_713 : i32 to index
        %get3A_715 = arith.index_cast %mul3A_684 : i32 to index
        %get3A_716 = tpu.vector_load %arg11[%get3A_714, %get3A_715] {strides = array<i32>} : memref<16x640xf32, #tpu.memory_space<vmem>>, vector<16xf32>,
        %get3A_717 = arith.constant 8 : i32
        %get3A_718 = arith.index_cast %get3A_717 : i32 to index
        %get3A_719 = arith.index_cast %mul3A_684 : i32 to index
        %get3A_720 = tpu.vector_load %arg11[%get3A_718, %get3A_719] {strides = array<i32>} : memref<16x640xf32, #tpu.memory_space<vmem>>, vector<16xf32>,
        %get3A_721 = arith.constant 9 : i32
        %get3A_722 = arith.index_cast %get3A_721 : i32 to index
        %get3A_723 = arith.index_cast %mul3A_684 : i32 to index
        %get3A_724 = tpu.vector_load %arg11[%get3A_722, %get3A_723] {strides = array<i32>} : memref<16x640xf32, #tpu.memory_space<vmem>>, vector<16xf32>,
        %get3A_725 = arith.constant 10 : i32
        %get3A_726 = arith.index_cast %get3A_725 : i32 to index
        %get3A_727 = arith.index_cast %mul3A_684 : i32 to index
        %get3A_728 = tpu.vector_load %arg11[%get3A_726, %get3A_727] {strides = array<i32>} : memref<16x640xf32, #tpu.memory_space<vmem>>, vector<16xf32>,
        %get3A_729 = arith.constant 11 : i32
        %get3A_730 = arith.index_cast %get3A_729 : i32 to index
        %get3A_731 = arith.index_cast %mul3A_684 : i32 to index
        %get3A_732 = tpu.vector_load %arg11[%get3A_730, %get3A_731] {strides = array<i32>} : memref<16x640xf32, #tpu.memory_space<vmem>>, vector<16xf32>,
        %get3A_733 = arith.constant 12 : i32
        %get3A_734 = arith.index_cast %get3A_733 : i32 to index
        %get3A_735 = arith.index_cast %mul3A_684 : i32 to index
        %get3A_736 = tpu.vector_load %arg11[%get3A_734, %get3A_735] {strides = array<i32>} : memref<16x640xf32, #tpu.memory_space<vmem>>, vector<16xf32>,
        %get3A_737 = arith.constant 13 : i32
        %get3A_738 = arith.index_cast %get3A_737 : i32 to index
        %get3A_739 = arith.index_cast %mul3A_684 : i32 to index
        %get3A_740 = tpu.vector_load %arg11[%get3A_738, %get3A_739] {strides = array<i32>} : memref<16x640xf32, #tpu.memory_space<vmem>>, vector<16xf32>,
        %get3A_741 = arith.constant 14 : i32
        %get3A_742 = arith.index_cast %get3A_741 : i32 to index
        %get3A_743 = arith.index_cast %mul3A_684 : i32 to index
        %get3A_744 = tpu.vector_load %arg11[%get3A_742, %get3A_743] {strides = array<i32>} : memref<16x640xf32, #tpu.memory_space<vmem>>, vector<16xf32>,
        %get3A_745 = arith.constant 15 : i32
        %get3A_746 = arith.index_cast %get3A_745 : i32 to index
        %get3A_747 = arith.index_cast %mul3A_684 : i32 to index
        %get3A_748 = tpu.vector_load %arg11[%get3A_746, %get3A_747] {strides = array<i32>} : memref<16x640xf32, #tpu.memory_space<vmem>>, vector<16xf32>,
        %add3A_749 = arith.addf %get3A_688, %get3A_692 : vector<16xf32>
        %add3A_750 = arith.addf %get3A_696, %get3A_700 : vector<16xf32>
        %add3A_751 = arith.addf %add3A_749, %add3A_750 : vector<16xf32>
        %add3A_752 = arith.addf %get3A_704, %get3A_708 : vector<16xf32>
        %add3A_753 = arith.addf %get3A_712, %get3A_716 : vector<16xf32>
        %add3A_754 = arith.addf %add3A_752, %add3A_753 : vector<16xf32>
        %add3A_755 = arith.addf %add3A_751, %add3A_754 : vector<16xf32>
        %add3A_756 = arith.addf %get3A_720, %get3A_724 : vector<16xf32>
        %add3A_757 = arith.addf %get3A_728, %get3A_732 : vector<16xf32>
        %add3A_758 = arith.addf %add3A_756, %add3A_757 : vector<16xf32>
        %add3A_759 = arith.addf %get3A_736, %get3A_740 : vector<16xf32>
        %add3A_760 = arith.addf %get3A_744, %get3A_748 : vector<16xf32>
        %add3A_761 = arith.addf %add3A_759, %add3A_760 : vector<16xf32>
        %add3A_762 = arith.addf %add3A_758, %add3A_761 : vector<16xf32>
        %add3A_763 = arith.addi %multiple_of3A_113, %mul3A_684 : i32
        %get3A_764 = arith.index_cast %add3A_763 : i32 to index
        %get3A_765 = tpu.vector_load %arg6[%get3A_764] {strides = array<i32>} : memref<10240xf32, #tpu.memory_space<vmem>>, vector<16xf32>,
        %add3A_766 = arith.addf %add3A_755, %add3A_762 : vector<16xf32>
        %add3A_767 = arith.addf %add3A_766, %get3A_765 : vector<16xf32>
        %mul3A_768 = arith.mulf %get3A_765, %add3A_767 : vector<16xf32>
        %swap3A = arith.constant 0 : i32
        %swap3A_769 = arith.index_cast %swap3A : i32 to index
        %swap3A_770 = arith.index_cast %mul3A_684 : i32 to index
        %swap3A_771 = tpu.vector_load %arg11[%swap3A_769, %swap3A_770] {strides = array<i32>} : memref<16x640xf32, #tpu.memory_space<vmem>>, vector<16xf32>,
        tpu.vector_store %arg11[%swap3A_769, %swap3A_770], %mul3A_768 {strides = array<i32>} : memref<16x640xf32, #tpu.memory_space<vmem>>, vector<16xf32>,
      }
      %scan3A_681 = arith.constant 40 : i32
      %run_scoped3A = arith.constant 0 : i32
      "tpu.region"() ({
        %run_scoped3A_682 = tpu.sem_alloc : memref<!tpu.dma_semaphore, #tpu.memory_space<semaphore_mem>>
        %dma_start3A_683 = arith.constant 0 : i32
        %dma_start3A_684 = tpu.memref_slice %arg11[%run_scoped3A, %dma_start3A_683] : memref<16x640xf32, #tpu.memory_space<vmem>> -> memref<1x640xf32, #tpu.memory_space<vmem>>
        %dma_start3A_685 = tpu.memref_squeeze %dma_start3A_684 : memref<1x640xf32, #tpu.memory_space<vmem>> -> memref<640xf32, #tpu.memory_space<vmem>>
        %dma_start3A_686 = tpu.memref_slice %arg5[%multiple_of3A_113] : memref<10240xf32, #tpu.memory_space<hbm>> -> memref<640xf32, #tpu.memory_space<hbm>>
        %dma_start3A_687 = tpu.memref_slice %arg5[%multiple_of3A_113] : memref<10240xf32, #tpu.memory_space<hbm>> -> memref<640xf32, #tpu.memory_space<hbm>>
        %dma_start3A_688 = arith.constant 0 : i32
        %dma_start3A_689 = tpu.memref_slice %arg11[%run_scoped3A, %dma_start3A_688] : memref<16x640xf32, #tpu.memory_space<vmem>> -> memref<1x640xf32, #tpu.memory_space<vmem>>
        %dma_start3A_690 = tpu.memref_squeeze %dma_start3A_689 : memref<1x640xf32, #tpu.memory_space<vmem>> -> memref<640xf32, #tpu.memory_space<vmem>>
        tpu.enqueue_dma source(%dma_start3A_690 : memref<640xf32, #tpu.memory_space<vmem>>) target(%dma_start3A_687 : memref<640xf32, #tpu.memory_space<hbm>>) target_semaphore(%run_scoped3A_682 : memref<!tpu.dma_semaphore, #tpu.memory_space<semaphore_mem>>)
        %dma_wait3A_691 = arith.constant 0 : i32
        %dma_wait3A_692 = tpu.memref_slice %arg11[%run_scoped3A, %dma_wait3A_691] : memref<16x640xf32, #tpu.memory_space<vmem>> -> memref<1x640xf32, #tpu.memory_space<vmem>>
        %dma_wait3A_693 = tpu.memref_squeeze %dma_wait3A_692 : memref<1x640xf32, #tpu.memory_space<vmem>> -> memref<640xf32, #tpu.memory_space<vmem>>
        %dma_wait3A_694 = tpu.memref_slice %arg5[%multiple_of3A_113] : memref<10240xf32, #tpu.memory_space<hbm>> -> memref<640xf32, #tpu.memory_space<hbm>>
        %dma_wait3A_695 = tpu.memref_slice %arg5[%multiple_of3A_113] : memref<10240xf32, #tpu.memory_space<hbm>> -> memref<640xf32, #tpu.memory_space<hbm>>
        %dma_wait3A_696 = arith.constant 0 : i32
        %dma_wait3A_697 = tpu.memref_slice %arg11[%run_scoped3A, %dma_wait3A_696] : memref<16x640xf32, #tpu.memory_space<vmem>> -> memref<1x640xf32, #tpu.memory_space<vmem>>
        %dma_wait3A_698 = tpu.memref_squeeze %dma_wait3A_697 : memref<1x640xf32, #tpu.memory_space<vmem>> -> memref<640xf32, #tpu.memory_space<vmem>>
        tpu.wait_dma2 semaphore(%run_scoped3A_682 : memref<!tpu.dma_semaphore, #tpu.memory_space<semaphore_mem>>) src(%dma_wait3A_698 : memref<640xf32, #tpu.memory_space<vmem>>) dst(%dma_wait3A_695 : memref<640xf32, #tpu.memory_space<hbm>>)
        tpu.yield
      }) : () -> ()
    } else {
    }
    %barrier3A_409 = arith.constant 0 : index
    tpu.barrier barrier_id(%barrier3A_409)
    "tpu.region"() ({
      %run_scoped3A = tpu.sem_alloc : memref<!tpu.dma_semaphore, #tpu.memory_space<semaphore_mem>>
      %dma_start3A_676 = arith.constant 0 : i32
      %dma_start3A_677 = tpu.memref_slice %arg17[%select_n3A, %dma_start3A_676] : memref<4x10240xf32, #tpu.memory_space<vmem_shared>> -> memref<1x10240xf32, #tpu.memory_space<vmem_shared>>
      %dma_start3A_678 = tpu.memref_squeeze %dma_start3A_677 : memref<1x10240xf32, #tpu.memory_space<vmem_shared>> -> memref<10240xf32, #tpu.memory_space<vmem_shared>>
      %dma_start3A_679 = arith.constant 0 : i32
      %dma_start3A_680 = tpu.memref_slice %arg17[%select_n3A, %dma_start3A_679] : memref<4x10240xf32, #tpu.memory_space<vmem_shared>> -> memref<1x10240xf32, #tpu.memory_space<vmem_shared>>
      %dma_start3A_681 = tpu.memref_squeeze %dma_start3A_680 : memref<1x10240xf32, #tpu.memory_space<vmem_shared>> -> memref<10240xf32, #tpu.memory_space<vmem_shared>>
      tpu.enqueue_dma source(%dma_start3A_681 : memref<10240xf32, #tpu.memory_space<vmem_shared>>) target(%arg7 : memref<10240xf32, #tpu.memory_space<vmem>>) target_semaphore(%run_scoped3A : memref<!tpu.dma_semaphore, #tpu.memory_space<semaphore_mem>>)
      %dma_wait3A_682 = arith.constant 0 : i32
      %dma_wait3A_683 = tpu.memref_slice %arg17[%select_n3A, %dma_wait3A_682] : memref<4x10240xf32, #tpu.memory_space<vmem_shared>> -> memref<1x10240xf32, #tpu.memory_space<vmem_shared>>
      %dma_wait3A_684 = tpu.memref_squeeze %dma_wait3A_683 : memref<1x10240xf32, #tpu.memory_space<vmem_shared>> -> memref<10240xf32, #tpu.memory_space<vmem_shared>>
      %dma_wait3A_685 = arith.constant 0 : i32
      %dma_wait3A_686 = tpu.memref_slice %arg17[%select_n3A, %dma_wait3A_685] : memref<4x10240xf32, #tpu.memory_space<vmem_shared>> -> memref<1x10240xf32, #tpu.memory_space<vmem_shared>>
      %dma_wait3A_687 = tpu.memref_squeeze %dma_wait3A_686 : memref<1x10240xf32, #tpu.memory_space<vmem_shared>> -> memref<10240xf32, #tpu.memory_space<vmem_shared>>
      tpu.wait_dma2 semaphore(%run_scoped3A : memref<!tpu.dma_semaphore, #tpu.memory_space<semaphore_mem>>) src(%dma_wait3A_687 : memref<10240xf32, #tpu.memory_space<vmem_shared>>) dst(%arg7 : memref<10240xf32, #tpu.memory_space<vmem>>)
      tpu.yield
    }) : () -> ()
    %scan3A_410 = arith.constant 0 : i32
    %scan3A_411 = arith.constant 0 : i32
    %scan3A_412 = arith.constant 160 : i32
    %scan3A_413 = arith.addi %scan3A_411, %scan3A_412 : i32
    %scan3A_414 = arith.constant 1 : i32
    scf.for %scan3A_676 = %scan3A_411 to %scan3A_413 step %scan3A_414  : i32 {
      %mul3A_677 = arith.constant 64 : i32
      %mul3A_678 = arith.muli %scan3A_676, %mul3A_677 : i32
      %add3A_679 = arith.constant 0 : i32
      %add3A_680 = arith.addi %mul3A_678, %add3A_679 : i32
      %swap3A = arith.index_cast %add3A_680 : i32 to index
      %swap3A_681 = tpu.vector_load %arg8[%swap3A] {strides = array<i32>} : memref<10240xf32, #tpu.memory_space<vmem>>, vector<16xf32>,
      tpu.vector_store %arg8[%swap3A], %broadcast_in_dim3A_33 {strides = array<i32>} : memref<10240xf32, #tpu.memory_space<vmem>>, vector<16xf32>,
      %mul3A_682 = arith.constant 64 : i32
      %mul3A_683 = arith.muli %scan3A_676, %mul3A_682 : i32
      %add3A_684 = arith.constant 16 : i32
      %add3A_685 = arith.addi %mul3A_683, %add3A_684 : i32
      %swap3A_686 = arith.index_cast %add3A_685 : i32 to index
      %swap3A_687 = tpu.vector_load %arg8[%swap3A_686] {strides = array<i32>} : memref<10240xf32, #tpu.memory_space<vmem>>, vector<16xf32>,
      tpu.vector_store %arg8[%swap3A_686], %broadcast_in_dim3A_33 {strides = array<i32>} : memref<10240xf32, #tpu.memory_space<vmem>>, vector<16xf32>,
      %mul3A_688 = arith.constant 64 : i32
      %mul3A_689 = arith.muli %scan3A_676, %mul3A_688 : i32
      %add3A_690 = arith.constant 32 : i32
      %add3A_691 = arith.addi %mul3A_689, %add3A_690 : i32
      %swap3A_692 = arith.index_cast %add3A_691 : i32 to index
      %swap3A_693 = tpu.vector_load %arg8[%swap3A_692] {strides = array<i32>} : memref<10240xf32, #tpu.memory_space<vmem>>, vector<16xf32>,
      tpu.vector_store %arg8[%swap3A_692], %broadcast_in_dim3A_33 {strides = array<i32>} : memref<10240xf32, #tpu.memory_space<vmem>>, vector<16xf32>,
      %mul3A_694 = arith.constant 64 : i32
      %mul3A_695 = arith.muli %scan3A_676, %mul3A_694 : i32
      %add3A_696 = arith.constant 48 : i32
      %add3A_697 = arith.addi %mul3A_695, %add3A_696 : i32
      %swap3A_698 = arith.index_cast %add3A_697 : i32 to index
      %swap3A_699 = tpu.vector_load %arg8[%swap3A_698] {strides = array<i32>} : memref<10240xf32, #tpu.memory_space<vmem>>, vector<16xf32>,
      tpu.vector_store %arg8[%swap3A_698], %broadcast_in_dim3A_33 {strides = array<i32>} : memref<10240xf32, #tpu.memory_space<vmem>>, vector<16xf32>,
    }
    %scan3A_415 = arith.constant 160 : i32
    %add3A_416 = arith.constant 0 : i32
    %add3A_417 = arith.addi %multiple_of3A_137, %add3A_416 : i32
    %multiple_of3A_418 = tpu.assume_multiple %add3A_417, 8 : i32
    %dma_start3A_419 = arith.constant 0 : i32
    %dma_start3A_420 = tpu.memref_slice %arg10[%dma_start3A_419] : memref<16000xi32, #tpu.memory_space<vmem>> -> memref<8000xi32, #tpu.memory_space<vmem>>
    %dma_start3A_421 = tpu.memref_slice %arg2[%multiple_of3A_418] : memref<160000xi32, #tpu.memory_space<hbm>> -> memref<8000xi32, #tpu.memory_space<hbm>>
    %dma_start3A_422 = arith.constant 0 : i32
    %dma_start3A_423 = tpu.memref_slice %arg10[%dma_start3A_422] : memref<16000xi32, #tpu.memory_space<vmem>> -> memref<8000xi32, #tpu.memory_space<vmem>>
    %dma_start3A_424 = tpu.memref_slice %arg2[%multiple_of3A_418] : memref<160000xi32, #tpu.memory_space<hbm>> -> memref<8000xi32, #tpu.memory_space<hbm>>
    tpu.enqueue_dma source(%dma_start3A_424 : memref<8000xi32, #tpu.memory_space<hbm>>) target(%dma_start3A_423 : memref<8000xi32, #tpu.memory_space<vmem>>) target_semaphore(%arg18 : memref<!tpu.dma_semaphore, #tpu.memory_space<semaphore_mem>>)
    %add3A_425 = arith.constant 8000 : i32
    %add3A_426 = arith.addi %multiple_of3A_137, %add3A_425 : i32
    %multiple_of3A_427 = tpu.assume_multiple %add3A_426, 8 : i32
    %dma_start3A_428 = arith.constant 8000 : i32
    %dma_start3A_429 = tpu.memref_slice %arg10[%dma_start3A_428] : memref<16000xi32, #tpu.memory_space<vmem>> -> memref<8000xi32, #tpu.memory_space<vmem>>
    %dma_start3A_430 = tpu.memref_slice %arg2[%multiple_of3A_427] : memref<160000xi32, #tpu.memory_space<hbm>> -> memref<8000xi32, #tpu.memory_space<hbm>>
    %dma_start3A_431 = arith.constant 8000 : i32
    %dma_start3A_432 = tpu.memref_slice %arg10[%dma_start3A_431] : memref<16000xi32, #tpu.memory_space<vmem>> -> memref<8000xi32, #tpu.memory_space<vmem>>
    %dma_start3A_433 = tpu.memref_slice %arg2[%multiple_of3A_427] : memref<160000xi32, #tpu.memory_space<hbm>> -> memref<8000xi32, #tpu.memory_space<hbm>>
    tpu.enqueue_dma source(%dma_start3A_433 : memref<8000xi32, #tpu.memory_space<hbm>>) target(%dma_start3A_432 : memref<8000xi32, #tpu.memory_space<vmem>>) target_semaphore(%arg19 : memref<!tpu.dma_semaphore, #tpu.memory_space<semaphore_mem>>)
    %dma_wait3A_434 = arith.constant 0 : i32
    %dma_wait3A_435 = tpu.memref_slice %arg10[%dma_wait3A_434] : memref<16000xi32, #tpu.memory_space<vmem>> -> memref<8000xi32, #tpu.memory_space<vmem>>
    %dma_wait3A_436 = tpu.memref_slice %arg2[%multiple_of3A_418] : memref<160000xi32, #tpu.memory_space<hbm>> -> memref<8000xi32, #tpu.memory_space<hbm>>
    %dma_wait3A_437 = arith.constant 0 : i32
    %dma_wait3A_438 = tpu.memref_slice %arg10[%dma_wait3A_437] : memref<16000xi32, #tpu.memory_space<vmem>> -> memref<8000xi32, #tpu.memory_space<vmem>>
    %dma_wait3A_439 = tpu.memref_slice %arg2[%multiple_of3A_418] : memref<160000xi32, #tpu.memory_space<hbm>> -> memref<8000xi32, #tpu.memory_space<hbm>>
    tpu.wait_dma2 semaphore(%arg18 : memref<!tpu.dma_semaphore, #tpu.memory_space<semaphore_mem>>) src(%dma_wait3A_439 : memref<8000xi32, #tpu.memory_space<hbm>>) dst(%dma_wait3A_438 : memref<8000xi32, #tpu.memory_space<vmem>>)
    %scan3A_440 = arith.constant 0 : i32
    %scan3A_441 = arith.constant 0 : i32
    %scan3A_442 = arith.constant 62 : i32
    %scan3A_443 = arith.addi %scan3A_441, %scan3A_442 : i32
    %scan3A_444 = arith.constant 1 : i32
    scf.for %scan3A_676 = %scan3A_441 to %scan3A_443 step %scan3A_444  : i32 {
      %mul3A_677 = arith.constant 128 : i32
      %mul3A_678 = arith.muli %scan3A_676, %mul3A_677 : i32
      %add3A_679 = arith.constant 0 : i32
      %add3A_680 = arith.addi %add3A_679, %mul3A_678 : i32
      %add3A_681 = arith.constant 0 : i32
      %add3A_682 = arith.addi %add3A_680, %add3A_681 : i32
      %get3A_683 = arith.index_cast %add3A_682 : i32 to index
      %get3A_684 = tpu.vector_load %arg10[%get3A_683] {strides = array<i32>} : memref<16000xi32, #tpu.memory_space<vmem>>, vector<16xi32>,
      %add3A_685 = arith.constant 16 : i32
      %add3A_686 = arith.addi %add3A_680, %add3A_685 : i32
      %get3A_687 = arith.index_cast %add3A_686 : i32 to index
      %get3A_688 = tpu.vector_load %arg10[%get3A_687] {strides = array<i32>} : memref<16000xi32, #tpu.memory_space<vmem>>, vector<16xi32>,
      %add3A_689 = arith.constant 32 : i32
      %add3A_690 = arith.addi %add3A_680, %add3A_689 : i32
      %get3A_691 = arith.index_cast %add3A_690 : i32 to index
      %get3A_692 = tpu.vector_load %arg10[%get3A_691] {strides = array<i32>} : memref<16000xi32, #tpu.memory_space<vmem>>, vector<16xi32>,
      %add3A_693 = arith.constant 48 : i32
      %add3A_694 = arith.addi %add3A_680, %add3A_693 : i32
      %get3A_695 = arith.index_cast %add3A_694 : i32 to index
      %get3A_696 = tpu.vector_load %arg10[%get3A_695] {strides = array<i32>} : memref<16000xi32, #tpu.memory_space<vmem>>, vector<16xi32>,
      %add3A_697 = arith.constant 64 : i32
      %add3A_698 = arith.addi %add3A_680, %add3A_697 : i32
      %get3A_699 = arith.index_cast %add3A_698 : i32 to index
      %get3A_700 = tpu.vector_load %arg10[%get3A_699] {strides = array<i32>} : memref<16000xi32, #tpu.memory_space<vmem>>, vector<16xi32>,
      %add3A_701 = arith.constant 80 : i32
      %add3A_702 = arith.addi %add3A_680, %add3A_701 : i32
      %get3A_703 = arith.index_cast %add3A_702 : i32 to index
      %get3A_704 = tpu.vector_load %arg10[%get3A_703] {strides = array<i32>} : memref<16000xi32, #tpu.memory_space<vmem>>, vector<16xi32>,
      %add3A_705 = arith.constant 96 : i32
      %add3A_706 = arith.addi %add3A_680, %add3A_705 : i32
      %get3A_707 = arith.index_cast %add3A_706 : i32 to index
      %get3A_708 = tpu.vector_load %arg10[%get3A_707] {strides = array<i32>} : memref<16000xi32, #tpu.memory_space<vmem>>, vector<16xi32>,
      %add3A_709 = arith.constant 112 : i32
      %add3A_710 = arith.addi %add3A_680, %add3A_709 : i32
      %get3A_711 = arith.index_cast %add3A_710 : i32 to index
      %get3A_712 = tpu.vector_load %arg10[%get3A_711] {strides = array<i32>} : memref<16000xi32, #tpu.memory_space<vmem>>, vector<16xi32>,
      %shift_right_logical3A_713 = arith.constant 14 : i32
      %shift_right_logical3A_714 = vector.broadcast %shift_right_logical3A_713 : i32 to vector<16xi32>
      %shift_right_logical3A_715 = arith.shrui %get3A_684, %shift_right_logical3A_714 : vector<16xi32>
      %shift_right_logical3A_716 = arith.constant 14 : i32
      %shift_right_logical3A_717 = vector.broadcast %shift_right_logical3A_716 : i32 to vector<16xi32>
      %shift_right_logical3A_718 = arith.shrui %get3A_688, %shift_right_logical3A_717 : vector<16xi32>
      %shift_right_logical3A_719 = arith.constant 14 : i32
      %shift_right_logical3A_720 = vector.broadcast %shift_right_logical3A_719 : i32 to vector<16xi32>
      %shift_right_logical3A_721 = arith.shrui %get3A_692, %shift_right_logical3A_720 : vector<16xi32>
      %shift_right_logical3A_722 = arith.constant 14 : i32
      %shift_right_logical3A_723 = vector.broadcast %shift_right_logical3A_722 : i32 to vector<16xi32>
      %shift_right_logical3A_724 = arith.shrui %get3A_696, %shift_right_logical3A_723 : vector<16xi32>
      %shift_right_logical3A_725 = arith.constant 14 : i32
      %shift_right_logical3A_726 = vector.broadcast %shift_right_logical3A_725 : i32 to vector<16xi32>
      %shift_right_logical3A_727 = arith.shrui %get3A_700, %shift_right_logical3A_726 : vector<16xi32>
      %shift_right_logical3A_728 = arith.constant 14 : i32
      %shift_right_logical3A_729 = vector.broadcast %shift_right_logical3A_728 : i32 to vector<16xi32>
      %shift_right_logical3A_730 = arith.shrui %get3A_704, %shift_right_logical3A_729 : vector<16xi32>
      %shift_right_logical3A_731 = arith.constant 14 : i32
      %shift_right_logical3A_732 = vector.broadcast %shift_right_logical3A_731 : i32 to vector<16xi32>
      %shift_right_logical3A_733 = arith.shrui %get3A_708, %shift_right_logical3A_732 : vector<16xi32>
      %shift_right_logical3A_734 = arith.constant 14 : i32
      %shift_right_logical3A_735 = vector.broadcast %shift_right_logical3A_734 : i32 to vector<16xi32>
      %shift_right_logical3A_736 = arith.shrui %get3A_712, %shift_right_logical3A_735 : vector<16xi32>
      %and3A_737 = arith.andi %get3A_684, %broadcast_in_dim3A_37 : vector<16xi32>
      %and3A_738 = arith.andi %get3A_688, %broadcast_in_dim3A_37 : vector<16xi32>
      %and3A_739 = arith.andi %get3A_692, %broadcast_in_dim3A_37 : vector<16xi32>
      %and3A_740 = arith.andi %get3A_696, %broadcast_in_dim3A_37 : vector<16xi32>
      %and3A_741 = arith.andi %get3A_700, %broadcast_in_dim3A_37 : vector<16xi32>
      %and3A_742 = arith.andi %get3A_704, %broadcast_in_dim3A_37 : vector<16xi32>
      %and3A_743 = arith.andi %get3A_708, %broadcast_in_dim3A_37 : vector<16xi32>
      %and3A_744 = arith.andi %get3A_712, %broadcast_in_dim3A_37 : vector<16xi32>
      %gather3A_745 = tpu.vector_load_idx %arg7[%shift_right_logical3A_715] : memref<10240xf32, #tpu.memory_space<vmem>>[vector<16xi32>], vector<16xf32>,
      %gather3A_746 = tpu.vector_load_idx %arg7[%shift_right_logical3A_718] : memref<10240xf32, #tpu.memory_space<vmem>>[vector<16xi32>], vector<16xf32>,
      %gather3A_747 = tpu.vector_load_idx %arg7[%shift_right_logical3A_721] : memref<10240xf32, #tpu.memory_space<vmem>>[vector<16xi32>], vector<16xf32>,
      %gather3A_748 = tpu.vector_load_idx %arg7[%shift_right_logical3A_724] : memref<10240xf32, #tpu.memory_space<vmem>>[vector<16xi32>], vector<16xf32>,
      %gather3A_749 = tpu.vector_load_idx %arg7[%shift_right_logical3A_727] : memref<10240xf32, #tpu.memory_space<vmem>>[vector<16xi32>], vector<16xf32>,
      %gather3A_750 = tpu.vector_load_idx %arg7[%shift_right_logical3A_730] : memref<10240xf32, #tpu.memory_space<vmem>>[vector<16xi32>], vector<16xf32>,
      %gather3A_751 = tpu.vector_load_idx %arg7[%shift_right_logical3A_733] : memref<10240xf32, #tpu.memory_space<vmem>>[vector<16xi32>], vector<16xf32>,
      %gather3A_752 = tpu.vector_load_idx %arg7[%shift_right_logical3A_736] : memref<10240xf32, #tpu.memory_space<vmem>>[vector<16xi32>], vector<16xf32>,
      tpu.vector_store_idx %arg8[%and3A_737], %gather3A_745 {add = true} : memref<10240xf32, #tpu.memory_space<vmem>>[vector<16xi32>], vector<16xf32>,
      tpu.vector_store_idx %arg8[%and3A_738], %gather3A_746 {add = true} : memref<10240xf32, #tpu.memory_space<vmem>>[vector<16xi32>], vector<16xf32>,
      tpu.vector_store_idx %arg8[%and3A_739], %gather3A_747 {add = true} : memref<10240xf32, #tpu.memory_space<vmem>>[vector<16xi32>], vector<16xf32>,
      tpu.vector_store_idx %arg8[%and3A_740], %gather3A_748 {add = true} : memref<10240xf32, #tpu.memory_space<vmem>>[vector<16xi32>], vector<16xf32>,
      tpu.vector_store_idx %arg8[%and3A_741], %gather3A_749 {add = true} : memref<10240xf32, #tpu.memory_space<vmem>>[vector<16xi32>], vector<16xf32>,
      tpu.vector_store_idx %arg8[%and3A_742], %gather3A_750 {add = true} : memref<10240xf32, #tpu.memory_space<vmem>>[vector<16xi32>], vector<16xf32>,
      tpu.vector_store_idx %arg8[%and3A_743], %gather3A_751 {add = true} : memref<10240xf32, #tpu.memory_space<vmem>>[vector<16xi32>], vector<16xf32>,
      tpu.vector_store_idx %arg8[%and3A_744], %gather3A_752 {add = true} : memref<10240xf32, #tpu.memory_space<vmem>>[vector<16xi32>], vector<16xf32>,
    }
    %scan3A_445 = arith.constant 62 : i32
    %get3A_446 = arith.constant 7936 : index
    %get3A_447 = tpu.vector_load %arg10[%get3A_446] {strides = array<i32>} : memref<16000xi32, #tpu.memory_space<vmem>>, vector<16xi32>,
    %get3A_448 = arith.constant 7952 : index
    %get3A_449 = tpu.vector_load %arg10[%get3A_448] {strides = array<i32>} : memref<16000xi32, #tpu.memory_space<vmem>>, vector<16xi32>,
    %get3A_450 = arith.constant 7968 : index
    %get3A_451 = tpu.vector_load %arg10[%get3A_450] {strides = array<i32>} : memref<16000xi32, #tpu.memory_space<vmem>>, vector<16xi32>,
    %get3A_452 = arith.constant 7984 : index
    %get3A_453 = tpu.vector_load %arg10[%get3A_452] {strides = array<i32>} : memref<16000xi32, #tpu.memory_space<vmem>>, vector<16xi32>,
    %shift_right_logical3A_454 = arith.constant 14 : i32
    %shift_right_logical3A_455 = vector.broadcast %shift_right_logical3A_454 : i32 to vector<16xi32>
    %shift_right_logical3A_456 = arith.shrui %get3A_447, %shift_right_logical3A_455 : vector<16xi32>
    %shift_right_logical3A_457 = arith.constant 14 : i32
    %shift_right_logical3A_458 = vector.broadcast %shift_right_logical3A_457 : i32 to vector<16xi32>
    %shift_right_logical3A_459 = arith.shrui %get3A_449, %shift_right_logical3A_458 : vector<16xi32>
    %shift_right_logical3A_460 = arith.constant 14 : i32
    %shift_right_logical3A_461 = vector.broadcast %shift_right_logical3A_460 : i32 to vector<16xi32>
    %shift_right_logical3A_462 = arith.shrui %get3A_451, %shift_right_logical3A_461 : vector<16xi32>
    %shift_right_logical3A_463 = arith.constant 14 : i32
    %shift_right_logical3A_464 = vector.broadcast %shift_right_logical3A_463 : i32 to vector<16xi32>
    %shift_right_logical3A_465 = arith.shrui %get3A_453, %shift_right_logical3A_464 : vector<16xi32>
    %and3A_466 = arith.andi %get3A_447, %broadcast_in_dim3A_37 : vector<16xi32>
    %and3A_467 = arith.andi %get3A_449, %broadcast_in_dim3A_37 : vector<16xi32>
    %and3A_468 = arith.andi %get3A_451, %broadcast_in_dim3A_37 : vector<16xi32>
    %and3A_469 = arith.andi %get3A_453, %broadcast_in_dim3A_37 : vector<16xi32>
    %gather3A_470 = tpu.vector_load_idx %arg7[%shift_right_logical3A_456] : memref<10240xf32, #tpu.memory_space<vmem>>[vector<16xi32>], vector<16xf32>,
    %gather3A_471 = tpu.vector_load_idx %arg7[%shift_right_logical3A_459] : memref<10240xf32, #tpu.memory_space<vmem>>[vector<16xi32>], vector<16xf32>,
    %gather3A_472 = tpu.vector_load_idx %arg7[%shift_right_logical3A_462] : memref<10240xf32, #tpu.memory_space<vmem>>[vector<16xi32>], vector<16xf32>,
    %gather3A_473 = tpu.vector_load_idx %arg7[%shift_right_logical3A_465] : memref<10240xf32, #tpu.memory_space<vmem>>[vector<16xi32>], vector<16xf32>,
    tpu.vector_store_idx %arg8[%and3A_466], %gather3A_470 {add = true} : memref<10240xf32, #tpu.memory_space<vmem>>[vector<16xi32>], vector<16xf32>,
    tpu.vector_store_idx %arg8[%and3A_467], %gather3A_471 {add = true} : memref<10240xf32, #tpu.memory_space<vmem>>[vector<16xi32>], vector<16xf32>,
    tpu.vector_store_idx %arg8[%and3A_468], %gather3A_472 {add = true} : memref<10240xf32, #tpu.memory_space<vmem>>[vector<16xi32>], vector<16xf32>,
    tpu.vector_store_idx %arg8[%and3A_469], %gather3A_473 {add = true} : memref<10240xf32, #tpu.memory_space<vmem>>[vector<16xi32>], vector<16xf32>,
    %add3A_474 = arith.constant 16000 : i32
    %add3A_475 = arith.addi %multiple_of3A_137, %add3A_474 : i32
    %multiple_of3A_476 = tpu.assume_multiple %add3A_475, 8 : i32
    %dma_start3A_477 = arith.constant 0 : i32
    %dma_start3A_478 = tpu.memref_slice %arg10[%dma_start3A_477] : memref<16000xi32, #tpu.memory_space<vmem>> -> memref<8000xi32, #tpu.memory_space<vmem>>
    %dma_start3A_479 = tpu.memref_slice %arg2[%multiple_of3A_476] : memref<160000xi32, #tpu.memory_space<hbm>> -> memref<8000xi32, #tpu.memory_space<hbm>>
    %dma_start3A_480 = arith.constant 0 : i32
    %dma_start3A_481 = tpu.memref_slice %arg10[%dma_start3A_480] : memref<16000xi32, #tpu.memory_space<vmem>> -> memref<8000xi32, #tpu.memory_space<vmem>>
    %dma_start3A_482 = tpu.memref_slice %arg2[%multiple_of3A_476] : memref<160000xi32, #tpu.memory_space<hbm>> -> memref<8000xi32, #tpu.memory_space<hbm>>
    tpu.enqueue_dma source(%dma_start3A_482 : memref<8000xi32, #tpu.memory_space<hbm>>) target(%dma_start3A_481 : memref<8000xi32, #tpu.memory_space<vmem>>) target_semaphore(%arg18 : memref<!tpu.dma_semaphore, #tpu.memory_space<semaphore_mem>>)
    %dma_wait3A_483 = arith.constant 8000 : i32
    %dma_wait3A_484 = tpu.memref_slice %arg10[%dma_wait3A_483] : memref<16000xi32, #tpu.memory_space<vmem>> -> memref<8000xi32, #tpu.memory_space<vmem>>
    %dma_wait3A_485 = tpu.memref_slice %arg2[%multiple_of3A_427] : memref<160000xi32, #tpu.memory_space<hbm>> -> memref<8000xi32, #tpu.memory_space<hbm>>
    %dma_wait3A_486 = arith.constant 8000 : i32
    %dma_wait3A_487 = tpu.memref_slice %arg10[%dma_wait3A_486] : memref<16000xi32, #tpu.memory_space<vmem>> -> memref<8000xi32, #tpu.memory_space<vmem>>
    %dma_wait3A_488 = tpu.memref_slice %arg2[%multiple_of3A_427] : memref<160000xi32, #tpu.memory_space<hbm>> -> memref<8000xi32, #tpu.memory_space<hbm>>
    tpu.wait_dma2 semaphore(%arg19 : memref<!tpu.dma_semaphore, #tpu.memory_space<semaphore_mem>>) src(%dma_wait3A_488 : memref<8000xi32, #tpu.memory_space<hbm>>) dst(%dma_wait3A_487 : memref<8000xi32, #tpu.memory_space<vmem>>)
    %scan3A_489 = arith.constant 0 : i32
    %scan3A_490 = arith.constant 0 : i32
    %scan3A_491 = arith.constant 62 : i32
    %scan3A_492 = arith.addi %scan3A_490, %scan3A_491 : i32
    %scan3A_493 = arith.constant 1 : i32
    scf.for %scan3A_676 = %scan3A_490 to %scan3A_492 step %scan3A_493  : i32 {
      %mul3A_677 = arith.constant 128 : i32
      %mul3A_678 = arith.muli %scan3A_676, %mul3A_677 : i32
      %add3A_679 = arith.constant 8000 : i32
      %add3A_680 = arith.addi %add3A_679, %mul3A_678 : i32
      %add3A_681 = arith.constant 0 : i32
      %add3A_682 = arith.addi %add3A_680, %add3A_681 : i32
      %get3A_683 = arith.index_cast %add3A_682 : i32 to index
      %get3A_684 = tpu.vector_load %arg10[%get3A_683] {strides = array<i32>} : memref<16000xi32, #tpu.memory_space<vmem>>, vector<16xi32>,
      %add3A_685 = arith.constant 16 : i32
      %add3A_686 = arith.addi %add3A_680, %add3A_685 : i32
      %get3A_687 = arith.index_cast %add3A_686 : i32 to index
      %get3A_688 = tpu.vector_load %arg10[%get3A_687] {strides = array<i32>} : memref<16000xi32, #tpu.memory_space<vmem>>, vector<16xi32>,
      %add3A_689 = arith.constant 32 : i32
      %add3A_690 = arith.addi %add3A_680, %add3A_689 : i32
      %get3A_691 = arith.index_cast %add3A_690 : i32 to index
      %get3A_692 = tpu.vector_load %arg10[%get3A_691] {strides = array<i32>} : memref<16000xi32, #tpu.memory_space<vmem>>, vector<16xi32>,
      %add3A_693 = arith.constant 48 : i32
      %add3A_694 = arith.addi %add3A_680, %add3A_693 : i32
      %get3A_695 = arith.index_cast %add3A_694 : i32 to index
      %get3A_696 = tpu.vector_load %arg10[%get3A_695] {strides = array<i32>} : memref<16000xi32, #tpu.memory_space<vmem>>, vector<16xi32>,
      %add3A_697 = arith.constant 64 : i32
      %add3A_698 = arith.addi %add3A_680, %add3A_697 : i32
      %get3A_699 = arith.index_cast %add3A_698 : i32 to index
      %get3A_700 = tpu.vector_load %arg10[%get3A_699] {strides = array<i32>} : memref<16000xi32, #tpu.memory_space<vmem>>, vector<16xi32>,
      %add3A_701 = arith.constant 80 : i32
      %add3A_702 = arith.addi %add3A_680, %add3A_701 : i32
      %get3A_703 = arith.index_cast %add3A_702 : i32 to index
      %get3A_704 = tpu.vector_load %arg10[%get3A_703] {strides = array<i32>} : memref<16000xi32, #tpu.memory_space<vmem>>, vector<16xi32>,
      %add3A_705 = arith.constant 96 : i32
      %add3A_706 = arith.addi %add3A_680, %add3A_705 : i32
      %get3A_707 = arith.index_cast %add3A_706 : i32 to index
      %get3A_708 = tpu.vector_load %arg10[%get3A_707] {strides = array<i32>} : memref<16000xi32, #tpu.memory_space<vmem>>, vector<16xi32>,
      %add3A_709 = arith.constant 112 : i32
      %add3A_710 = arith.addi %add3A_680, %add3A_709 : i32
      %get3A_711 = arith.index_cast %add3A_710 : i32 to index
      %get3A_712 = tpu.vector_load %arg10[%get3A_711] {strides = array<i32>} : memref<16000xi32, #tpu.memory_space<vmem>>, vector<16xi32>,
      %shift_right_logical3A_713 = arith.constant 14 : i32
      %shift_right_logical3A_714 = vector.broadcast %shift_right_logical3A_713 : i32 to vector<16xi32>
      %shift_right_logical3A_715 = arith.shrui %get3A_684, %shift_right_logical3A_714 : vector<16xi32>
      %shift_right_logical3A_716 = arith.constant 14 : i32
      %shift_right_logical3A_717 = vector.broadcast %shift_right_logical3A_716 : i32 to vector<16xi32>
      %shift_right_logical3A_718 = arith.shrui %get3A_688, %shift_right_logical3A_717 : vector<16xi32>
      %shift_right_logical3A_719 = arith.constant 14 : i32
      %shift_right_logical3A_720 = vector.broadcast %shift_right_logical3A_719 : i32 to vector<16xi32>
      %shift_right_logical3A_721 = arith.shrui %get3A_692, %shift_right_logical3A_720 : vector<16xi32>
      %shift_right_logical3A_722 = arith.constant 14 : i32
      %shift_right_logical3A_723 = vector.broadcast %shift_right_logical3A_722 : i32 to vector<16xi32>
      %shift_right_logical3A_724 = arith.shrui %get3A_696, %shift_right_logical3A_723 : vector<16xi32>
      %shift_right_logical3A_725 = arith.constant 14 : i32
      %shift_right_logical3A_726 = vector.broadcast %shift_right_logical3A_725 : i32 to vector<16xi32>
      %shift_right_logical3A_727 = arith.shrui %get3A_700, %shift_right_logical3A_726 : vector<16xi32>
      %shift_right_logical3A_728 = arith.constant 14 : i32
      %shift_right_logical3A_729 = vector.broadcast %shift_right_logical3A_728 : i32 to vector<16xi32>
      %shift_right_logical3A_730 = arith.shrui %get3A_704, %shift_right_logical3A_729 : vector<16xi32>
      %shift_right_logical3A_731 = arith.constant 14 : i32
      %shift_right_logical3A_732 = vector.broadcast %shift_right_logical3A_731 : i32 to vector<16xi32>
      %shift_right_logical3A_733 = arith.shrui %get3A_708, %shift_right_logical3A_732 : vector<16xi32>
      %shift_right_logical3A_734 = arith.constant 14 : i32
      %shift_right_logical3A_735 = vector.broadcast %shift_right_logical3A_734 : i32 to vector<16xi32>
      %shift_right_logical3A_736 = arith.shrui %get3A_712, %shift_right_logical3A_735 : vector<16xi32>
      %and3A_737 = arith.andi %get3A_684, %broadcast_in_dim3A_37 : vector<16xi32>
      %and3A_738 = arith.andi %get3A_688, %broadcast_in_dim3A_37 : vector<16xi32>
      %and3A_739 = arith.andi %get3A_692, %broadcast_in_dim3A_37 : vector<16xi32>
      %and3A_740 = arith.andi %get3A_696, %broadcast_in_dim3A_37 : vector<16xi32>
      %and3A_741 = arith.andi %get3A_700, %broadcast_in_dim3A_37 : vector<16xi32>
      %and3A_742 = arith.andi %get3A_704, %broadcast_in_dim3A_37 : vector<16xi32>
      %and3A_743 = arith.andi %get3A_708, %broadcast_in_dim3A_37 : vector<16xi32>
      %and3A_744 = arith.andi %get3A_712, %broadcast_in_dim3A_37 : vector<16xi32>
      %gather3A_745 = tpu.vector_load_idx %arg7[%shift_right_logical3A_715] : memref<10240xf32, #tpu.memory_space<vmem>>[vector<16xi32>], vector<16xf32>,
      %gather3A_746 = tpu.vector_load_idx %arg7[%shift_right_logical3A_718] : memref<10240xf32, #tpu.memory_space<vmem>>[vector<16xi32>], vector<16xf32>,
      %gather3A_747 = tpu.vector_load_idx %arg7[%shift_right_logical3A_721] : memref<10240xf32, #tpu.memory_space<vmem>>[vector<16xi32>], vector<16xf32>,
      %gather3A_748 = tpu.vector_load_idx %arg7[%shift_right_logical3A_724] : memref<10240xf32, #tpu.memory_space<vmem>>[vector<16xi32>], vector<16xf32>,
      %gather3A_749 = tpu.vector_load_idx %arg7[%shift_right_logical3A_727] : memref<10240xf32, #tpu.memory_space<vmem>>[vector<16xi32>], vector<16xf32>,
      %gather3A_750 = tpu.vector_load_idx %arg7[%shift_right_logical3A_730] : memref<10240xf32, #tpu.memory_space<vmem>>[vector<16xi32>], vector<16xf32>,
      %gather3A_751 = tpu.vector_load_idx %arg7[%shift_right_logical3A_733] : memref<10240xf32, #tpu.memory_space<vmem>>[vector<16xi32>], vector<16xf32>,
      %gather3A_752 = tpu.vector_load_idx %arg7[%shift_right_logical3A_736] : memref<10240xf32, #tpu.memory_space<vmem>>[vector<16xi32>], vector<16xf32>,
      tpu.vector_store_idx %arg8[%and3A_737], %gather3A_745 {add = true} : memref<10240xf32, #tpu.memory_space<vmem>>[vector<16xi32>], vector<16xf32>,
      tpu.vector_store_idx %arg8[%and3A_738], %gather3A_746 {add = true} : memref<10240xf32, #tpu.memory_space<vmem>>[vector<16xi32>], vector<16xf32>,
      tpu.vector_store_idx %arg8[%and3A_739], %gather3A_747 {add = true} : memref<10240xf32, #tpu.memory_space<vmem>>[vector<16xi32>], vector<16xf32>,
      tpu.vector_store_idx %arg8[%and3A_740], %gather3A_748 {add = true} : memref<10240xf32, #tpu.memory_space<vmem>>[vector<16xi32>], vector<16xf32>,
      tpu.vector_store_idx %arg8[%and3A_741], %gather3A_749 {add = true} : memref<10240xf32, #tpu.memory_space<vmem>>[vector<16xi32>], vector<16xf32>,
      tpu.vector_store_idx %arg8[%and3A_742], %gather3A_750 {add = true} : memref<10240xf32, #tpu.memory_space<vmem>>[vector<16xi32>], vector<16xf32>,
      tpu.vector_store_idx %arg8[%and3A_743], %gather3A_751 {add = true} : memref<10240xf32, #tpu.memory_space<vmem>>[vector<16xi32>], vector<16xf32>,
      tpu.vector_store_idx %arg8[%and3A_744], %gather3A_752 {add = true} : memref<10240xf32, #tpu.memory_space<vmem>>[vector<16xi32>], vector<16xf32>,
    }
    %scan3A_494 = arith.constant 62 : i32
    %get3A_495 = arith.constant 15936 : index
    %get3A_496 = tpu.vector_load %arg10[%get3A_495] {strides = array<i32>} : memref<16000xi32, #tpu.memory_space<vmem>>, vector<16xi32>,
    %get3A_497 = arith.constant 15952 : index
    %get3A_498 = tpu.vector_load %arg10[%get3A_497] {strides = array<i32>} : memref<16000xi32, #tpu.memory_space<vmem>>, vector<16xi32>,
    %get3A_499 = arith.constant 15968 : index
    %get3A_500 = tpu.vector_load %arg10[%get3A_499] {strides = array<i32>} : memref<16000xi32, #tpu.memory_space<vmem>>, vector<16xi32>,
    %get3A_501 = arith.constant 15984 : index
    %get3A_502 = tpu.vector_load %arg10[%get3A_501] {strides = array<i32>} : memref<16000xi32, #tpu.memory_space<vmem>>, vector<16xi32>,
    %shift_right_logical3A_503 = arith.constant 14 : i32
    %shift_right_logical3A_504 = vector.broadcast %shift_right_logical3A_503 : i32 to vector<16xi32>
    %shift_right_logical3A_505 = arith.shrui %get3A_496, %shift_right_logical3A_504 : vector<16xi32>
    %shift_right_logical3A_506 = arith.constant 14 : i32
    %shift_right_logical3A_507 = vector.broadcast %shift_right_logical3A_506 : i32 to vector<16xi32>
    %shift_right_logical3A_508 = arith.shrui %get3A_498, %shift_right_logical3A_507 : vector<16xi32>
    %shift_right_logical3A_509 = arith.constant 14 : i32
    %shift_right_logical3A_510 = vector.broadcast %shift_right_logical3A_509 : i32 to vector<16xi32>
    %shift_right_logical3A_511 = arith.shrui %get3A_500, %shift_right_logical3A_510 : vector<16xi32>
    %shift_right_logical3A_512 = arith.constant 14 : i32
    %shift_right_logical3A_513 = vector.broadcast %shift_right_logical3A_512 : i32 to vector<16xi32>
    %shift_right_logical3A_514 = arith.shrui %get3A_502, %shift_right_logical3A_513 : vector<16xi32>
    %and3A_515 = arith.andi %get3A_496, %broadcast_in_dim3A_37 : vector<16xi32>
    %and3A_516 = arith.andi %get3A_498, %broadcast_in_dim3A_37 : vector<16xi32>
    %and3A_517 = arith.andi %get3A_500, %broadcast_in_dim3A_37 : vector<16xi32>
    %and3A_518 = arith.andi %get3A_502, %broadcast_in_dim3A_37 : vector<16xi32>
    %gather3A_519 = tpu.vector_load_idx %arg7[%shift_right_logical3A_505] : memref<10240xf32, #tpu.memory_space<vmem>>[vector<16xi32>], vector<16xf32>,
    %gather3A_520 = tpu.vector_load_idx %arg7[%shift_right_logical3A_508] : memref<10240xf32, #tpu.memory_space<vmem>>[vector<16xi32>], vector<16xf32>,
    %gather3A_521 = tpu.vector_load_idx %arg7[%shift_right_logical3A_511] : memref<10240xf32, #tpu.memory_space<vmem>>[vector<16xi32>], vector<16xf32>,
    %gather3A_522 = tpu.vector_load_idx %arg7[%shift_right_logical3A_514] : memref<10240xf32, #tpu.memory_space<vmem>>[vector<16xi32>], vector<16xf32>,
    tpu.vector_store_idx %arg8[%and3A_515], %gather3A_519 {add = true} : memref<10240xf32, #tpu.memory_space<vmem>>[vector<16xi32>], vector<16xf32>,
    tpu.vector_store_idx %arg8[%and3A_516], %gather3A_520 {add = true} : memref<10240xf32, #tpu.memory_space<vmem>>[vector<16xi32>], vector<16xf32>,
    tpu.vector_store_idx %arg8[%and3A_517], %gather3A_521 {add = true} : memref<10240xf32, #tpu.memory_space<vmem>>[vector<16xi32>], vector<16xf32>,
    tpu.vector_store_idx %arg8[%and3A_518], %gather3A_522 {add = true} : memref<10240xf32, #tpu.memory_space<vmem>>[vector<16xi32>], vector<16xf32>,
    %add3A_523 = arith.constant 24000 : i32
    %add3A_524 = arith.addi %multiple_of3A_137, %add3A_523 : i32
    %multiple_of3A_525 = tpu.assume_multiple %add3A_524, 8 : i32
    %dma_start3A_526 = arith.constant 8000 : i32
    %dma_start3A_527 = tpu.memref_slice %arg10[%dma_start3A_526] : memref<16000xi32, #tpu.memory_space<vmem>> -> memref<8000xi32, #tpu.memory_space<vmem>>
    %dma_start3A_528 = tpu.memref_slice %arg2[%multiple_of3A_525] : memref<160000xi32, #tpu.memory_space<hbm>> -> memref<8000xi32, #tpu.memory_space<hbm>>
    %dma_start3A_529 = arith.constant 8000 : i32
    %dma_start3A_530 = tpu.memref_slice %arg10[%dma_start3A_529] : memref<16000xi32, #tpu.memory_space<vmem>> -> memref<8000xi32, #tpu.memory_space<vmem>>
    %dma_start3A_531 = tpu.memref_slice %arg2[%multiple_of3A_525] : memref<160000xi32, #tpu.memory_space<hbm>> -> memref<8000xi32, #tpu.memory_space<hbm>>
    tpu.enqueue_dma source(%dma_start3A_531 : memref<8000xi32, #tpu.memory_space<hbm>>) target(%dma_start3A_530 : memref<8000xi32, #tpu.memory_space<vmem>>) target_semaphore(%arg19 : memref<!tpu.dma_semaphore, #tpu.memory_space<semaphore_mem>>)
    %dma_wait3A_532 = arith.constant 0 : i32
    %dma_wait3A_533 = tpu.memref_slice %arg10[%dma_wait3A_532] : memref<16000xi32, #tpu.memory_space<vmem>> -> memref<8000xi32, #tpu.memory_space<vmem>>
    %dma_wait3A_534 = tpu.memref_slice %arg2[%multiple_of3A_476] : memref<160000xi32, #tpu.memory_space<hbm>> -> memref<8000xi32, #tpu.memory_space<hbm>>
    %dma_wait3A_535 = arith.constant 0 : i32
    %dma_wait3A_536 = tpu.memref_slice %arg10[%dma_wait3A_535] : memref<16000xi32, #tpu.memory_space<vmem>> -> memref<8000xi32, #tpu.memory_space<vmem>>
    %dma_wait3A_537 = tpu.memref_slice %arg2[%multiple_of3A_476] : memref<160000xi32, #tpu.memory_space<hbm>> -> memref<8000xi32, #tpu.memory_space<hbm>>
    tpu.wait_dma2 semaphore(%arg18 : memref<!tpu.dma_semaphore, #tpu.memory_space<semaphore_mem>>) src(%dma_wait3A_537 : memref<8000xi32, #tpu.memory_space<hbm>>) dst(%dma_wait3A_536 : memref<8000xi32, #tpu.memory_space<vmem>>)
    %scan3A_538 = arith.constant 0 : i32
    %scan3A_539 = arith.constant 0 : i32
    %scan3A_540 = arith.constant 62 : i32
    %scan3A_541 = arith.addi %scan3A_539, %scan3A_540 : i32
    %scan3A_542 = arith.constant 1 : i32
    scf.for %scan3A_676 = %scan3A_539 to %scan3A_541 step %scan3A_542  : i32 {
      %mul3A_677 = arith.constant 128 : i32
      %mul3A_678 = arith.muli %scan3A_676, %mul3A_677 : i32
      %add3A_679 = arith.constant 0 : i32
      %add3A_680 = arith.addi %add3A_679, %mul3A_678 : i32
      %add3A_681 = arith.constant 0 : i32
      %add3A_682 = arith.addi %add3A_680, %add3A_681 : i32
      %get3A_683 = arith.index_cast %add3A_682 : i32 to index
      %get3A_684 = tpu.vector_load %arg10[%get3A_683] {strides = array<i32>} : memref<16000xi32, #tpu.memory_space<vmem>>, vector<16xi32>,
      %add3A_685 = arith.constant 16 : i32
      %add3A_686 = arith.addi %add3A_680, %add3A_685 : i32
      %get3A_687 = arith.index_cast %add3A_686 : i32 to index
      %get3A_688 = tpu.vector_load %arg10[%get3A_687] {strides = array<i32>} : memref<16000xi32, #tpu.memory_space<vmem>>, vector<16xi32>,
      %add3A_689 = arith.constant 32 : i32
      %add3A_690 = arith.addi %add3A_680, %add3A_689 : i32
      %get3A_691 = arith.index_cast %add3A_690 : i32 to index
      %get3A_692 = tpu.vector_load %arg10[%get3A_691] {strides = array<i32>} : memref<16000xi32, #tpu.memory_space<vmem>>, vector<16xi32>,
      %add3A_693 = arith.constant 48 : i32
      %add3A_694 = arith.addi %add3A_680, %add3A_693 : i32
      %get3A_695 = arith.index_cast %add3A_694 : i32 to index
      %get3A_696 = tpu.vector_load %arg10[%get3A_695] {strides = array<i32>} : memref<16000xi32, #tpu.memory_space<vmem>>, vector<16xi32>,
      %add3A_697 = arith.constant 64 : i32
      %add3A_698 = arith.addi %add3A_680, %add3A_697 : i32
      %get3A_699 = arith.index_cast %add3A_698 : i32 to index
      %get3A_700 = tpu.vector_load %arg10[%get3A_699] {strides = array<i32>} : memref<16000xi32, #tpu.memory_space<vmem>>, vector<16xi32>,
      %add3A_701 = arith.constant 80 : i32
      %add3A_702 = arith.addi %add3A_680, %add3A_701 : i32
      %get3A_703 = arith.index_cast %add3A_702 : i32 to index
      %get3A_704 = tpu.vector_load %arg10[%get3A_703] {strides = array<i32>} : memref<16000xi32, #tpu.memory_space<vmem>>, vector<16xi32>,
      %add3A_705 = arith.constant 96 : i32
      %add3A_706 = arith.addi %add3A_680, %add3A_705 : i32
      %get3A_707 = arith.index_cast %add3A_706 : i32 to index
      %get3A_708 = tpu.vector_load %arg10[%get3A_707] {strides = array<i32>} : memref<16000xi32, #tpu.memory_space<vmem>>, vector<16xi32>,
      %add3A_709 = arith.constant 112 : i32
      %add3A_710 = arith.addi %add3A_680, %add3A_709 : i32
      %get3A_711 = arith.index_cast %add3A_710 : i32 to index
      %get3A_712 = tpu.vector_load %arg10[%get3A_711] {strides = array<i32>} : memref<16000xi32, #tpu.memory_space<vmem>>, vector<16xi32>,
      %shift_right_logical3A_713 = arith.constant 14 : i32
      %shift_right_logical3A_714 = vector.broadcast %shift_right_logical3A_713 : i32 to vector<16xi32>
      %shift_right_logical3A_715 = arith.shrui %get3A_684, %shift_right_logical3A_714 : vector<16xi32>
      %shift_right_logical3A_716 = arith.constant 14 : i32
      %shift_right_logical3A_717 = vector.broadcast %shift_right_logical3A_716 : i32 to vector<16xi32>
      %shift_right_logical3A_718 = arith.shrui %get3A_688, %shift_right_logical3A_717 : vector<16xi32>
      %shift_right_logical3A_719 = arith.constant 14 : i32
      %shift_right_logical3A_720 = vector.broadcast %shift_right_logical3A_719 : i32 to vector<16xi32>
      %shift_right_logical3A_721 = arith.shrui %get3A_692, %shift_right_logical3A_720 : vector<16xi32>
      %shift_right_logical3A_722 = arith.constant 14 : i32
      %shift_right_logical3A_723 = vector.broadcast %shift_right_logical3A_722 : i32 to vector<16xi32>
      %shift_right_logical3A_724 = arith.shrui %get3A_696, %shift_right_logical3A_723 : vector<16xi32>
      %shift_right_logical3A_725 = arith.constant 14 : i32
      %shift_right_logical3A_726 = vector.broadcast %shift_right_logical3A_725 : i32 to vector<16xi32>
      %shift_right_logical3A_727 = arith.shrui %get3A_700, %shift_right_logical3A_726 : vector<16xi32>
      %shift_right_logical3A_728 = arith.constant 14 : i32
      %shift_right_logical3A_729 = vector.broadcast %shift_right_logical3A_728 : i32 to vector<16xi32>
      %shift_right_logical3A_730 = arith.shrui %get3A_704, %shift_right_logical3A_729 : vector<16xi32>
      %shift_right_logical3A_731 = arith.constant 14 : i32
      %shift_right_logical3A_732 = vector.broadcast %shift_right_logical3A_731 : i32 to vector<16xi32>
      %shift_right_logical3A_733 = arith.shrui %get3A_708, %shift_right_logical3A_732 : vector<16xi32>
      %shift_right_logical3A_734 = arith.constant 14 : i32
      %shift_right_logical3A_735 = vector.broadcast %shift_right_logical3A_734 : i32 to vector<16xi32>
      %shift_right_logical3A_736 = arith.shrui %get3A_712, %shift_right_logical3A_735 : vector<16xi32>
      %and3A_737 = arith.andi %get3A_684, %broadcast_in_dim3A_37 : vector<16xi32>
      %and3A_738 = arith.andi %get3A_688, %broadcast_in_dim3A_37 : vector<16xi32>
      %and3A_739 = arith.andi %get3A_692, %broadcast_in_dim3A_37 : vector<16xi32>
      %and3A_740 = arith.andi %get3A_696, %broadcast_in_dim3A_37 : vector<16xi32>
      %and3A_741 = arith.andi %get3A_700, %broadcast_in_dim3A_37 : vector<16xi32>
      %and3A_742 = arith.andi %get3A_704, %broadcast_in_dim3A_37 : vector<16xi32>
      %and3A_743 = arith.andi %get3A_708, %broadcast_in_dim3A_37 : vector<16xi32>
      %and3A_744 = arith.andi %get3A_712, %broadcast_in_dim3A_37 : vector<16xi32>
      %gather3A_745 = tpu.vector_load_idx %arg7[%shift_right_logical3A_715] : memref<10240xf32, #tpu.memory_space<vmem>>[vector<16xi32>], vector<16xf32>,
      %gather3A_746 = tpu.vector_load_idx %arg7[%shift_right_logical3A_718] : memref<10240xf32, #tpu.memory_space<vmem>>[vector<16xi32>], vector<16xf32>,
      %gather3A_747 = tpu.vector_load_idx %arg7[%shift_right_logical3A_721] : memref<10240xf32, #tpu.memory_space<vmem>>[vector<16xi32>], vector<16xf32>,
      %gather3A_748 = tpu.vector_load_idx %arg7[%shift_right_logical3A_724] : memref<10240xf32, #tpu.memory_space<vmem>>[vector<16xi32>], vector<16xf32>,
      %gather3A_749 = tpu.vector_load_idx %arg7[%shift_right_logical3A_727] : memref<10240xf32, #tpu.memory_space<vmem>>[vector<16xi32>], vector<16xf32>,
      %gather3A_750 = tpu.vector_load_idx %arg7[%shift_right_logical3A_730] : memref<10240xf32, #tpu.memory_space<vmem>>[vector<16xi32>], vector<16xf32>,
      %gather3A_751 = tpu.vector_load_idx %arg7[%shift_right_logical3A_733] : memref<10240xf32, #tpu.memory_space<vmem>>[vector<16xi32>], vector<16xf32>,
      %gather3A_752 = tpu.vector_load_idx %arg7[%shift_right_logical3A_736] : memref<10240xf32, #tpu.memory_space<vmem>>[vector<16xi32>], vector<16xf32>,
      tpu.vector_store_idx %arg8[%and3A_737], %gather3A_745 {add = true} : memref<10240xf32, #tpu.memory_space<vmem>>[vector<16xi32>], vector<16xf32>,
      tpu.vector_store_idx %arg8[%and3A_738], %gather3A_746 {add = true} : memref<10240xf32, #tpu.memory_space<vmem>>[vector<16xi32>], vector<16xf32>,
      tpu.vector_store_idx %arg8[%and3A_739], %gather3A_747 {add = true} : memref<10240xf32, #tpu.memory_space<vmem>>[vector<16xi32>], vector<16xf32>,
      tpu.vector_store_idx %arg8[%and3A_740], %gather3A_748 {add = true} : memref<10240xf32, #tpu.memory_space<vmem>>[vector<16xi32>], vector<16xf32>,
      tpu.vector_store_idx %arg8[%and3A_741], %gather3A_749 {add = true} : memref<10240xf32, #tpu.memory_space<vmem>>[vector<16xi32>], vector<16xf32>,
      tpu.vector_store_idx %arg8[%and3A_742], %gather3A_750 {add = true} : memref<10240xf32, #tpu.memory_space<vmem>>[vector<16xi32>], vector<16xf32>,
      tpu.vector_store_idx %arg8[%and3A_743], %gather3A_751 {add = true} : memref<10240xf32, #tpu.memory_space<vmem>>[vector<16xi32>], vector<16xf32>,
      tpu.vector_store_idx %arg8[%and3A_744], %gather3A_752 {add = true} : memref<10240xf32, #tpu.memory_space<vmem>>[vector<16xi32>], vector<16xf32>,
    }
    %scan3A_543 = arith.constant 62 : i32
    %get3A_544 = arith.constant 7936 : index
    %get3A_545 = tpu.vector_load %arg10[%get3A_544] {strides = array<i32>} : memref<16000xi32, #tpu.memory_space<vmem>>, vector<16xi32>,
    %get3A_546 = arith.constant 7952 : index
    %get3A_547 = tpu.vector_load %arg10[%get3A_546] {strides = array<i32>} : memref<16000xi32, #tpu.memory_space<vmem>>, vector<16xi32>,
    %get3A_548 = arith.constant 7968 : index
    %get3A_549 = tpu.vector_load %arg10[%get3A_548] {strides = array<i32>} : memref<16000xi32, #tpu.memory_space<vmem>>, vector<16xi32>,
    %get3A_550 = arith.constant 7984 : index
    %get3A_551 = tpu.vector_load %arg10[%get3A_550] {strides = array<i32>} : memref<16000xi32, #tpu.memory_space<vmem>>, vector<16xi32>,
    %shift_right_logical3A_552 = arith.constant 14 : i32
    %shift_right_logical3A_553 = vector.broadcast %shift_right_logical3A_552 : i32 to vector<16xi32>
    %shift_right_logical3A_554 = arith.shrui %get3A_545, %shift_right_logical3A_553 : vector<16xi32>
    %shift_right_logical3A_555 = arith.constant 14 : i32
    %shift_right_logical3A_556 = vector.broadcast %shift_right_logical3A_555 : i32 to vector<16xi32>
    %shift_right_logical3A_557 = arith.shrui %get3A_547, %shift_right_logical3A_556 : vector<16xi32>
    %shift_right_logical3A_558 = arith.constant 14 : i32
    %shift_right_logical3A_559 = vector.broadcast %shift_right_logical3A_558 : i32 to vector<16xi32>
    %shift_right_logical3A_560 = arith.shrui %get3A_549, %shift_right_logical3A_559 : vector<16xi32>
    %shift_right_logical3A_561 = arith.constant 14 : i32
    %shift_right_logical3A_562 = vector.broadcast %shift_right_logical3A_561 : i32 to vector<16xi32>
    %shift_right_logical3A_563 = arith.shrui %get3A_551, %shift_right_logical3A_562 : vector<16xi32>
    %and3A_564 = arith.andi %get3A_545, %broadcast_in_dim3A_37 : vector<16xi32>
    %and3A_565 = arith.andi %get3A_547, %broadcast_in_dim3A_37 : vector<16xi32>
    %and3A_566 = arith.andi %get3A_549, %broadcast_in_dim3A_37 : vector<16xi32>
    %and3A_567 = arith.andi %get3A_551, %broadcast_in_dim3A_37 : vector<16xi32>
    %gather3A_568 = tpu.vector_load_idx %arg7[%shift_right_logical3A_554] : memref<10240xf32, #tpu.memory_space<vmem>>[vector<16xi32>], vector<16xf32>,
    %gather3A_569 = tpu.vector_load_idx %arg7[%shift_right_logical3A_557] : memref<10240xf32, #tpu.memory_space<vmem>>[vector<16xi32>], vector<16xf32>,
    %gather3A_570 = tpu.vector_load_idx %arg7[%shift_right_logical3A_560] : memref<10240xf32, #tpu.memory_space<vmem>>[vector<16xi32>], vector<16xf32>,
    %gather3A_571 = tpu.vector_load_idx %arg7[%shift_right_logical3A_563] : memref<10240xf32, #tpu.memory_space<vmem>>[vector<16xi32>], vector<16xf32>,
    tpu.vector_store_idx %arg8[%and3A_564], %gather3A_568 {add = true} : memref<10240xf32, #tpu.memory_space<vmem>>[vector<16xi32>], vector<16xf32>,
    tpu.vector_store_idx %arg8[%and3A_565], %gather3A_569 {add = true} : memref<10240xf32, #tpu.memory_space<vmem>>[vector<16xi32>], vector<16xf32>,
    tpu.vector_store_idx %arg8[%and3A_566], %gather3A_570 {add = true} : memref<10240xf32, #tpu.memory_space<vmem>>[vector<16xi32>], vector<16xf32>,
    tpu.vector_store_idx %arg8[%and3A_567], %gather3A_571 {add = true} : memref<10240xf32, #tpu.memory_space<vmem>>[vector<16xi32>], vector<16xf32>,
    %add3A_572 = arith.constant 32000 : i32
    %add3A_573 = arith.addi %multiple_of3A_137, %add3A_572 : i32
    %multiple_of3A_574 = tpu.assume_multiple %add3A_573, 8 : i32
    %dma_start3A_575 = arith.constant 0 : i32
    %dma_start3A_576 = tpu.memref_slice %arg10[%dma_start3A_575] : memref<16000xi32, #tpu.memory_space<vmem>> -> memref<8000xi32, #tpu.memory_space<vmem>>
    %dma_start3A_577 = tpu.memref_slice %arg2[%multiple_of3A_574] : memref<160000xi32, #tpu.memory_space<hbm>> -> memref<8000xi32, #tpu.memory_space<hbm>>
    %dma_start3A_578 = arith.constant 0 : i32
    %dma_start3A_579 = tpu.memref_slice %arg10[%dma_start3A_578] : memref<16000xi32, #tpu.memory_space<vmem>> -> memref<8000xi32, #tpu.memory_space<vmem>>
    %dma_start3A_580 = tpu.memref_slice %arg2[%multiple_of3A_574] : memref<160000xi32, #tpu.memory_space<hbm>> -> memref<8000xi32, #tpu.memory_space<hbm>>
    tpu.enqueue_dma source(%dma_start3A_580 : memref<8000xi32, #tpu.memory_space<hbm>>) target(%dma_start3A_579 : memref<8000xi32, #tpu.memory_space<vmem>>) target_semaphore(%arg18 : memref<!tpu.dma_semaphore, #tpu.memory_space<semaphore_mem>>)
    %dma_wait3A_581 = arith.constant 8000 : i32
    %dma_wait3A_582 = tpu.memref_slice %arg10[%dma_wait3A_581] : memref<16000xi32, #tpu.memory_space<vmem>> -> memref<8000xi32, #tpu.memory_space<vmem>>
    %dma_wait3A_583 = tpu.memref_slice %arg2[%multiple_of3A_525] : memref<160000xi32, #tpu.memory_space<hbm>> -> memref<8000xi32, #tpu.memory_space<hbm>>
    %dma_wait3A_584 = arith.constant 8000 : i32
    %dma_wait3A_585 = tpu.memref_slice %arg10[%dma_wait3A_584] : memref<16000xi32, #tpu.memory_space<vmem>> -> memref<8000xi32, #tpu.memory_space<vmem>>
    %dma_wait3A_586 = tpu.memref_slice %arg2[%multiple_of3A_525] : memref<160000xi32, #tpu.memory_space<hbm>> -> memref<8000xi32, #tpu.memory_space<hbm>>
    tpu.wait_dma2 semaphore(%arg19 : memref<!tpu.dma_semaphore, #tpu.memory_space<semaphore_mem>>) src(%dma_wait3A_586 : memref<8000xi32, #tpu.memory_space<hbm>>) dst(%dma_wait3A_585 : memref<8000xi32, #tpu.memory_space<vmem>>)
    %scan3A_587 = arith.constant 0 : i32
    %scan3A_588 = arith.constant 0 : i32
    %scan3A_589 = arith.constant 62 : i32
    %scan3A_590 = arith.addi %scan3A_588, %scan3A_589 : i32
    %scan3A_591 = arith.constant 1 : i32
    scf.for %scan3A_676 = %scan3A_588 to %scan3A_590 step %scan3A_591  : i32 {
      %mul3A_677 = arith.constant 128 : i32
      %mul3A_678 = arith.muli %scan3A_676, %mul3A_677 : i32
      %add3A_679 = arith.constant 8000 : i32
      %add3A_680 = arith.addi %add3A_679, %mul3A_678 : i32
      %add3A_681 = arith.constant 0 : i32
      %add3A_682 = arith.addi %add3A_680, %add3A_681 : i32
      %get3A_683 = arith.index_cast %add3A_682 : i32 to index
      %get3A_684 = tpu.vector_load %arg10[%get3A_683] {strides = array<i32>} : memref<16000xi32, #tpu.memory_space<vmem>>, vector<16xi32>,
      %add3A_685 = arith.constant 16 : i32
      %add3A_686 = arith.addi %add3A_680, %add3A_685 : i32
      %get3A_687 = arith.index_cast %add3A_686 : i32 to index
      %get3A_688 = tpu.vector_load %arg10[%get3A_687] {strides = array<i32>} : memref<16000xi32, #tpu.memory_space<vmem>>, vector<16xi32>,
      %add3A_689 = arith.constant 32 : i32
      %add3A_690 = arith.addi %add3A_680, %add3A_689 : i32
      %get3A_691 = arith.index_cast %add3A_690 : i32 to index
      %get3A_692 = tpu.vector_load %arg10[%get3A_691] {strides = array<i32>} : memref<16000xi32, #tpu.memory_space<vmem>>, vector<16xi32>,
      %add3A_693 = arith.constant 48 : i32
      %add3A_694 = arith.addi %add3A_680, %add3A_693 : i32
      %get3A_695 = arith.index_cast %add3A_694 : i32 to index
      %get3A_696 = tpu.vector_load %arg10[%get3A_695] {strides = array<i32>} : memref<16000xi32, #tpu.memory_space<vmem>>, vector<16xi32>,
      %add3A_697 = arith.constant 64 : i32
      %add3A_698 = arith.addi %add3A_680, %add3A_697 : i32
      %get3A_699 = arith.index_cast %add3A_698 : i32 to index
      %get3A_700 = tpu.vector_load %arg10[%get3A_699] {strides = array<i32>} : memref<16000xi32, #tpu.memory_space<vmem>>, vector<16xi32>,
      %add3A_701 = arith.constant 80 : i32
      %add3A_702 = arith.addi %add3A_680, %add3A_701 : i32
      %get3A_703 = arith.index_cast %add3A_702 : i32 to index
      %get3A_704 = tpu.vector_load %arg10[%get3A_703] {strides = array<i32>} : memref<16000xi32, #tpu.memory_space<vmem>>, vector<16xi32>,
      %add3A_705 = arith.constant 96 : i32
      %add3A_706 = arith.addi %add3A_680, %add3A_705 : i32
      %get3A_707 = arith.index_cast %add3A_706 : i32 to index
      %get3A_708 = tpu.vector_load %arg10[%get3A_707] {strides = array<i32>} : memref<16000xi32, #tpu.memory_space<vmem>>, vector<16xi32>,
      %add3A_709 = arith.constant 112 : i32
      %add3A_710 = arith.addi %add3A_680, %add3A_709 : i32
      %get3A_711 = arith.index_cast %add3A_710 : i32 to index
      %get3A_712 = tpu.vector_load %arg10[%get3A_711] {strides = array<i32>} : memref<16000xi32, #tpu.memory_space<vmem>>, vector<16xi32>,
      %shift_right_logical3A_713 = arith.constant 14 : i32
      %shift_right_logical3A_714 = vector.broadcast %shift_right_logical3A_713 : i32 to vector<16xi32>
      %shift_right_logical3A_715 = arith.shrui %get3A_684, %shift_right_logical3A_714 : vector<16xi32>
      %shift_right_logical3A_716 = arith.constant 14 : i32
      %shift_right_logical3A_717 = vector.broadcast %shift_right_logical3A_716 : i32 to vector<16xi32>
      %shift_right_logical3A_718 = arith.shrui %get3A_688, %shift_right_logical3A_717 : vector<16xi32>
      %shift_right_logical3A_719 = arith.constant 14 : i32
      %shift_right_logical3A_720 = vector.broadcast %shift_right_logical3A_719 : i32 to vector<16xi32>
      %shift_right_logical3A_721 = arith.shrui %get3A_692, %shift_right_logical3A_720 : vector<16xi32>
      %shift_right_logical3A_722 = arith.constant 14 : i32
      %shift_right_logical3A_723 = vector.broadcast %shift_right_logical3A_722 : i32 to vector<16xi32>
      %shift_right_logical3A_724 = arith.shrui %get3A_696, %shift_right_logical3A_723 : vector<16xi32>
      %shift_right_logical3A_725 = arith.constant 14 : i32
      %shift_right_logical3A_726 = vector.broadcast %shift_right_logical3A_725 : i32 to vector<16xi32>
      %shift_right_logical3A_727 = arith.shrui %get3A_700, %shift_right_logical3A_726 : vector<16xi32>
      %shift_right_logical3A_728 = arith.constant 14 : i32
      %shift_right_logical3A_729 = vector.broadcast %shift_right_logical3A_728 : i32 to vector<16xi32>
      %shift_right_logical3A_730 = arith.shrui %get3A_704, %shift_right_logical3A_729 : vector<16xi32>
      %shift_right_logical3A_731 = arith.constant 14 : i32
      %shift_right_logical3A_732 = vector.broadcast %shift_right_logical3A_731 : i32 to vector<16xi32>
      %shift_right_logical3A_733 = arith.shrui %get3A_708, %shift_right_logical3A_732 : vector<16xi32>
      %shift_right_logical3A_734 = arith.constant 14 : i32
      %shift_right_logical3A_735 = vector.broadcast %shift_right_logical3A_734 : i32 to vector<16xi32>
      %shift_right_logical3A_736 = arith.shrui %get3A_712, %shift_right_logical3A_735 : vector<16xi32>
      %and3A_737 = arith.andi %get3A_684, %broadcast_in_dim3A_37 : vector<16xi32>
      %and3A_738 = arith.andi %get3A_688, %broadcast_in_dim3A_37 : vector<16xi32>
      %and3A_739 = arith.andi %get3A_692, %broadcast_in_dim3A_37 : vector<16xi32>
      %and3A_740 = arith.andi %get3A_696, %broadcast_in_dim3A_37 : vector<16xi32>
      %and3A_741 = arith.andi %get3A_700, %broadcast_in_dim3A_37 : vector<16xi32>
      %and3A_742 = arith.andi %get3A_704, %broadcast_in_dim3A_37 : vector<16xi32>
      %and3A_743 = arith.andi %get3A_708, %broadcast_in_dim3A_37 : vector<16xi32>
      %and3A_744 = arith.andi %get3A_712, %broadcast_in_dim3A_37 : vector<16xi32>
      %gather3A_745 = tpu.vector_load_idx %arg7[%shift_right_logical3A_715] : memref<10240xf32, #tpu.memory_space<vmem>>[vector<16xi32>], vector<16xf32>,
      %gather3A_746 = tpu.vector_load_idx %arg7[%shift_right_logical3A_718] : memref<10240xf32, #tpu.memory_space<vmem>>[vector<16xi32>], vector<16xf32>,
      %gather3A_747 = tpu.vector_load_idx %arg7[%shift_right_logical3A_721] : memref<10240xf32, #tpu.memory_space<vmem>>[vector<16xi32>], vector<16xf32>,
      %gather3A_748 = tpu.vector_load_idx %arg7[%shift_right_logical3A_724] : memref<10240xf32, #tpu.memory_space<vmem>>[vector<16xi32>], vector<16xf32>,
      %gather3A_749 = tpu.vector_load_idx %arg7[%shift_right_logical3A_727] : memref<10240xf32, #tpu.memory_space<vmem>>[vector<16xi32>], vector<16xf32>,
      %gather3A_750 = tpu.vector_load_idx %arg7[%shift_right_logical3A_730] : memref<10240xf32, #tpu.memory_space<vmem>>[vector<16xi32>], vector<16xf32>,
      %gather3A_751 = tpu.vector_load_idx %arg7[%shift_right_logical3A_733] : memref<10240xf32, #tpu.memory_space<vmem>>[vector<16xi32>], vector<16xf32>,
      %gather3A_752 = tpu.vector_load_idx %arg7[%shift_right_logical3A_736] : memref<10240xf32, #tpu.memory_space<vmem>>[vector<16xi32>], vector<16xf32>,
      tpu.vector_store_idx %arg8[%and3A_737], %gather3A_745 {add = true} : memref<10240xf32, #tpu.memory_space<vmem>>[vector<16xi32>], vector<16xf32>,
      tpu.vector_store_idx %arg8[%and3A_738], %gather3A_746 {add = true} : memref<10240xf32, #tpu.memory_space<vmem>>[vector<16xi32>], vector<16xf32>,
      tpu.vector_store_idx %arg8[%and3A_739], %gather3A_747 {add = true} : memref<10240xf32, #tpu.memory_space<vmem>>[vector<16xi32>], vector<16xf32>,
      tpu.vector_store_idx %arg8[%and3A_740], %gather3A_748 {add = true} : memref<10240xf32, #tpu.memory_space<vmem>>[vector<16xi32>], vector<16xf32>,
      tpu.vector_store_idx %arg8[%and3A_741], %gather3A_749 {add = true} : memref<10240xf32, #tpu.memory_space<vmem>>[vector<16xi32>], vector<16xf32>,
      tpu.vector_store_idx %arg8[%and3A_742], %gather3A_750 {add = true} : memref<10240xf32, #tpu.memory_space<vmem>>[vector<16xi32>], vector<16xf32>,
      tpu.vector_store_idx %arg8[%and3A_743], %gather3A_751 {add = true} : memref<10240xf32, #tpu.memory_space<vmem>>[vector<16xi32>], vector<16xf32>,
      tpu.vector_store_idx %arg8[%and3A_744], %gather3A_752 {add = true} : memref<10240xf32, #tpu.memory_space<vmem>>[vector<16xi32>], vector<16xf32>,
    }
    %scan3A_592 = arith.constant 62 : i32
    %get3A_593 = arith.constant 15936 : index
    %get3A_594 = tpu.vector_load %arg10[%get3A_593] {strides = array<i32>} : memref<16000xi32, #tpu.memory_space<vmem>>, vector<16xi32>,
    %get3A_595 = arith.constant 15952 : index
    %get3A_596 = tpu.vector_load %arg10[%get3A_595] {strides = array<i32>} : memref<16000xi32, #tpu.memory_space<vmem>>, vector<16xi32>,
    %get3A_597 = arith.constant 15968 : index
    %get3A_598 = tpu.vector_load %arg10[%get3A_597] {strides = array<i32>} : memref<16000xi32, #tpu.memory_space<vmem>>, vector<16xi32>,
    %get3A_599 = arith.constant 15984 : index
    %get3A_600 = tpu.vector_load %arg10[%get3A_599] {strides = array<i32>} : memref<16000xi32, #tpu.memory_space<vmem>>, vector<16xi32>,
    %shift_right_logical3A_601 = arith.constant 14 : i32
    %shift_right_logical3A_602 = vector.broadcast %shift_right_logical3A_601 : i32 to vector<16xi32>
    %shift_right_logical3A_603 = arith.shrui %get3A_594, %shift_right_logical3A_602 : vector<16xi32>
    %shift_right_logical3A_604 = arith.constant 14 : i32
    %shift_right_logical3A_605 = vector.broadcast %shift_right_logical3A_604 : i32 to vector<16xi32>
    %shift_right_logical3A_606 = arith.shrui %get3A_596, %shift_right_logical3A_605 : vector<16xi32>
    %shift_right_logical3A_607 = arith.constant 14 : i32
    %shift_right_logical3A_608 = vector.broadcast %shift_right_logical3A_607 : i32 to vector<16xi32>
    %shift_right_logical3A_609 = arith.shrui %get3A_598, %shift_right_logical3A_608 : vector<16xi32>
    %shift_right_logical3A_610 = arith.constant 14 : i32
    %shift_right_logical3A_611 = vector.broadcast %shift_right_logical3A_610 : i32 to vector<16xi32>
    %shift_right_logical3A_612 = arith.shrui %get3A_600, %shift_right_logical3A_611 : vector<16xi32>
    %and3A_613 = arith.andi %get3A_594, %broadcast_in_dim3A_37 : vector<16xi32>
    %and3A_614 = arith.andi %get3A_596, %broadcast_in_dim3A_37 : vector<16xi32>
    %and3A_615 = arith.andi %get3A_598, %broadcast_in_dim3A_37 : vector<16xi32>
    %and3A_616 = arith.andi %get3A_600, %broadcast_in_dim3A_37 : vector<16xi32>
    %gather3A_617 = tpu.vector_load_idx %arg7[%shift_right_logical3A_603] : memref<10240xf32, #tpu.memory_space<vmem>>[vector<16xi32>], vector<16xf32>,
    %gather3A_618 = tpu.vector_load_idx %arg7[%shift_right_logical3A_606] : memref<10240xf32, #tpu.memory_space<vmem>>[vector<16xi32>], vector<16xf32>,
    %gather3A_619 = tpu.vector_load_idx %arg7[%shift_right_logical3A_609] : memref<10240xf32, #tpu.memory_space<vmem>>[vector<16xi32>], vector<16xf32>,
    %gather3A_620 = tpu.vector_load_idx %arg7[%shift_right_logical3A_612] : memref<10240xf32, #tpu.memory_space<vmem>>[vector<16xi32>], vector<16xf32>,
    tpu.vector_store_idx %arg8[%and3A_613], %gather3A_617 {add = true} : memref<10240xf32, #tpu.memory_space<vmem>>[vector<16xi32>], vector<16xf32>,
    tpu.vector_store_idx %arg8[%and3A_614], %gather3A_618 {add = true} : memref<10240xf32, #tpu.memory_space<vmem>>[vector<16xi32>], vector<16xf32>,
    tpu.vector_store_idx %arg8[%and3A_615], %gather3A_619 {add = true} : memref<10240xf32, #tpu.memory_space<vmem>>[vector<16xi32>], vector<16xf32>,
    tpu.vector_store_idx %arg8[%and3A_616], %gather3A_620 {add = true} : memref<10240xf32, #tpu.memory_space<vmem>>[vector<16xi32>], vector<16xf32>,
    %dma_wait3A_621 = arith.constant 0 : i32
    %dma_wait3A_622 = tpu.memref_slice %arg10[%dma_wait3A_621] : memref<16000xi32, #tpu.memory_space<vmem>> -> memref<8000xi32, #tpu.memory_space<vmem>>
    %dma_wait3A_623 = tpu.memref_slice %arg2[%multiple_of3A_574] : memref<160000xi32, #tpu.memory_space<hbm>> -> memref<8000xi32, #tpu.memory_space<hbm>>
    %dma_wait3A_624 = arith.constant 0 : i32
    %dma_wait3A_625 = tpu.memref_slice %arg10[%dma_wait3A_624] : memref<16000xi32, #tpu.memory_space<vmem>> -> memref<8000xi32, #tpu.memory_space<vmem>>
    %dma_wait3A_626 = tpu.memref_slice %arg2[%multiple_of3A_574] : memref<160000xi32, #tpu.memory_space<hbm>> -> memref<8000xi32, #tpu.memory_space<hbm>>
    tpu.wait_dma2 semaphore(%arg18 : memref<!tpu.dma_semaphore, #tpu.memory_space<semaphore_mem>>) src(%dma_wait3A_626 : memref<8000xi32, #tpu.memory_space<hbm>>) dst(%dma_wait3A_625 : memref<8000xi32, #tpu.memory_space<vmem>>)
    %scan3A_627 = arith.constant 0 : i32
    %scan3A_628 = arith.constant 0 : i32
    %scan3A_629 = arith.constant 62 : i32
    %scan3A_630 = arith.addi %scan3A_628, %scan3A_629 : i32
    %scan3A_631 = arith.constant 1 : i32
    scf.for %scan3A_676 = %scan3A_628 to %scan3A_630 step %scan3A_631  : i32 {
      %mul3A_677 = arith.constant 128 : i32
      %mul3A_678 = arith.muli %scan3A_676, %mul3A_677 : i32
      %add3A_679 = arith.constant 0 : i32
      %add3A_680 = arith.addi %add3A_679, %mul3A_678 : i32
      %add3A_681 = arith.constant 0 : i32
      %add3A_682 = arith.addi %add3A_680, %add3A_681 : i32
      %get3A_683 = arith.index_cast %add3A_682 : i32 to index
      %get3A_684 = tpu.vector_load %arg10[%get3A_683] {strides = array<i32>} : memref<16000xi32, #tpu.memory_space<vmem>>, vector<16xi32>,
      %add3A_685 = arith.constant 16 : i32
      %add3A_686 = arith.addi %add3A_680, %add3A_685 : i32
      %get3A_687 = arith.index_cast %add3A_686 : i32 to index
      %get3A_688 = tpu.vector_load %arg10[%get3A_687] {strides = array<i32>} : memref<16000xi32, #tpu.memory_space<vmem>>, vector<16xi32>,
      %add3A_689 = arith.constant 32 : i32
      %add3A_690 = arith.addi %add3A_680, %add3A_689 : i32
      %get3A_691 = arith.index_cast %add3A_690 : i32 to index
      %get3A_692 = tpu.vector_load %arg10[%get3A_691] {strides = array<i32>} : memref<16000xi32, #tpu.memory_space<vmem>>, vector<16xi32>,
      %add3A_693 = arith.constant 48 : i32
      %add3A_694 = arith.addi %add3A_680, %add3A_693 : i32
      %get3A_695 = arith.index_cast %add3A_694 : i32 to index
      %get3A_696 = tpu.vector_load %arg10[%get3A_695] {strides = array<i32>} : memref<16000xi32, #tpu.memory_space<vmem>>, vector<16xi32>,
      %add3A_697 = arith.constant 64 : i32
      %add3A_698 = arith.addi %add3A_680, %add3A_697 : i32
      %get3A_699 = arith.index_cast %add3A_698 : i32 to index
      %get3A_700 = tpu.vector_load %arg10[%get3A_699] {strides = array<i32>} : memref<16000xi32, #tpu.memory_space<vmem>>, vector<16xi32>,
      %add3A_701 = arith.constant 80 : i32
      %add3A_702 = arith.addi %add3A_680, %add3A_701 : i32
      %get3A_703 = arith.index_cast %add3A_702 : i32 to index
      %get3A_704 = tpu.vector_load %arg10[%get3A_703] {strides = array<i32>} : memref<16000xi32, #tpu.memory_space<vmem>>, vector<16xi32>,
      %add3A_705 = arith.constant 96 : i32
      %add3A_706 = arith.addi %add3A_680, %add3A_705 : i32
      %get3A_707 = arith.index_cast %add3A_706 : i32 to index
      %get3A_708 = tpu.vector_load %arg10[%get3A_707] {strides = array<i32>} : memref<16000xi32, #tpu.memory_space<vmem>>, vector<16xi32>,
      %add3A_709 = arith.constant 112 : i32
      %add3A_710 = arith.addi %add3A_680, %add3A_709 : i32
      %get3A_711 = arith.index_cast %add3A_710 : i32 to index
      %get3A_712 = tpu.vector_load %arg10[%get3A_711] {strides = array<i32>} : memref<16000xi32, #tpu.memory_space<vmem>>, vector<16xi32>,
      %shift_right_logical3A_713 = arith.constant 14 : i32
      %shift_right_logical3A_714 = vector.broadcast %shift_right_logical3A_713 : i32 to vector<16xi32>
      %shift_right_logical3A_715 = arith.shrui %get3A_684, %shift_right_logical3A_714 : vector<16xi32>
      %shift_right_logical3A_716 = arith.constant 14 : i32
      %shift_right_logical3A_717 = vector.broadcast %shift_right_logical3A_716 : i32 to vector<16xi32>
      %shift_right_logical3A_718 = arith.shrui %get3A_688, %shift_right_logical3A_717 : vector<16xi32>
      %shift_right_logical3A_719 = arith.constant 14 : i32
      %shift_right_logical3A_720 = vector.broadcast %shift_right_logical3A_719 : i32 to vector<16xi32>
      %shift_right_logical3A_721 = arith.shrui %get3A_692, %shift_right_logical3A_720 : vector<16xi32>
      %shift_right_logical3A_722 = arith.constant 14 : i32
      %shift_right_logical3A_723 = vector.broadcast %shift_right_logical3A_722 : i32 to vector<16xi32>
      %shift_right_logical3A_724 = arith.shrui %get3A_696, %shift_right_logical3A_723 : vector<16xi32>
      %shift_right_logical3A_725 = arith.constant 14 : i32
      %shift_right_logical3A_726 = vector.broadcast %shift_right_logical3A_725 : i32 to vector<16xi32>
      %shift_right_logical3A_727 = arith.shrui %get3A_700, %shift_right_logical3A_726 : vector<16xi32>
      %shift_right_logical3A_728 = arith.constant 14 : i32
      %shift_right_logical3A_729 = vector.broadcast %shift_right_logical3A_728 : i32 to vector<16xi32>
      %shift_right_logical3A_730 = arith.shrui %get3A_704, %shift_right_logical3A_729 : vector<16xi32>
      %shift_right_logical3A_731 = arith.constant 14 : i32
      %shift_right_logical3A_732 = vector.broadcast %shift_right_logical3A_731 : i32 to vector<16xi32>
      %shift_right_logical3A_733 = arith.shrui %get3A_708, %shift_right_logical3A_732 : vector<16xi32>
      %shift_right_logical3A_734 = arith.constant 14 : i32
      %shift_right_logical3A_735 = vector.broadcast %shift_right_logical3A_734 : i32 to vector<16xi32>
      %shift_right_logical3A_736 = arith.shrui %get3A_712, %shift_right_logical3A_735 : vector<16xi32>
      %and3A_737 = arith.andi %get3A_684, %broadcast_in_dim3A_37 : vector<16xi32>
      %and3A_738 = arith.andi %get3A_688, %broadcast_in_dim3A_37 : vector<16xi32>
      %and3A_739 = arith.andi %get3A_692, %broadcast_in_dim3A_37 : vector<16xi32>
      %and3A_740 = arith.andi %get3A_696, %broadcast_in_dim3A_37 : vector<16xi32>
      %and3A_741 = arith.andi %get3A_700, %broadcast_in_dim3A_37 : vector<16xi32>
      %and3A_742 = arith.andi %get3A_704, %broadcast_in_dim3A_37 : vector<16xi32>
      %and3A_743 = arith.andi %get3A_708, %broadcast_in_dim3A_37 : vector<16xi32>
      %and3A_744 = arith.andi %get3A_712, %broadcast_in_dim3A_37 : vector<16xi32>
      %gather3A_745 = tpu.vector_load_idx %arg7[%shift_right_logical3A_715] : memref<10240xf32, #tpu.memory_space<vmem>>[vector<16xi32>], vector<16xf32>,
      %gather3A_746 = tpu.vector_load_idx %arg7[%shift_right_logical3A_718] : memref<10240xf32, #tpu.memory_space<vmem>>[vector<16xi32>], vector<16xf32>,
      %gather3A_747 = tpu.vector_load_idx %arg7[%shift_right_logical3A_721] : memref<10240xf32, #tpu.memory_space<vmem>>[vector<16xi32>], vector<16xf32>,
      %gather3A_748 = tpu.vector_load_idx %arg7[%shift_right_logical3A_724] : memref<10240xf32, #tpu.memory_space<vmem>>[vector<16xi32>], vector<16xf32>,
      %gather3A_749 = tpu.vector_load_idx %arg7[%shift_right_logical3A_727] : memref<10240xf32, #tpu.memory_space<vmem>>[vector<16xi32>], vector<16xf32>,
      %gather3A_750 = tpu.vector_load_idx %arg7[%shift_right_logical3A_730] : memref<10240xf32, #tpu.memory_space<vmem>>[vector<16xi32>], vector<16xf32>,
      %gather3A_751 = tpu.vector_load_idx %arg7[%shift_right_logical3A_733] : memref<10240xf32, #tpu.memory_space<vmem>>[vector<16xi32>], vector<16xf32>,
      %gather3A_752 = tpu.vector_load_idx %arg7[%shift_right_logical3A_736] : memref<10240xf32, #tpu.memory_space<vmem>>[vector<16xi32>], vector<16xf32>,
      tpu.vector_store_idx %arg8[%and3A_737], %gather3A_745 {add = true} : memref<10240xf32, #tpu.memory_space<vmem>>[vector<16xi32>], vector<16xf32>,
      tpu.vector_store_idx %arg8[%and3A_738], %gather3A_746 {add = true} : memref<10240xf32, #tpu.memory_space<vmem>>[vector<16xi32>], vector<16xf32>,
      tpu.vector_store_idx %arg8[%and3A_739], %gather3A_747 {add = true} : memref<10240xf32, #tpu.memory_space<vmem>>[vector<16xi32>], vector<16xf32>,
      tpu.vector_store_idx %arg8[%and3A_740], %gather3A_748 {add = true} : memref<10240xf32, #tpu.memory_space<vmem>>[vector<16xi32>], vector<16xf32>,
      tpu.vector_store_idx %arg8[%and3A_741], %gather3A_749 {add = true} : memref<10240xf32, #tpu.memory_space<vmem>>[vector<16xi32>], vector<16xf32>,
      tpu.vector_store_idx %arg8[%and3A_742], %gather3A_750 {add = true} : memref<10240xf32, #tpu.memory_space<vmem>>[vector<16xi32>], vector<16xf32>,
      tpu.vector_store_idx %arg8[%and3A_743], %gather3A_751 {add = true} : memref<10240xf32, #tpu.memory_space<vmem>>[vector<16xi32>], vector<16xf32>,
      tpu.vector_store_idx %arg8[%and3A_744], %gather3A_752 {add = true} : memref<10240xf32, #tpu.memory_space<vmem>>[vector<16xi32>], vector<16xf32>,
    }
    %scan3A_632 = arith.constant 62 : i32
    %get3A_633 = arith.constant 7936 : index
    %get3A_634 = tpu.vector_load %arg10[%get3A_633] {strides = array<i32>} : memref<16000xi32, #tpu.memory_space<vmem>>, vector<16xi32>,
    %get3A_635 = arith.constant 7952 : index
    %get3A_636 = tpu.vector_load %arg10[%get3A_635] {strides = array<i32>} : memref<16000xi32, #tpu.memory_space<vmem>>, vector<16xi32>,
    %get3A_637 = arith.constant 7968 : index
    %get3A_638 = tpu.vector_load %arg10[%get3A_637] {strides = array<i32>} : memref<16000xi32, #tpu.memory_space<vmem>>, vector<16xi32>,
    %get3A_639 = arith.constant 7984 : index
    %get3A_640 = tpu.vector_load %arg10[%get3A_639] {strides = array<i32>} : memref<16000xi32, #tpu.memory_space<vmem>>, vector<16xi32>,
    %shift_right_logical3A_641 = arith.constant 14 : i32
    %shift_right_logical3A_642 = vector.broadcast %shift_right_logical3A_641 : i32 to vector<16xi32>
    %shift_right_logical3A_643 = arith.shrui %get3A_634, %shift_right_logical3A_642 : vector<16xi32>
    %shift_right_logical3A_644 = arith.constant 14 : i32
    %shift_right_logical3A_645 = vector.broadcast %shift_right_logical3A_644 : i32 to vector<16xi32>
    %shift_right_logical3A_646 = arith.shrui %get3A_636, %shift_right_logical3A_645 : vector<16xi32>
    %shift_right_logical3A_647 = arith.constant 14 : i32
    %shift_right_logical3A_648 = vector.broadcast %shift_right_logical3A_647 : i32 to vector<16xi32>
    %shift_right_logical3A_649 = arith.shrui %get3A_638, %shift_right_logical3A_648 : vector<16xi32>
    %shift_right_logical3A_650 = arith.constant 14 : i32
    %shift_right_logical3A_651 = vector.broadcast %shift_right_logical3A_650 : i32 to vector<16xi32>
    %shift_right_logical3A_652 = arith.shrui %get3A_640, %shift_right_logical3A_651 : vector<16xi32>
    %and3A_653 = arith.andi %get3A_634, %broadcast_in_dim3A_37 : vector<16xi32>
    %and3A_654 = arith.andi %get3A_636, %broadcast_in_dim3A_37 : vector<16xi32>
    %and3A_655 = arith.andi %get3A_638, %broadcast_in_dim3A_37 : vector<16xi32>
    %and3A_656 = arith.andi %get3A_640, %broadcast_in_dim3A_37 : vector<16xi32>
    %gather3A_657 = tpu.vector_load_idx %arg7[%shift_right_logical3A_643] : memref<10240xf32, #tpu.memory_space<vmem>>[vector<16xi32>], vector<16xf32>,
    %gather3A_658 = tpu.vector_load_idx %arg7[%shift_right_logical3A_646] : memref<10240xf32, #tpu.memory_space<vmem>>[vector<16xi32>], vector<16xf32>,
    %gather3A_659 = tpu.vector_load_idx %arg7[%shift_right_logical3A_649] : memref<10240xf32, #tpu.memory_space<vmem>>[vector<16xi32>], vector<16xf32>,
    %gather3A_660 = tpu.vector_load_idx %arg7[%shift_right_logical3A_652] : memref<10240xf32, #tpu.memory_space<vmem>>[vector<16xi32>], vector<16xf32>,
    tpu.vector_store_idx %arg8[%and3A_653], %gather3A_657 {add = true} : memref<10240xf32, #tpu.memory_space<vmem>>[vector<16xi32>], vector<16xf32>,
    tpu.vector_store_idx %arg8[%and3A_654], %gather3A_658 {add = true} : memref<10240xf32, #tpu.memory_space<vmem>>[vector<16xi32>], vector<16xf32>,
    tpu.vector_store_idx %arg8[%and3A_655], %gather3A_659 {add = true} : memref<10240xf32, #tpu.memory_space<vmem>>[vector<16xi32>], vector<16xf32>,
    tpu.vector_store_idx %arg8[%and3A_656], %gather3A_660 {add = true} : memref<10240xf32, #tpu.memory_space<vmem>>[vector<16xi32>], vector<16xf32>,
    "tpu.region"() ({
      %run_scoped3A = tpu.sem_alloc : memref<!tpu.dma_semaphore, #tpu.memory_space<semaphore_mem>>
      %dma_start3A_676 = arith.constant 0 : i32
      %dma_start3A_677 = tpu.memref_slice %arg14[%arg1, %dma_start3A_676] : memref<16x10240xf32, #tpu.memory_space<vmem_shared>> -> memref<1x10240xf32, #tpu.memory_space<vmem_shared>>
      %dma_start3A_678 = tpu.memref_squeeze %dma_start3A_677 : memref<1x10240xf32, #tpu.memory_space<vmem_shared>> -> memref<10240xf32, #tpu.memory_space<vmem_shared>>
      %dma_start3A_679 = arith.constant 0 : i32
      %dma_start3A_680 = tpu.memref_slice %arg14[%arg1, %dma_start3A_679] : memref<16x10240xf32, #tpu.memory_space<vmem_shared>> -> memref<1x10240xf32, #tpu.memory_space<vmem_shared>>
      %dma_start3A_681 = tpu.memref_squeeze %dma_start3A_680 : memref<1x10240xf32, #tpu.memory_space<vmem_shared>> -> memref<10240xf32, #tpu.memory_space<vmem_shared>>
      tpu.enqueue_dma source(%arg8 : memref<10240xf32, #tpu.memory_space<vmem>>) target(%dma_start3A_681 : memref<10240xf32, #tpu.memory_space<vmem_shared>>) target_semaphore(%run_scoped3A : memref<!tpu.dma_semaphore, #tpu.memory_space<semaphore_mem>>)
      %dma_wait3A_682 = arith.constant 0 : i32
      %dma_wait3A_683 = tpu.memref_slice %arg14[%arg1, %dma_wait3A_682] : memref<16x10240xf32, #tpu.memory_space<vmem_shared>> -> memref<1x10240xf32, #tpu.memory_space<vmem_shared>>
      %dma_wait3A_684 = tpu.memref_squeeze %dma_wait3A_683 : memref<1x10240xf32, #tpu.memory_space<vmem_shared>> -> memref<10240xf32, #tpu.memory_space<vmem_shared>>
      %dma_wait3A_685 = arith.constant 0 : i32
      %dma_wait3A_686 = tpu.memref_slice %arg14[%arg1, %dma_wait3A_685] : memref<16x10240xf32, #tpu.memory_space<vmem_shared>> -> memref<1x10240xf32, #tpu.memory_space<vmem_shared>>
      %dma_wait3A_687 = tpu.memref_squeeze %dma_wait3A_686 : memref<1x10240xf32, #tpu.memory_space<vmem_shared>> -> memref<10240xf32, #tpu.memory_space<vmem_shared>>
      tpu.wait_dma2 semaphore(%run_scoped3A : memref<!tpu.dma_semaphore, #tpu.memory_space<semaphore_mem>>) src(%arg8 : memref<10240xf32, #tpu.memory_space<vmem>>) dst(%dma_wait3A_687 : memref<10240xf32, #tpu.memory_space<vmem_shared>>)
      tpu.yield
    }) : () -> ()
    %barrier3A_661 = arith.constant 0 : index
    tpu.barrier barrier_id(%barrier3A_661)
    %mul3A_662 = arith.constant 4 : i32
    %mul3A_663 = arith.muli %select_n3A, %mul3A_662 : i32
    "tpu.region"() ({
      %run_scoped3A = tpu.sem_alloc : memref<!tpu.dma_semaphore, #tpu.memory_space<semaphore_mem>>
      %dma_start3A_676 = tpu.memref_slice %arg14[%mul3A_663, %multiple_of3A_391] : memref<16x10240xf32, #tpu.memory_space<vmem_shared>> -> memref<4x2560xf32, #tpu.memory_space<vmem_shared>>
      %dma_start3A_677 = tpu.memref_slice %arg14[%mul3A_663, %multiple_of3A_391] : memref<16x10240xf32, #tpu.memory_space<vmem_shared>> -> memref<4x2560xf32, #tpu.memory_space<vmem_shared>>
      tpu.enqueue_dma source(%dma_start3A_677 : memref<4x2560xf32, #tpu.memory_space<vmem_shared>>) target(%arg12 : memref<4x2560xf32, #tpu.memory_space<vmem>>) target_semaphore(%run_scoped3A : memref<!tpu.dma_semaphore, #tpu.memory_space<semaphore_mem>>)
      %dma_wait3A_678 = tpu.memref_slice %arg14[%mul3A_663, %multiple_of3A_391] : memref<16x10240xf32, #tpu.memory_space<vmem_shared>> -> memref<4x2560xf32, #tpu.memory_space<vmem_shared>>
      %dma_wait3A_679 = tpu.memref_slice %arg14[%mul3A_663, %multiple_of3A_391] : memref<16x10240xf32, #tpu.memory_space<vmem_shared>> -> memref<4x2560xf32, #tpu.memory_space<vmem_shared>>
      tpu.wait_dma2 semaphore(%run_scoped3A : memref<!tpu.dma_semaphore, #tpu.memory_space<semaphore_mem>>) src(%dma_wait3A_679 : memref<4x2560xf32, #tpu.memory_space<vmem_shared>>) dst(%arg12 : memref<4x2560xf32, #tpu.memory_space<vmem>>)
      tpu.yield
    }) : () -> ()
    %scan3A_664 = arith.constant 0 : i32
    %scan3A_665 = arith.constant 0 : i32
    %scan3A_666 = arith.constant 160 : i32
    %scan3A_667 = arith.addi %scan3A_665, %scan3A_666 : i32
    %scan3A_668 = arith.constant 1 : i32
    scf.for %scan3A_676 = %scan3A_665 to %scan3A_667 step %scan3A_668  : i32 {
      %mul3A_677 = arith.constant 16 : i32
      %mul3A_678 = arith.muli %scan3A_676, %mul3A_677 : i32
      %get3A_679 = arith.constant 0 : i32
      %get3A_680 = arith.index_cast %get3A_679 : i32 to index
      %get3A_681 = arith.index_cast %mul3A_678 : i32 to index
      %get3A_682 = tpu.vector_load %arg12[%get3A_680, %get3A_681] {strides = array<i32>} : memref<4x2560xf32, #tpu.memory_space<vmem>>, vector<16xf32>,
      %get3A_683 = arith.constant 1 : i32
      %get3A_684 = arith.index_cast %get3A_683 : i32 to index
      %get3A_685 = arith.index_cast %mul3A_678 : i32 to index
      %get3A_686 = tpu.vector_load %arg12[%get3A_684, %get3A_685] {strides = array<i32>} : memref<4x2560xf32, #tpu.memory_space<vmem>>, vector<16xf32>,
      %get3A_687 = arith.constant 2 : i32
      %get3A_688 = arith.index_cast %get3A_687 : i32 to index
      %get3A_689 = arith.index_cast %mul3A_678 : i32 to index
      %get3A_690 = tpu.vector_load %arg12[%get3A_688, %get3A_689] {strides = array<i32>} : memref<4x2560xf32, #tpu.memory_space<vmem>>, vector<16xf32>,
      %get3A_691 = arith.constant 3 : i32
      %get3A_692 = arith.index_cast %get3A_691 : i32 to index
      %get3A_693 = arith.index_cast %mul3A_678 : i32 to index
      %get3A_694 = tpu.vector_load %arg12[%get3A_692, %get3A_693] {strides = array<i32>} : memref<4x2560xf32, #tpu.memory_space<vmem>>, vector<16xf32>,
      %add3A_695 = arith.addf %get3A_682, %get3A_686 : vector<16xf32>
      %add3A_696 = arith.addf %get3A_690, %get3A_694 : vector<16xf32>
      %add3A_697 = arith.addf %add3A_695, %add3A_696 : vector<16xf32>
      %swap3A = arith.index_cast %mul3A_678 : i32 to index
      %swap3A_698 = tpu.vector_load %arg13[%swap3A] {strides = array<i32>} : memref<2560xf32, #tpu.memory_space<vmem>>, vector<16xf32>,
      tpu.vector_store %arg13[%swap3A], %add3A_697 {strides = array<i32>} : memref<2560xf32, #tpu.memory_space<vmem>>, vector<16xf32>,
    }
    %scan3A_669 = arith.constant 160 : i32
    %scan3A_670 = arith.constant 0 : i32
    %scan3A_671 = arith.constant 0 : i32
    %scan3A_672 = arith.constant 40 : i32
    %scan3A_673 = arith.addi %scan3A_671, %scan3A_672 : i32
    %scan3A_674 = arith.constant 1 : i32
    scf.for %scan3A_676 = %scan3A_671 to %scan3A_673 step %scan3A_674  : i32 {
      %mul3A_677 = arith.constant 64 : i32
      %mul3A_678 = arith.muli %scan3A_676, %mul3A_677 : i32
      %add3A_679 = arith.constant 0 : i32
      %add3A_680 = arith.addi %mul3A_678, %add3A_679 : i32
      %mul3A_681 = arith.constant 64 : i32
      %mul3A_682 = arith.muli %scan3A_676, %mul3A_681 : i32
      %add3A_683 = arith.constant 16 : i32
      %add3A_684 = arith.addi %mul3A_682, %add3A_683 : i32
      %mul3A_685 = arith.constant 64 : i32
      %mul3A_686 = arith.muli %scan3A_676, %mul3A_685 : i32
      %add3A_687 = arith.constant 32 : i32
      %add3A_688 = arith.addi %mul3A_686, %add3A_687 : i32
      %mul3A_689 = arith.constant 64 : i32
      %mul3A_690 = arith.muli %scan3A_676, %mul3A_689 : i32
      %add3A_691 = arith.constant 48 : i32
      %add3A_692 = arith.addi %mul3A_690, %add3A_691 : i32
      %get3A_693 = arith.index_cast %add3A_680 : i32 to index
      %get3A_694 = tpu.vector_load %arg13[%get3A_693] {strides = array<i32>} : memref<2560xf32, #tpu.memory_space<vmem>>, vector<16xf32>,
      %get3A_695 = arith.index_cast %add3A_684 : i32 to index
      %get3A_696 = tpu.vector_load %arg13[%get3A_695] {strides = array<i32>} : memref<2560xf32, #tpu.memory_space<vmem>>, vector<16xf32>,
      %get3A_697 = arith.index_cast %add3A_688 : i32 to index
      %get3A_698 = tpu.vector_load %arg13[%get3A_697] {strides = array<i32>} : memref<2560xf32, #tpu.memory_space<vmem>>, vector<16xf32>,
      %get3A_699 = arith.index_cast %add3A_692 : i32 to index
      %get3A_700 = tpu.vector_load %arg13[%get3A_699] {strides = array<i32>} : memref<2560xf32, #tpu.memory_space<vmem>>, vector<16xf32>,
      %add3A_701 = arith.addi %multiple_of3A_391, %add3A_680 : i32
      %get3A_702 = arith.index_cast %add3A_701 : i32 to index
      %get3A_703 = tpu.vector_load %arg6[%get3A_702] {strides = array<i32>} : memref<10240xf32, #tpu.memory_space<vmem>>, vector<16xf32>,
      %add3A_704 = arith.addi %multiple_of3A_391, %add3A_684 : i32
      %get3A_705 = arith.index_cast %add3A_704 : i32 to index
      %get3A_706 = tpu.vector_load %arg6[%get3A_705] {strides = array<i32>} : memref<10240xf32, #tpu.memory_space<vmem>>, vector<16xf32>,
      %add3A_707 = arith.addi %multiple_of3A_391, %add3A_688 : i32
      %get3A_708 = arith.index_cast %add3A_707 : i32 to index
      %get3A_709 = tpu.vector_load %arg6[%get3A_708] {strides = array<i32>} : memref<10240xf32, #tpu.memory_space<vmem>>, vector<16xf32>,
      %add3A_710 = arith.addi %multiple_of3A_391, %add3A_692 : i32
      %get3A_711 = arith.index_cast %add3A_710 : i32 to index
      %get3A_712 = tpu.vector_load %arg6[%get3A_711] {strides = array<i32>} : memref<10240xf32, #tpu.memory_space<vmem>>, vector<16xf32>,
      %add3A_713 = arith.addi %multiple_of3A_391, %add3A_680 : i32
      %get3A_714 = arith.index_cast %add3A_713 : i32 to index
      %get3A_715 = tpu.vector_load %arg7[%get3A_714] {strides = array<i32>} : memref<10240xf32, #tpu.memory_space<vmem>>, vector<16xf32>,
      %add3A_716 = arith.addi %multiple_of3A_391, %add3A_684 : i32
      %get3A_717 = arith.index_cast %add3A_716 : i32 to index
      %get3A_718 = tpu.vector_load %arg7[%get3A_717] {strides = array<i32>} : memref<10240xf32, #tpu.memory_space<vmem>>, vector<16xf32>,
      %add3A_719 = arith.addi %multiple_of3A_391, %add3A_688 : i32
      %get3A_720 = arith.index_cast %add3A_719 : i32 to index
      %get3A_721 = tpu.vector_load %arg7[%get3A_720] {strides = array<i32>} : memref<10240xf32, #tpu.memory_space<vmem>>, vector<16xf32>,
      %add3A_722 = arith.addi %multiple_of3A_391, %add3A_692 : i32
      %get3A_723 = arith.index_cast %add3A_722 : i32 to index
      %get3A_724 = tpu.vector_load %arg7[%get3A_723] {strides = array<i32>} : memref<10240xf32, #tpu.memory_space<vmem>>, vector<16xf32>,
      %add3A_725 = arith.addf %get3A_694, %get3A_715 : vector<16xf32>
      %mul3A_726 = arith.mulf %get3A_703, %add3A_725 : vector<16xf32>
      %swap3A = arith.index_cast %add3A_680 : i32 to index
      %swap3A_727 = tpu.vector_load %arg13[%swap3A] {strides = array<i32>} : memref<2560xf32, #tpu.memory_space<vmem>>, vector<16xf32>,
      tpu.vector_store %arg13[%swap3A], %mul3A_726 {strides = array<i32>} : memref<2560xf32, #tpu.memory_space<vmem>>, vector<16xf32>,
      %add3A_728 = arith.addf %get3A_696, %get3A_718 : vector<16xf32>
      %mul3A_729 = arith.mulf %get3A_706, %add3A_728 : vector<16xf32>
      %swap3A_730 = arith.index_cast %add3A_684 : i32 to index
      %swap3A_731 = tpu.vector_load %arg13[%swap3A_730] {strides = array<i32>} : memref<2560xf32, #tpu.memory_space<vmem>>, vector<16xf32>,
      tpu.vector_store %arg13[%swap3A_730], %mul3A_729 {strides = array<i32>} : memref<2560xf32, #tpu.memory_space<vmem>>, vector<16xf32>,
      %add3A_732 = arith.addf %get3A_698, %get3A_721 : vector<16xf32>
      %mul3A_733 = arith.mulf %get3A_709, %add3A_732 : vector<16xf32>
      %swap3A_734 = arith.index_cast %add3A_688 : i32 to index
      %swap3A_735 = tpu.vector_load %arg13[%swap3A_734] {strides = array<i32>} : memref<2560xf32, #tpu.memory_space<vmem>>, vector<16xf32>,
      tpu.vector_store %arg13[%swap3A_734], %mul3A_733 {strides = array<i32>} : memref<2560xf32, #tpu.memory_space<vmem>>, vector<16xf32>,
      %add3A_736 = arith.addf %get3A_700, %get3A_724 : vector<16xf32>
      %mul3A_737 = arith.mulf %get3A_712, %add3A_736 : vector<16xf32>
      %swap3A_738 = arith.index_cast %add3A_692 : i32 to index
      %swap3A_739 = tpu.vector_load %arg13[%swap3A_738] {strides = array<i32>} : memref<2560xf32, #tpu.memory_space<vmem>>, vector<16xf32>,
      tpu.vector_store %arg13[%swap3A_738], %mul3A_737 {strides = array<i32>} : memref<2560xf32, #tpu.memory_space<vmem>>, vector<16xf32>,
    }
    %scan3A_675 = arith.constant 40 : i32
    "tpu.region"() ({
      %run_scoped3A = tpu.sem_alloc : memref<!tpu.dma_semaphore, #tpu.memory_space<semaphore_mem>>
      %dma_start3A_676 = tpu.memref_slice %arg4[%add3A_30, %multiple_of3A_391] : memref<8x10240xf32, #tpu.memory_space<hbm>> -> memref<1x2560xf32, #tpu.memory_space<hbm>>
      %dma_start3A_677 = tpu.memref_squeeze %dma_start3A_676 : memref<1x2560xf32, #tpu.memory_space<hbm>> -> memref<2560xf32, #tpu.memory_space<hbm>>
      %dma_start3A_678 = tpu.memref_slice %arg4[%add3A_30, %multiple_of3A_391] : memref<8x10240xf32, #tpu.memory_space<hbm>> -> memref<1x2560xf32, #tpu.memory_space<hbm>>
      %dma_start3A_679 = tpu.memref_squeeze %dma_start3A_678 : memref<1x2560xf32, #tpu.memory_space<hbm>> -> memref<2560xf32, #tpu.memory_space<hbm>>
      tpu.enqueue_dma source(%arg13 : memref<2560xf32, #tpu.memory_space<vmem>>) target(%dma_start3A_679 : memref<2560xf32, #tpu.memory_space<hbm>>) target_semaphore(%run_scoped3A : memref<!tpu.dma_semaphore, #tpu.memory_space<semaphore_mem>>)
      %dma_wait3A_680 = tpu.memref_slice %arg4[%add3A_30, %multiple_of3A_391] : memref<8x10240xf32, #tpu.memory_space<hbm>> -> memref<1x2560xf32, #tpu.memory_space<hbm>>
      %dma_wait3A_681 = tpu.memref_squeeze %dma_wait3A_680 : memref<1x2560xf32, #tpu.memory_space<hbm>> -> memref<2560xf32, #tpu.memory_space<hbm>>
      %dma_wait3A_682 = tpu.memref_slice %arg4[%add3A_30, %multiple_of3A_391] : memref<8x10240xf32, #tpu.memory_space<hbm>> -> memref<1x2560xf32, #tpu.memory_space<hbm>>
      %dma_wait3A_683 = tpu.memref_squeeze %dma_wait3A_682 : memref<1x2560xf32, #tpu.memory_space<hbm>> -> memref<2560xf32, #tpu.memory_space<hbm>>
      tpu.wait_dma2 semaphore(%run_scoped3A : memref<!tpu.dma_semaphore, #tpu.memory_space<semaphore_mem>>) src(%arg13 : memref<2560xf32, #tpu.memory_space<vmem>>) dst(%dma_wait3A_683 : memref<2560xf32, #tpu.memory_space<hbm>>)
      tpu.yield
    }) : () -> ()
    return
  }
}

module attributes {stable_mosaic.version = 14 : i64} {
  func.func @_combine_body(%arg0: memref<8x10240xf32, #tpu.memory_space<vmem>>, %arg1: memref<8x10240xf32, #tpu.memory_space<vmem>>, %arg2: memref<1x10240xf32, #tpu.memory_space<vmem>>, %arg3: memref<1x128xf32, #tpu.memory_space<vmem>>, %arg4: memref<128x128xf32, #tpu.memory_space<vmem>>, %arg5: memref<1x128xf32, #tpu.memory_space<vmem>>, %arg6: memref<1x128xf32, #tpu.memory_space<vmem>>, %arg7: memref<1x128xf32, #tpu.memory_space<vmem>>, %arg8: memref<1x1xf32, #tpu.memory_space<vmem>>, %arg9: memref<8x10240xf32, #tpu.memory_space<vmem>>) attributes {dimension_semantics = [], scalar_prefetch = 0 : i64, scratch_operands = 0 : i64, tpu.core_type = #tpu.core_type<tc>} {
    %get3A = arith.constant 0 : index
    %get3A_0 = arith.constant 0 : index
    %get3A_1 = vector.load %arg3[%get3A, %get3A_0] : memref<1x128xf32, #tpu.memory_space<vmem>>, vector<1x128xf32>
    %get3A_2 = arith.constant 0 : index
    %get3A_3 = arith.constant 0 : index
    %get3A_4 = vector.load %arg4[%get3A_2, %get3A_3] : memref<128x128xf32, #tpu.memory_space<vmem>>, vector<128x128xf32>
    %dot_general3A = arith.constant dense<0.000000e+00> : vector<1x128xf32>
    %dot_general3A_5 = tpu.matmul %get3A_1, %get3A_4, %dot_general3A {dimension_numbers = #tpu.dot_dimension_numbers<[1], [0], [0], [1], [0, 0, 1, 1], [], []>, transpose_lhs_hint = false} : vector<1x128xf32>, vector<128x128xf32>, vector<1x128xf32> -> vector<1x128xf32>
    %get3A_6 = arith.constant 0 : index
    %get3A_7 = arith.constant 0 : index
    %get3A_8 = vector.load %arg5[%get3A_6, %get3A_7] : memref<1x128xf32, #tpu.memory_space<vmem>>, vector<1x128xf32>
    %get3A_9 = arith.constant 0 : index
    %get3A_10 = arith.constant 0 : index
    %get3A_11 = vector.load %arg4[%get3A_9, %get3A_10] : memref<128x128xf32, #tpu.memory_space<vmem>>, vector<128x128xf32>
    %dot_general3A_12 = arith.constant dense<0.000000e+00> : vector<1x128xf32>
    %dot_general3A_13 = tpu.matmul %get3A_8, %get3A_11, %dot_general3A_12 {dimension_numbers = #tpu.dot_dimension_numbers<[1], [0], [0], [1], [0, 0, 1, 1], [], []>, transpose_lhs_hint = false} : vector<1x128xf32>, vector<128x128xf32>, vector<1x128xf32> -> vector<1x128xf32>
    %get3A_14 = arith.constant 0 : index
    %get3A_15 = arith.constant 0 : index
    %get3A_16 = vector.load %arg7[%get3A_14, %get3A_15] : memref<1x128xf32, #tpu.memory_space<vmem>>, vector<1x128xf32>
    %dot_general3A_17 = arith.constant dense<0.000000e+00> : vector<1x1xf32>
    %dot_general3A_18 = tpu.matmul %dot_general3A_5, %get3A_16, %dot_general3A_17 {dimension_numbers = #tpu.dot_dimension_numbers<[1], [1], [0], [0], [0, 0, 1, 0], [], []>, transpose_lhs_hint = false} : vector<1x128xf32>, vector<1x128xf32>, vector<1x1xf32> -> vector<1x1xf32>
    %get3A_19 = arith.constant 0 : index
    %get3A_20 = arith.constant 0 : index
    %get3A_21 = vector.load %arg7[%get3A_19, %get3A_20] : memref<1x128xf32, #tpu.memory_space<vmem>>, vector<1x128xf32>
    %dot_general3A_22 = arith.constant dense<0.000000e+00> : vector<1x1xf32>
    %dot_general3A_23 = tpu.matmul %dot_general3A_13, %get3A_21, %dot_general3A_22 {dimension_numbers = #tpu.dot_dimension_numbers<[1], [1], [0], [0], [0, 0, 1, 0], [], []>, transpose_lhs_hint = false} : vector<1x128xf32>, vector<1x128xf32>, vector<1x1xf32> -> vector<1x1xf32>
    %get3A_24 = arith.constant 0 : index
    %get3A_25 = arith.constant 0 : index
    %get3A_26 = vector.load %arg6[%get3A_24, %get3A_25] : memref<1x128xf32, #tpu.memory_space<vmem>>, vector<1x128xf32>
    %get3A_27 = arith.constant 0 : index
    %get3A_28 = arith.constant 0 : index
    %get3A_29 = vector.load %arg7[%get3A_27, %get3A_28] : memref<1x128xf32, #tpu.memory_space<vmem>>, vector<1x128xf32>
    %dot_general3A_30 = arith.constant dense<0.000000e+00> : vector<1x1xf32>
    %dot_general3A_31 = tpu.matmul %get3A_26, %get3A_29, %dot_general3A_30 {dimension_numbers = #tpu.dot_dimension_numbers<[1], [1], [0], [0], [0, 0, 1, 0], [], []>, transpose_lhs_hint = false} : vector<1x128xf32>, vector<1x128xf32>, vector<1x1xf32> -> vector<1x1xf32>
    %get3A_32 = arith.constant 0 : index
    %get3A_33 = arith.constant 0 : index
    %get3A_34 = vector.load %arg0[%get3A_32, %get3A_33] : memref<8x10240xf32, #tpu.memory_space<vmem>>, vector<8x10240xf32>
    %squeeze3A = vector.extract %dot_general3A_18[0, 0] : f32 from vector<1x1xf32>
    %get3A_35 = arith.constant 0 : index
    %get3A_36 = arith.constant 0 : index
    %get3A_37 = vector.load %arg1[%get3A_35, %get3A_36] : memref<8x10240xf32, #tpu.memory_space<vmem>>, vector<8x10240xf32>
    %mul3A = vector.broadcast %squeeze3A : f32 to vector<8x10240xf32>
    %mul3A_38 = arith.mulf %mul3A, %get3A_37 : vector<8x10240xf32>
    %add3A = arith.addf %get3A_34, %mul3A_38 : vector<8x10240xf32>
    %squeeze3A_39 = vector.extract %dot_general3A_23[0, 0] : f32 from vector<1x1xf32>
    %get3A_40 = arith.constant 0 : index
    %get3A_41 = arith.constant 0 : index
    %get3A_42 = vector.load %arg2[%get3A_40, %get3A_41] : memref<1x10240xf32, #tpu.memory_space<vmem>>, vector<1x10240xf32>
    %mul3A_43 = vector.broadcast %squeeze3A_39 : f32 to vector<1x10240xf32>
    %mul3A_44 = arith.mulf %mul3A_43, %get3A_42 : vector<1x10240xf32>
    %add3A_45 = vector.broadcast %mul3A_44 : vector<1x10240xf32> to vector<8x10240xf32>
    %add3A_46 = arith.addf %add3A, %add3A_45 : vector<8x10240xf32>
    %squeeze3A_47 = vector.extract %dot_general3A_31[0, 0] : f32 from vector<1x1xf32>
    %get3A_48 = arith.constant 0 : index
    %get3A_49 = arith.constant 0 : index
    %get3A_50 = vector.load %arg8[%get3A_48, %get3A_49] : memref<1x1xf32, #tpu.memory_space<vmem>>, vector<1x1xf32>
    %get3A_51 = vector.extract %get3A_50[0, 0] : f32 from vector<1x1xf32>
    %add3A_52 = arith.addf %squeeze3A_47, %get3A_51 : f32
    %add3A_53 = vector.broadcast %add3A_52 : f32 to vector<8x10240xf32>
    %add3A_54 = arith.addf %add3A_46, %add3A_53 : vector<8x10240xf32>
    %swap3A = arith.constant 0 : index
    %swap3A_55 = arith.constant 0 : index
    %swap3A_56 = vector.load %arg9[%swap3A, %swap3A_55] : memref<8x10240xf32, #tpu.memory_space<vmem>>, vector<8x10240xf32>
    tpu.vector_store %arg9[%swap3A, %swap3A_55], %add3A_54 {strides = array<i32>} : memref<8x10240xf32, #tpu.memory_space<vmem>>, vector<8x10240xf32>,
    return
  }
}

module attributes {stable_mosaic.version = 14 : i64} {
  func.func @_mlp_body(%arg0: i32, %arg1: memref<8x128xf32, #tpu.memory_space<vmem>>, %arg2: memref<768x128xf32, #tpu.memory_space<vmem>>, %arg3: memref<1x768xf32, #tpu.memory_space<vmem>>, %arg4: memref<1x768xf32, #tpu.memory_space<vmem>>, %arg5: memref<256x4096xf32, #tpu.memory_space<vmem>>, %arg6: memref<1x4096xf32, #tpu.memory_space<vmem>>, %arg7: memref<1x4096xf32, #tpu.memory_space<vmem>>, %arg8: memref<1x4096xf32, #tpu.memory_space<vmem>>, %arg9: memref<1x4096xf32, #tpu.memory_space<vmem>>, %arg10: memref<4096x512xf32, #tpu.memory_space<vmem>>, %arg11: memref<8x512xf32, #tpu.memory_space<vmem>>, %arg12: memref<8x256xf32, #tpu.memory_space<vmem>>, %arg13: memref<8x256xf32, #tpu.memory_space<vmem>>) attributes {dimension_semantics = [#tpu.dimension_semantics<arbitrary>], iteration_bounds = array<i64: 20>, scalar_prefetch = 0 : i64, scratch_operands = 1 : i64, tpu.core_type = #tpu.core_type<tc>, window_params = [{pipeline_mode = #tpu.pipeline_mode<synchronous>, transform_indices = @transform_0, window_bounds = array<i64: 8, 128>}, {pipeline_mode = #tpu.pipeline_mode<synchronous>, transform_indices = @transform_1, window_bounds = array<i64: 768, 128>}, {pipeline_mode = #tpu.pipeline_mode<synchronous>, transform_indices = @transform_2, window_bounds = array<i64: 1, 768>}, {pipeline_mode = #tpu.pipeline_mode<synchronous>, transform_indices = @transform_3, window_bounds = array<i64: 1, 768>}, {transform_indices = @transform_4, window_bounds = array<i64: 256, 4096>}, {transform_indices = @transform_5, window_bounds = array<i64: 1, 4096>}, {transform_indices = @transform_6, window_bounds = array<i64: 1, 4096>}, {transform_indices = @transform_7, window_bounds = array<i64: 1, 4096>}, {transform_indices = @transform_8, window_bounds = array<i64: 1, 4096>}, {pipeline_mode = #tpu.pipeline_mode<synchronous>, transform_indices = @transform_9, window_bounds = array<i64: 4096, 512>}, {transform_indices = @transform_10, window_bounds = array<i64: 8, 512>}, {pipeline_mode = #tpu.pipeline_mode<synchronous>, transform_indices = @transform_11, window_bounds = array<i64: 8, 256>}]} {
    %eq3A = arith.constant 0 : i32
    %eq3A_0 = arith.cmpi eq, %arg0, %eq3A : i32
    %convert_element_type3A = arith.extui %eq3A_0 : i1 to i32
    %cond3A = arith.constant 0 : i32
    %cond3A_1 = arith.cmpi ne, %convert_element_type3A, %cond3A : i32
    scf.if %cond3A_1 {
      %get3A_45 = arith.constant 0 : index
      %get3A_46 = arith.constant 0 : index
      %get3A_47 = vector.load %arg1[%get3A_45, %get3A_46] : memref<8x128xf32, #tpu.memory_space<vmem>>, vector<8x128xf32>
      %get3A_48 = arith.constant 0 : index
      %get3A_49 = arith.constant 0 : index
      %get3A_50 = vector.load %arg2[%get3A_48, %get3A_49] : memref<768x128xf32, #tpu.memory_space<vmem>>, vector<768x128xf32>
      %dot_general3A_51 = arith.constant dense<0.000000e+00> : vector<8x768xf32>
      %dot_general3A_52 = tpu.matmul %get3A_47, %get3A_50, %dot_general3A_51 {dimension_numbers = #tpu.dot_dimension_numbers<[1], [1], [0], [0], [0, 0, 1, 0], [], []>, transpose_lhs_hint = false} : vector<8x128xf32>, vector<768x128xf32>, vector<8x768xf32> -> vector<8x768xf32>
      %get3A_53 = arith.constant 0 : index
      %get3A_54 = arith.constant 0 : index
      %get3A_55 = vector.load %arg3[%get3A_53, %get3A_54] : memref<1x768xf32, #tpu.memory_space<vmem>>, vector<1x768xf32>
      %add3A_56 = vector.broadcast %get3A_55 : vector<1x768xf32> to vector<8x768xf32>
      %add3A_57 = arith.addf %dot_general3A_52, %add3A_56 : vector<8x768xf32>
      %get3A_58 = arith.constant 0 : index
      %get3A_59 = arith.constant 0 : index
      %get3A_60 = vector.load %arg4[%get3A_58, %get3A_59] : memref<1x768xf32, #tpu.memory_space<vmem>>, vector<1x768xf32>
      %slice3A = vector.extract_strided_slice %add3A_57 {offsets = [0, 0], sizes = [8, 256], strides = [1, 1]} : vector<8x768xf32> to vector<8x256xf32>
      %slice3A_61 = vector.extract_strided_slice %get3A_60 {offsets = [0, 0], sizes = [1, 256], strides = [1, 1]} : vector<1x768xf32> to vector<1x256xf32>
      %add3A_62 = vector.broadcast %slice3A_61 : vector<1x256xf32> to vector<8x256xf32>
      %add3A_63 = arith.addf %slice3A, %add3A_62 : vector<8x256xf32>
      %logistic3A = arith.negf %add3A_63 : vector<8x256xf32>
      %logistic3A_64 = math.exp %logistic3A : vector<8x256xf32>
      %logistic3A_65 = arith.constant 1.000000e+00 : f32
      %logistic3A_66 = vector.broadcast %logistic3A_65 : f32 to vector<8x256xf32>
      %logistic3A_67 = arith.addf %logistic3A_66, %logistic3A_64 : vector<8x256xf32>
      %logistic3A_68 = arith.divf %logistic3A_66, %logistic3A_67 : vector<8x256xf32>
      %slice3A_69 = vector.extract_strided_slice %add3A_57 {offsets = [0, 256], sizes = [8, 256], strides = [1, 1]} : vector<8x768xf32> to vector<8x256xf32>
      %slice3A_70 = vector.extract_strided_slice %get3A_60 {offsets = [0, 256], sizes = [1, 256], strides = [1, 1]} : vector<1x768xf32> to vector<1x256xf32>
      %add3A_71 = vector.broadcast %slice3A_70 : vector<1x256xf32> to vector<8x256xf32>
      %add3A_72 = arith.addf %slice3A_69, %add3A_71 : vector<8x256xf32>
      %logistic3A_73 = arith.negf %add3A_72 : vector<8x256xf32>
      %logistic3A_74 = math.exp %logistic3A_73 : vector<8x256xf32>
      %logistic3A_75 = arith.constant 1.000000e+00 : f32
      %logistic3A_76 = vector.broadcast %logistic3A_75 : f32 to vector<8x256xf32>
      %logistic3A_77 = arith.addf %logistic3A_76, %logistic3A_74 : vector<8x256xf32>
      %logistic3A_78 = arith.divf %logistic3A_76, %logistic3A_77 : vector<8x256xf32>
      %slice3A_79 = vector.extract_strided_slice %add3A_57 {offsets = [0, 512], sizes = [8, 256], strides = [1, 1]} : vector<8x768xf32> to vector<8x256xf32>
      %slice3A_80 = vector.extract_strided_slice %get3A_60 {offsets = [0, 512], sizes = [1, 256], strides = [1, 1]} : vector<1x768xf32> to vector<1x256xf32>
      %mul3A_81 = vector.broadcast %slice3A_80 : vector<1x256xf32> to vector<8x256xf32>
      %mul3A_82 = arith.mulf %logistic3A_68, %mul3A_81 : vector<8x256xf32>
      %add3A_83 = arith.addf %slice3A_79, %mul3A_82 : vector<8x256xf32>
      %tanh3A = math.tanh %add3A_83 : vector<8x256xf32>
      %sub3A = arith.constant 1.000000e+00 : f32
      %sub3A_84 = vector.broadcast %sub3A : f32 to vector<8x256xf32>
      %sub3A_85 = arith.subf %sub3A_84, %logistic3A_78 : vector<8x256xf32>
      %mul3A_86 = arith.mulf %sub3A_85, %tanh3A : vector<8x256xf32>
      %swap3A_87 = arith.constant 0 : index
      %swap3A_88 = arith.constant 0 : index
      %swap3A_89 = vector.load %arg13[%swap3A_87, %swap3A_88] : memref<8x256xf32, #tpu.memory_space<vmem>>, vector<8x256xf32>
      tpu.vector_store %arg13[%swap3A_87, %swap3A_88], %mul3A_86 {strides = array<i32>} : memref<8x256xf32, #tpu.memory_space<vmem>>, vector<8x256xf32>,
      %swap3A_90 = arith.constant 0 : index
      %swap3A_91 = arith.constant 0 : index
      %swap3A_92 = vector.load %arg12[%swap3A_90, %swap3A_91] : memref<8x256xf32, #tpu.memory_space<vmem>>, vector<8x256xf32>
      tpu.vector_store %arg12[%swap3A_90, %swap3A_91], %mul3A_86 {strides = array<i32>} : memref<8x256xf32, #tpu.memory_space<vmem>>, vector<8x256xf32>,
    } else {
    }
    %get3A = arith.constant 0 : index
    %get3A_2 = arith.constant 0 : index
    %get3A_3 = vector.load %arg13[%get3A, %get3A_2] : memref<8x256xf32, #tpu.memory_space<vmem>>, vector<8x256xf32>
    %get3A_4 = arith.constant 0 : index
    %get3A_5 = arith.constant 0 : index
    %get3A_6 = vector.load %arg5[%get3A_4, %get3A_5] : memref<256x4096xf32, #tpu.memory_space<vmem>>, vector<256x4096xf32>
    %dot_general3A = arith.constant dense<0.000000e+00> : vector<8x4096xf32>
    %dot_general3A_7 = tpu.matmul %get3A_3, %get3A_6, %dot_general3A {dimension_numbers = #tpu.dot_dimension_numbers<[1], [0], [0], [1], [0, 0, 1, 1], [], []>, transpose_lhs_hint = false} : vector<8x256xf32>, vector<256x4096xf32>, vector<8x4096xf32> -> vector<8x4096xf32>
    %get3A_8 = arith.constant 0 : index
    %get3A_9 = arith.constant 0 : index
    %get3A_10 = vector.load %arg6[%get3A_8, %get3A_9] : memref<1x4096xf32, #tpu.memory_space<vmem>>, vector<1x4096xf32>
    %add3A = vector.broadcast %get3A_10 : vector<1x4096xf32> to vector<8x4096xf32>
    %add3A_11 = arith.addf %dot_general3A_7, %add3A : vector<8x4096xf32>
    %ge3A = arith.constant 0.000000e+00 : f32
    %ge3A_12 = vector.broadcast %ge3A : f32 to vector<8x4096xf32>
    %ge3A_13 = arith.cmpf oge, %add3A_11, %ge3A_12 : vector<8x4096xf32>
    %get3A_14 = arith.constant 0 : index
    %get3A_15 = arith.constant 0 : index
    %get3A_16 = vector.load %arg7[%get3A_14, %get3A_15] : memref<1x4096xf32, #tpu.memory_space<vmem>>, vector<1x4096xf32>
    %mul3A = vector.broadcast %get3A_16 : vector<1x4096xf32> to vector<8x4096xf32>
    %mul3A_17 = arith.mulf %mul3A, %add3A_11 : vector<8x4096xf32>
    %select_n3A = arith.select %ge3A_13, %add3A_11, %mul3A_17 : vector<8x4096xi1>, vector<8x4096xf32>
    %get3A_18 = arith.constant 0 : index
    %get3A_19 = arith.constant 0 : index
    %get3A_20 = vector.load %arg8[%get3A_18, %get3A_19] : memref<1x4096xf32, #tpu.memory_space<vmem>>, vector<1x4096xf32>
    %mul3A_21 = arith.constant 0.999994993 : f32
    %mul3A_22 = vector.broadcast %mul3A_21 : f32 to vector<8x4096xf32>
    %mul3A_23 = arith.mulf %select_n3A, %mul3A_22 : vector<8x4096xf32>
    %mul3A_24 = vector.broadcast %get3A_20 : vector<1x4096xf32> to vector<8x4096xf32>
    %mul3A_25 = arith.mulf %mul3A_24, %mul3A_23 : vector<8x4096xf32>
    %get3A_26 = arith.constant 0 : index
    %get3A_27 = arith.constant 0 : index
    %get3A_28 = vector.load %arg9[%get3A_26, %get3A_27] : memref<1x4096xf32, #tpu.memory_space<vmem>>, vector<1x4096xf32>
    %add3A_29 = vector.broadcast %get3A_28 : vector<1x4096xf32> to vector<8x4096xf32>
    %add3A_30 = arith.addf %mul3A_25, %add3A_29 : vector<8x4096xf32>
    %mul3A_31 = arith.constant 4096 : i32
    %mul3A_32 = arith.muli %arg0, %mul3A_31 : i32
    %iota3A = tpu.iota {dimensions = array<i32: 1>} : vector<8x4096xi32>
    %add3A_33 = vector.broadcast %mul3A_32 : i32 to vector<8x4096xi32>
    %add3A_34 = arith.addi %add3A_33, %iota3A : vector<8x4096xi32>
    %lt3A = arith.constant 80000 : i32
    %lt3A_35 = vector.broadcast %lt3A : i32 to vector<8x4096xi32>
    %lt3A_36 = arith.cmpi slt, %add3A_34, %lt3A_35 : vector<8x4096xi32>
    %jit3A = arith.constant 0.000000e+00 : f32
    %broadcast_in_dim3A = vector.broadcast %jit3A : f32 to vector<8x4096xf32>
    %select_n3A_37 = arith.select %lt3A_36, %add3A_30, %broadcast_in_dim3A : vector<8x4096xi1>, vector<8x4096xf32>
    %get3A_38 = arith.constant 0 : index
    %get3A_39 = arith.constant 0 : index
    %get3A_40 = vector.load %arg10[%get3A_38, %get3A_39] : memref<4096x512xf32, #tpu.memory_space<vmem>>, vector<4096x512xf32>
    %dot_general3A_41 = arith.constant dense<0.000000e+00> : vector<8x512xf32>
    %dot_general3A_42 = tpu.matmul %select_n3A_37, %get3A_40, %dot_general3A_41 {dimension_numbers = #tpu.dot_dimension_numbers<[1], [0], [0], [1], [0, 0, 1, 1], [], []>, transpose_lhs_hint = false} : vector<8x4096xf32>, vector<4096x512xf32>, vector<8x512xf32> -> vector<8x512xf32>
    %swap3A = arith.constant 0 : index
    %swap3A_43 = arith.constant 0 : index
    %swap3A_44 = vector.load %arg11[%swap3A, %swap3A_43] : memref<8x512xf32, #tpu.memory_space<vmem>>, vector<8x512xf32>
    tpu.vector_store %arg11[%swap3A, %swap3A_43], %dot_general3A_42 {strides = array<i32>} : memref<8x512xf32, #tpu.memory_space<vmem>>, vector<8x512xf32>,
    return
  }
  func.func @transform_0(%arg0: i32) -> (i32, i32) {
    %c0_i32 = arith.constant 0 : i32
    %c0_i32_0 = arith.constant 0 : i32
    %c0_i32_1 = arith.constant 0 : i32
    return %c0_i32, %c0_i32_0 : i32, i32
  }
  func.func @transform_1(%arg0: i32) -> (i32, i32) {
    %c0_i32 = arith.constant 0 : i32
    %c0_i32_0 = arith.constant 0 : i32
    %c0_i32_1 = arith.constant 0 : i32
    return %c0_i32, %c0_i32_0 : i32, i32
  }
  func.func @transform_2(%arg0: i32) -> (i32, i32) {
    %c0_i32 = arith.constant 0 : i32
    %c0_i32_0 = arith.constant 0 : i32
    %c0_i32_1 = arith.constant 0 : i32
    return %c0_i32, %c0_i32_0 : i32, i32
  }
  func.func @transform_3(%arg0: i32) -> (i32, i32) {
    %c0_i32 = arith.constant 0 : i32
    %c0_i32_0 = arith.constant 0 : i32
    %c0_i32_1 = arith.constant 0 : i32
    return %c0_i32, %c0_i32_0 : i32, i32
  }
  func.func @transform_4(%arg0: i32) -> (i32, i32) {
    %c0_i32 = arith.constant 0 : i32
    %c0_i32_0 = arith.constant 0 : i32
    return %c0_i32, %arg0 : i32, i32
  }
  func.func @transform_5(%arg0: i32) -> (i32, i32) {
    %c0_i32 = arith.constant 0 : i32
    %c0_i32_0 = arith.constant 0 : i32
    return %c0_i32, %arg0 : i32, i32
  }
  func.func @transform_6(%arg0: i32) -> (i32, i32) {
    %c0_i32 = arith.constant 0 : i32
    %c0_i32_0 = arith.constant 0 : i32
    return %c0_i32, %arg0 : i32, i32
  }
  func.func @transform_7(%arg0: i32) -> (i32, i32) {
    %c0_i32 = arith.constant 0 : i32
    %c0_i32_0 = arith.constant 0 : i32
    return %c0_i32, %arg0 : i32, i32
  }
  func.func @transform_8(%arg0: i32) -> (i32, i32) {
    %c0_i32 = arith.constant 0 : i32
    %c0_i32_0 = arith.constant 0 : i32
    return %c0_i32, %arg0 : i32, i32
  }
  func.func @transform_9(%arg0: i32) -> (i32, i32) {
    %c0_i32 = arith.constant 0 : i32
    %c0_i32_0 = arith.constant 0 : i32
    %c0_i32_1 = arith.constant 0 : i32
    return %c0_i32, %c0_i32_0 : i32, i32
  }
  func.func @transform_10(%arg0: i32) -> (i32, i32) {
    %c0_i32 = arith.constant 0 : i32
    %c0_i32_0 = arith.constant 0 : i32
    return %c0_i32, %arg0 : i32, i32
  }
  func.func @transform_11(%arg0: i32) -> (i32, i32) {
    %c0_i32 = arith.constant 0 : i32
    %c0_i32_0 = arith.constant 0 : i32
    %c0_i32_1 = arith.constant 0 : i32
    return %c0_i32, %c0_i32_0 : i32, i32
  }
}

</mosaic_0001>

<sc_bundles>
// kernel: kernel.5.cloned.1.call-start
scs
__scs_entry_jumppad:
0x0: {  	(pc) =	sbr.rel $0x88, $3  }
0x1: {  	(tag) =	ssettag $0x0;
	lr =	simm.s32 $0x1  }
0x2: {  	[smem:$0x3F90] =	sst lr;
	_ =	strace $0xD0000000  }
0x3: {  	_ = 	snop  }
0x4: {  	_ = 	snop  }
0x5: {  	_ = 	snop  }
0x6: {  	_ = 	snop  }
0x7: {  	_ = 	snop  }
__scs_overlays_trampoline_lowered:
0x8: {  	[smem:$0x3F9F] =	sst s0  }
0x9: {  	[smem:$0x3FA0] =	sst s1  }
0xa: {  	[smem:$0x3FA1] =	sst s2  }
0xb: {  	[smem:$0x3FA2] =	sst s3  }
0xc: {  	[smem:$0x3FA3] =	sst s4  }
0xd: {  	[smem:$0x3FA4] =	sst s5  }
0xe: {  	[smem:$0x3FA5] =	sst s6  }
0xf: {  	[smem:$0x3FA6] =	sst s7  }
0x10: {  	[smem:$0x3FA7] =	sst s8  }
0x11: {  	[smem:$0x3FA8] =	sst s9;
	s0 =	simm.s32 @!p0 $0x0  }
0x12: {  	s1 =	sld [smem:$0x3F8E];
	s0 =	simm.s32 @p0 $0x1  }
0x13: {  	[smem:$0x3FA9] =	sst s0;
	s0 =	simm.s32 @!p1 $0x0  }
0x14: {  	s2 =	sld [smem:$0x3F8D];
	s0 =	simm.s32 @p1 $0x1  }
0x15: {  	[smem:$0x3FAA] =	sst s0;
	s0 =	simm.s32 @!p2 $0x0  }
0x16: {  	s3 =	sld [smem:$0x3FDB];
	s0 =	simm.s32 @p2 $0x1  }
0x17: {  	s4 =	simm.s32 $0x1BF5;
	[smem:$0x3FAC] =	sst s0  }
0x18: {  	s0 =	sld [smem:$0x3F8F];
	_ =	swait.ge [sflag:s4], $0x0  }
0x19: {  	s7 =	sld [smem:$0x3F90]  }
0x1a: {  	s8 =	sadd.s32 $0xFFFFE003, lr  }
0x1b: {  	s9 =	sadd.s32 $0xFFFFFEF7, lr;
	s5 =	simm.s32 $0xFFFFFFFF;
	p2 =	slt.u32 s8, $0xFFFFF086  }
0x1c: {  	p1 =	slt.u32 s9, $0xF7A;
	s5 =	simm.s32 @!p2 $0x0  }
0x1d: {  	s5 =	simm.s32 @p1 $0x1;
	p0 =	seq.s32 s7, s2  }
0x1e: {  	s7 =	smul.u32 @!p0 $0xF7A, s2;
	p2 =	seq.s32 @!p0 s5, $0x0  }
0x1f: {  	s9 =	smul.u32 $0xF7A, s1;
	s8 =	simm.s32 @!p0 $0x1BF5;
	p2 =	por !p2, p0  }
0x20: {  	[sflag:s8] =	ssyncset.s32 @!p0 $0xFFFFF086;
	s6 =	sadd.s32 @!p0 s3, s7;
	s7 =	simm.s32 @!p0 $0x108  }
0x21: {  	s3 =	sadd.s32 s3, s9;
	s6 =	sadd.s32 @!p0 $0x88, s6;
	s7 =	simm.s32 @p2 $0x1082  }
0x22: {  	[simem:s7], [sflag:s8] =	dma.local @!p0 [hbm:s6], $0xF7A  }
0x23: {  	s9 =	sor.u32 $0xD0000000, s2;
	s6 =	simm.s32 $0x108;
	_ =	swait.ge @!p0 [sflag:s8], $0x0  }
0x24: {  	s3 =	sadd.s32 $0x88, s3;
	s6 =	simm.s32 @!p1 $0x1082;
	[sflag:s4] =	ssyncset.s32 $0xFFFFF086  }
0x25: {  	[simem:s6], [sflag:s4] =	dma.local [hbm:s3], $0xF7A  }
0x26: {  	[smem:$0x3F90] =	sst s1;
	(tag) =	ssettag s2;
	_ =	strace s9  }
0x27: {  	s1 =	sld [smem:$0x3FA0]  }
0x28: {  	s2 =	sld [smem:$0x3FA1]  }
0x29: {  	s4 =	sld [smem:$0x3FA3]  }
0x2a: {  	p0 =	seq.s32 s5, $0x0;
	s5 =	sld [smem:$0x3FA4]  }
0x2b: {  	s6 =	sld [smem:$0x3FA5]  }
0x2c: {  	s7 =	sld [smem:$0x3FA6]  }
0x2d: {  	s3 =	simm.s32 $0x108;
	s8 =	sld [smem:$0x3FA7]  }
0x2e: {  	s3 =	simm.s32 @!p0 $0x1082;
	s9 =	sld [smem:$0x3FA8]  }
0x2f: {  	lr =	sadd.s32 s0, s3;
	s0 =	sld [smem:$0x3F9F]  }
0x30: {  	s3 =	sld [smem:$0x3FA2]  }
0x31: {  	[smem:$0x3FAB] =	sst s10  }
0x32: {  	s10 =	sld [smem:$0x3FA9];
	_ =	sdelay $0x3  }
0x33: {  	p0 =	seq.s32 s10, $0x1;
	s10 =	sld [smem:$0x3FAB];
	_ =	sdelay $0x3  }
0x34: {  	[smem:$0x3FAB] =	sst s10  }
0x35: {  	s10 =	sld [smem:$0x3FAA];
	_ =	sdelay $0x3  }
0x36: {  	p1 =	seq.s32 s10, $0x1;
	s10 =	sld [smem:$0x3FAB];
	_ =	sdelay $0x3  }
0x37: {  	[smem:$0x3FAB] =	sst s10  }
0x38: {  	s10 =	sld [smem:$0x3FAC]  }
0x39: {  	_ = 	snop;
	(pc) =	sbr.ind lr, $3  }
0x3a: {  	_ = 	snop  }
0x3b: {  	_ = 	snop  }
0x3c: {  	p2 =	seq.s32 s10, $0x1;
	s10 =	sld [smem:$0x3FAB]  }
0x3d: {  	_ =	shalt  }
0x3e: {  	_ =	shalt  }
0x3f: {  	_ =	shalt  }
0x40: {  	_ =	shalt  }
0x41: {  	_ =	shalt  }
0x42: {  	_ =	shalt  }
0x43: {  	_ =	shalt  }
0x44: {  	_ =	shalt  }
0x45: {  	_ =	shalt  }
0x46: {  	_ =	shalt  }
0x47: {  	_ =	shalt  }
0x48: {  	_ =	shalt  }
0x49: {  	_ =	shalt  }
0x4a: {  	_ =	shalt  }
0x4b: {  	_ =	shalt  }
0x4c: {  	_ =	shalt  }
0x4d: {  	_ =	shalt  }
0x4e: {  	_ =	shalt  }
0x4f: {  	_ =	shalt  }
0x50: {  	_ =	shalt  }
0x51: {  	_ =	shalt  }
0x52: {  	_ =	shalt  }
0x53: {  	_ =	shalt  }
0x54: {  	_ =	shalt  }
0x55: {  	_ =	shalt  }
0x56: {  	_ =	shalt  }
0x57: {  	_ =	shalt  }
0x58: {  	_ =	shalt  }
0x59: {  	_ =	shalt  }
0x5a: {  	_ =	shalt  }
0x5b: {  	_ =	shalt  }
0x5c: {  	_ =	shalt  }
0x5d: {  	_ =	shalt  }
0x5e: {  	_ =	shalt  }
0x5f: {  	_ =	shalt  }
0x60: {  	_ =	shalt  }
0x61: {  	_ =	shalt  }
0x62: {  	_ =	shalt  }
0x63: {  	_ =	shalt  }
0x64: {  	_ =	shalt  }
0x65: {  	_ =	shalt  }
0x66: {  	_ =	shalt  }
0x67: {  	_ =	shalt  }
0x68: {  	_ =	shalt  }
0x69: {  	_ =	shalt  }
0x6a: {  	_ =	shalt  }
0x6b: {  	_ =	shalt  }
0x6c: {  	_ =	shalt  }
0x6d: {  	_ =	shalt  }
0x6e: {  	_ =	shalt  }
0x6f: {  	_ =	shalt  }
0x70: {  	_ =	shalt  }
0x71: {  	_ =	shalt  }
0x72: {  	_ =	shalt  }
0x73: {  	_ =	shalt  }
0x74: {  	_ =	shalt  }
0x75: {  	_ =	shalt  }
0x76: {  	_ =	shalt  }
0x77: {  	_ =	shalt  }
0x78: {  	_ =	shalt  }
0x79: {  	_ =	shalt  }
0x7a: {  	_ =	shalt  }
0x7b: {  	_ =	shalt  }
0x7c: {  	_ =	shalt  }
0x7d: {  	_ =	shalt  }
0x7e: {  	_ =	shalt  }
0x7f: {  	_ =	shalt  }
0x80: {  	_ =	shalt  }
0x81: {  	_ =	shalt  }
0x82: {  	_ =	shalt  }
0x83: {  	_ =	shalt  }
0x84: {  	_ =	shalt  }
0x85: {  	_ =	shalt  }
0x86: {  	_ =	shalt  }
0x87: {  	_ =	shalt  }
.Lfunc_end0:
.L_simem_size_0:
called_computation_lowered:
.L_overlay_start_0:
0x88: {  	s2 =	sld [smem:$0x3FD9]  }
0x89: {  	s3 =	sld [smem:$0x3FFE];
	_ =	sdelay $0x1  }
0x8a: {  	s1 =	srdreg.scid  }
0x8b: {  	s0 =	sand.u32 $0x1, s1  }
0x8c: {  	s14 =	sshll.u32 s0, $0xA;
	s2 =	sadd.s32 s3, s2  }
0x8d: {  	s2 =	sadd.s32 s2, s14  }
0x8e: {  	[smem:$0x3FB7] =	sst s2  }
0x8f: {  	_ = 	snop  }
0x90: {  	s2 =	sld [smem:$0x3FD0];
	_ =	sdelay $0x2  }
0x91: {  	s15 =	simm.s32 $0xA;
	s4 =	simm.s32 $0x10  }
0x92: {  	[smem:s4], [sflag:s15] =	dma.local [hbm:s2], $0x1  }
0x93: {  	_ =	swait.eq [sflag:s15], $0x1  }
0x94: {  	[sflag:s15] =	ssyncset.done $0x0  }
0x95: {  	[sflag:s15] =	ssyncadd.s32 $0xFFFFFFFF  }
0x96: {  	s16 =	sld [smem:$0x10];
	(tm) =	ssettm $0x1  }
0x97: {  	s17 =	sld [smem:$0x3FFB];
	_ =	sdelay $0x3  }
0x98: {  	_ =	strace s17  }
0x99: {  	s3 =	sld [smem:$0x3FFC];
	_ =	sdelay $0x3  }
0x9a: {  	_ =	strace s3  }
0x9b: {  	s3 =	sld [smem:$0x3FFD];
	_ =	sdelay $0x3  }
0x9c: {  	_ =	strace s3  }
0x9d: {  	_ =	strace $0x8FFFFFFF  }
0x9e: {  	s18 =	sld [smem:$0x3FDB];
	_ =	sdelay $0x1  }
0x9f: {  	s19 =	simm.s32 $_scs_section_size  }
0xa0: {  	s5 =	simm.s32 $_size__tile_overlayer_lowered;
	s6 =	simm.s32 $_tile_overlayer_lowered  }
0xa1: {  	s22 =	simm.s32 $0x1BFF;
	s21 =	sshll.u32 s6, $0x1;
	s3 =	sadd.s32 s19, s18  }
0xa2: {  	s7 =	simm.s32 $0x0;
	s20 =	sshll.u32 s5, $0x1;
	s5 =	sadd.s32 s21, s3  }
0xa3: {  	[timem:s7], [sflag:s22] =	dma.local [hbm:s5], s20  }
0xa4: {  	_ =	swait.ge [sflag:s22], s20  }
0xa5: {  	s4 =	ssub.s32 $0x0, s20;
	[sflag:s22] =	ssyncset.done $0x0  }
0xa6: {  	[sflag:s22] =	ssyncadd.s32 s4;
	_ =	sdelay $0x1  }
0xa7: {  	s23 =	simm.s32 $0x1B8B  }
0xa8: {  	_ =	swait.ge [sflag:s23], $0x1  }
0xa9: {  	[sflag:s23] =	ssyncset.done $0x0  }
0xaa: {  	s25 =	simm.s32 $0x1B8E;
	s24 =	sld [smem:$0x3FFE];
	[sflag:s23] =	ssyncadd.s32 $0xFFFFFFFF  }
0xab: {  	s26 =	simm.s32 $execute0_lowered;
	[smem:$0x3FD2] =	sst s25  }
0xac: {  	s5 =	sshll.u32 s26, $0x1;
	_ =	strace $0x80000046;
	[dreg:$0x1] =	wrdreg $0xFFFFFFFF  }
0xad: {  	s28 =	simm.s32 $_size_execute0_lowered;
	s3 =	sadd.s32 s3, s5;
	[dreg:$0x0] =	wrdreg $0x0  }
0xae: {  	s5 =	sshll.u32 s28, $0x1;
	[dreg:$0x2] =	wrdreg s3  }
0xaf: {  	[dreg:$0x3] =	wrdreg s5  }
0xb0: {  	[dreg:$0x4] =	wrdreg $0xC0  }
0xb1: {  	_ =	task [dreg:s7], $0x5FFFF  }
0xb2: {  	[dreg:$0x1] =	wrdreg $0xFFFFFFFF  }
0xb3: {  	[dreg:$0x0] =	wrdreg $0x60  }
0xb4: {  	[dreg:$0x2] =	wrdreg s24  }
0xb5: {  	[dreg:$0x3] =	wrdreg s16  }
0xb6: {  	[dreg:$0x4] =	wrdreg $0x138800  }
0xb7: {  	[dreg:$0x5] =	wrdreg $0x188800  }
0xb8: {  	[dreg:$0x6] =	wrdreg $0x160800  }
0xb9: {  	[dreg:$0x7] =	wrdreg $0x18B000  }
0xba: {  	[dreg:$0x8] =	wrdreg $0x9  }
0xbb: {  	_ =	task.clear_ibuf [dreg:s7], $0x9FFFF;
	_ =	strace $0x90000046  }
0xbc: {  	s29 =	simm.s32 $0x9;
	_ =	strace $0x80000048  }
0xbd: {  	_ =	swait.ge [sflag:s29], $0x1  }
0xbe: {  	[sflag:s29] =	ssyncadd.s32 $0xFFFFFFFF  }
0xbf: {  	_ =	strace $0x90000048  }
0xc0: {  	_ =	sfence  }
0xc1: {  	s30 =	sld [smem:$0x0];
	_ =	sdelay $0x2  }
0xc2: {  	s31 =	sshll.u32 s1, $0xD;
	s1 =	sshrl.u32 s1, $0x2  }
0xc3: {  	s3 =	sand.u32 $0x4000, s31;
	s1 =	sadd.s32 s1, s30  }
0xc4: {  	s0 =	sor.u32 s3, s0;
	s1 =	sshll.u32 s1, $0x11  }
0xc5: {  	s0 =	sor.u32 s1, s0  }
0xc6: {  	s0 =	sadd.s32 $0x8F2B, s0  }
0xc7: {  	[sflag:s0] =	ssyncadd.remote.s32 $0x1  }
0xc8: {  	_ =	sfence.sel $0xFFFF  }
0xc9: {  	[dreg:$0x0] =	wrdreg $0xFFFFFFFF;
	(pc) =	sbr.abs _section_cstart, $3  }
0xca: {  	[dreg:$0x1] =	wrdreg $0xFFFFFFFF  }
0xcb: {  	_ =	task.clear_ibuf [dreg:s7], $0x2FFFF;
	_ =	strace $0x9FFFFFFF  }
0xcc: {  	(tm) =	ssettm $0x7FFFFFFF  }
0xcd: {  	_ =	shalt  }
tec
execute0_lowered:
.L_overlay_start_1:
0x0: {  	(tag) =	ssettag $0x1  }
0x1: {  	s0 =	rddreg [dreg:$0x0]  }
0x2: {  	s1 =	rddreg [dreg:$0x1]  }
0x3: {  	s2 =	rddreg [dreg:$0x2]  }
0x4: {  	s21 =	rddreg [dreg:$0x3]  }
0x5: {  	s6 =	rddreg [dreg:$0x4]  }
0x6: {  	s8 =	rddreg [dreg:$0x5]  }
0x7: {  	s4 =	srdreg.scid;
	s19 =	stileid.u32  }
0x8: {  	s3 =	simm.s32 $0x0;
	s28 =	simm.s32 $0x1;
	s29 =	simm.s32 $0x5000  }
0x9: {  	s30 =	simm.s32 $0x2;
	s31 =	simm.s32 $0x80;
	s10 =	sand.u32 $0x1, s4  }
0xa: {  	s20 =	sshll.u32 s19, $0x5;
	s14 =	sand.u32 $0x3, s19;
	[smem:$0x7FF] =	sst s3  }
0xb: {  	s9 =	sadd.s32 $0x2600, s0;
	s7 =	smul.u32 $0x2710, s19;
	s15 =	sshrl.u32 s19, $0x3  }
0xc: {  	s18 =	sshll.u32 s19, $0x7;
	s5 =	sshll.u32 s10, $0x9;
	s13 =	smul.u32 $0x5000, s14  }
0xd: {  	s11 =	sand.u32 $0x180, s20;
	_ =	strace $0x80000047;
	s17 =	smul.u32 $0x14000, s15  }
0xe: {  	s22 =	ssub.s32 $0x2, s10;
	s24 =	sand.u32 $0x380, s18;
	s20 =	smul.u32 $0x9C40, s14  }
0xf: {  	s15 =	smul.u32 $0x50000, s15;
	p0 =	sne.s32 s10, $0x0;
	s10 =	simm.s32 $0x0  }
0x10: {  	s4 =	sor.u32 s5, s11;
	s16 =	sshrl.u32 s22, $0x1;
	s23 =	sshrl.u32 s7, $0x3  }
0x11: {  	s5 =	sshrl.u32 s4, $0x3;
	s4 =	sor.u32 s13, s4;
	s16 =	ssub.s32 s22, s16  }
0x12: {  	s17 =	sor.u32 s24, s17;
	s20 =	sshrl.u32 s20, $0x3;
	s15 =	sshrl.u32 s15, $0x2  }
0x13: {  	s22 =	smul.u32 $0xA000, s14;
	s12 =	sadd.s32 s5, s0;
	s4 =	sshrl.u32 s4, $0x3  }
0x14: {  	s5 =	sadd.s32 s9, s23;
	s7 =	sadd.s32 s17, s2;
	s9 =	sadd.s32 s9, s20  }
0x15: {  	s20 =	sand.u32 $0x200, s18;
	s23 =	sadd.s32 s11, s8;
	s8 =	simm.s32 $0xDE80  }
0x16: {  	s18 =	simm.s32 $0x200;
	s0 =	sadd.s32 s4, s0;
	[dreg:$0x7] =	wrdreg s5  }
0x17: {  	s4 =	smul.u32 $0x280, s19;
	s5 =	sadd.s32 $0x3E8, s5;
	[dreg:$0xe] =	wrdreg s23  }
0x18: {  	s19 =	smul.u32 $0x1400, s19;
	s12 =	sadd.s32 $0x7600, s12;
	[dreg:$0x8] =	wrdreg s5  }
0x19: {  	[dreg:$0xb] =	wrdreg s12;
	s12 =	sadd.s32 $0x3E8, s9;
	s0 =	sadd.s32 $0x9E00, s0  }
0x1a: {  	s25 =	sadd.s32 s19, s2;
	s26 =	sadd.s32 s4, s21;
	s2 =	sadd.s32 s15, s2  }
0x1b: {  	s21 =	sadd.s32 s17, s6;
	s6 =	sadd.s32 s19, s6;
	[dreg:$0x11] =	wrdreg s0  }
0x1c: {  	s24 =	sshrl.u32 s4, $0x3;
	s15 =	sadd.s32 $0xBB8, s9;
	[dreg:$0x9] =	wrdreg s25  }
0x1d: {  	s0 =	simm.s32 $0x400;
	s17 =	simm.s32 $0x7800;
	[dreg:$0xa] =	wrdreg s26  }
0x1e: {  	s2 =	sadd.s32 s13, s2;
	s13 =	sadd.s32 $0x7D0, s9;
	[dreg:$0xc] =	wrdreg s21  }
0x1f: {  	[dreg:$0xf] =	wrdreg s6;
	s19 =	sadd.s32 s1, s24;
	s21 =	smul.u32 $0xA00, s14  }
0x20: {  	s26 =	smax.u32 s16, $0x1;
	s14 =	simm.s32 $0x2800;
	s2 =	sadd.s32 s20, s2  }
0x21: {  	s20 =	sadd.s32 $0xFA0, s9;
	[dreg:$0xd] =	wrdreg s2;
	s2 =	sshrl.u32 s22, $0x2  }
0x22: {  	[dreg:$0x12] =	wrdreg s26;
	s26 =	simm.s32 $0xBF40;
	s25 =	sadd.s32 s2, s23  }
0x23: {  	v0 =	vimm.f32 $0.0e+00;
	v1 =	vimm.f32 $1.000000000e+00;
	s2 =	simm.s32 $0x3;
	[dreg:$0x10] =	wrdreg s25;
	s25 =	simm.s32 $0xA000  }
.LBB2_1:
0x24: {  	s11 =	simm.s32 $0x100;
	s6 =	simm.s32 $0x0  }
.LBB2_2:
0x25: {  	p1 =	sne.s32 s11, $0x9F00;
	[tilespmem:s6+$0x5030] =	vst v0;
	s16 =	smov.u32 s11;
	s11 =	sadd.s32 $0x100, s11  }
.Ltmp0:
0x26: {  	[tilespmem:s6+$0x5020] =	vst v0;
	(pc) =	sbr.rel @p1 .LBB2_2-.Ltmp0, $3  }
0x27: {  	[tilespmem:s6+$0x5000] =	vst v0  }
0x28: {  	[tilespmem:s6+$0x5010] =	vst v0;
	_ =	sdelay $0x1  }
0x29: {  	s6 =	sshra.s32 s16, $0x2  }
0x2a: {  	[tilespmem:s6+$0x5030] =	vst v0  }
0x2b: {  	[tilespmem:s6+$0x5020] =	vst v0  }
0x2c: {  	[tilespmem:s6+$0x5000] =	vst v0  }
0x2d: {  	[tilespmem:s6+$0x5010] =	vst v0;
	s22 =	simm.s32 $0x0;
	s1 =	rddreg [dreg:$0x7]  }
0x2e: {  	[tilespmem:s25], [sflag:$0x1] =	stream.linear.gather [hbm4b:s1+s22], $0x1F40, $0x38;
	[tilespmem:$0x19500] =	vst v63  }
0x2f: {  	s23 =	rddreg [dreg:$0x8]  }
0x30: {  	[tilespmem:s26], [sflag:$0x2] =	stream.linear.gather [hbm4b:s23+s22], $0x7D0, $0x38;
	[tilespmem:$0x19500] =	vst v63  }
0x31: {  	_ =	swait.ge [sflag:s28], $0x1F40  }
0x32: {  	[sflag:s28] =	ssyncset.done $0x0  }
0x33: {  	s24 =	simm.s32 $0x0;
	[sflag:s28] =	ssyncadd.s32 $0xFFFFE0C0  }
0x34: {  	v2 =	vld [tilespmem:s24+$0xA000]  }
0x35: {  	v3 =	vld [tilespmem:s24+$0xA010]  }
0x36: {  	v4 =	vld [tilespmem:s24+$0xA020]  }
0x37: {  	v5 =	vld [tilespmem:s24+$0xA030]  }
0x38: {  	v6 =	vld [tilespmem:s24+$0xA040]  }
0x39: {  	v7 =	vld [tilespmem:s24+$0xA050];
	v2 =	vand.u32 $0x3FFF, v2  }
0x3a: {  	v3 =	vand.u32 $0x3FFF, v3  }
0x3b: {  	v4 =	vand.u32 $0x3FFF, v4  }
0x3c: {  	v8 =	vld [tilespmem:s24+$0xA060];
	v5 =	vand.u32 $0x3FFF, v5  }
0x3d: {  	v9 =	vld [tilespmem:s24+$0xA070];
	v6 =	vand.u32 $0x3FFF, v6  }
0x3e: {  	[tilespmem:v2+s29+$0x0] =	vst.idx.add.f32.msk $0xffff, v1;
	v2 =	vand.u32 $0x3FFF, v7  }
0x3f: {  	[tilespmem:v3+s29+$0x0] =	vst.idx.add.f32.msk $0xffff, v1  }
0x40: {  	[tilespmem:v4+s29+$0x0] =	vst.idx.add.f32.msk $0xffff, v1  }
0x41: {  	v3 =	vand.u32 $0x3FFF, v8;
	[tilespmem:v5+s29+$0x0] =	vst.idx.add.f32.msk $0xffff, v1  }
0x42: {  	[tilespmem:v6+s29+$0x0] =	vst.idx.add.f32.msk $0xffff, v1  }
0x43: {  	[tilespmem:v2+s29+$0x0] =	vst.idx.add.f32.msk $0xffff, v1;
	v2 =	vand.u32 $0x3FFF, v9;
	_ =	sdelay $0x2  }
0x44: {  	s11 =	simm.s32 $0x200;
	s16 =	simm.s32 $0x400;
	[tilespmem:v3+s29+$0x0] =	vst.idx.add.f32.msk $0xffff, v1  }
.LBB2_4:
0x45: {  	p1 =	sne.s32 s16, $0x7A00  }
0x46: {  	s6 =	sshra.s32 s11, $0x2;
	[tilespmem:v2+s29+$0x0] =	vst.idx.add.f32.msk $0xffff, v1;
	s11 =	smov.u32 s16;
	s16 =	sadd.s32 $0x200, s16  }
0x47: {  	v2 =	vld [tilespmem:s6+$0xA000]  }
0x48: {  	v3 =	vld [tilespmem:s6+$0xA010]  }
0x49: {  	v4 =	vld [tilespmem:s6+$0xA020]  }
0x4a: {  	v5 =	vld [tilespmem:s6+$0xA030]  }
0x4b: {  	v6 =	vld [tilespmem:s6+$0xA040]  }
0x4c: {  	v7 =	vld [tilespmem:s6+$0xA050];
	v2 =	vand.u32 $0x3FFF, v2  }
0x4d: {  	v8 =	vld [tilespmem:s6+$0xA060];
	v3 =	vand.u32 $0x3FFF, v3  }
0x4e: {  	v9 =	vld [tilespmem:s6+$0xA070];
	v4 =	vand.u32 $0x3FFF, v4  }
0x4f: {  	v5 =	vand.u32 $0x3FFF, v5  }
0x50: {  	v6 =	vand.u32 $0x3FFF, v6  }
0x51: {  	[tilespmem:v2+s29+$0x0] =	vst.idx.add.f32.msk $0xffff, v1;
	v7 =	vand.u32 $0x3FFF, v7  }
0x52: {  	[tilespmem:v3+s29+$0x0] =	vst.idx.add.f32.msk $0xffff, v1;
	v3 =	vand.u32 $0x3FFF, v8  }
.Ltmp1:
0x53: {  	[tilespmem:v4+s29+$0x0] =	vst.idx.add.f32.msk $0xffff, v1;
	v2 =	vand.u32 $0x3FFF, v9;
	(pc) =	sbr.rel @p1 .LBB2_4-.Ltmp1, $4  }
0x54: {  	[tilespmem:v5+s29+$0x0] =	vst.idx.add.f32.msk $0xffff, v1  }
0x55: {  	[tilespmem:v6+s29+$0x0] =	vst.idx.add.f32.msk $0xffff, v1  }
0x56: {  	[tilespmem:v7+s29+$0x0] =	vst.idx.add.f32.msk $0xffff, v1  }
0x57: {  	[tilespmem:v3+s29+$0x0] =	vst.idx.add.f32.msk $0xffff, v1  }
0x58: {  	_ =	sdelay $0x3  }
0x59: {  	s6 =	sshra.s32 s11, $0x2;
	[tilespmem:v2+s29+$0x0] =	vst.idx.add.f32.msk $0xffff, v1  }
0x5a: {  	v2 =	vld [tilespmem:s6+$0xA000]  }
0x5b: {  	v3 =	vld [tilespmem:s6+$0xA010]  }
0x5c: {  	v4 =	vld [tilespmem:s6+$0xA020]  }
0x5d: {  	v5 =	vld [tilespmem:s6+$0xA030]  }
0x5e: {  	v6 =	vld [tilespmem:s6+$0xA040]  }
0x5f: {  	v7 =	vld [tilespmem:s6+$0xA050];
	v2 =	vand.u32 $0x3FFF, v2  }
0x60: {  	v8 =	vld [tilespmem:s6+$0xA060];
	v3 =	vand.u32 $0x3FFF, v3  }
0x61: {  	v9 =	vld [tilespmem:s6+$0xA070];
	v4 =	vand.u32 $0x3FFF, v4  }
0x62: {  	v5 =	vand.u32 $0x3FFF, v5  }
0x63: {  	v6 =	vand.u32 $0x3FFF, v6  }
0x64: {  	[tilespmem:v2+s29+$0x0] =	vst.idx.add.f32.msk $0xffff, v1;
	v2 =	vand.u32 $0x3FFF, v7  }
0x65: {  	[tilespmem:v3+s29+$0x0] =	vst.idx.add.f32.msk $0xffff, v1;
	v3 =	vand.u32 $0x3FFF, v8  }
0x66: {  	v57 =	vand.u32 $0x3FFF, v9;
	[tilespmem:v4+s29+$0x0] =	vst.idx.add.f32.msk $0xffff, v1  }
0x67: {  	[tilespmem:v5+s29+$0x0] =	vst.idx.add.f32.msk $0xffff, v1  }
0x68: {  	[tilespmem:v6+s29+$0x0] =	vst.idx.add.f32.msk $0xffff, v1  }
0x69: {  	[tilespmem:v2+s29+$0x0] =	vst.idx.add.f32.msk $0xffff, v1  }
0x6a: {  	[tilespmem:v3+s29+$0x0] =	vst.idx.add.f32.msk $0xffff, v1  }
0x6b: {  	[tilespmem:v57+s29+$0x0] =	vst.idx.add.f32.msk $0xffff, v1  }
0x6c: {  	v2 =	vld [tilespmem:$0xBF00]  }
0x6d: {  	v3 =	vld [tilespmem:$0xBF10]  }
0x6e: {  	v4 =	vld [tilespmem:$0xBF20]  }
0x6f: {  	v5 =	vld [tilespmem:$0xBF30];
	_ =	sdelay $0x1  }
0x70: {  	v2 =	vand.u32 $0x3FFF, v2  }
0x71: {  	v3 =	vand.u32 $0x3FFF, v3  }
0x72: {  	v4 =	vand.u32 $0x3FFF, v4  }
0x73: {  	v5 =	vand.u32 $0x3FFF, v5;
	_ =	sdelay $0x1  }
0x74: {  	[tilespmem:v2+s29+$0x0] =	vst.idx.add.f32.msk $0xffff, v1  }
0x75: {  	[tilespmem:v3+s29+$0x0] =	vst.idx.add.f32.msk $0xffff, v1  }
0x76: {  	[tilespmem:v4+s29+$0x0] =	vst.idx.add.f32.msk $0xffff, v1  }
0x77: {  	[tilespmem:v5+s29+$0x0] =	vst.idx.add.f32.msk $0xffff, v1  }
0x78: {  	_ =	swait.ge [sflag:s30], $0x7D0  }
0x79: {  	[sflag:s30] =	ssyncset.done $0x0  }
0x7a: {  	s24 =	simm.s32 $0x0;
	[sflag:s30] =	ssyncadd.s32 $0xFFFFF830  }
0x7b: {  	v2 =	vld [tilespmem:s24+$0xBF40]  }
0x7c: {  	v3 =	vld [tilespmem:s24+$0xBF50]  }
0x7d: {  	v58 =	vld [tilespmem:s24+$0xBF60]  }
0x7e: {  	v59 =	vld [tilespmem:s24+$0xBF70]  }
0x7f: {  	v60 =	vld [tilespmem:s24+$0xBF80]  }
0x80: {  	v61 =	vld [tilespmem:s24+$0xBF90];
	v2 =	vand.u32 $0x3FFF, v2  }
0x81: {  	v3 =	vand.u32 $0x3FFF, v3  }
0x82: {  	v4 =	vand.u32 $0x3FFF, v58  }
0x83: {  	v62 =	vld [tilespmem:s24+$0xBFA0];
	v5 =	vand.u32 $0x3FFF, v59  }
0x84: {  	v63 =	vld [tilespmem:s24+$0xBFB0];
	v6 =	vand.u32 $0x3FFF, v60  }
0x85: {  	[tilespmem:v2+s29+$0x0] =	vst.idx.add.f32.msk $0xffff, v1;
	v2 =	vand.u32 $0x3FFF, v61  }
0x86: {  	[tilespmem:v3+s29+$0x0] =	vst.idx.add.f32.msk $0xffff, v1  }
0x87: {  	[tilespmem:v4+s29+$0x0] =	vst.idx.add.f32.msk $0xffff, v1  }
0x88: {  	v3 =	vand.u32 $0x3FFF, v62;
	[tilespmem:v5+s29+$0x0] =	vst.idx.add.f32.msk $0xffff, v1  }
0x89: {  	[tilespmem:v6+s29+$0x0] =	vst.idx.add.f32.msk $0xffff, v1  }
0x8a: {  	[tilespmem:v2+s29+$0x0] =	vst.idx.add.f32.msk $0xffff, v1;
	v2 =	vand.u32 $0x3FFF, v63;
	_ =	sdelay $0x2  }
0x8b: {  	s11 =	simm.s32 $0x200;
	s16 =	simm.s32 $0x400;
	[tilespmem:v3+s29+$0x0] =	vst.idx.add.f32.msk $0xffff, v1  }
.LBB2_6:
0x8c: {  	p1 =	sne.s32 s16, $0x1C00  }
0x8d: {  	s6 =	sshra.s32 s11, $0x2;
	[tilespmem:v2+s29+$0x0] =	vst.idx.add.f32.msk $0xffff, v1;
	s11 =	smov.u32 s16;
	s16 =	sadd.s32 $0x200, s16  }
0x8e: {  	v2 =	vld [tilespmem:s6+$0xBF40]  }
0x8f: {  	v3 =	vld [tilespmem:s6+$0xBF50]  }
0x90: {  	v4 =	vld [tilespmem:s6+$0xBF60]  }
0x91: {  	v5 =	vld [tilespmem:s6+$0xBF70]  }
0x92: {  	v6 =	vld [tilespmem:s6+$0xBF80]  }
0x93: {  	v7 =	vld [tilespmem:s6+$0xBF90];
	v2 =	vand.u32 $0x3FFF, v2  }
0x94: {  	v8 =	vld [tilespmem:s6+$0xBFA0];
	v3 =	vand.u32 $0x3FFF, v3  }
0x95: {  	v9 =	vld [tilespmem:s6+$0xBFB0];
	v4 =	vand.u32 $0x3FFF, v4  }
0x96: {  	v5 =	vand.u32 $0x3FFF, v5  }
0x97: {  	v6 =	vand.u32 $0x3FFF, v6  }
0x98: {  	[tilespmem:v2+s29+$0x0] =	vst.idx.add.f32.msk $0xffff, v1;
	v7 =	vand.u32 $0x3FFF, v7  }
0x99: {  	[tilespmem:v3+s29+$0x0] =	vst.idx.add.f32.msk $0xffff, v1;
	v3 =	vand.u32 $0x3FFF, v8  }
.Ltmp2:
0x9a: {  	[tilespmem:v4+s29+$0x0] =	vst.idx.add.f32.msk $0xffff, v1;
	v2 =	vand.u32 $0x3FFF, v9;
	(pc) =	sbr.rel @p1 .LBB2_6-.Ltmp2, $4  }
0x9b: {  	[tilespmem:v5+s29+$0x0] =	vst.idx.add.f32.msk $0xffff, v1  }
0x9c: {  	[tilespmem:v6+s29+$0x0] =	vst.idx.add.f32.msk $0xffff, v1  }
0x9d: {  	[tilespmem:v7+s29+$0x0] =	vst.idx.add.f32.msk $0xffff, v1  }
0x9e: {  	[tilespmem:v3+s29+$0x0] =	vst.idx.add.f32.msk $0xffff, v1  }
0x9f: {  	_ =	sdelay $0x3  }
0xa0: {  	s6 =	sshra.s32 s11, $0x2;
	[tilespmem:v2+s29+$0x0] =	vst.idx.add.f32.msk $0xffff, v1  }
0xa1: {  	v2 =	vld [tilespmem:s6+$0xBF40]  }
0xa2: {  	v3 =	vld [tilespmem:s6+$0xBF50]  }
0xa3: {  	v4 =	vld [tilespmem:s6+$0xBF60]  }
0xa4: {  	v5 =	vld [tilespmem:s6+$0xBF70]  }
0xa5: {  	v6 =	vld [tilespmem:s6+$0xBF80]  }
0xa6: {  	v7 =	vld [tilespmem:s6+$0xBF90];
	v2 =	vand.u32 $0x3FFF, v2  }
0xa7: {  	v8 =	vld [tilespmem:s6+$0xBFA0];
	v3 =	vand.u32 $0x3FFF, v3  }
0xa8: {  	v9 =	vld [tilespmem:s6+$0xBFB0];
	v4 =	vand.u32 $0x3FFF, v4  }
0xa9: {  	v5 =	vand.u32 $0x3FFF, v5  }
0xaa: {  	v6 =	vand.u32 $0x3FFF, v6  }
0xab: {  	[tilespmem:v2+s29+$0x0] =	vst.idx.add.f32.msk $0xffff, v1;
	v2 =	vand.u32 $0x3FFF, v7  }
0xac: {  	[tilespmem:v3+s29+$0x0] =	vst.idx.add.f32.msk $0xffff, v1;
	v3 =	vand.u32 $0x3FFF, v8  }
0xad: {  	[tilespmem:v4+s29+$0x0] =	vst.idx.add.f32.msk $0xffff, v1;
	v4 =	vand.u32 $0x3FFF, v9  }
0xae: {  	[tilespmem:v5+s29+$0x0] =	vst.idx.add.f32.msk $0xffff, v1  }
0xaf: {  	[tilespmem:v6+s29+$0x0] =	vst.idx.add.f32.msk $0xffff, v1  }
0xb0: {  	[tilespmem:v2+s29+$0x0] =	vst.idx.add.f32.msk $0xffff, v1  }
0xb1: {  	[tilespmem:v3+s29+$0x0] =	vst.idx.add.f32.msk $0xffff, v1  }
0xb2: {  	[tilespmem:v4+s29+$0x0] =	vst.idx.add.f32.msk $0xffff, v1  }
0xb3: {  	v2 =	vld [tilespmem:$0xC6C0]  }
0xb4: {  	v3 =	vld [tilespmem:$0xC6D0]  }
0xb5: {  	v4 =	vld [tilespmem:$0xC6E0]  }
0xb6: {  	v5 =	vld [tilespmem:$0xC6F0]  }
0xb7: {  	v6 =	vld [tilespmem:$0xC700]  }
0xb8: {  	v2 =	vand.u32 $0x3FFF, v2  }
0xb9: {  	v3 =	vand.u32 $0x3FFF, v3  }
0xba: {  	v4 =	vand.u32 $0x3FFF, v4  }
0xbb: {  	v5 =	vand.u32 $0x3FFF, v5  }
0xbc: {  	v6 =	vand.u32 $0x3FFF, v6  }
0xbd: {  	[tilespmem:v2+s29+$0x0] =	vst.idx.add.f32.msk $0xffff, v1  }
0xbe: {  	[tilespmem:v3+s29+$0x0] =	vst.idx.add.f32.msk $0xffff, v1  }
0xbf: {  	[tilespmem:v4+s29+$0x0] =	vst.idx.add.f32.msk $0xffff, v1  }
0xc0: {  	[tilespmem:v5+s29+$0x0] =	vst.idx.add.f32.msk $0xffff, v1  }
0xc1: {  	[tilespmem:v6+s29+$0x0] =	vst.idx.add.f32.msk $0xffff, v1  }
0xc2: {  	[spmem:s7] =	stream.strided.scatter [tilespmem:s29], [sflag:$0x3], $0x2800, s0, s31, $0x38;
	[tilespmem:$0x19500] =	vst v63  }
0xc3: {  	_ =	swait.ge [sflag:s2], $0x2800  }
0xc4: {  	[sflag:s2] =	ssyncset.done $0x0  }
0xc5: {  	[sflag:s2] =	ssyncadd.s32 $0xFFFFD800  }
0xc6: {  	[bflag:$0x0] =	sbarrier.arrive $0xFFFF  }
0xc7: {  	s5 =	simm.s32 $0x1400;
	s16 =	simm.s32 $0x14000;
	s1 =	rddreg [dreg:$0x9]  }
0xc8: {  	[tilespmem:s8], [sflag:$0x3] =	stream.strided.gather [spmem:s1], $0x2800, s16, s5, $0x38;
	[tilespmem:$0x19500] =	vst v63  }
0xc9: {  	s22 =	simm.s32 $0x0;
	_ =	swait.ge [sflag:s2], $0x2800  }
0xca: {  	s23 =	sand.u32 $0x70, s22;
	s6 =	sand.u32 $0x1C00, s22;
	[sflag:s2] =	ssyncset.done $0x0  }
0xcb: {  	s6 =	sor.u32 s23, s6;
	[sflag:s2] =	ssyncadd.s32 $0xFFFFD800  }
0xcc: {  	v2 =	vld [tilespmem:s6+$0xDF00]  }
0xcd: {  	v3 =	vld [tilespmem:s6+$0xDE80]  }
0xce: {  	v4 =	vld [tilespmem:s6+$0xDF80]  }
0xcf: {  	v5 =	vld [tilespmem:s6+$0xE000]  }
0xd0: {  	v6 =	vld [tilespmem:s6+$0xE080]  }
0xd1: {  	v7 =	vld [tilespmem:s6+$0xE100]  }
0xd2: {  	v8 =	vld [tilespmem:s6+$0xE180]  }
0xd3: {  	v9 =	vld [tilespmem:s6+$0xE200]  }
0xd4: {  	v10 =	vld [tilespmem:s6+$0xF280]  }
0xd5: {  	v11 =	vld [tilespmem:s6+$0xF300]  }
0xd6: {  	v12 =	vld [tilespmem:s6+$0xF380]  }
0xd7: {  	v13 =	vld [tilespmem:s6+$0xF400]  }
0xd8: {  	v14 =	vld [tilespmem:s6+$0xF480]  }
0xd9: {  	v15 =	vld [tilespmem:s6+$0xF500]  }
0xda: {  	v16 =	vld [tilespmem:s6+$0xF580]  }
0xdb: {  	v17 =	vld [tilespmem:s6+$0xF600];
	_ =	sdelay $0x1  }
0xdc: {  	v2 =	vadd.f32 v2, v3;
	v3 =	vadd.f32 v5, v4  }
0xdd: {  	v4 =	vadd.f32 v7, v6;
	v5 =	vadd.f32 v9, v8  }
0xde: {  	v6 =	vadd.f32 v11, v10;
	v7 =	vadd.f32 v13, v12  }
0xdf: {  	v8 =	vadd.f32 v15, v14;
	v9 =	vadd.f32 v17, v16  }
0xe0: {  	v2 =	vadd.f32 v3, v2;
	v3 =	vadd.f32 v5, v4  }
0xe1: {  	v4 =	vadd.f32 v7, v6;
	v5 =	vadd.f32 v9, v8;
	_ =	sdelay $0x1  }
0xe2: {  	v2 =	vadd.f32 v3, v2;
	v3 =	vadd.f32 v5, v4;
	_ =	sdelay $0x1  }
0xe3: {  	s24 =	simm.s32 $0x10;
	s22 =	simm.s32 $0x80;
	v2 =	vadd.f32 v3, v2  }
0xe4: {  	s11 =	simm.s32 $0x12E80;
	s16 =	sand.u32 $0x1C00, s22;
	s6 =	sand.u32 $0x70, s24  }
0xe5: {  	s23 =	sor.u32 s6, s16;
	[tilespmem:s11+$0x0] =	vst v2  }
0xe6: {  	v2 =	vld [tilespmem:s23+$0xDF00]  }
0xe7: {  	v3 =	vld [tilespmem:s23+$0xDE80]  }
0xe8: {  	v4 =	vld [tilespmem:s23+$0xDF80]  }
0xe9: {  	v5 =	vld [tilespmem:s23+$0xE000]  }
0xea: {  	v6 =	vld [tilespmem:s23+$0xE080]  }
0xeb: {  	v7 =	vld [tilespmem:s23+$0xE100]  }
0xec: {  	v8 =	vld [tilespmem:s23+$0xE180]  }
0xed: {  	v9 =	vld [tilespmem:s23+$0xE200]  }
0xee: {  	v10 =	vld [tilespmem:s23+$0xF280]  }
0xef: {  	v11 =	vld [tilespmem:s23+$0xF300]  }
0xf0: {  	v12 =	vld [tilespmem:s23+$0xF380]  }
0xf1: {  	v13 =	vld [tilespmem:s23+$0xF400]  }
0xf2: {  	v14 =	vld [tilespmem:s23+$0xF480]  }
0xf3: {  	s16 =	simm.s32 $0x20;
	v15 =	vld [tilespmem:s23+$0xF500]  }
.LBB2_8:
0xf4: {  	p1 =	sne.s32 s16, $0x270;
	v16 =	vld [tilespmem:s23+$0xF580]  }
0xf5: {  	v17 =	vld [tilespmem:s23+$0xF600];
	_ =	sdelay $0x1  }
0xf6: {  	v2 =	vadd.f32 v2, v3;
	v3 =	vadd.f32 v5, v4  }
0xf7: {  	v4 =	vadd.f32 v7, v6;
	v5 =	vadd.f32 v9, v8  }
0xf8: {  	v6 =	vadd.f32 v11, v10;
	v7 =	vadd.f32 v13, v12  }
0xf9: {  	v8 =	vadd.f32 v15, v14;
	v9 =	vadd.f32 v17, v16  }
0xfa: {  	v2 =	vadd.f32 v3, v2;
	v3 =	vadd.f32 v5, v4  }
0xfb: {  	v4 =	vadd.f32 v7, v6;
	v5 =	vadd.f32 v9, v8;
	_ =	sdelay $0x1  }
0xfc: {  	v2 =	vadd.f32 v3, v2;
	v3 =	vadd.f32 v5, v4;
	_ =	sdelay $0x1  }
0xfd: {  	s22 =	sadd.s32 $0x80, s22;
	v2 =	vadd.f32 v3, v2  }
0xfe: {  	s6 =	sand.u32 $0x70, s16;
	s11 =	sadd.s32 $0x10, s11;
	s23 =	sand.u32 $0x1C00, s22  }
0xff: {  	s23 =	sor.u32 s6, s23;
	[tilespmem:s11+$0x0] =	vst v2  }
0x100: {  	v2 =	vld [tilespmem:s23+$0xDF00]  }
0x101: {  	v3 =	vld [tilespmem:s23+$0xDE80]  }
0x102: {  	v4 =	vld [tilespmem:s23+$0xDF80]  }
0x103: {  	v5 =	vld [tilespmem:s23+$0xE000]  }
0x104: {  	v6 =	vld [tilespmem:s23+$0xE080]  }
0x105: {  	v7 =	vld [tilespmem:s23+$0xE100]  }
0x106: {  	v8 =	vld [tilespmem:s23+$0xE180]  }
0x107: {  	v9 =	vld [tilespmem:s23+$0xE200]  }
0x108: {  	v10 =	vld [tilespmem:s23+$0xF280]  }
.Ltmp3:
0x109: {  	v11 =	vld [tilespmem:s23+$0xF300];
	(pc) =	sbr.rel @p1 .LBB2_8-.Ltmp3, $4  }
0x10a: {  	v12 =	vld [tilespmem:s23+$0xF380]  }
0x10b: {  	v13 =	vld [tilespmem:s23+$0xF400]  }
0x10c: {  	v14 =	vld [tilespmem:s23+$0xF480]  }
0x10d: {  	s16 =	sadd.s32 $0x10, s16;
	v15 =	vld [tilespmem:s23+$0xF500]  }
0x10e: {  	v16 =	vld [tilespmem:s23+$0xF580]  }
0x10f: {  	v17 =	vld [tilespmem:s23+$0xF600];
	_ =	sdelay $0x1  }
0x110: {  	v2 =	vadd.f32 v2, v3;
	v3 =	vadd.f32 v5, v4  }
0x111: {  	v56 =	vadd.f32 v7, v6;
	v57 =	vadd.f32 v9, v8  }
0x112: {  	v58 =	vadd.f32 v11, v10;
	v59 =	vadd.f32 v13, v12  }
0x113: {  	v60 =	vadd.f32 v15, v14;
	v61 =	vadd.f32 v17, v16  }
0x114: {  	v2 =	vadd.f32 v3, v2;
	v3 =	vadd.f32 v57, v56  }
0x115: {  	v62 =	vadd.f32 v59, v58;
	v63 =	vadd.f32 v61, v60;
	_ =	sdelay $0x1  }
0x116: {  	v2 =	vadd.f32 v3, v2;
	v3 =	vadd.f32 v63, v62;
	_ =	sdelay $0x1  }
0x117: {  	v2 =	vadd.f32 v3, v2  }
0x118: {  	s6 =	sadd.s32 $0x10, s11  }
0x119: {  	s11 =	simm.s32 $0x0;
	s16 =	simm.s32 $0x40;
	[tilespmem:s6+$0x0] =	vst v2  }
.LBB2_10:
0x11a: {  	p1 =	sne.s32 s16, $0x9C0;
	v2 =	vld [tilespmem:s11+$0x12E80];
	_ =	sdelay $0x4  }
0x11b: {  	v2 =	vadd.f32 $1.000000000e+00, v2;
	_ =	sdelay $0x1  }
0x11c: {  	v3 =	vshrl.u32 v2, $0x1;
	v2 =	vmul.f32 $5.000000000e-01, v2  }
0x11d: {  	v3 =	vsub.s32 $0x5F3759DF, v3  }
0x11e: {  	v4 =	vmul.f32 v3, v2;
	_ =	sdelay $0x1  }
0x11f: {  	v4 =	vmul.f32 v3, v4;
	_ =	sdelay $0x1  }
0x120: {  	v4 =	vsub.f32 $1.500000000e+00, v4;
	_ =	sdelay $0x1  }
0x121: {  	v3 =	vmul.f32 v3, v4;
	_ =	sdelay $0x1  }
0x122: {  	v4 =	vmul.f32 v3, v2;
	_ =	sdelay $0x1  }
0x123: {  	v4 =	vmul.f32 v4, v3;
	_ =	sdelay $0x1  }
0x124: {  	v4 =	vsub.f32 $1.500000000e+00, v4;
	_ =	sdelay $0x1  }
0x125: {  	v3 =	vmul.f32 v4, v3;
	_ =	sdelay $0x1  }
0x126: {  	v2 =	vmul.f32 v3, v2;
	_ =	sdelay $0x1  }
0x127: {  	v2 =	vmul.f32 v2, v3;
	_ =	sdelay $0x1  }
.Ltmp4:
0x128: {  	v2 =	vsub.f32 $1.500000000e+00, v2;
	(pc) =	sbr.rel @p1 .LBB2_10-.Ltmp4, $3  }
0x129: {  	_ = 	snop  }
0x12a: {  	v2 =	vmul.f32 v2, v3;
	_ =	sdelay $0x1  }
0x12b: {  	[tilespmem:s11+$0x12E80] =	vst v2;
	s11 =	sshra.s32 s16, $0x2;
	s16 =	sadd.s32 $0x40, s16  }
0x12c: {  	v2 =	vld [tilespmem:s11+$0x12E80];
	_ =	sdelay $0x4  }
0x12d: {  	v2 =	vadd.f32 $1.000000000e+00, v2;
	_ =	sdelay $0x1  }
0x12e: {  	v3 =	vshrl.u32 v2, $0x1;
	v2 =	vmul.f32 $5.000000000e-01, v2  }
0x12f: {  	v3 =	vsub.s32 $0x5F3759DF, v3  }
0x130: {  	v4 =	vmul.f32 v3, v2;
	_ =	sdelay $0x1  }
0x131: {  	v4 =	vmul.f32 v3, v4;
	_ =	sdelay $0x1  }
0x132: {  	v4 =	vsub.f32 $1.500000000e+00, v4;
	_ =	sdelay $0x1  }
0x133: {  	v3 =	vmul.f32 v3, v4;
	_ =	sdelay $0x1  }
0x134: {  	v4 =	vmul.f32 v3, v2;
	_ =	sdelay $0x1  }
0x135: {  	v4 =	vmul.f32 v4, v3;
	_ =	sdelay $0x1  }
0x136: {  	v4 =	vsub.f32 $1.500000000e+00, v4;
	_ =	sdelay $0x1  }
0x137: {  	v3 =	vmul.f32 v4, v3;
	_ =	sdelay $0x1  }
0x138: {  	v2 =	vmul.f32 v3, v2;
	_ =	sdelay $0x1  }
0x139: {  	v2 =	vmul.f32 v2, v3;
	_ =	sdelay $0x1  }
0x13a: {  	v2 =	vsub.f32 $1.500000000e+00, v2;
	_ =	sdelay $0x1  }
0x13b: {  	v2 =	vmul.f32 v2, v3;
	_ =	sdelay $0x1  }
0x13c: {  	s1 =	rddreg [dreg:$0xa];
	s5 =	simm.s32 $0x12E80;
	[tilespmem:s11+$0x12E80] =	vst v2  }
0x13d: {  	[spmem:s1] =	stream.linear.scatter [tilespmem:s5], [sflag:$0x3], $0x280, $0x38;
	[tilespmem:$0x19500] =	vst v63  }
0x13e: {  	_ =	swait.ge [sflag:s2], $0x280  }
0x13f: {  	[sflag:s2] =	ssyncset.done $0x0  }
0x140: {  	[sflag:s2] =	ssyncadd.s32 $0xFFFFFD80  }
0x141: {  	[bflag:$0x0] =	sbarrier.arrive $0xFFFF  }
0x142: {  	s6 =	simm.s32 $0x0;
	s23 =	rddreg [dreg:$0x3]  }
0x143: {  	[tilespmem:s6], [sflag:$0x3] =	stream.linear.gather [spmem:s23], $0x2800, $0x38;
	[tilespmem:$0x19500] =	vst v63  }
0x144: {  	_ =	swait.ge [sflag:s2], $0x2800  }
0x145: {  	[sflag:s2] =	ssyncset.done $0x0  }
0x146: {  	s24 =	rddreg [dreg:$0xb];
	[sflag:s2] =	ssyncadd.s32 $0xFFFFD800  }
0x147: {  	[tilespmem:s14], [sflag:$0x3] =	stream.strided.gather [hbm4b:s24+s31], $0x2800, s0, s31, $0x38;
	[tilespmem:$0x19500] =	vst v63  }
0x148: {  	_ =	swait.ge [sflag:s2], $0x2800  }
0x149: {  	[sflag:s2] =	ssyncset.done $0x0  }
0x14a: {  	s11 =	simm.s32 $0x0;
	[sflag:s2] =	ssyncadd.s32 $0xFFFFD800  }
0x14b: {  	v7 =	vld [tilespmem:s11+$0x0]  }
0x14c: {  	v8 =	vld [tilespmem:s11+$0x10]  }
0x14d: {  	v3 =	vld [tilespmem:s11+$0x20]  }
0x14e: {  	v2 =	vld [tilespmem:s11+$0x30]  }
0x14f: {  	v4 =	vld [tilespmem:s11+$0x2800]  }
0x150: {  	v6 =	vld [tilespmem:s11+$0x2810]  }
0x151: {  	s16 =	simm.s32 $0x100;
	v5 =	vld [tilespmem:s11+$0x2820]  }
.LBB2_12:
0x152: {  	s6 =	sshra.s32 s16, $0x2;
	p1 =	sne.s32 s16, $0x9F00;
	v9 =	vld [tilespmem:s11+$0x2830];
	v10 =	vmov v3  }
0x153: {  	v11 =	vld [tilespmem:s6+$0x0];
	v12 =	vmov v2  }
0x154: {  	v13 =	vld [tilespmem:s6+$0x10];
	v4 =	vmul.f32 v7, v4  }
.Ltmp5:
0x155: {  	v3 =	vld [tilespmem:s6+$0x20];
	v6 =	vmul.f32 v8, v6;
	(pc) =	sbr.rel @p1 .LBB2_12-.Ltmp5, $4  }
0x156: {  	v2 =	vld [tilespmem:s6+$0x30];
	[tilespmem:s11+$0x2800] =	vst v4;
	v5 =	vmul.f32 v10, v5  }
0x157: {  	v4 =	vld [tilespmem:s6+$0x2800];
	[tilespmem:s11+$0x2810] =	vst v6;
	v9 =	vmul.f32 v12, v9  }
0x158: {  	v6 =	vld [tilespmem:s6+$0x2810];
	[tilespmem:s11+$0x2820] =	vst v5;
	v7 =	vmov v11  }
0x159: {  	s16 =	sadd.s32 $0x100, s16;
	v5 =	vld [tilespmem:s6+$0x2820];
	[tilespmem:s11+$0x2830] =	vst v9;
	v8 =	vmov v13;
	s11 =	smov.u32 s6  }
0x15a: {  	v9 =	vld [tilespmem:s11+$0x2830];
	_ =	sdelay $0x1  }
0x15b: {  	v4 =	vmul.f32 v7, v4  }
0x15c: {  	v6 =	vmul.f32 v8, v6  }
0x15d: {  	[tilespmem:s11+$0x2800] =	vst v4;
	v3 =	vmul.f32 v3, v5  }
0x15e: {  	[tilespmem:s11+$0x2810] =	vst v6;
	v2 =	vmul.f32 v2, v9  }
0x15f: {  	[tilespmem:s11+$0x2820] =	vst v3  }
0x160: {  	s6 =	simm.s32 $0x0;
	[tilespmem:s11+$0x2830] =	vst v2;
	s11 =	simm.s32 $0x100  }
.LBB2_14:
0x161: {  	p1 =	sne.s32 s11, $0x9F00;
	[tilespmem:s6+$0x5030] =	vst v0;
	s16 =	smov.u32 s11;
	s11 =	sadd.s32 $0x100, s11  }
.Ltmp6:
0x162: {  	[tilespmem:s6+$0x5020] =	vst v0;
	(pc) =	sbr.rel @p1 .LBB2_14-.Ltmp6, $3  }
0x163: {  	[tilespmem:s6+$0x5000] =	vst v0  }
0x164: {  	[tilespmem:s6+$0x5010] =	vst v0;
	_ =	sdelay $0x1  }
0x165: {  	s6 =	sshra.s32 s16, $0x2  }
0x166: {  	[tilespmem:s6+$0x5030] =	vst v0  }
0x167: {  	[tilespmem:s6+$0x5020] =	vst v0  }
0x168: {  	[tilespmem:s6+$0x5000] =	vst v0  }
0x169: {  	[tilespmem:s6+$0x5010] =	vst v0;
	s23 =	simm.s32 $0x0  }
0x16a: {  	[tilespmem:s25], [sflag:$0x1] =	stream.linear.gather [hbm4b:s9+s23], $0x1F40, $0x38;
	[tilespmem:$0x19500] =	vst v63  }
0x16b: {  	_ = 	snop  }
0x16c: {  	[tilespmem:s26], [sflag:$0x2] =	stream.linear.gather [hbm4b:s12+s23], $0x1F40, $0x38;
	[tilespmem:$0x19500] =	vst v63  }
0x16d: {  	_ =	swait.ge [sflag:s28], $0x1F40  }
0x16e: {  	[sflag:s28] =	ssyncset.done $0x0  }
0x16f: {  	s24 =	simm.s32 $0x0;
	[sflag:s28] =	ssyncadd.s32 $0xFFFFE0C0  }
0x170: {  	v8 =	vld [tilespmem:s24+$0xA020]  }
0x171: {  	v4 =	vld [tilespmem:s24+$0xA010]  }
0x172: {  	v3 =	vld [tilespmem:s24+$0xA000]  }
0x173: {  	v9 =	vld [tilespmem:s24+$0xA030]  }
0x174: {  	v10 =	vld [tilespmem:s24+$0xA040]  }
0x175: {  	v11 =	vld [tilespmem:s24+$0xA050];
	v2 =	vshrl.u32 v8, $0xE  }
0x176: {  	v13 =	vld [tilespmem:s24+$0xA070];
	v5 =	vshrl.u32 v4, $0xE  }
0x177: {  	v12 =	vld [tilespmem:s24+$0xA060];
	v6 =	vshrl.u32 v3, $0xE  }
0x178: {  	v7 =	vshrl.u32 v9, $0xE  }
0x179: {  	v14 =	vshrl.u32 v10, $0xE  }
0x17a: {  	v15 =	vshrl.u32 v11, $0xE;
	v2 =	vld.idx.msk [tilespmem:v2+s14+$0x0], $0xffff  }
0x17b: {  	v16 =	vshrl.u32 v13, $0xE;
	v17 =	vld.idx.msk [tilespmem:v5+s14+$0x0], $0xffff  }
0x17c: {  	v18 =	vshrl.u32 v12, $0xE;
	v19 =	vld.idx.msk [tilespmem:v6+s14+$0x0], $0xffff  }
0x17d: {  	v20 =	vand.u32 $0x3FFF, v3;
	v3 =	vld.idx.msk [tilespmem:v7+s14+$0x0], $0xffff  }
0x17e: {  	v21 =	vand.u32 $0x3FFF, v4;
	v5 =	vld.idx.msk [tilespmem:v14+s14+$0x0], $0xffff  }
0x17f: {  	v8 =	vand.u32 $0x3FFF, v8;
	v6 =	vld.idx.msk [tilespmem:v15+s14+$0x0], $0xffff  }
0x180: {  	v9 =	vand.u32 $0x3FFF, v9;
	v4 =	vld.idx.msk [tilespmem:v16+s14+$0x0], $0xffff  }
0x181: {  	v10 =	vand.u32 $0x3FFF, v10;
	v7 =	vld.idx.msk [tilespmem:v18+s14+$0x0], $0xffff  }
0x182: {  	v11 =	vand.u32 $0x3FFF, v11;
	[tilespmem:v20+s29+$0x0] =	vst.idx.add.f32.msk $0xffff, v19  }
0x183: {  	s11 =	simm.s32 $0x200;
	v12 =	vand.u32 $0x3FFF, v12;
	v13 =	vand.u32 $0x3FFF, v13;
	[tilespmem:v21+s29+$0x0] =	vst.idx.add.f32.msk $0xffff, v17  }
.LBB2_16:
0x184: {  	s6 =	sshra.s32 s11, $0x2;
	p1 =	sne.s32 s11, $0x7A00;
	s11 =	sadd.s32 $0x200, s11;
	[tilespmem:v8+s29+$0x0] =	vst.idx.add.f32.msk $0xffff, v2  }
0x185: {  	[tilespmem:v9+s29+$0x0] =	vst.idx.add.f32.msk $0xffff, v3  }
0x186: {  	[tilespmem:v10+s29+$0x0] =	vst.idx.add.f32.msk $0xffff, v5  }
0x187: {  	[tilespmem:v11+s29+$0x0] =	vst.idx.add.f32.msk $0xffff, v6  }
0x188: {  	[tilespmem:v12+s29+$0x0] =	vst.idx.add.f32.msk $0xffff, v7  }
0x189: {  	[tilespmem:v13+s29+$0x0] =	vst.idx.add.f32.msk $0xffff, v4  }
0x18a: {  	v4 =	vld [tilespmem:s6+$0xA020]  }
0x18b: {  	v5 =	vld [tilespmem:s6+$0xA010]  }
0x18c: {  	v3 =	vld [tilespmem:s6+$0xA000]  }
0x18d: {  	v7 =	vld [tilespmem:s6+$0xA030]  }
0x18e: {  	v10 =	vld [tilespmem:s6+$0xA040]  }
0x18f: {  	v11 =	vld [tilespmem:s6+$0xA050];
	v2 =	vshrl.u32 v4, $0xE  }
0x190: {  	v13 =	vld [tilespmem:s6+$0xA070];
	v6 =	vshrl.u32 v5, $0xE  }
0x191: {  	v12 =	vld [tilespmem:s6+$0xA060];
	v8 =	vshrl.u32 v3, $0xE  }
0x192: {  	v9 =	vshrl.u32 v7, $0xE  }
0x193: {  	v14 =	vshrl.u32 v10, $0xE  }
0x194: {  	v15 =	vshrl.u32 v11, $0xE;
	v2 =	vld.idx.msk [tilespmem:v2+s14+$0x0], $0xffff  }
0x195: {  	v16 =	vshrl.u32 v13, $0xE;
	v17 =	vld.idx.msk [tilespmem:v6+s14+$0x0], $0xffff  }
0x196: {  	v20 =	vand.u32 $0x3FFF, v3;
	v18 =	vshrl.u32 v12, $0xE;
	v19 =	vld.idx.msk [tilespmem:v8+s14+$0x0], $0xffff  }
0x197: {  	v21 =	vand.u32 $0x3FFF, v5;
	v3 =	vld.idx.msk [tilespmem:v9+s14+$0x0], $0xffff  }
0x198: {  	v8 =	vand.u32 $0x3FFF, v4;
	v5 =	vld.idx.msk [tilespmem:v14+s14+$0x0], $0xffff  }
.Ltmp7:
0x199: {  	v9 =	vand.u32 $0x3FFF, v7;
	v6 =	vld.idx.msk [tilespmem:v15+s14+$0x0], $0xffff;
	(pc) =	sbr.rel @p1 .LBB2_16-.Ltmp7, $4  }
0x19a: {  	v10 =	vand.u32 $0x3FFF, v10;
	v4 =	vld.idx.msk [tilespmem:v16+s14+$0x0], $0xffff  }
0x19b: {  	v11 =	vand.u32 $0x3FFF, v11;
	v7 =	vld.idx.msk [tilespmem:v18+s14+$0x0], $0xffff  }
0x19c: {  	v12 =	vand.u32 $0x3FFF, v12;
	[tilespmem:v20+s29+$0x0] =	vst.idx.add.f32.msk $0xffff, v19  }
0x19d: {  	v13 =	vand.u32 $0x3FFF, v13;
	[tilespmem:v21+s29+$0x0] =	vst.idx.add.f32.msk $0xffff, v17  }
0x19e: {  	_ =	sdelay $0x3  }
0x19f: {  	[tilespmem:v8+s29+$0x0] =	vst.idx.add.f32.msk $0xffff, v2  }
0x1a0: {  	[tilespmem:v9+s29+$0x0] =	vst.idx.add.f32.msk $0xffff, v3  }
0x1a1: {  	[tilespmem:v10+s29+$0x0] =	vst.idx.add.f32.msk $0xffff, v5  }
0x1a2: {  	[tilespmem:v11+s29+$0x0] =	vst.idx.add.f32.msk $0xffff, v6  }
0x1a3: {  	[tilespmem:v12+s29+$0x0] =	vst.idx.add.f32.msk $0xffff, v7  }
0x1a4: {  	[tilespmem:v13+s29+$0x0] =	vst.idx.add.f32.msk $0xffff, v4  }
0x1a5: {  	v2 =	vld [tilespmem:$0xBF00]  }
0x1a6: {  	v3 =	vld [tilespmem:$0xBF10]  }
0x1a7: {  	v4 =	vld [tilespmem:$0xBF20]  }
0x1a8: {  	v5 =	vld [tilespmem:$0xBF30];
	_ =	sdelay $0x1  }
0x1a9: {  	v6 =	vshrl.u32 v2, $0xE  }
0x1aa: {  	v7 =	vshrl.u32 v3, $0xE  }
0x1ab: {  	v8 =	vshrl.u32 v4, $0xE  }
0x1ac: {  	v9 =	vshrl.u32 v5, $0xE;
	_ =	sdelay $0x1  }
0x1ad: {  	v2 =	vand.u32 $0x3FFF, v2;
	v6 =	vld.idx.msk [tilespmem:v6+s14+$0x0], $0xffff  }
0x1ae: {  	v3 =	vand.u32 $0x3FFF, v3;
	v7 =	vld.idx.msk [tilespmem:v7+s14+$0x0], $0xffff  }
0x1af: {  	v4 =	vand.u32 $0x3FFF, v4;
	v8 =	vld.idx.msk [tilespmem:v8+s14+$0x0], $0xffff  }
0x1b0: {  	v5 =	vand.u32 $0x3FFF, v5;
	v9 =	vld.idx.msk [tilespmem:v9+s14+$0x0], $0xffff;
	_ =	sdelay $0x1  }
0x1b1: {  	[tilespmem:v2+s29+$0x0] =	vst.idx.add.f32.msk $0xffff, v6  }
0x1b2: {  	[tilespmem:v3+s29+$0x0] =	vst.idx.add.f32.msk $0xffff, v7  }
0x1b3: {  	[tilespmem:v4+s29+$0x0] =	vst.idx.add.f32.msk $0xffff, v8  }
0x1b4: {  	s6 =	simm.s32 $0x0;
	[tilespmem:v5+s29+$0x0] =	vst.idx.add.f32.msk $0xffff, v9  }
0x1b5: {  	[tilespmem:s25], [sflag:$0x1] =	stream.linear.gather [hbm4b:s13+s6], $0x1F40, $0x38;
	[tilespmem:$0x19500] =	vst v63  }
0x1b6: {  	_ =	swait.ge [sflag:s30], $0x1F40  }
0x1b7: {  	[sflag:s30] =	ssyncset.done $0x0  }
0x1b8: {  	s24 =	simm.s32 $0x0;
	[sflag:s30] =	ssyncadd.s32 $0xFFFFE0C0  }
0x1b9: {  	v8 =	vld [tilespmem:s24+$0xBF60]  }
0x1ba: {  	v4 =	vld [tilespmem:s24+$0xBF50]  }
0x1bb: {  	v3 =	vld [tilespmem:s24+$0xBF40]  }
0x1bc: {  	v9 =	vld [tilespmem:s24+$0xBF70]  }
0x1bd: {  	v10 =	vld [tilespmem:s24+$0xBF80]  }
0x1be: {  	v11 =	vld [tilespmem:s24+$0xBF90];
	v2 =	vshrl.u32 v8, $0xE  }
0x1bf: {  	v13 =	vld [tilespmem:s24+$0xBFB0];
	v5 =	vshrl.u32 v4, $0xE  }
0x1c0: {  	v12 =	vld [tilespmem:s24+$0xBFA0];
	v6 =	vshrl.u32 v3, $0xE  }
0x1c1: {  	v7 =	vshrl.u32 v9, $0xE  }
0x1c2: {  	v14 =	vshrl.u32 v10, $0xE  }
0x1c3: {  	v15 =	vshrl.u32 v11, $0xE;
	v2 =	vld.idx.msk [tilespmem:v2+s14+$0x0], $0xffff  }
0x1c4: {  	v16 =	vshrl.u32 v13, $0xE;
	v17 =	vld.idx.msk [tilespmem:v5+s14+$0x0], $0xffff  }
0x1c5: {  	v18 =	vshrl.u32 v12, $0xE;
	v19 =	vld.idx.msk [tilespmem:v6+s14+$0x0], $0xffff  }
0x1c6: {  	v20 =	vand.u32 $0x3FFF, v3;
	v3 =	vld.idx.msk [tilespmem:v7+s14+$0x0], $0xffff  }
0x1c7: {  	v21 =	vand.u32 $0x3FFF, v4;
	v5 =	vld.idx.msk [tilespmem:v14+s14+$0x0], $0xffff  }
0x1c8: {  	v8 =	vand.u32 $0x3FFF, v8;
	v6 =	vld.idx.msk [tilespmem:v15+s14+$0x0], $0xffff  }
0x1c9: {  	v9 =	vand.u32 $0x3FFF, v9;
	v4 =	vld.idx.msk [tilespmem:v16+s14+$0x0], $0xffff  }
0x1ca: {  	v10 =	vand.u32 $0x3FFF, v10;
	v7 =	vld.idx.msk [tilespmem:v18+s14+$0x0], $0xffff  }
0x1cb: {  	v11 =	vand.u32 $0x3FFF, v11;
	[tilespmem:v20+s29+$0x0] =	vst.idx.add.f32.msk $0xffff, v19  }
0x1cc: {  	s11 =	simm.s32 $0x200;
	v12 =	vand.u32 $0x3FFF, v12;
	v13 =	vand.u32 $0x3FFF, v13;
	[tilespmem:v21+s29+$0x0] =	vst.idx.add.f32.msk $0xffff, v17  }
.LBB2_18:
0x1cd: {  	s6 =	sshra.s32 s11, $0x2;
	p1 =	sne.s32 s11, $0x7A00;
	s11 =	sadd.s32 $0x200, s11;
	[tilespmem:v8+s29+$0x0] =	vst.idx.add.f32.msk $0xffff, v2  }
0x1ce: {  	[tilespmem:v9+s29+$0x0] =	vst.idx.add.f32.msk $0xffff, v3  }
0x1cf: {  	[tilespmem:v10+s29+$0x0] =	vst.idx.add.f32.msk $0xffff, v5  }
0x1d0: {  	[tilespmem:v11+s29+$0x0] =	vst.idx.add.f32.msk $0xffff, v6  }
0x1d1: {  	[tilespmem:v12+s29+$0x0] =	vst.idx.add.f32.msk $0xffff, v7  }
0x1d2: {  	[tilespmem:v13+s29+$0x0] =	vst.idx.add.f32.msk $0xffff, v4  }
0x1d3: {  	v4 =	vld [tilespmem:s6+$0xBF60]  }
0x1d4: {  	v5 =	vld [tilespmem:s6+$0xBF50]  }
0x1d5: {  	v3 =	vld [tilespmem:s6+$0xBF40]  }
0x1d6: {  	v7 =	vld [tilespmem:s6+$0xBF70]  }
0x1d7: {  	v10 =	vld [tilespmem:s6+$0xBF80]  }
0x1d8: {  	v11 =	vld [tilespmem:s6+$0xBF90];
	v2 =	vshrl.u32 v4, $0xE  }
0x1d9: {  	v13 =	vld [tilespmem:s6+$0xBFB0];
	v6 =	vshrl.u32 v5, $0xE  }
0x1da: {  	v12 =	vld [tilespmem:s6+$0xBFA0];
	v8 =	vshrl.u32 v3, $0xE  }
0x1db: {  	v9 =	vshrl.u32 v7, $0xE  }
0x1dc: {  	v14 =	vshrl.u32 v10, $0xE  }
0x1dd: {  	v15 =	vshrl.u32 v11, $0xE;
	v2 =	vld.idx.msk [tilespmem:v2+s14+$0x0], $0xffff  }
0x1de: {  	v16 =	vshrl.u32 v13, $0xE;
	v17 =	vld.idx.msk [tilespmem:v6+s14+$0x0], $0xffff  }
0x1df: {  	v20 =	vand.u32 $0x3FFF, v3;
	v18 =	vshrl.u32 v12, $0xE;
	v19 =	vld.idx.msk [tilespmem:v8+s14+$0x0], $0xffff  }
0x1e0: {  	v21 =	vand.u32 $0x3FFF, v5;
	v3 =	vld.idx.msk [tilespmem:v9+s14+$0x0], $0xffff  }
0x1e1: {  	v8 =	vand.u32 $0x3FFF, v4;
	v5 =	vld.idx.msk [tilespmem:v14+s14+$0x0], $0xffff  }
.Ltmp8:
0x1e2: {  	v9 =	vand.u32 $0x3FFF, v7;
	v6 =	vld.idx.msk [tilespmem:v15+s14+$0x0], $0xffff;
	(pc) =	sbr.rel @p1 .LBB2_18-.Ltmp8, $4  }
0x1e3: {  	v10 =	vand.u32 $0x3FFF, v10;
	v4 =	vld.idx.msk [tilespmem:v16+s14+$0x0], $0xffff  }
0x1e4: {  	v11 =	vand.u32 $0x3FFF, v11;
	v7 =	vld.idx.msk [tilespmem:v18+s14+$0x0], $0xffff  }
0x1e5: {  	v12 =	vand.u32 $0x3FFF, v12;
	[tilespmem:v20+s29+$0x0] =	vst.idx.add.f32.msk $0xffff, v19  }
0x1e6: {  	v13 =	vand.u32 $0x3FFF, v13;
	[tilespmem:v21+s29+$0x0] =	vst.idx.add.f32.msk $0xffff, v17  }
0x1e7: {  	_ =	sdelay $0x3  }
0x1e8: {  	[tilespmem:v8+s29+$0x0] =	vst.idx.add.f32.msk $0xffff, v2  }
0x1e9: {  	[tilespmem:v9+s29+$0x0] =	vst.idx.add.f32.msk $0xffff, v3  }
0x1ea: {  	[tilespmem:v10+s29+$0x0] =	vst.idx.add.f32.msk $0xffff, v5  }
0x1eb: {  	[tilespmem:v11+s29+$0x0] =	vst.idx.add.f32.msk $0xffff, v6  }
0x1ec: {  	[tilespmem:v12+s29+$0x0] =	vst.idx.add.f32.msk $0xffff, v7  }
0x1ed: {  	[tilespmem:v13+s29+$0x0] =	vst.idx.add.f32.msk $0xffff, v4  }
0x1ee: {  	v2 =	vld [tilespmem:$0xDE40]  }
0x1ef: {  	v3 =	vld [tilespmem:$0xDE50]  }
0x1f0: {  	v4 =	vld [tilespmem:$0xDE60]  }
0x1f1: {  	v5 =	vld [tilespmem:$0xDE70];
	_ =	sdelay $0x1  }
0x1f2: {  	v6 =	vshrl.u32 v2, $0xE  }
0x1f3: {  	v7 =	vshrl.u32 v3, $0xE  }
0x1f4: {  	v8 =	vshrl.u32 v4, $0xE  }
0x1f5: {  	v9 =	vshrl.u32 v5, $0xE;
	_ =	sdelay $0x1  }
0x1f6: {  	v2 =	vand.u32 $0x3FFF, v2;
	v6 =	vld.idx.msk [tilespmem:v6+s14+$0x0], $0xffff  }
0x1f7: {  	v3 =	vand.u32 $0x3FFF, v3;
	v7 =	vld.idx.msk [tilespmem:v7+s14+$0x0], $0xffff  }
0x1f8: {  	v4 =	vand.u32 $0x3FFF, v4;
	v8 =	vld.idx.msk [tilespmem:v8+s14+$0x0], $0xffff  }
0x1f9: {  	v5 =	vand.u32 $0x3FFF, v5;
	v9 =	vld.idx.msk [tilespmem:v9+s14+$0x0], $0xffff;
	_ =	sdelay $0x1  }
0x1fa: {  	[tilespmem:v2+s29+$0x0] =	vst.idx.add.f32.msk $0xffff, v6  }
0x1fb: {  	[tilespmem:v3+s29+$0x0] =	vst.idx.add.f32.msk $0xffff, v7  }
0x1fc: {  	[tilespmem:v4+s29+$0x0] =	vst.idx.add.f32.msk $0xffff, v8  }
0x1fd: {  	s6 =	simm.s32 $0x0;
	[tilespmem:v5+s29+$0x0] =	vst.idx.add.f32.msk $0xffff, v9  }
0x1fe: {  	[tilespmem:s26], [sflag:$0x2] =	stream.linear.gather [hbm4b:s15+s6], $0x1F40, $0x38;
	[tilespmem:$0x19500] =	vst v63  }
0x1ff: {  	_ =	swait.ge [sflag:s28], $0x1F40  }
0x200: {  	[sflag:s28] =	ssyncset.done $0x0  }
0x201: {  	s24 =	simm.s32 $0x0;
	[sflag:s28] =	ssyncadd.s32 $0xFFFFE0C0  }
0x202: {  	v8 =	vld [tilespmem:s24+$0xA020]  }
0x203: {  	v4 =	vld [tilespmem:s24+$0xA010]  }
0x204: {  	v3 =	vld [tilespmem:s24+$0xA000]  }
0x205: {  	v9 =	vld [tilespmem:s24+$0xA030]  }
0x206: {  	v10 =	vld [tilespmem:s24+$0xA040]  }
0x207: {  	v11 =	vld [tilespmem:s24+$0xA050];
	v2 =	vshrl.u32 v8, $0xE  }
0x208: {  	v13 =	vld [tilespmem:s24+$0xA070];
	v5 =	vshrl.u32 v4, $0xE  }
0x209: {  	v12 =	vld [tilespmem:s24+$0xA060];
	v6 =	vshrl.u32 v3, $0xE  }
0x20a: {  	v7 =	vshrl.u32 v9, $0xE  }
0x20b: {  	v14 =	vshrl.u32 v10, $0xE  }
0x20c: {  	v15 =	vshrl.u32 v11, $0xE;
	v2 =	vld.idx.msk [tilespmem:v2+s14+$0x0], $0xffff  }
0x20d: {  	v16 =	vshrl.u32 v13, $0xE;
	v17 =	vld.idx.msk [tilespmem:v5+s14+$0x0], $0xffff  }
0x20e: {  	v18 =	vshrl.u32 v12, $0xE;
	v19 =	vld.idx.msk [tilespmem:v6+s14+$0x0], $0xffff  }
0x20f: {  	v20 =	vand.u32 $0x3FFF, v3;
	v3 =	vld.idx.msk [tilespmem:v7+s14+$0x0], $0xffff  }
0x210: {  	v21 =	vand.u32 $0x3FFF, v4;
	v5 =	vld.idx.msk [tilespmem:v14+s14+$0x0], $0xffff  }
0x211: {  	v8 =	vand.u32 $0x3FFF, v8;
	v6 =	vld.idx.msk [tilespmem:v15+s14+$0x0], $0xffff  }
0x212: {  	v9 =	vand.u32 $0x3FFF, v9;
	v4 =	vld.idx.msk [tilespmem:v16+s14+$0x0], $0xffff  }
0x213: {  	v10 =	vand.u32 $0x3FFF, v10;
	v7 =	vld.idx.msk [tilespmem:v18+s14+$0x0], $0xffff  }
0x214: {  	v11 =	vand.u32 $0x3FFF, v11;
	[tilespmem:v20+s29+$0x0] =	vst.idx.add.f32.msk $0xffff, v19  }
0x215: {  	s11 =	simm.s32 $0x200;
	v12 =	vand.u32 $0x3FFF, v12;
	v13 =	vand.u32 $0x3FFF, v13;
	[tilespmem:v21+s29+$0x0] =	vst.idx.add.f32.msk $0xffff, v17  }
.LBB2_20:
0x216: {  	s6 =	sshra.s32 s11, $0x2;
	p1 =	sne.s32 s11, $0x7A00;
	s11 =	sadd.s32 $0x200, s11;
	[tilespmem:v8+s29+$0x0] =	vst.idx.add.f32.msk $0xffff, v2  }
0x217: {  	[tilespmem:v9+s29+$0x0] =	vst.idx.add.f32.msk $0xffff, v3  }
0x218: {  	[tilespmem:v10+s29+$0x0] =	vst.idx.add.f32.msk $0xffff, v5  }
0x219: {  	[tilespmem:v11+s29+$0x0] =	vst.idx.add.f32.msk $0xffff, v6  }
0x21a: {  	[tilespmem:v12+s29+$0x0] =	vst.idx.add.f32.msk $0xffff, v7  }
0x21b: {  	[tilespmem:v13+s29+$0x0] =	vst.idx.add.f32.msk $0xffff, v4  }
0x21c: {  	v4 =	vld [tilespmem:s6+$0xA020]  }
0x21d: {  	v5 =	vld [tilespmem:s6+$0xA010]  }
0x21e: {  	v3 =	vld [tilespmem:s6+$0xA000]  }
0x21f: {  	v7 =	vld [tilespmem:s6+$0xA030]  }
0x220: {  	v10 =	vld [tilespmem:s6+$0xA040]  }
0x221: {  	v11 =	vld [tilespmem:s6+$0xA050];
	v2 =	vshrl.u32 v4, $0xE  }
0x222: {  	v13 =	vld [tilespmem:s6+$0xA070];
	v6 =	vshrl.u32 v5, $0xE  }
0x223: {  	v12 =	vld [tilespmem:s6+$0xA060];
	v8 =	vshrl.u32 v3, $0xE  }
0x224: {  	v9 =	vshrl.u32 v7, $0xE  }
0x225: {  	v14 =	vshrl.u32 v10, $0xE  }
0x226: {  	v15 =	vshrl.u32 v11, $0xE;
	v2 =	vld.idx.msk [tilespmem:v2+s14+$0x0], $0xffff  }
0x227: {  	v16 =	vshrl.u32 v13, $0xE;
	v17 =	vld.idx.msk [tilespmem:v6+s14+$0x0], $0xffff  }
0x228: {  	v20 =	vand.u32 $0x3FFF, v3;
	v18 =	vshrl.u32 v12, $0xE;
	v19 =	vld.idx.msk [tilespmem:v8+s14+$0x0], $0xffff  }
0x229: {  	v21 =	vand.u32 $0x3FFF, v5;
	v3 =	vld.idx.msk [tilespmem:v9+s14+$0x0], $0xffff  }
0x22a: {  	v8 =	vand.u32 $0x3FFF, v4;
	v5 =	vld.idx.msk [tilespmem:v14+s14+$0x0], $0xffff  }
.Ltmp9:
0x22b: {  	v9 =	vand.u32 $0x3FFF, v7;
	v6 =	vld.idx.msk [tilespmem:v15+s14+$0x0], $0xffff;
	(pc) =	sbr.rel @p1 .LBB2_20-.Ltmp9, $4  }
0x22c: {  	v10 =	vand.u32 $0x3FFF, v10;
	v4 =	vld.idx.msk [tilespmem:v16+s14+$0x0], $0xffff  }
0x22d: {  	v11 =	vand.u32 $0x3FFF, v11;
	v7 =	vld.idx.msk [tilespmem:v18+s14+$0x0], $0xffff  }
0x22e: {  	v12 =	vand.u32 $0x3FFF, v12;
	[tilespmem:v20+s29+$0x0] =	vst.idx.add.f32.msk $0xffff, v19  }
0x22f: {  	v13 =	vand.u32 $0x3FFF, v13;
	[tilespmem:v21+s29+$0x0] =	vst.idx.add.f32.msk $0xffff, v17  }
0x230: {  	_ =	sdelay $0x3  }
0x231: {  	[tilespmem:v8+s29+$0x0] =	vst.idx.add.f32.msk $0xffff, v2  }
0x232: {  	[tilespmem:v9+s29+$0x0] =	vst.idx.add.f32.msk $0xffff, v3  }
0x233: {  	[tilespmem:v10+s29+$0x0] =	vst.idx.add.f32.msk $0xffff, v5  }
0x234: {  	[tilespmem:v11+s29+$0x0] =	vst.idx.add.f32.msk $0xffff, v6  }
0x235: {  	[tilespmem:v12+s29+$0x0] =	vst.idx.add.f32.msk $0xffff, v7  }
0x236: {  	[tilespmem:v13+s29+$0x0] =	vst.idx.add.f32.msk $0xffff, v4  }
0x237: {  	v2 =	vld [tilespmem:$0xBF00]  }
0x238: {  	v3 =	vld [tilespmem:$0xBF10]  }
0x239: {  	v4 =	vld [tilespmem:$0xBF20]  }
0x23a: {  	v5 =	vld [tilespmem:$0xBF30];
	_ =	sdelay $0x1  }
0x23b: {  	v6 =	vshrl.u32 v2, $0xE  }
0x23c: {  	v7 =	vshrl.u32 v3, $0xE  }
0x23d: {  	v8 =	vshrl.u32 v4, $0xE  }
0x23e: {  	v9 =	vshrl.u32 v5, $0xE;
	_ =	sdelay $0x1  }
0x23f: {  	v2 =	vand.u32 $0x3FFF, v2;
	v6 =	vld.idx.msk [tilespmem:v6+s14+$0x0], $0xffff  }
0x240: {  	v3 =	vand.u32 $0x3FFF, v3;
	v7 =	vld.idx.msk [tilespmem:v7+s14+$0x0], $0xffff  }
0x241: {  	v4 =	vand.u32 $0x3FFF, v4;
	v8 =	vld.idx.msk [tilespmem:v8+s14+$0x0], $0xffff  }
0x242: {  	v5 =	vand.u32 $0x3FFF, v5;
	v9 =	vld.idx.msk [tilespmem:v9+s14+$0x0], $0xffff;
	_ =	sdelay $0x1  }
0x243: {  	[tilespmem:v2+s29+$0x0] =	vst.idx.add.f32.msk $0xffff, v6  }
0x244: {  	[tilespmem:v3+s29+$0x0] =	vst.idx.add.f32.msk $0xffff, v7  }
0x245: {  	[tilespmem:v4+s29+$0x0] =	vst.idx.add.f32.msk $0xffff, v8  }
0x246: {  	s6 =	simm.s32 $0x0;
	[tilespmem:v5+s29+$0x0] =	vst.idx.add.f32.msk $0xffff, v9  }
0x247: {  	[tilespmem:s25], [sflag:$0x1] =	stream.linear.gather [hbm4b:s20+s6], $0x1F40, $0x38;
	[tilespmem:$0x19500] =	vst v63  }
0x248: {  	_ =	swait.ge [sflag:s30], $0x1F40  }
0x249: {  	[sflag:s30] =	ssyncset.done $0x0  }
0x24a: {  	s24 =	simm.s32 $0x0;
	[sflag:s30] =	ssyncadd.s32 $0xFFFFE0C0  }
0x24b: {  	v8 =	vld [tilespmem:s24+$0xBF60]  }
0x24c: {  	v4 =	vld [tilespmem:s24+$0xBF50]  }
0x24d: {  	v3 =	vld [tilespmem:s24+$0xBF40]  }
0x24e: {  	v9 =	vld [tilespmem:s24+$0xBF70]  }
0x24f: {  	v10 =	vld [tilespmem:s24+$0xBF80]  }
0x250: {  	v11 =	vld [tilespmem:s24+$0xBF90];
	v2 =	vshrl.u32 v8, $0xE  }
0x251: {  	v13 =	vld [tilespmem:s24+$0xBFB0];
	v5 =	vshrl.u32 v4, $0xE  }
0x252: {  	v12 =	vld [tilespmem:s24+$0xBFA0];
	v6 =	vshrl.u32 v3, $0xE  }
0x253: {  	v7 =	vshrl.u32 v9, $0xE  }
0x254: {  	v14 =	vshrl.u32 v10, $0xE  }
0x255: {  	v15 =	vshrl.u32 v11, $0xE;
	v2 =	vld.idx.msk [tilespmem:v2+s14+$0x0], $0xffff  }
0x256: {  	v16 =	vshrl.u32 v13, $0xE;
	v17 =	vld.idx.msk [tilespmem:v5+s14+$0x0], $0xffff  }
0x257: {  	v18 =	vshrl.u32 v12, $0xE;
	v19 =	vld.idx.msk [tilespmem:v6+s14+$0x0], $0xffff  }
0x258: {  	v20 =	vand.u32 $0x3FFF, v3;
	v3 =	vld.idx.msk [tilespmem:v7+s14+$0x0], $0xffff  }
0x259: {  	v21 =	vand.u32 $0x3FFF, v4;
	v5 =	vld.idx.msk [tilespmem:v14+s14+$0x0], $0xffff  }
0x25a: {  	v8 =	vand.u32 $0x3FFF, v8;
	v6 =	vld.idx.msk [tilespmem:v15+s14+$0x0], $0xffff  }
0x25b: {  	v9 =	vand.u32 $0x3FFF, v9;
	v4 =	vld.idx.msk [tilespmem:v16+s14+$0x0], $0xffff  }
0x25c: {  	v10 =	vand.u32 $0x3FFF, v10;
	v7 =	vld.idx.msk [tilespmem:v18+s14+$0x0], $0xffff  }
0x25d: {  	v11 =	vand.u32 $0x3FFF, v11;
	[tilespmem:v20+s29+$0x0] =	vst.idx.add.f32.msk $0xffff, v19  }
0x25e: {  	s11 =	simm.s32 $0x200;
	v12 =	vand.u32 $0x3FFF, v12;
	v13 =	vand.u32 $0x3FFF, v13;
	[tilespmem:v21+s29+$0x0] =	vst.idx.add.f32.msk $0xffff, v17  }
.LBB2_22:
0x25f: {  	s6 =	sshra.s32 s11, $0x2;
	p1 =	sne.s32 s11, $0x7A00;
	s11 =	sadd.s32 $0x200, s11;
	[tilespmem:v8+s29+$0x0] =	vst.idx.add.f32.msk $0xffff, v2  }
0x260: {  	[tilespmem:v9+s29+$0x0] =	vst.idx.add.f32.msk $0xffff, v3  }
0x261: {  	[tilespmem:v10+s29+$0x0] =	vst.idx.add.f32.msk $0xffff, v5  }
0x262: {  	[tilespmem:v11+s29+$0x0] =	vst.idx.add.f32.msk $0xffff, v6  }
0x263: {  	[tilespmem:v12+s29+$0x0] =	vst.idx.add.f32.msk $0xffff, v7  }
0x264: {  	[tilespmem:v13+s29+$0x0] =	vst.idx.add.f32.msk $0xffff, v4  }
0x265: {  	v4 =	vld [tilespmem:s6+$0xBF60]  }
0x266: {  	v5 =	vld [tilespmem:s6+$0xBF50]  }
0x267: {  	v3 =	vld [tilespmem:s6+$0xBF40]  }
0x268: {  	v7 =	vld [tilespmem:s6+$0xBF70]  }
0x269: {  	v10 =	vld [tilespmem:s6+$0xBF80]  }
0x26a: {  	v11 =	vld [tilespmem:s6+$0xBF90];
	v2 =	vshrl.u32 v4, $0xE  }
0x26b: {  	v13 =	vld [tilespmem:s6+$0xBFB0];
	v6 =	vshrl.u32 v5, $0xE  }
0x26c: {  	v12 =	vld [tilespmem:s6+$0xBFA0];
	v8 =	vshrl.u32 v3, $0xE  }
0x26d: {  	v9 =	vshrl.u32 v7, $0xE  }
0x26e: {  	v14 =	vshrl.u32 v10, $0xE  }
0x26f: {  	v15 =	vshrl.u32 v11, $0xE;
	v2 =	vld.idx.msk [tilespmem:v2+s14+$0x0], $0xffff  }
0x270: {  	v16 =	vshrl.u32 v13, $0xE;
	v17 =	vld.idx.msk [tilespmem:v6+s14+$0x0], $0xffff  }
0x271: {  	v20 =	vand.u32 $0x3FFF, v3;
	v18 =	vshrl.u32 v12, $0xE;
	v19 =	vld.idx.msk [tilespmem:v8+s14+$0x0], $0xffff  }
0x272: {  	v21 =	vand.u32 $0x3FFF, v5;
	v3 =	vld.idx.msk [tilespmem:v9+s14+$0x0], $0xffff  }
0x273: {  	v8 =	vand.u32 $0x3FFF, v4;
	v5 =	vld.idx.msk [tilespmem:v14+s14+$0x0], $0xffff  }
.Ltmp10:
0x274: {  	v9 =	vand.u32 $0x3FFF, v7;
	v6 =	vld.idx.msk [tilespmem:v15+s14+$0x0], $0xffff;
	(pc) =	sbr.rel @p1 .LBB2_22-.Ltmp10, $4  }
0x275: {  	v10 =	vand.u32 $0x3FFF, v10;
	v4 =	vld.idx.msk [tilespmem:v16+s14+$0x0], $0xffff  }
0x276: {  	v11 =	vand.u32 $0x3FFF, v11;
	v7 =	vld.idx.msk [tilespmem:v18+s14+$0x0], $0xffff  }
0x277: {  	v12 =	vand.u32 $0x3FFF, v12;
	[tilespmem:v20+s29+$0x0] =	vst.idx.add.f32.msk $0xffff, v19  }
0x278: {  	v13 =	vand.u32 $0x3FFF, v13;
	[tilespmem:v21+s29+$0x0] =	vst.idx.add.f32.msk $0xffff, v17  }
0x279: {  	_ =	sdelay $0x3  }
0x27a: {  	[tilespmem:v8+s29+$0x0] =	vst.idx.add.f32.msk $0xffff, v2  }
0x27b: {  	[tilespmem:v9+s29+$0x0] =	vst.idx.add.f32.msk $0xffff, v3  }
0x27c: {  	[tilespmem:v10+s29+$0x0] =	vst.idx.add.f32.msk $0xffff, v5  }
0x27d: {  	[tilespmem:v11+s29+$0x0] =	vst.idx.add.f32.msk $0xffff, v6  }
0x27e: {  	[tilespmem:v12+s29+$0x0] =	vst.idx.add.f32.msk $0xffff, v7  }
0x27f: {  	[tilespmem:v13+s29+$0x0] =	vst.idx.add.f32.msk $0xffff, v4  }
0x280: {  	v2 =	vld [tilespmem:$0xDE40]  }
0x281: {  	v3 =	vld [tilespmem:$0xDE50]  }
0x282: {  	v4 =	vld [tilespmem:$0xDE60]  }
0x283: {  	v5 =	vld [tilespmem:$0xDE70];
	_ =	sdelay $0x1  }
0x284: {  	v6 =	vshrl.u32 v2, $0xE  }
0x285: {  	v7 =	vshrl.u32 v3, $0xE  }
0x286: {  	v8 =	vshrl.u32 v4, $0xE  }
0x287: {  	v9 =	vshrl.u32 v5, $0xE;
	_ =	sdelay $0x1  }
0x288: {  	v2 =	vand.u32 $0x3FFF, v2;
	v6 =	vld.idx.msk [tilespmem:v6+s14+$0x0], $0xffff  }
0x289: {  	v3 =	vand.u32 $0x3FFF, v3;
	v7 =	vld.idx.msk [tilespmem:v7+s14+$0x0], $0xffff  }
0x28a: {  	v4 =	vand.u32 $0x3FFF, v4;
	v8 =	vld.idx.msk [tilespmem:v8+s14+$0x0], $0xffff  }
0x28b: {  	v5 =	vand.u32 $0x3FFF, v5;
	v9 =	vld.idx.msk [tilespmem:v9+s14+$0x0], $0xffff;
	_ =	sdelay $0x1  }
0x28c: {  	[tilespmem:v2+s29+$0x0] =	vst.idx.add.f32.msk $0xffff, v6  }
0x28d: {  	[tilespmem:v3+s29+$0x0] =	vst.idx.add.f32.msk $0xffff, v7  }
0x28e: {  	[tilespmem:v4+s29+$0x0] =	vst.idx.add.f32.msk $0xffff, v8  }
0x28f: {  	[tilespmem:v5+s29+$0x0] =	vst.idx.add.f32.msk $0xffff, v9  }
0x290: {  	_ =	swait.ge [sflag:s28], $0x1F40  }
0x291: {  	[sflag:s28] =	ssyncset.done $0x0  }
0x292: {  	s6 =	simm.s32 $0x0;
	[sflag:s28] =	ssyncadd.s32 $0xFFFFE0C0  }
0x293: {  	v8 =	vld [tilespmem:s6+$0xA020]  }
0x294: {  	v4 =	vld [tilespmem:s6+$0xA010]  }
0x295: {  	v3 =	vld [tilespmem:s6+$0xA000]  }
0x296: {  	v9 =	vld [tilespmem:s6+$0xA030]  }
0x297: {  	v10 =	vld [tilespmem:s6+$0xA040]  }
0x298: {  	v11 =	vld [tilespmem:s6+$0xA050];
	v2 =	vshrl.u32 v8, $0xE  }
0x299: {  	v13 =	vld [tilespmem:s6+$0xA070];
	v5 =	vshrl.u32 v4, $0xE  }
0x29a: {  	v12 =	vld [tilespmem:s6+$0xA060];
	v6 =	vshrl.u32 v3, $0xE  }
0x29b: {  	v7 =	vshrl.u32 v9, $0xE  }
0x29c: {  	v14 =	vshrl.u32 v10, $0xE  }
0x29d: {  	v15 =	vshrl.u32 v11, $0xE;
	v2 =	vld.idx.msk [tilespmem:v2+s14+$0x0], $0xffff  }
0x29e: {  	v16 =	vshrl.u32 v13, $0xE;
	v17 =	vld.idx.msk [tilespmem:v5+s14+$0x0], $0xffff  }
0x29f: {  	v18 =	vshrl.u32 v12, $0xE;
	v19 =	vld.idx.msk [tilespmem:v6+s14+$0x0], $0xffff  }
0x2a0: {  	v20 =	vand.u32 $0x3FFF, v3;
	v3 =	vld.idx.msk [tilespmem:v7+s14+$0x0], $0xffff  }
0x2a1: {  	v21 =	vand.u32 $0x3FFF, v4;
	v5 =	vld.idx.msk [tilespmem:v14+s14+$0x0], $0xffff  }
0x2a2: {  	v8 =	vand.u32 $0x3FFF, v8;
	v6 =	vld.idx.msk [tilespmem:v15+s14+$0x0], $0xffff  }
0x2a3: {  	v9 =	vand.u32 $0x3FFF, v9;
	v4 =	vld.idx.msk [tilespmem:v16+s14+$0x0], $0xffff  }
0x2a4: {  	v10 =	vand.u32 $0x3FFF, v10;
	v7 =	vld.idx.msk [tilespmem:v18+s14+$0x0], $0xffff  }
0x2a5: {  	v11 =	vand.u32 $0x3FFF, v11;
	[tilespmem:v20+s29+$0x0] =	vst.idx.add.f32.msk $0xffff, v19  }
0x2a6: {  	s11 =	simm.s32 $0x200;
	v12 =	vand.u32 $0x3FFF, v12;
	v13 =	vand.u32 $0x3FFF, v13;
	[tilespmem:v21+s29+$0x0] =	vst.idx.add.f32.msk $0xffff, v17  }
.LBB2_24:
0x2a7: {  	s6 =	sshra.s32 s11, $0x2;
	p1 =	sne.s32 s11, $0x7A00;
	s11 =	sadd.s32 $0x200, s11;
	[tilespmem:v8+s29+$0x0] =	vst.idx.add.f32.msk $0xffff, v2  }
0x2a8: {  	[tilespmem:v9+s29+$0x0] =	vst.idx.add.f32.msk $0xffff, v3  }
0x2a9: {  	[tilespmem:v10+s29+$0x0] =	vst.idx.add.f32.msk $0xffff, v5  }
0x2aa: {  	[tilespmem:v11+s29+$0x0] =	vst.idx.add.f32.msk $0xffff, v6  }
0x2ab: {  	[tilespmem:v12+s29+$0x0] =	vst.idx.add.f32.msk $0xffff, v7  }
0x2ac: {  	[tilespmem:v13+s29+$0x0] =	vst.idx.add.f32.msk $0xffff, v4  }
0x2ad: {  	v4 =	vld [tilespmem:s6+$0xA020]  }
0x2ae: {  	v5 =	vld [tilespmem:s6+$0xA010]  }
0x2af: {  	v3 =	vld [tilespmem:s6+$0xA000]  }
0x2b0: {  	v7 =	vld [tilespmem:s6+$0xA030]  }
0x2b1: {  	v10 =	vld [tilespmem:s6+$0xA040]  }
0x2b2: {  	v11 =	vld [tilespmem:s6+$0xA050];
	v2 =	vshrl.u32 v4, $0xE  }
0x2b3: {  	v13 =	vld [tilespmem:s6+$0xA070];
	v6 =	vshrl.u32 v5, $0xE  }
0x2b4: {  	v12 =	vld [tilespmem:s6+$0xA060];
	v8 =	vshrl.u32 v3, $0xE  }
0x2b5: {  	v9 =	vshrl.u32 v7, $0xE  }
0x2b6: {  	v14 =	vshrl.u32 v10, $0xE  }
0x2b7: {  	v15 =	vshrl.u32 v11, $0xE;
	v2 =	vld.idx.msk [tilespmem:v2+s14+$0x0], $0xffff  }
0x2b8: {  	v16 =	vshrl.u32 v13, $0xE;
	v17 =	vld.idx.msk [tilespmem:v6+s14+$0x0], $0xffff  }
0x2b9: {  	v20 =	vand.u32 $0x3FFF, v3;
	v18 =	vshrl.u32 v12, $0xE;
	v19 =	vld.idx.msk [tilespmem:v8+s14+$0x0], $0xffff  }
0x2ba: {  	v21 =	vand.u32 $0x3FFF, v5;
	v3 =	vld.idx.msk [tilespmem:v9+s14+$0x0], $0xffff  }
0x2bb: {  	v8 =	vand.u32 $0x3FFF, v4;
	v5 =	vld.idx.msk [tilespmem:v14+s14+$0x0], $0xffff  }
.Ltmp11:
0x2bc: {  	v9 =	vand.u32 $0x3FFF, v7;
	v6 =	vld.idx.msk [tilespmem:v15+s14+$0x0], $0xffff;
	(pc) =	sbr.rel @p1 .LBB2_24-.Ltmp11, $4  }
0x2bd: {  	v10 =	vand.u32 $0x3FFF, v10;
	v4 =	vld.idx.msk [tilespmem:v16+s14+$0x0], $0xffff  }
0x2be: {  	v11 =	vand.u32 $0x3FFF, v11;
	v7 =	vld.idx.msk [tilespmem:v18+s14+$0x0], $0xffff  }
0x2bf: {  	v12 =	vand.u32 $0x3FFF, v12;
	[tilespmem:v20+s29+$0x0] =	vst.idx.add.f32.msk $0xffff, v19  }
0x2c0: {  	v13 =	vand.u32 $0x3FFF, v13;
	[tilespmem:v21+s29+$0x0] =	vst.idx.add.f32.msk $0xffff, v17  }
0x2c1: {  	_ =	sdelay $0x3  }
0x2c2: {  	[tilespmem:v8+s29+$0x0] =	vst.idx.add.f32.msk $0xffff, v2  }
0x2c3: {  	[tilespmem:v9+s29+$0x0] =	vst.idx.add.f32.msk $0xffff, v3  }
0x2c4: {  	[tilespmem:v10+s29+$0x0] =	vst.idx.add.f32.msk $0xffff, v5  }
0x2c5: {  	[tilespmem:v11+s29+$0x0] =	vst.idx.add.f32.msk $0xffff, v6  }
0x2c6: {  	[tilespmem:v12+s29+$0x0] =	vst.idx.add.f32.msk $0xffff, v7  }
0x2c7: {  	[tilespmem:v13+s29+$0x0] =	vst.idx.add.f32.msk $0xffff, v4  }
0x2c8: {  	v2 =	vld [tilespmem:$0xBF00]  }
0x2c9: {  	v3 =	vld [tilespmem:$0xBF10]  }
0x2ca: {  	v4 =	vld [tilespmem:$0xBF20]  }
0x2cb: {  	v5 =	vld [tilespmem:$0xBF30];
	_ =	sdelay $0x1  }
0x2cc: {  	v60 =	vshrl.u32 v2, $0xE  }
0x2cd: {  	v61 =	vshrl.u32 v3, $0xE  }
0x2ce: {  	v62 =	vshrl.u32 v4, $0xE  }
0x2cf: {  	v63 =	vshrl.u32 v5, $0xE;
	_ =	sdelay $0x1  }
0x2d0: {  	v2 =	vand.u32 $0x3FFF, v2;
	v6 =	vld.idx.msk [tilespmem:v60+s14+$0x0], $0xffff  }
0x2d1: {  	v3 =	vand.u32 $0x3FFF, v3;
	v7 =	vld.idx.msk [tilespmem:v61+s14+$0x0], $0xffff  }
0x2d2: {  	v4 =	vand.u32 $0x3FFF, v4;
	v8 =	vld.idx.msk [tilespmem:v62+s14+$0x0], $0xffff  }
0x2d3: {  	v5 =	vand.u32 $0x3FFF, v5;
	v9 =	vld.idx.msk [tilespmem:v63+s14+$0x0], $0xffff  }
.Ltmp12:
0x2d4: {  	_ = 	snop;
	(pc) =	sbr.rel @p0 .LBB2_33-.Ltmp12, $4  }
0x2d5: {  	[tilespmem:v2+s29+$0x0] =	vst.idx.add.f32.msk $0xffff, v6  }
0x2d6: {  	[tilespmem:v3+s29+$0x0] =	vst.idx.add.f32.msk $0xffff, v7  }
0x2d7: {  	[tilespmem:v4+s29+$0x0] =	vst.idx.add.f32.msk $0xffff, v8  }
0x2d8: {  	s11 =	simm.s32 $0x0;
	[tilespmem:v5+s29+$0x0] =	vst.idx.add.f32.msk $0xffff, v9  }
0x2d9: {  	s16 =	simm.s32 $0x100;
	s6 =	simm.s32 $0x0  }
.LBB2_27:
0x2da: {  	p1 =	sne.s32 s16, $0x9F00;
	[tilespmem:s6+$0x7830] =	vst v0;
	s22 =	smov.u32 s16;
	s16 =	sadd.s32 $0x100, s16  }
.Ltmp13:
0x2db: {  	[tilespmem:s6+$0x7820] =	vst v0;
	(pc) =	sbr.rel @p1 .LBB2_27-.Ltmp13, $3  }
0x2dc: {  	[tilespmem:s6+$0x7800] =	vst v0  }
0x2dd: {  	[tilespmem:s6+$0x7810] =	vst v0;
	_ =	sdelay $0x1  }
0x2de: {  	s6 =	sshra.s32 s22, $0x2  }
0x2df: {  	[tilespmem:s6+$0x7830] =	vst v0  }
0x2e0: {  	[tilespmem:s6+$0x7820] =	vst v0  }
0x2e1: {  	[tilespmem:s6+$0x7800] =	vst v0  }
0x2e2: {  	[tilespmem:s6+$0x7810] =	vst v0;
	s22 =	simm.s32 $0x0;
	s1 =	rddreg [dreg:$0x7]  }
0x2e3: {  	[tilespmem:s25], [sflag:$0x1] =	stream.linear.gather [hbm4b:s1+s22], $0x1F40, $0x38;
	[tilespmem:$0x19500] =	vst v63  }
0x2e4: {  	s23 =	rddreg [dreg:$0x8]  }
0x2e5: {  	[tilespmem:s26], [sflag:$0x2] =	stream.linear.gather [hbm4b:s23+s22], $0x7D0, $0x38;
	[tilespmem:$0x19500] =	vst v63  }
0x2e6: {  	_ =	swait.ge [sflag:s28], $0x1F40  }
0x2e7: {  	[sflag:s28] =	ssyncset.done $0x0  }
0x2e8: {  	s24 =	simm.s32 $0x0;
	[sflag:s28] =	ssyncadd.s32 $0xFFFFE0C0  }
0x2e9: {  	v8 =	vld [tilespmem:s24+$0xA020]  }
0x2ea: {  	v4 =	vld [tilespmem:s24+$0xA010]  }
0x2eb: {  	v3 =	vld [tilespmem:s24+$0xA000]  }
0x2ec: {  	v9 =	vld [tilespmem:s24+$0xA030]  }
0x2ed: {  	v10 =	vld [tilespmem:s24+$0xA040]  }
0x2ee: {  	v11 =	vld [tilespmem:s24+$0xA050];
	v2 =	vshrl.u32 v8, $0xE  }
0x2ef: {  	v13 =	vld [tilespmem:s24+$0xA070];
	v5 =	vshrl.u32 v4, $0xE  }
0x2f0: {  	v12 =	vld [tilespmem:s24+$0xA060];
	v6 =	vshrl.u32 v3, $0xE  }
0x2f1: {  	v7 =	vshrl.u32 v9, $0xE  }
0x2f2: {  	v14 =	vshrl.u32 v10, $0xE  }
0x2f3: {  	v15 =	vshrl.u32 v11, $0xE;
	v2 =	vld.idx.msk [tilespmem:v2+s3+$0x0], $0xffff  }
0x2f4: {  	v16 =	vshrl.u32 v13, $0xE;
	v17 =	vld.idx.msk [tilespmem:v5+s3+$0x0], $0xffff  }
0x2f5: {  	v18 =	vshrl.u32 v12, $0xE;
	v19 =	vld.idx.msk [tilespmem:v6+s3+$0x0], $0xffff  }
0x2f6: {  	v20 =	vand.u32 $0x3FFF, v3;
	v3 =	vld.idx.msk [tilespmem:v7+s3+$0x0], $0xffff  }
0x2f7: {  	v21 =	vand.u32 $0x3FFF, v4;
	v5 =	vld.idx.msk [tilespmem:v14+s3+$0x0], $0xffff  }
0x2f8: {  	v8 =	vand.u32 $0x3FFF, v8;
	v6 =	vld.idx.msk [tilespmem:v15+s3+$0x0], $0xffff  }
0x2f9: {  	v9 =	vand.u32 $0x3FFF, v9;
	v4 =	vld.idx.msk [tilespmem:v16+s3+$0x0], $0xffff  }
0x2fa: {  	v10 =	vand.u32 $0x3FFF, v10;
	v7 =	vld.idx.msk [tilespmem:v18+s3+$0x0], $0xffff  }
0x2fb: {  	v11 =	vand.u32 $0x3FFF, v11;
	[tilespmem:v20+s17+$0x0] =	vst.idx.add.f32.msk $0xffff, v19  }
0x2fc: {  	s22 =	simm.s32 $0x200;
	v12 =	vand.u32 $0x3FFF, v12;
	v13 =	vand.u32 $0x3FFF, v13;
	[tilespmem:v21+s17+$0x0] =	vst.idx.add.f32.msk $0xffff, v17  }
.LBB2_29:
0x2fd: {  	s6 =	sshra.s32 s22, $0x2;
	p1 =	sne.s32 s22, $0x7A00;
	s22 =	sadd.s32 $0x200, s22;
	[tilespmem:v8+s17+$0x0] =	vst.idx.add.f32.msk $0xffff, v2  }
0x2fe: {  	[tilespmem:v9+s17+$0x0] =	vst.idx.add.f32.msk $0xffff, v3  }
0x2ff: {  	[tilespmem:v10+s17+$0x0] =	vst.idx.add.f32.msk $0xffff, v5  }
0x300: {  	[tilespmem:v11+s17+$0x0] =	vst.idx.add.f32.msk $0xffff, v6  }
0x301: {  	[tilespmem:v12+s17+$0x0] =	vst.idx.add.f32.msk $0xffff, v7  }
0x302: {  	[tilespmem:v13+s17+$0x0] =	vst.idx.add.f32.msk $0xffff, v4  }
0x303: {  	v4 =	vld [tilespmem:s6+$0xA020]  }
0x304: {  	v5 =	vld [tilespmem:s6+$0xA010]  }
0x305: {  	v3 =	vld [tilespmem:s6+$0xA000]  }
0x306: {  	v7 =	vld [tilespmem:s6+$0xA030]  }
0x307: {  	v10 =	vld [tilespmem:s6+$0xA040]  }
0x308: {  	v11 =	vld [tilespmem:s6+$0xA050];
	v2 =	vshrl.u32 v4, $0xE  }
0x309: {  	v13 =	vld [tilespmem:s6+$0xA070];
	v6 =	vshrl.u32 v5, $0xE  }
0x30a: {  	v12 =	vld [tilespmem:s6+$0xA060];
	v8 =	vshrl.u32 v3, $0xE  }
0x30b: {  	v9 =	vshrl.u32 v7, $0xE  }
0x30c: {  	v14 =	vshrl.u32 v10, $0xE  }
0x30d: {  	v15 =	vshrl.u32 v11, $0xE;
	v2 =	vld.idx.msk [tilespmem:v2+s3+$0x0], $0xffff  }
0x30e: {  	v16 =	vshrl.u32 v13, $0xE;
	v17 =	vld.idx.msk [tilespmem:v6+s3+$0x0], $0xffff  }
0x30f: {  	v20 =	vand.u32 $0x3FFF, v3;
	v18 =	vshrl.u32 v12, $0xE;
	v19 =	vld.idx.msk [tilespmem:v8+s3+$0x0], $0xffff  }
0x310: {  	v21 =	vand.u32 $0x3FFF, v5;
	v3 =	vld.idx.msk [tilespmem:v9+s3+$0x0], $0xffff  }
0x311: {  	v8 =	vand.u32 $0x3FFF, v4;
	v5 =	vld.idx.msk [tilespmem:v14+s3+$0x0], $0xffff  }
.Ltmp14:
0x312: {  	v9 =	vand.u32 $0x3FFF, v7;
	v6 =	vld.idx.msk [tilespmem:v15+s3+$0x0], $0xffff;
	(pc) =	sbr.rel @p1 .LBB2_29-.Ltmp14, $4  }
0x313: {  	v10 =	vand.u32 $0x3FFF, v10;
	v4 =	vld.idx.msk [tilespmem:v16+s3+$0x0], $0xffff  }
0x314: {  	v11 =	vand.u32 $0x3FFF, v11;
	v7 =	vld.idx.msk [tilespmem:v18+s3+$0x0], $0xffff  }
0x315: {  	v12 =	vand.u32 $0x3FFF, v12;
	[tilespmem:v20+s17+$0x0] =	vst.idx.add.f32.msk $0xffff, v19  }
0x316: {  	v13 =	vand.u32 $0x3FFF, v13;
	[tilespmem:v21+s17+$0x0] =	vst.idx.add.f32.msk $0xffff, v17  }
0x317: {  	_ =	sdelay $0x3  }
0x318: {  	[tilespmem:v8+s17+$0x0] =	vst.idx.add.f32.msk $0xffff, v2  }
0x319: {  	[tilespmem:v9+s17+$0x0] =	vst.idx.add.f32.msk $0xffff, v3  }
0x31a: {  	[tilespmem:v10+s17+$0x0] =	vst.idx.add.f32.msk $0xffff, v5  }
0x31b: {  	[tilespmem:v11+s17+$0x0] =	vst.idx.add.f32.msk $0xffff, v6  }
0x31c: {  	[tilespmem:v12+s17+$0x0] =	vst.idx.add.f32.msk $0xffff, v7  }
0x31d: {  	[tilespmem:v13+s17+$0x0] =	vst.idx.add.f32.msk $0xffff, v4  }
0x31e: {  	v2 =	vld [tilespmem:$0xBF00]  }
0x31f: {  	v3 =	vld [tilespmem:$0xBF10]  }
0x320: {  	v4 =	vld [tilespmem:$0xBF20]  }
0x321: {  	v5 =	vld [tilespmem:$0xBF30];
	_ =	sdelay $0x1  }
0x322: {  	v6 =	vshrl.u32 v2, $0xE  }
0x323: {  	v7 =	vshrl.u32 v3, $0xE  }
0x324: {  	v8 =	vshrl.u32 v4, $0xE  }
0x325: {  	v9 =	vshrl.u32 v5, $0xE  }
0x326: {  	s6 =	simm.s32 $0x0  }
0x327: {  	v2 =	vand.u32 $0x3FFF, v2;
	v6 =	vld.idx.msk [tilespmem:v6+s6+$0x0], $0xffff  }
0x328: {  	v3 =	vand.u32 $0x3FFF, v3;
	v7 =	vld.idx.msk [tilespmem:v7+s6+$0x0], $0xffff  }
0x329: {  	v4 =	vand.u32 $0x3FFF, v4;
	v8 =	vld.idx.msk [tilespmem:v8+s6+$0x0], $0xffff  }
0x32a: {  	v5 =	vand.u32 $0x3FFF, v5;
	v9 =	vld.idx.msk [tilespmem:v9+s6+$0x0], $0xffff;
	_ =	sdelay $0x1  }
0x32b: {  	[tilespmem:v2+s17+$0x0] =	vst.idx.add.f32.msk $0xffff, v6  }
0x32c: {  	[tilespmem:v3+s17+$0x0] =	vst.idx.add.f32.msk $0xffff, v7  }
0x32d: {  	[tilespmem:v4+s17+$0x0] =	vst.idx.add.f32.msk $0xffff, v8  }
0x32e: {  	[tilespmem:v5+s17+$0x0] =	vst.idx.add.f32.msk $0xffff, v9  }
0x32f: {  	_ =	swait.ge [sflag:s30], $0x7D0  }
0x330: {  	[sflag:s30] =	ssyncset.done $0x0  }
0x331: {  	s24 =	simm.s32 $0x0;
	[sflag:s30] =	ssyncadd.s32 $0xFFFFF830  }
0x332: {  	v8 =	vld [tilespmem:s24+$0xBF60]  }
0x333: {  	v4 =	vld [tilespmem:s24+$0xBF50]  }
0x334: {  	v3 =	vld [tilespmem:s24+$0xBF40]  }
0x335: {  	v9 =	vld [tilespmem:s24+$0xBF70]  }
0x336: {  	v10 =	vld [tilespmem:s24+$0xBF80]  }
0x337: {  	v11 =	vld [tilespmem:s24+$0xBF90];
	v2 =	vshrl.u32 v8, $0xE  }
0x338: {  	v13 =	vld [tilespmem:s24+$0xBFB0];
	v5 =	vshrl.u32 v4, $0xE  }
0x339: {  	v12 =	vld [tilespmem:s24+$0xBFA0];
	v6 =	vshrl.u32 v3, $0xE  }
0x33a: {  	v7 =	vshrl.u32 v9, $0xE  }
0x33b: {  	v14 =	vshrl.u32 v10, $0xE  }
0x33c: {  	v15 =	vshrl.u32 v11, $0xE;
	v2 =	vld.idx.msk [tilespmem:v2+s3+$0x0], $0xffff  }
0x33d: {  	v16 =	vshrl.u32 v13, $0xE;
	v17 =	vld.idx.msk [tilespmem:v5+s3+$0x0], $0xffff  }
0x33e: {  	v18 =	vshrl.u32 v12, $0xE;
	v19 =	vld.idx.msk [tilespmem:v6+s3+$0x0], $0xffff  }
0x33f: {  	v20 =	vand.u32 $0x3FFF, v3;
	v3 =	vld.idx.msk [tilespmem:v7+s3+$0x0], $0xffff  }
0x340: {  	v21 =	vand.u32 $0x3FFF, v4;
	v5 =	vld.idx.msk [tilespmem:v14+s3+$0x0], $0xffff  }
0x341: {  	v8 =	vand.u32 $0x3FFF, v8;
	v6 =	vld.idx.msk [tilespmem:v15+s3+$0x0], $0xffff  }
0x342: {  	v9 =	vand.u32 $0x3FFF, v9;
	v4 =	vld.idx.msk [tilespmem:v16+s3+$0x0], $0xffff  }
0x343: {  	v10 =	vand.u32 $0x3FFF, v10;
	v7 =	vld.idx.msk [tilespmem:v18+s3+$0x0], $0xffff  }
0x344: {  	v11 =	vand.u32 $0x3FFF, v11;
	[tilespmem:v20+s17+$0x0] =	vst.idx.add.f32.msk $0xffff, v19  }
0x345: {  	s22 =	simm.s32 $0x200;
	v12 =	vand.u32 $0x3FFF, v12;
	v13 =	vand.u32 $0x3FFF, v13;
	[tilespmem:v21+s17+$0x0] =	vst.idx.add.f32.msk $0xffff, v17  }
.LBB2_31:
0x346: {  	s6 =	sshra.s32 s22, $0x2;
	p1 =	sne.s32 s22, $0x1C00;
	s22 =	sadd.s32 $0x200, s22;
	[tilespmem:v8+s17+$0x0] =	vst.idx.add.f32.msk $0xffff, v2  }
0x347: {  	[tilespmem:v9+s17+$0x0] =	vst.idx.add.f32.msk $0xffff, v3  }
0x348: {  	[tilespmem:v10+s17+$0x0] =	vst.idx.add.f32.msk $0xffff, v5  }
0x349: {  	[tilespmem:v11+s17+$0x0] =	vst.idx.add.f32.msk $0xffff, v6  }
0x34a: {  	[tilespmem:v12+s17+$0x0] =	vst.idx.add.f32.msk $0xffff, v7  }
0x34b: {  	[tilespmem:v13+s17+$0x0] =	vst.idx.add.f32.msk $0xffff, v4  }
0x34c: {  	v4 =	vld [tilespmem:s6+$0xBF60]  }
0x34d: {  	v5 =	vld [tilespmem:s6+$0xBF50]  }
0x34e: {  	v3 =	vld [tilespmem:s6+$0xBF40]  }
0x34f: {  	v7 =	vld [tilespmem:s6+$0xBF70]  }
0x350: {  	v10 =	vld [tilespmem:s6+$0xBF80]  }
0x351: {  	v11 =	vld [tilespmem:s6+$0xBF90];
	v2 =	vshrl.u32 v4, $0xE  }
0x352: {  	v13 =	vld [tilespmem:s6+$0xBFB0];
	v6 =	vshrl.u32 v5, $0xE  }
0x353: {  	v12 =	vld [tilespmem:s6+$0xBFA0];
	v8 =	vshrl.u32 v3, $0xE  }
0x354: {  	v9 =	vshrl.u32 v7, $0xE  }
0x355: {  	v14 =	vshrl.u32 v10, $0xE  }
0x356: {  	v15 =	vshrl.u32 v11, $0xE;
	v2 =	vld.idx.msk [tilespmem:v2+s3+$0x0], $0xffff  }
0x357: {  	v16 =	vshrl.u32 v13, $0xE;
	v17 =	vld.idx.msk [tilespmem:v6+s3+$0x0], $0xffff  }
0x358: {  	v20 =	vand.u32 $0x3FFF, v3;
	v18 =	vshrl.u32 v12, $0xE;
	v19 =	vld.idx.msk [tilespmem:v8+s3+$0x0], $0xffff  }
0x359: {  	v21 =	vand.u32 $0x3FFF, v5;
	v3 =	vld.idx.msk [tilespmem:v9+s3+$0x0], $0xffff  }
0x35a: {  	v8 =	vand.u32 $0x3FFF, v4;
	v5 =	vld.idx.msk [tilespmem:v14+s3+$0x0], $0xffff  }
.Ltmp15:
0x35b: {  	v9 =	vand.u32 $0x3FFF, v7;
	v6 =	vld.idx.msk [tilespmem:v15+s3+$0x0], $0xffff;
	(pc) =	sbr.rel @p1 .LBB2_31-.Ltmp15, $4  }
0x35c: {  	v10 =	vand.u32 $0x3FFF, v10;
	v4 =	vld.idx.msk [tilespmem:v16+s3+$0x0], $0xffff  }
0x35d: {  	v11 =	vand.u32 $0x3FFF, v11;
	v7 =	vld.idx.msk [tilespmem:v18+s3+$0x0], $0xffff  }
0x35e: {  	v12 =	vand.u32 $0x3FFF, v12;
	[tilespmem:v20+s17+$0x0] =	vst.idx.add.f32.msk $0xffff, v19  }
0x35f: {  	v13 =	vand.u32 $0x3FFF, v13;
	[tilespmem:v21+s17+$0x0] =	vst.idx.add.f32.msk $0xffff, v17  }
0x360: {  	_ =	sdelay $0x3  }
0x361: {  	[tilespmem:v8+s17+$0x0] =	vst.idx.add.f32.msk $0xffff, v2  }
0x362: {  	[tilespmem:v9+s17+$0x0] =	vst.idx.add.f32.msk $0xffff, v3  }
0x363: {  	[tilespmem:v10+s17+$0x0] =	vst.idx.add.f32.msk $0xffff, v5  }
0x364: {  	[tilespmem:v11+s17+$0x0] =	vst.idx.add.f32.msk $0xffff, v6  }
0x365: {  	[tilespmem:v12+s17+$0x0] =	vst.idx.add.f32.msk $0xffff, v7  }
0x366: {  	[tilespmem:v13+s17+$0x0] =	vst.idx.add.f32.msk $0xffff, v4  }
0x367: {  	v2 =	vld [tilespmem:$0xC6C0]  }
0x368: {  	v3 =	vld [tilespmem:$0xC6D0]  }
0x369: {  	v4 =	vld [tilespmem:$0xC6E0]  }
0x36a: {  	v5 =	vld [tilespmem:$0xC6F0]  }
0x36b: {  	v6 =	vld [tilespmem:$0xC700]  }
0x36c: {  	v59 =	vshrl.u32 v2, $0xE  }
0x36d: {  	v60 =	vshrl.u32 v3, $0xE  }
0x36e: {  	v61 =	vshrl.u32 v4, $0xE  }
0x36f: {  	v62 =	vshrl.u32 v5, $0xE  }
0x370: {  	v63 =	vshrl.u32 v6, $0xE  }
0x371: {  	v2 =	vand.u32 $0x3FFF, v2;
	v7 =	vld.idx.msk [tilespmem:v59+s3+$0x0], $0xffff  }
0x372: {  	v3 =	vand.u32 $0x3FFF, v3;
	v8 =	vld.idx.msk [tilespmem:v60+s3+$0x0], $0xffff  }
0x373: {  	v4 =	vand.u32 $0x3FFF, v4;
	v9 =	vld.idx.msk [tilespmem:v61+s3+$0x0], $0xffff  }
0x374: {  	v5 =	vand.u32 $0x3FFF, v5;
	v10 =	vld.idx.msk [tilespmem:v62+s3+$0x0], $0xffff  }
0x375: {  	v6 =	vand.u32 $0x3FFF, v6;
	v11 =	vld.idx.msk [tilespmem:v63+s3+$0x0], $0xffff  }
0x376: {  	[tilespmem:v2+s17+$0x0] =	vst.idx.add.f32.msk $0xffff, v7  }
0x377: {  	[tilespmem:v3+s17+$0x0] =	vst.idx.add.f32.msk $0xffff, v8  }
0x378: {  	[tilespmem:v4+s17+$0x0] =	vst.idx.add.f32.msk $0xffff, v9  }
0x379: {  	[tilespmem:v5+s17+$0x0] =	vst.idx.add.f32.msk $0xffff, v10  }
0x37a: {  	s1 =	rddreg [dreg:$0xc];
	[tilespmem:v6+s17+$0x0] =	vst.idx.add.f32.msk $0xffff, v11  }
0x37b: {  	[spmem:s1] =	stream.strided.scatter [tilespmem:s17], [sflag:$0x3], $0x2800, s0, s31, $0x38;
	[tilespmem:$0x19500] =	vst v63  }
0x37c: {  	_ =	swait.ge [sflag:s2], $0x2800  }
0x37d: {  	[sflag:s2] =	ssyncset.done $0x0  }
0x37e: {  	[sflag:s2] =	ssyncadd.s32 $0xFFFFD800  }
.LBB2_33:
0x37f: {  	[spmem:s7] =	stream.strided.scatter [tilespmem:s29], [sflag:$0x3], $0x2800, s0, s31, $0x38;
	[tilespmem:$0x19500] =	vst v63  }
0x380: {  	_ =	swait.ge [sflag:s2], $0x2800  }
0x381: {  	[sflag:s2] =	ssyncset.done $0x0  }
0x382: {  	[sflag:s2] =	ssyncadd.s32 $0xFFFFD800  }
0x383: {  	[bflag:$0x0] =	sbarrier.arrive $0xFFFF  }
0x384: {  	s5 =	simm.s32 $0x10680;
	s1 =	rddreg [dreg:$0xd]  }
0x385: {  	[tilespmem:s5], [sflag:$0x3] =	stream.strided.gather [spmem:s1], $0x2800, s0, s18, $0x38;
	[tilespmem:$0x19500] =	vst v63  }
0x386: {  	s6 =	sand.u32 $0x70, s11;
	s16 =	sand.u32 $0x3E00, s11;
	_ =	swait.ge [sflag:s2], $0x2800  }
0x387: {  	s24 =	sor.u32 s6, s16;
	[sflag:s2] =	ssyncset.done $0x0  }
0x388: {  	s6 =	sadd.s32 $0x10680, s24;
	[sflag:s2] =	ssyncadd.s32 $0xFFFFD800  }
0x389: {  	s22 =	simm.s32 $0x10;
	s23 =	simm.s32 $0x0;
	s16 =	simm.s32 $0x0;
	v2 =	vld [tilespmem:s6+$0x80]  }
.LBB2_34:
0x38a: {  	p1 =	sne.s32 s22, $0x9F0;
	v3 =	vld [tilespmem:s24+$0x10680]  }
0x38b: {  	v4 =	vld [tilespmem:s6+$0x100]  }
0x38c: {  	v5 =	vld [tilespmem:s6+$0x180];
	_ =	sdelay $0x4  }
0x38d: {  	v2 =	vadd.f32 v2, v3;
	v3 =	vadd.f32 v5, v4  }
.Ltmp16:
0x38e: {  	s23 =	sadd.s32 $0x40, s23;
	(pc) =	sbr.rel @p1 .LBB2_34-.Ltmp16, $4  }
0x38f: {  	s24 =	sand.u32 $0x3E00, s23;
	s6 =	sand.u32 $0x70, s22;
	v2 =	vadd.f32 v3, v2  }
0x390: {  	s1 =	sshra.s32 s16, $0x2;
	s16 =	smov.u32 s23;
	s24 =	sor.u32 s6, s24  }
0x391: {  	s6 =	sadd.s32 $0x10680, s24;
	[tilespmem:s1+$0x12E80] =	vst v2  }
0x392: {  	s22 =	sadd.s32 $0x10, s22;
	v2 =	vld [tilespmem:s6+$0x80]  }
0x393: {  	v3 =	vld [tilespmem:s24+$0x10680]  }
0x394: {  	v4 =	vld [tilespmem:s6+$0x100]  }
0x395: {  	v5 =	vld [tilespmem:s6+$0x180];
	_ =	sdelay $0x4  }
0x396: {  	v2 =	vadd.f32 v2, v3;
	v3 =	vadd.f32 v5, v4;
	_ =	sdelay $0x1  }
0x397: {  	v2 =	vadd.f32 v3, v2  }
0x398: {  	s1 =	sshra.s32 s16, $0x2  }
0x399: {  	s22 =	simm.s32 $0x12EA0;
	[tilespmem:s1+$0x12E80] =	vst v2  }
0x39a: {  	v2 =	vld [tilespmem:s22+$0xFFFFFFF0]  }
0x39b: {  	s6 =	sadd.s32 $0x0, s21;
	s16 =	simm.s32 $0x30;
	v7 =	vld [tilespmem:s22+$0x10]  }
0x39c: {  	s23 =	simm.s32 $0x20;
	s1 =	sand.u32 $0x3F80, s6;
	s6 =	sand.u32 $0x70, s16;
	v3 =	vld [tilespmem:s22+$0xFFFFFFE0]  }
0x39d: {  	s16 =	sand.u32 $0x60, s23;
	s6 =	sor.u32 s6, s1;
	v4 =	vld [tilespmem:s22+$0x0]  }
0x39e: {  	s16 =	sor.u32 s16, s1;
	v11 =	vld [tilespmem:s6+$0x2800]  }
0x39f: {  	s11 =	sand.u32 $0x40, s11;
	v5 =	vld [tilespmem:s16+$0x0]  }
0x3a0: {  	s11 =	sor.u32 s11, s1;
	v12 =	vld [tilespmem:s6+$0x0]  }
0x3a1: {  	s24 =	simm.s32 $0x10;
	v8 =	vld [tilespmem:s11+$0x2800]  }
0x3a2: {  	s6 =	sand.u32 $0x50, s24;
	v6 =	vld [tilespmem:s16+$0x2800]  }
0x3a3: {  	v10 =	vld [tilespmem:s11+$0x0];
	s1 =	sor.u32 s6, s1  }
0x3a4: {  	v9 =	vld [tilespmem:s1+$0x2800]  }
0x3a5: {  	s16 =	simm.s32 $0x40;
	s11 =	simm.s32 $0x12EA0;
	v11 =	vadd.f32 v11, v7;
	v7 =	vld [tilespmem:s1+$0x0];
	v12 =	vmul.f32 v12, v12  }
.LBB2_36:
0x3a6: {  	p1 =	sne.s32 s16, $0x9C0  }
0x3a7: {  	s22 =	sadd.s32 $0x40, s22;
	s1 =	smov.u32 s16;
	s16 =	sadd.s32 $0x40, s16  }
0x3a8: {  	v3 =	vadd.f32 v8, v3;
	v5 =	vmul.f32 v5, v5;
	v8 =	vmul.f32 v11, v12  }
0x3a9: {  	v4 =	vadd.f32 v6, v4;
	v10 =	vmul.f32 v10, v10  }
0x3aa: {  	v6 =	vadd.f32 v9, v2;
	[tilespmem:s11+$0x10] =	vst v8  }
0x3ab: {  	s6 =	sadd.s32 $0x10, s1;
	s23 =	sadd.s32 s1, s21;
	s24 =	sand.u32 $0x40, s1;
	v3 =	vmul.f32 v3, v10;
	v7 =	vmul.f32 v7, v7  }
0x3ac: {  	s5 =	sadd.s32 $0x20, s1;
	s1 =	sadd.s32 $0x30, s1;
	s6 =	sand.u32 $0x50, s6;
	v4 =	vmul.f32 v4, v5;
	v2 =	vld [tilespmem:s22+$0xFFFFFFF0]  }
0x3ad: {  	s23 =	sand.u32 $0x3F80, s23;
	s5 =	sand.u32 $0x60, s5;
	s1 =	sand.u32 $0x70, s1;
	v9 =	vld [tilespmem:s22+$0x10];
	[tilespmem:s11+$0xFFFFFFE0] =	vst v3;
	v5 =	vmul.f32 v6, v7  }
0x3ae: {  	s24 =	sor.u32 s24, s23;
	s5 =	sor.u32 s5, s23;
	s1 =	sor.u32 s1, s23;
	v3 =	vld [tilespmem:s22+$0xFFFFFFE0];
	[tilespmem:s11+$0x0] =	vst v4  }
0x3af: {  	s6 =	sor.u32 s6, s23;
	v4 =	vld [tilespmem:s22+$0x0];
	[tilespmem:s11+$0xFFFFFFF0] =	vst v5;
	s11 =	smov.u32 s22  }
0x3b0: {  	v7 =	vld [tilespmem:s1+$0x2800]  }
0x3b1: {  	v5 =	vld [tilespmem:s5+$0x0]  }
0x3b2: {  	v12 =	vld [tilespmem:s1+$0x0]  }
.Ltmp17:
0x3b3: {  	v8 =	vld [tilespmem:s24+$0x2800];
	(pc) =	sbr.rel @p1 .LBB2_36-.Ltmp17, $4  }
0x3b4: {  	v6 =	vld [tilespmem:s5+$0x2800]  }
0x3b5: {  	v10 =	vld [tilespmem:s24+$0x0];
	v11 =	vadd.f32 v7, v9  }
0x3b6: {  	v9 =	vld [tilespmem:s6+$0x2800]  }
0x3b7: {  	v7 =	vld [tilespmem:s6+$0x0];
	v12 =	vmul.f32 v12, v12  }
0x3b8: {  	_ =	sdelay $0x1  }
0x3b9: {  	v5 =	vmul.f32 v5, v5;
	v4 =	vadd.f32 v6, v4  }
0x3ba: {  	v3 =	vadd.f32 v8, v3;
	v62 =	vmul.f32 v11, v12;
	v61 =	vmul.f32 v10, v10  }
0x3bb: {  	v2 =	vadd.f32 v9, v2;
	v4 =	vmul.f32 v4, v5;
	v63 =	vmul.f32 v7, v7  }
0x3bc: {  	[tilespmem:s11+$0x10] =	vst v62;
	v3 =	vmul.f32 v3, v61  }
0x3bd: {  	[tilespmem:s11+$0x0] =	vst v4;
	v2 =	vmul.f32 v2, v63  }
0x3be: {  	[tilespmem:s11+$0xFFFFFFE0] =	vst v3  }
.Ltmp18:
0x3bf: {  	s1 =	rddreg [dreg:$0x10];
	s5 =	simm.s32 $0x12E80;
	[tilespmem:s11+$0xFFFFFFF0] =	vst v2;
	(pc) =	sbr.rel @p0 .LBB2_41-.Ltmp18, $4  }
0x3c0: {  	[spmem:s1] =	stream.strided.scatter [tilespmem:s5], [sflag:$0x3], $0xA00, s18, s31, $0x38;
	[tilespmem:$0x19500] =	vst v63  }
0x3c1: {  	_ =	swait.ge [sflag:s2], $0xA00  }
0x3c2: {  	[sflag:s2] =	ssyncset.done $0x0  }
0x3c3: {  	[sflag:s2] =	ssyncadd.s32 $0xFFFFF600  }
0x3c4: {  	s1 =	rddreg [dreg:$0xf];
	s5 =	simm.s32 $0x1400;
	s6 =	simm.s32 $0x14000  }
0x3c5: {  	[tilespmem:s8], [sflag:$0x3] =	stream.strided.gather [spmem:s1], $0x2800, s6, s5, $0x38;
	[tilespmem:$0x19500] =	vst v63  }
0x3c6: {  	s23 =	simm.s32 $0x0;
	_ =	swait.ge [sflag:s2], $0x2800  }
0x3c7: {  	s22 =	sand.u32 $0x70, s23;
	s24 =	sand.u32 $0x1C00, s23;
	[sflag:s2] =	ssyncset.done $0x0  }
0x3c8: {  	s11 =	sor.u32 s22, s24;
	[sflag:s2] =	ssyncadd.s32 $0xFFFFD800  }
0x3c9: {  	v3 =	vld [tilespmem:s11+$0xDF00]  }
0x3ca: {  	v2 =	vld [tilespmem:s11+$0xDF80]  }
0x3cb: {  	v4 =	vld [tilespmem:s11+$0xE000]  }
0x3cc: {  	v6 =	vld [tilespmem:s11+$0xE080]  }
0x3cd: {  	v7 =	vld [tilespmem:s11+$0xE100]  }
0x3ce: {  	v5 =	vld [tilespmem:s11+$0xE180]  }
0x3cf: {  	v8 =	vld [tilespmem:s11+$0xF280]  }
0x3d0: {  	v9 =	vld [tilespmem:s11+$0xF300]  }
0x3d1: {  	v10 =	vld [tilespmem:s11+$0xF380]  }
0x3d2: {  	v11 =	vld [tilespmem:s11+$0xF400]  }
0x3d3: {  	v12 =	vld [tilespmem:s11+$0xF480]  }
0x3d4: {  	v13 =	vld [tilespmem:s11+$0xF500]  }
0x3d5: {  	v14 =	vld [tilespmem:s11+$0xF580]  }
0x3d6: {  	s16 =	simm.s32 $0x10;
	s6 =	sor.u32 s23, s23;
	s24 =	simm.s32 $0x0;
	v15 =	vld [tilespmem:s11+$0xF600]  }
.LBB2_39:
0x3d7: {  	p1 =	sne.s32 s16, $0x270;
	v16 =	vld [tilespmem:s11+$0xDE80];
	s1 =	sor.u32 $0x380, s6  }
0x3d8: {  	s23 =	sadd.s32 $0x80, s23;
	v17 =	vld [tilespmem:s1+$0xDE80]  }
0x3d9: {  	s1 =	sand.u32 $0x70, s16;
	s5 =	sand.u32 $0x1C00, s23  }
0x3da: {  	v18 =	vadd.f32 v4, v2;
	v19 =	vadd.f32 v7, v6;
	s5 =	sor.u32 s1, s5  }
0x3db: {  	v7 =	vadd.f32 v9, v8;
	v8 =	vadd.f32 v11, v10;
	v20 =	vld [tilespmem:s5+$0xDF00]  }
0x3dc: {  	v9 =	vadd.f32 v13, v12;
	v10 =	vadd.f32 v15, v14;
	v2 =	vld [tilespmem:s5+$0xDF80]  }
0x3dd: {  	s6 =	sadd.s32 s24, s4;
	s24 =	smov.u32 s16;
	v12 =	vadd.f32 v3, v16;
	v4 =	vld [tilespmem:s5+$0xE000];
	v5 =	vadd.f32 v17, v5  }
0x3de: {  	s6 =	sand.u32 $0x7F80, s6;
	v8 =	vadd.f32 v8, v7;
	v9 =	vadd.f32 v10, v9;
	v6 =	vld [tilespmem:s5+$0xE080]  }
0x3df: {  	s6 =	sor.u32 s22, s6;
	s22 =	smov.u32 s1;
	v10 =	vadd.f32 v18, v12;
	v7 =	vld [tilespmem:s5+$0xE100];
	v11 =	vadd.f32 v5, v19  }
0x3e0: {  	v14 =	vld [tilespmem:s6+$0x0];
	v3 =	vmov v20  }
0x3e1: {  	v5 =	vld [tilespmem:s5+$0xE180];
	v10 =	vadd.f32 v11, v10;
	v11 =	vadd.f32 v9, v8  }
0x3e2: {  	v8 =	vld [tilespmem:s5+$0xF280]  }
0x3e3: {  	v9 =	vld [tilespmem:s5+$0xF300];
	v12 =	vadd.f32 v11, v10  }
0x3e4: {  	v10 =	vld [tilespmem:s5+$0xF380]  }
.Ltmp19:
0x3e5: {  	v11 =	vld [tilespmem:s5+$0xF400];
	v15 =	vadd.f32 v12, v14;
	(pc) =	sbr.rel @p1 .LBB2_39-.Ltmp19, $4  }
0x3e6: {  	v12 =	vld [tilespmem:s5+$0xF480]  }
0x3e7: {  	v13 =	vld [tilespmem:s5+$0xF500];
	v16 =	vmul.f32 v15, v14  }
0x3e8: {  	v14 =	vld [tilespmem:s5+$0xF580]  }
0x3e9: {  	s16 =	sadd.s32 $0x10, s16;
	s6 =	sor.u32 s23, s24;
	v15 =	vld [tilespmem:s5+$0xF600];
	[tilespmem:s11+$0xDE80] =	vst v16;
	s11 =	smov.u32 s5  }
0x3ea: {  	v16 =	vld [tilespmem:s11+$0xDE80];
	s1 =	sor.u32 $0x380, s6  }
0x3eb: {  	v17 =	vld [tilespmem:s1+$0xDE80];
	_ =	sdelay $0x1  }
0x3ec: {  	v2 =	vadd.f32 v4, v2;
	v57 =	vadd.f32 v7, v6  }
0x3ed: {  	v58 =	vadd.f32 v9, v8;
	v59 =	vadd.f32 v11, v10  }
0x3ee: {  	v60 =	vadd.f32 v13, v12;
	v61 =	vadd.f32 v15, v14  }
0x3ef: {  	s5 =	sadd.s32 s24, s4;
	v3 =	vadd.f32 v3, v16;
	v5 =	vadd.f32 v17, v5  }
0x3f0: {  	s1 =	sand.u32 $0x7F80, s5;
	v6 =	vadd.f32 v59, v58;
	v62 =	vadd.f32 v61, v60  }
0x3f1: {  	s1 =	sor.u32 s22, s1;
	v2 =	vadd.f32 v2, v3;
	v3 =	vadd.f32 v5, v57  }
0x3f2: {  	v63 =	vld [tilespmem:s1+$0x0]  }
0x3f3: {  	v2 =	vadd.f32 v3, v2;
	v3 =	vadd.f32 v62, v6;
	_ =	sdelay $0x1  }
0x3f4: {  	v2 =	vadd.f32 v3, v2;
	_ =	sdelay $0x1  }
0x3f5: {  	v2 =	vadd.f32 v2, v63;
	_ =	sdelay $0x1  }
0x3f6: {  	v2 =	vmul.f32 v2, v63;
	_ =	sdelay $0x1  }
0x3f7: {  	[tilespmem:s11+$0xDE80] =	vst v2  }
0x3f8: {  	[hbm4b:s19+s3] =	stream.linear.scatter [tilespmem:s8], [sflag:$0x3], $0x80, $0x38;
	[tilespmem:$0x19500] =	vst v63  }
0x3f9: {  	s6 =	sadd.s32 $0x10, s19;
	s5 =	simm.s32 $0xE280  }
0x3fa: {  	[hbm4b:s6+s3] =	stream.linear.scatter [tilespmem:s5], [sflag:$0x3], $0x80, $0x38;
	[tilespmem:$0x19500] =	vst v63  }
0x3fb: {  	s11 =	simm.s32 $0xE680;
	s8 =	sadd.s32 $0x20, s19  }
0x3fc: {  	[hbm4b:s8+s3] =	stream.linear.scatter [tilespmem:s11], [sflag:$0x3], $0x80, $0x38;
	[tilespmem:$0x19500] =	vst v63  }
0x3fd: {  	s16 =	sadd.s32 $0x30, s19;
	s22 =	simm.s32 $0xEA80  }
0x3fe: {  	[hbm4b:s16+s3] =	stream.linear.scatter [tilespmem:s22], [sflag:$0x3], $0x80, $0x38;
	[tilespmem:$0x19500] =	vst v63  }
0x3ff: {  	s23 =	sadd.s32 $0x40, s19;
	s24 =	simm.s32 $0xEE80  }
0x400: {  	[hbm4b:s23+s3] =	stream.linear.scatter [tilespmem:s24], [sflag:$0x3], $0x80, $0x38;
	[tilespmem:$0x19500] =	vst v63  }
0x401: {  	_ =	swait.ge [sflag:s2], $0x280  }
0x402: {  	[sflag:s2] =	ssyncset.done $0x0  }
0x403: {  	[sflag:s2] =	ssyncadd.s32 $0xFFFFFD80  }
.LBB2_41:
0x404: {  	[bflag:$0x0] =	sbarrier.arrive $0xFFFF  }
0x405: {  	s1 =	rddreg [dreg:$0xe]  }
0x406: {  	[tilespmem:s14], [sflag:$0x3] =	stream.strided.gather [spmem:s1], $0x2800, s18, s31, $0x38;
	[tilespmem:$0x19500] =	vst v63  }
0x407: {  	_ =	swait.ge [sflag:s2], $0x2800  }
0x408: {  	[sflag:s2] =	ssyncset.done $0x0  }
0x409: {  	s11 =	simm.s32 $0x100;
	s6 =	simm.s32 $0x0;
	[sflag:s2] =	ssyncadd.s32 $0xFFFFD800  }
.LBB2_42:
0x40a: {  	p1 =	sne.s32 s11, $0x9F00;
	[tilespmem:s6+$0x5030] =	vst v0;
	s1 =	smov.u32 s11;
	s11 =	sadd.s32 $0x100, s11  }
.Ltmp20:
0x40b: {  	[tilespmem:s6+$0x5020] =	vst v0;
	(pc) =	sbr.rel @p1 .LBB2_42-.Ltmp20, $3  }
0x40c: {  	[tilespmem:s6+$0x5000] =	vst v0  }
0x40d: {  	[tilespmem:s6+$0x5010] =	vst v0;
	_ =	sdelay $0x1  }
0x40e: {  	s6 =	sshra.s32 s1, $0x2  }
0x40f: {  	[tilespmem:s6+$0x5030] =	vst v0  }
0x410: {  	[tilespmem:s6+$0x5020] =	vst v0  }
0x411: {  	[tilespmem:s6+$0x5000] =	vst v0  }
0x412: {  	[tilespmem:s6+$0x5010] =	vst v0;
	s1 =	simm.s32 $0x0  }
0x413: {  	[tilespmem:s25], [sflag:$0x1] =	stream.linear.gather [hbm4b:s9+s1], $0x1F40, $0x38;
	[tilespmem:$0x19500] =	vst v63  }
0x414: {  	_ = 	snop  }
0x415: {  	[tilespmem:s26], [sflag:$0x2] =	stream.linear.gather [hbm4b:s12+s1], $0x1F40, $0x38;
	[tilespmem:$0x19500] =	vst v63  }
0x416: {  	_ =	swait.ge [sflag:s28], $0x1F40  }
0x417: {  	[sflag:s28] =	ssyncset.done $0x0  }
0x418: {  	s24 =	simm.s32 $0x0;
	[sflag:s28] =	ssyncadd.s32 $0xFFFFE0C0  }
0x419: {  	v8 =	vld [tilespmem:s24+$0xA020]  }
0x41a: {  	v4 =	vld [tilespmem:s24+$0xA010]  }
0x41b: {  	v3 =	vld [tilespmem:s24+$0xA000]  }
0x41c: {  	v9 =	vld [tilespmem:s24+$0xA030]  }
0x41d: {  	v10 =	vld [tilespmem:s24+$0xA040]  }
0x41e: {  	v11 =	vld [tilespmem:s24+$0xA050];
	v2 =	vshrl.u32 v8, $0xE  }
0x41f: {  	v13 =	vld [tilespmem:s24+$0xA070];
	v5 =	vshrl.u32 v4, $0xE  }
0x420: {  	v12 =	vld [tilespmem:s24+$0xA060];
	v6 =	vshrl.u32 v3, $0xE  }
0x421: {  	v7 =	vshrl.u32 v9, $0xE  }
0x422: {  	v14 =	vshrl.u32 v10, $0xE  }
0x423: {  	v15 =	vshrl.u32 v11, $0xE;
	v2 =	vld.idx.msk [tilespmem:v2+s14+$0x0], $0xffff  }
0x424: {  	v16 =	vshrl.u32 v13, $0xE;
	v17 =	vld.idx.msk [tilespmem:v5+s14+$0x0], $0xffff  }
0x425: {  	v18 =	vshrl.u32 v12, $0xE;
	v19 =	vld.idx.msk [tilespmem:v6+s14+$0x0], $0xffff  }
0x426: {  	v20 =	vand.u32 $0x3FFF, v3;
	v3 =	vld.idx.msk [tilespmem:v7+s14+$0x0], $0xffff  }
0x427: {  	v21 =	vand.u32 $0x3FFF, v4;
	v5 =	vld.idx.msk [tilespmem:v14+s14+$0x0], $0xffff  }
0x428: {  	v8 =	vand.u32 $0x3FFF, v8;
	v6 =	vld.idx.msk [tilespmem:v15+s14+$0x0], $0xffff  }
0x429: {  	v9 =	vand.u32 $0x3FFF, v9;
	v4 =	vld.idx.msk [tilespmem:v16+s14+$0x0], $0xffff  }
0x42a: {  	v10 =	vand.u32 $0x3FFF, v10;
	v7 =	vld.idx.msk [tilespmem:v18+s14+$0x0], $0xffff  }
0x42b: {  	v11 =	vand.u32 $0x3FFF, v11;
	[tilespmem:v20+s29+$0x0] =	vst.idx.add.f32.msk $0xffff, v19  }
0x42c: {  	s11 =	simm.s32 $0x200;
	v12 =	vand.u32 $0x3FFF, v12;
	v13 =	vand.u32 $0x3FFF, v13;
	[tilespmem:v21+s29+$0x0] =	vst.idx.add.f32.msk $0xffff, v17  }
.LBB2_44:
0x42d: {  	s1 =	sshra.s32 s11, $0x2;
	p1 =	sne.s32 s11, $0x7A00;
	s11 =	sadd.s32 $0x200, s11;
	[tilespmem:v8+s29+$0x0] =	vst.idx.add.f32.msk $0xffff, v2  }
0x42e: {  	[tilespmem:v9+s29+$0x0] =	vst.idx.add.f32.msk $0xffff, v3  }
0x42f: {  	[tilespmem:v10+s29+$0x0] =	vst.idx.add.f32.msk $0xffff, v5  }
0x430: {  	[tilespmem:v11+s29+$0x0] =	vst.idx.add.f32.msk $0xffff, v6  }
0x431: {  	[tilespmem:v12+s29+$0x0] =	vst.idx.add.f32.msk $0xffff, v7  }
0x432: {  	[tilespmem:v13+s29+$0x0] =	vst.idx.add.f32.msk $0xffff, v4  }
0x433: {  	v4 =	vld [tilespmem:s1+$0xA020]  }
0x434: {  	v5 =	vld [tilespmem:s1+$0xA010]  }
0x435: {  	v3 =	vld [tilespmem:s1+$0xA000]  }
0x436: {  	v7 =	vld [tilespmem:s1+$0xA030]  }
0x437: {  	v10 =	vld [tilespmem:s1+$0xA040]  }
0x438: {  	v11 =	vld [tilespmem:s1+$0xA050];
	v2 =	vshrl.u32 v4, $0xE  }
0x439: {  	v13 =	vld [tilespmem:s1+$0xA070];
	v6 =	vshrl.u32 v5, $0xE  }
0x43a: {  	v12 =	vld [tilespmem:s1+$0xA060];
	v8 =	vshrl.u32 v3, $0xE  }
0x43b: {  	v9 =	vshrl.u32 v7, $0xE  }
0x43c: {  	v14 =	vshrl.u32 v10, $0xE  }
0x43d: {  	v15 =	vshrl.u32 v11, $0xE;
	v2 =	vld.idx.msk [tilespmem:v2+s14+$0x0], $0xffff  }
0x43e: {  	v16 =	vshrl.u32 v13, $0xE;
	v17 =	vld.idx.msk [tilespmem:v6+s14+$0x0], $0xffff  }
0x43f: {  	v20 =	vand.u32 $0x3FFF, v3;
	v18 =	vshrl.u32 v12, $0xE;
	v19 =	vld.idx.msk [tilespmem:v8+s14+$0x0], $0xffff  }
0x440: {  	v21 =	vand.u32 $0x3FFF, v5;
	v3 =	vld.idx.msk [tilespmem:v9+s14+$0x0], $0xffff  }
0x441: {  	v8 =	vand.u32 $0x3FFF, v4;
	v5 =	vld.idx.msk [tilespmem:v14+s14+$0x0], $0xffff  }
.Ltmp21:
0x442: {  	v9 =	vand.u32 $0x3FFF, v7;
	v6 =	vld.idx.msk [tilespmem:v15+s14+$0x0], $0xffff;
	(pc) =	sbr.rel @p1 .LBB2_44-.Ltmp21, $4  }
0x443: {  	v10 =	vand.u32 $0x3FFF, v10;
	v4 =	vld.idx.msk [tilespmem:v16+s14+$0x0], $0xffff  }
0x444: {  	v11 =	vand.u32 $0x3FFF, v11;
	v7 =	vld.idx.msk [tilespmem:v18+s14+$0x0], $0xffff  }
0x445: {  	v12 =	vand.u32 $0x3FFF, v12;
	[tilespmem:v20+s29+$0x0] =	vst.idx.add.f32.msk $0xffff, v19  }
0x446: {  	v13 =	vand.u32 $0x3FFF, v13;
	[tilespmem:v21+s29+$0x0] =	vst.idx.add.f32.msk $0xffff, v17  }
0x447: {  	_ =	sdelay $0x3  }
0x448: {  	[tilespmem:v8+s29+$0x0] =	vst.idx.add.f32.msk $0xffff, v2  }
0x449: {  	[tilespmem:v9+s29+$0x0] =	vst.idx.add.f32.msk $0xffff, v3  }
0x44a: {  	[tilespmem:v10+s29+$0x0] =	vst.idx.add.f32.msk $0xffff, v5  }
0x44b: {  	[tilespmem:v11+s29+$0x0] =	vst.idx.add.f32.msk $0xffff, v6  }
0x44c: {  	[tilespmem:v12+s29+$0x0] =	vst.idx.add.f32.msk $0xffff, v7  }
0x44d: {  	[tilespmem:v13+s29+$0x0] =	vst.idx.add.f32.msk $0xffff, v4  }
0x44e: {  	v2 =	vld [tilespmem:$0xBF00]  }
0x44f: {  	v3 =	vld [tilespmem:$0xBF10]  }
0x450: {  	v4 =	vld [tilespmem:$0xBF20]  }
0x451: {  	v5 =	vld [tilespmem:$0xBF30];
	_ =	sdelay $0x1  }
0x452: {  	v6 =	vshrl.u32 v2, $0xE  }
0x453: {  	v7 =	vshrl.u32 v3, $0xE  }
0x454: {  	v8 =	vshrl.u32 v4, $0xE  }
0x455: {  	v9 =	vshrl.u32 v5, $0xE;
	_ =	sdelay $0x1  }
0x456: {  	v2 =	vand.u32 $0x3FFF, v2;
	v6 =	vld.idx.msk [tilespmem:v6+s14+$0x0], $0xffff  }
0x457: {  	v3 =	vand.u32 $0x3FFF, v3;
	v7 =	vld.idx.msk [tilespmem:v7+s14+$0x0], $0xffff  }
0x458: {  	v4 =	vand.u32 $0x3FFF, v4;
	v8 =	vld.idx.msk [tilespmem:v8+s14+$0x0], $0xffff  }
0x459: {  	v5 =	vand.u32 $0x3FFF, v5;
	v9 =	vld.idx.msk [tilespmem:v9+s14+$0x0], $0xffff;
	_ =	sdelay $0x1  }
0x45a: {  	[tilespmem:v2+s29+$0x0] =	vst.idx.add.f32.msk $0xffff, v6  }
0x45b: {  	[tilespmem:v3+s29+$0x0] =	vst.idx.add.f32.msk $0xffff, v7  }
0x45c: {  	[tilespmem:v4+s29+$0x0] =	vst.idx.add.f32.msk $0xffff, v8  }
0x45d: {  	s1 =	simm.s32 $0x0;
	[tilespmem:v5+s29+$0x0] =	vst.idx.add.f32.msk $0xffff, v9  }
0x45e: {  	[tilespmem:s25], [sflag:$0x1] =	stream.linear.gather [hbm4b:s13+s1], $0x1F40, $0x38;
	[tilespmem:$0x19500] =	vst v63  }
0x45f: {  	_ =	swait.ge [sflag:s30], $0x1F40  }
0x460: {  	[sflag:s30] =	ssyncset.done $0x0  }
0x461: {  	s24 =	simm.s32 $0x0;
	[sflag:s30] =	ssyncadd.s32 $0xFFFFE0C0  }
0x462: {  	v8 =	vld [tilespmem:s24+$0xBF60]  }
0x463: {  	v4 =	vld [tilespmem:s24+$0xBF50]  }
0x464: {  	v3 =	vld [tilespmem:s24+$0xBF40]  }
0x465: {  	v9 =	vld [tilespmem:s24+$0xBF70]  }
0x466: {  	v10 =	vld [tilespmem:s24+$0xBF80]  }
0x467: {  	v11 =	vld [tilespmem:s24+$0xBF90];
	v2 =	vshrl.u32 v8, $0xE  }
0x468: {  	v13 =	vld [tilespmem:s24+$0xBFB0];
	v5 =	vshrl.u32 v4, $0xE  }
0x469: {  	v12 =	vld [tilespmem:s24+$0xBFA0];
	v6 =	vshrl.u32 v3, $0xE  }
0x46a: {  	v7 =	vshrl.u32 v9, $0xE  }
0x46b: {  	v14 =	vshrl.u32 v10, $0xE  }
0x46c: {  	v15 =	vshrl.u32 v11, $0xE;
	v2 =	vld.idx.msk [tilespmem:v2+s14+$0x0], $0xffff  }
0x46d: {  	v16 =	vshrl.u32 v13, $0xE;
	v17 =	vld.idx.msk [tilespmem:v5+s14+$0x0], $0xffff  }
0x46e: {  	v18 =	vshrl.u32 v12, $0xE;
	v19 =	vld.idx.msk [tilespmem:v6+s14+$0x0], $0xffff  }
0x46f: {  	v20 =	vand.u32 $0x3FFF, v3;
	v3 =	vld.idx.msk [tilespmem:v7+s14+$0x0], $0xffff  }
0x470: {  	v21 =	vand.u32 $0x3FFF, v4;
	v5 =	vld.idx.msk [tilespmem:v14+s14+$0x0], $0xffff  }
0x471: {  	v8 =	vand.u32 $0x3FFF, v8;
	v6 =	vld.idx.msk [tilespmem:v15+s14+$0x0], $0xffff  }
0x472: {  	v9 =	vand.u32 $0x3FFF, v9;
	v4 =	vld.idx.msk [tilespmem:v16+s14+$0x0], $0xffff  }
0x473: {  	v10 =	vand.u32 $0x3FFF, v10;
	v7 =	vld.idx.msk [tilespmem:v18+s14+$0x0], $0xffff  }
0x474: {  	v11 =	vand.u32 $0x3FFF, v11;
	[tilespmem:v20+s29+$0x0] =	vst.idx.add.f32.msk $0xffff, v19  }
0x475: {  	s11 =	simm.s32 $0x200;
	v12 =	vand.u32 $0x3FFF, v12;
	v13 =	vand.u32 $0x3FFF, v13;
	[tilespmem:v21+s29+$0x0] =	vst.idx.add.f32.msk $0xffff, v17  }
.LBB2_46:
0x476: {  	s1 =	sshra.s32 s11, $0x2;
	p1 =	sne.s32 s11, $0x7A00;
	s11 =	sadd.s32 $0x200, s11;
	[tilespmem:v8+s29+$0x0] =	vst.idx.add.f32.msk $0xffff, v2  }
0x477: {  	[tilespmem:v9+s29+$0x0] =	vst.idx.add.f32.msk $0xffff, v3  }
0x478: {  	[tilespmem:v10+s29+$0x0] =	vst.idx.add.f32.msk $0xffff, v5  }
0x479: {  	[tilespmem:v11+s29+$0x0] =	vst.idx.add.f32.msk $0xffff, v6  }
0x47a: {  	[tilespmem:v12+s29+$0x0] =	vst.idx.add.f32.msk $0xffff, v7  }
0x47b: {  	[tilespmem:v13+s29+$0x0] =	vst.idx.add.f32.msk $0xffff, v4  }
0x47c: {  	v4 =	vld [tilespmem:s1+$0xBF60]  }
0x47d: {  	v5 =	vld [tilespmem:s1+$0xBF50]  }
0x47e: {  	v3 =	vld [tilespmem:s1+$0xBF40]  }
0x47f: {  	v7 =	vld [tilespmem:s1+$0xBF70]  }
0x480: {  	v10 =	vld [tilespmem:s1+$0xBF80]  }
0x481: {  	v11 =	vld [tilespmem:s1+$0xBF90];
	v2 =	vshrl.u32 v4, $0xE  }
0x482: {  	v13 =	vld [tilespmem:s1+$0xBFB0];
	v6 =	vshrl.u32 v5, $0xE  }
0x483: {  	v12 =	vld [tilespmem:s1+$0xBFA0];
	v8 =	vshrl.u32 v3, $0xE  }
0x484: {  	v9 =	vshrl.u32 v7, $0xE  }
0x485: {  	v14 =	vshrl.u32 v10, $0xE  }
0x486: {  	v15 =	vshrl.u32 v11, $0xE;
	v2 =	vld.idx.msk [tilespmem:v2+s14+$0x0], $0xffff  }
0x487: {  	v16 =	vshrl.u32 v13, $0xE;
	v17 =	vld.idx.msk [tilespmem:v6+s14+$0x0], $0xffff  }
0x488: {  	v20 =	vand.u32 $0x3FFF, v3;
	v18 =	vshrl.u32 v12, $0xE;
	v19 =	vld.idx.msk [tilespmem:v8+s14+$0x0], $0xffff  }
0x489: {  	v21 =	vand.u32 $0x3FFF, v5;
	v3 =	vld.idx.msk [tilespmem:v9+s14+$0x0], $0xffff  }
0x48a: {  	v8 =	vand.u32 $0x3FFF, v4;
	v5 =	vld.idx.msk [tilespmem:v14+s14+$0x0], $0xffff  }
.Ltmp22:
0x48b: {  	v9 =	vand.u32 $0x3FFF, v7;
	v6 =	vld.idx.msk [tilespmem:v15+s14+$0x0], $0xffff;
	(pc) =	sbr.rel @p1 .LBB2_46-.Ltmp22, $4  }
0x48c: {  	v10 =	vand.u32 $0x3FFF, v10;
	v4 =	vld.idx.msk [tilespmem:v16+s14+$0x0], $0xffff  }
0x48d: {  	v11 =	vand.u32 $0x3FFF, v11;
	v7 =	vld.idx.msk [tilespmem:v18+s14+$0x0], $0xffff  }
0x48e: {  	v12 =	vand.u32 $0x3FFF, v12;
	[tilespmem:v20+s29+$0x0] =	vst.idx.add.f32.msk $0xffff, v19  }
0x48f: {  	v13 =	vand.u32 $0x3FFF, v13;
	[tilespmem:v21+s29+$0x0] =	vst.idx.add.f32.msk $0xffff, v17  }
0x490: {  	_ =	sdelay $0x3  }
0x491: {  	[tilespmem:v8+s29+$0x0] =	vst.idx.add.f32.msk $0xffff, v2  }
0x492: {  	[tilespmem:v9+s29+$0x0] =	vst.idx.add.f32.msk $0xffff, v3  }
0x493: {  	[tilespmem:v10+s29+$0x0] =	vst.idx.add.f32.msk $0xffff, v5  }
0x494: {  	[tilespmem:v11+s29+$0x0] =	vst.idx.add.f32.msk $0xffff, v6  }
0x495: {  	[tilespmem:v12+s29+$0x0] =	vst.idx.add.f32.msk $0xffff, v7  }
0x496: {  	[tilespmem:v13+s29+$0x0] =	vst.idx.add.f32.msk $0xffff, v4  }
0x497: {  	v2 =	vld [tilespmem:$0xDE40]  }
0x498: {  	v3 =	vld [tilespmem:$0xDE50]  }
0x499: {  	v4 =	vld [tilespmem:$0xDE60]  }
0x49a: {  	v5 =	vld [tilespmem:$0xDE70];
	_ =	sdelay $0x1  }
0x49b: {  	v6 =	vshrl.u32 v2, $0xE  }
0x49c: {  	v7 =	vshrl.u32 v3, $0xE  }
0x49d: {  	v8 =	vshrl.u32 v4, $0xE  }
0x49e: {  	v9 =	vshrl.u32 v5, $0xE;
	_ =	sdelay $0x1  }
0x49f: {  	v2 =	vand.u32 $0x3FFF, v2;
	v6 =	vld.idx.msk [tilespmem:v6+s14+$0x0], $0xffff  }
0x4a0: {  	v3 =	vand.u32 $0x3FFF, v3;
	v7 =	vld.idx.msk [tilespmem:v7+s14+$0x0], $0xffff  }
0x4a1: {  	v4 =	vand.u32 $0x3FFF, v4;
	v8 =	vld.idx.msk [tilespmem:v8+s14+$0x0], $0xffff  }
0x4a2: {  	v5 =	vand.u32 $0x3FFF, v5;
	v9 =	vld.idx.msk [tilespmem:v9+s14+$0x0], $0xffff;
	_ =	sdelay $0x1  }
0x4a3: {  	[tilespmem:v2+s29+$0x0] =	vst.idx.add.f32.msk $0xffff, v6  }
0x4a4: {  	[tilespmem:v3+s29+$0x0] =	vst.idx.add.f32.msk $0xffff, v7  }
0x4a5: {  	[tilespmem:v4+s29+$0x0] =	vst.idx.add.f32.msk $0xffff, v8  }
0x4a6: {  	s1 =	simm.s32 $0x0;
	[tilespmem:v5+s29+$0x0] =	vst.idx.add.f32.msk $0xffff, v9  }
0x4a7: {  	[tilespmem:s26], [sflag:$0x2] =	stream.linear.gather [hbm4b:s15+s1], $0x1F40, $0x38;
	[tilespmem:$0x19500] =	vst v63  }
0x4a8: {  	_ =	swait.ge [sflag:s28], $0x1F40  }
0x4a9: {  	[sflag:s28] =	ssyncset.done $0x0  }
0x4aa: {  	s24 =	simm.s32 $0x0;
	[sflag:s28] =	ssyncadd.s32 $0xFFFFE0C0  }
0x4ab: {  	v8 =	vld [tilespmem:s24+$0xA020]  }
0x4ac: {  	v4 =	vld [tilespmem:s24+$0xA010]  }
0x4ad: {  	v3 =	vld [tilespmem:s24+$0xA000]  }
0x4ae: {  	v9 =	vld [tilespmem:s24+$0xA030]  }
0x4af: {  	v10 =	vld [tilespmem:s24+$0xA040]  }
0x4b0: {  	v11 =	vld [tilespmem:s24+$0xA050];
	v2 =	vshrl.u32 v8, $0xE  }
0x4b1: {  	v13 =	vld [tilespmem:s24+$0xA070];
	v5 =	vshrl.u32 v4, $0xE  }
0x4b2: {  	v12 =	vld [tilespmem:s24+$0xA060];
	v6 =	vshrl.u32 v3, $0xE  }
0x4b3: {  	v7 =	vshrl.u32 v9, $0xE  }
0x4b4: {  	v14 =	vshrl.u32 v10, $0xE  }
0x4b5: {  	v15 =	vshrl.u32 v11, $0xE;
	v2 =	vld.idx.msk [tilespmem:v2+s14+$0x0], $0xffff  }
0x4b6: {  	v16 =	vshrl.u32 v13, $0xE;
	v17 =	vld.idx.msk [tilespmem:v5+s14+$0x0], $0xffff  }
0x4b7: {  	v18 =	vshrl.u32 v12, $0xE;
	v19 =	vld.idx.msk [tilespmem:v6+s14+$0x0], $0xffff  }
0x4b8: {  	v20 =	vand.u32 $0x3FFF, v3;
	v3 =	vld.idx.msk [tilespmem:v7+s14+$0x0], $0xffff  }
0x4b9: {  	v21 =	vand.u32 $0x3FFF, v4;
	v5 =	vld.idx.msk [tilespmem:v14+s14+$0x0], $0xffff  }
0x4ba: {  	v8 =	vand.u32 $0x3FFF, v8;
	v6 =	vld.idx.msk [tilespmem:v15+s14+$0x0], $0xffff  }
0x4bb: {  	v9 =	vand.u32 $0x3FFF, v9;
	v4 =	vld.idx.msk [tilespmem:v16+s14+$0x0], $0xffff  }
0x4bc: {  	v10 =	vand.u32 $0x3FFF, v10;
	v7 =	vld.idx.msk [tilespmem:v18+s14+$0x0], $0xffff  }
0x4bd: {  	v11 =	vand.u32 $0x3FFF, v11;
	[tilespmem:v20+s29+$0x0] =	vst.idx.add.f32.msk $0xffff, v19  }
0x4be: {  	s11 =	simm.s32 $0x200;
	v12 =	vand.u32 $0x3FFF, v12;
	v13 =	vand.u32 $0x3FFF, v13;
	[tilespmem:v21+s29+$0x0] =	vst.idx.add.f32.msk $0xffff, v17  }
.LBB2_48:
0x4bf: {  	s1 =	sshra.s32 s11, $0x2;
	p1 =	sne.s32 s11, $0x7A00;
	s11 =	sadd.s32 $0x200, s11;
	[tilespmem:v8+s29+$0x0] =	vst.idx.add.f32.msk $0xffff, v2  }
0x4c0: {  	[tilespmem:v9+s29+$0x0] =	vst.idx.add.f32.msk $0xffff, v3  }
0x4c1: {  	[tilespmem:v10+s29+$0x0] =	vst.idx.add.f32.msk $0xffff, v5  }
0x4c2: {  	[tilespmem:v11+s29+$0x0] =	vst.idx.add.f32.msk $0xffff, v6  }
0x4c3: {  	[tilespmem:v12+s29+$0x0] =	vst.idx.add.f32.msk $0xffff, v7  }
0x4c4: {  	[tilespmem:v13+s29+$0x0] =	vst.idx.add.f32.msk $0xffff, v4  }
0x4c5: {  	v4 =	vld [tilespmem:s1+$0xA020]  }
0x4c6: {  	v5 =	vld [tilespmem:s1+$0xA010]  }
0x4c7: {  	v3 =	vld [tilespmem:s1+$0xA000]  }
0x4c8: {  	v7 =	vld [tilespmem:s1+$0xA030]  }
0x4c9: {  	v10 =	vld [tilespmem:s1+$0xA040]  }
0x4ca: {  	v11 =	vld [tilespmem:s1+$0xA050];
	v2 =	vshrl.u32 v4, $0xE  }
0x4cb: {  	v13 =	vld [tilespmem:s1+$0xA070];
	v6 =	vshrl.u32 v5, $0xE  }
0x4cc: {  	v12 =	vld [tilespmem:s1+$0xA060];
	v8 =	vshrl.u32 v3, $0xE  }
0x4cd: {  	v9 =	vshrl.u32 v7, $0xE  }
0x4ce: {  	v14 =	vshrl.u32 v10, $0xE  }
0x4cf: {  	v15 =	vshrl.u32 v11, $0xE;
	v2 =	vld.idx.msk [tilespmem:v2+s14+$0x0], $0xffff  }
0x4d0: {  	v16 =	vshrl.u32 v13, $0xE;
	v17 =	vld.idx.msk [tilespmem:v6+s14+$0x0], $0xffff  }
0x4d1: {  	v20 =	vand.u32 $0x3FFF, v3;
	v18 =	vshrl.u32 v12, $0xE;
	v19 =	vld.idx.msk [tilespmem:v8+s14+$0x0], $0xffff  }
0x4d2: {  	v21 =	vand.u32 $0x3FFF, v5;
	v3 =	vld.idx.msk [tilespmem:v9+s14+$0x0], $0xffff  }
0x4d3: {  	v8 =	vand.u32 $0x3FFF, v4;
	v5 =	vld.idx.msk [tilespmem:v14+s14+$0x0], $0xffff  }
.Ltmp23:
0x4d4: {  	v9 =	vand.u32 $0x3FFF, v7;
	v6 =	vld.idx.msk [tilespmem:v15+s14+$0x0], $0xffff;
	(pc) =	sbr.rel @p1 .LBB2_48-.Ltmp23, $4  }
0x4d5: {  	v10 =	vand.u32 $0x3FFF, v10;
	v4 =	vld.idx.msk [tilespmem:v16+s14+$0x0], $0xffff  }
0x4d6: {  	v11 =	vand.u32 $0x3FFF, v11;
	v7 =	vld.idx.msk [tilespmem:v18+s14+$0x0], $0xffff  }
0x4d7: {  	v12 =	vand.u32 $0x3FFF, v12;
	[tilespmem:v20+s29+$0x0] =	vst.idx.add.f32.msk $0xffff, v19  }
0x4d8: {  	v13 =	vand.u32 $0x3FFF, v13;
	[tilespmem:v21+s29+$0x0] =	vst.idx.add.f32.msk $0xffff, v17  }
0x4d9: {  	_ =	sdelay $0x3  }
0x4da: {  	[tilespmem:v8+s29+$0x0] =	vst.idx.add.f32.msk $0xffff, v2  }
0x4db: {  	[tilespmem:v9+s29+$0x0] =	vst.idx.add.f32.msk $0xffff, v3  }
0x4dc: {  	[tilespmem:v10+s29+$0x0] =	vst.idx.add.f32.msk $0xffff, v5  }
0x4dd: {  	[tilespmem:v11+s29+$0x0] =	vst.idx.add.f32.msk $0xffff, v6  }
0x4de: {  	[tilespmem:v12+s29+$0x0] =	vst.idx.add.f32.msk $0xffff, v7  }
0x4df: {  	[tilespmem:v13+s29+$0x0] =	vst.idx.add.f32.msk $0xffff, v4  }
0x4e0: {  	v2 =	vld [tilespmem:$0xBF00]  }
0x4e1: {  	v3 =	vld [tilespmem:$0xBF10]  }
0x4e2: {  	v4 =	vld [tilespmem:$0xBF20]  }
0x4e3: {  	v5 =	vld [tilespmem:$0xBF30];
	_ =	sdelay $0x1  }
0x4e4: {  	v6 =	vshrl.u32 v2, $0xE  }
0x4e5: {  	v7 =	vshrl.u32 v3, $0xE  }
0x4e6: {  	v8 =	vshrl.u32 v4, $0xE  }
0x4e7: {  	v9 =	vshrl.u32 v5, $0xE;
	_ =	sdelay $0x1  }
0x4e8: {  	v2 =	vand.u32 $0x3FFF, v2;
	v6 =	vld.idx.msk [tilespmem:v6+s14+$0x0], $0xffff  }
0x4e9: {  	v3 =	vand.u32 $0x3FFF, v3;
	v7 =	vld.idx.msk [tilespmem:v7+s14+$0x0], $0xffff  }
0x4ea: {  	v4 =	vand.u32 $0x3FFF, v4;
	v8 =	vld.idx.msk [tilespmem:v8+s14+$0x0], $0xffff  }
0x4eb: {  	v5 =	vand.u32 $0x3FFF, v5;
	v9 =	vld.idx.msk [tilespmem:v9+s14+$0x0], $0xffff;
	_ =	sdelay $0x1  }
0x4ec: {  	[tilespmem:v2+s29+$0x0] =	vst.idx.add.f32.msk $0xffff, v6  }
0x4ed: {  	[tilespmem:v3+s29+$0x0] =	vst.idx.add.f32.msk $0xffff, v7  }
0x4ee: {  	[tilespmem:v4+s29+$0x0] =	vst.idx.add.f32.msk $0xffff, v8  }
0x4ef: {  	s1 =	simm.s32 $0x0;
	[tilespmem:v5+s29+$0x0] =	vst.idx.add.f32.msk $0xffff, v9  }
0x4f0: {  	[tilespmem:s25], [sflag:$0x1] =	stream.linear.gather [hbm4b:s20+s1], $0x1F40, $0x38;
	[tilespmem:$0x19500] =	vst v63  }
0x4f1: {  	_ =	swait.ge [sflag:s30], $0x1F40  }
0x4f2: {  	[sflag:s30] =	ssyncset.done $0x0  }
0x4f3: {  	s24 =	simm.s32 $0x0;
	[sflag:s30] =	ssyncadd.s32 $0xFFFFE0C0  }
0x4f4: {  	v8 =	vld [tilespmem:s24+$0xBF60]  }
0x4f5: {  	v4 =	vld [tilespmem:s24+$0xBF50]  }
0x4f6: {  	v3 =	vld [tilespmem:s24+$0xBF40]  }
0x4f7: {  	v9 =	vld [tilespmem:s24+$0xBF70]  }
0x4f8: {  	v10 =	vld [tilespmem:s24+$0xBF80]  }
0x4f9: {  	v11 =	vld [tilespmem:s24+$0xBF90];
	v2 =	vshrl.u32 v8, $0xE  }
0x4fa: {  	v13 =	vld [tilespmem:s24+$0xBFB0];
	v5 =	vshrl.u32 v4, $0xE  }
0x4fb: {  	v12 =	vld [tilespmem:s24+$0xBFA0];
	v6 =	vshrl.u32 v3, $0xE  }
0x4fc: {  	v7 =	vshrl.u32 v9, $0xE  }
0x4fd: {  	v14 =	vshrl.u32 v10, $0xE  }
0x4fe: {  	v15 =	vshrl.u32 v11, $0xE;
	v2 =	vld.idx.msk [tilespmem:v2+s14+$0x0], $0xffff  }
0x4ff: {  	v16 =	vshrl.u32 v13, $0xE;
	v17 =	vld.idx.msk [tilespmem:v5+s14+$0x0], $0xffff  }
0x500: {  	v18 =	vshrl.u32 v12, $0xE;
	v19 =	vld.idx.msk [tilespmem:v6+s14+$0x0], $0xffff  }
0x501: {  	v20 =	vand.u32 $0x3FFF, v3;
	v3 =	vld.idx.msk [tilespmem:v7+s14+$0x0], $0xffff  }
0x502: {  	v21 =	vand.u32 $0x3FFF, v4;
	v5 =	vld.idx.msk [tilespmem:v14+s14+$0x0], $0xffff  }
0x503: {  	v8 =	vand.u32 $0x3FFF, v8;
	v6 =	vld.idx.msk [tilespmem:v15+s14+$0x0], $0xffff  }
0x504: {  	v9 =	vand.u32 $0x3FFF, v9;
	v4 =	vld.idx.msk [tilespmem:v16+s14+$0x0], $0xffff  }
0x505: {  	v10 =	vand.u32 $0x3FFF, v10;
	v7 =	vld.idx.msk [tilespmem:v18+s14+$0x0], $0xffff  }
0x506: {  	v11 =	vand.u32 $0x3FFF, v11;
	[tilespmem:v20+s29+$0x0] =	vst.idx.add.f32.msk $0xffff, v19  }
0x507: {  	s5 =	simm.s32 $0x200;
	s8 =	smov.u32 s15;
	s11 =	simm.s32 $0x200;
	v12 =	vand.u32 $0x3FFF, v12;
	v13 =	vand.u32 $0x3FFF, v13;
	[tilespmem:v21+s29+$0x0] =	vst.idx.add.f32.msk $0xffff, v17  }
.LBB2_50:
0x508: {  	s1 =	sshra.s32 s11, $0x2;
	p1 =	sne.s32 s11, $0x7A00;
	s11 =	sadd.s32 $0x200, s11;
	[tilespmem:v8+s29+$0x0] =	vst.idx.add.f32.msk $0xffff, v2  }
0x509: {  	[tilespmem:v9+s29+$0x0] =	vst.idx.add.f32.msk $0xffff, v3  }
0x50a: {  	[tilespmem:v10+s29+$0x0] =	vst.idx.add.f32.msk $0xffff, v5  }
0x50b: {  	[tilespmem:v11+s29+$0x0] =	vst.idx.add.f32.msk $0xffff, v6  }
0x50c: {  	[tilespmem:v12+s29+$0x0] =	vst.idx.add.f32.msk $0xffff, v7  }
0x50d: {  	[tilespmem:v13+s29+$0x0] =	vst.idx.add.f32.msk $0xffff, v4  }
0x50e: {  	v4 =	vld [tilespmem:s1+$0xBF60]  }
0x50f: {  	v5 =	vld [tilespmem:s1+$0xBF50]  }
0x510: {  	v3 =	vld [tilespmem:s1+$0xBF40]  }
0x511: {  	v7 =	vld [tilespmem:s1+$0xBF70]  }
0x512: {  	v10 =	vld [tilespmem:s1+$0xBF80]  }
0x513: {  	v11 =	vld [tilespmem:s1+$0xBF90];
	v2 =	vshrl.u32 v4, $0xE  }
0x514: {  	v13 =	vld [tilespmem:s1+$0xBFB0];
	v6 =	vshrl.u32 v5, $0xE  }
0x515: {  	v12 =	vld [tilespmem:s1+$0xBFA0];
	v8 =	vshrl.u32 v3, $0xE  }
0x516: {  	v9 =	vshrl.u32 v7, $0xE  }
0x517: {  	v14 =	vshrl.u32 v10, $0xE  }
0x518: {  	v15 =	vshrl.u32 v11, $0xE;
	v2 =	vld.idx.msk [tilespmem:v2+s14+$0x0], $0xffff  }
0x519: {  	v16 =	vshrl.u32 v13, $0xE;
	v17 =	vld.idx.msk [tilespmem:v6+s14+$0x0], $0xffff  }
0x51a: {  	v20 =	vand.u32 $0x3FFF, v3;
	v18 =	vshrl.u32 v12, $0xE;
	v19 =	vld.idx.msk [tilespmem:v8+s14+$0x0], $0xffff  }
0x51b: {  	v21 =	vand.u32 $0x3FFF, v5;
	v3 =	vld.idx.msk [tilespmem:v9+s14+$0x0], $0xffff  }
0x51c: {  	v8 =	vand.u32 $0x3FFF, v4;
	v5 =	vld.idx.msk [tilespmem:v14+s14+$0x0], $0xffff  }
.Ltmp24:
0x51d: {  	v9 =	vand.u32 $0x3FFF, v7;
	v6 =	vld.idx.msk [tilespmem:v15+s14+$0x0], $0xffff;
	(pc) =	sbr.rel @p1 .LBB2_50-.Ltmp24, $4  }
0x51e: {  	v10 =	vand.u32 $0x3FFF, v10;
	v4 =	vld.idx.msk [tilespmem:v16+s14+$0x0], $0xffff  }
0x51f: {  	v11 =	vand.u32 $0x3FFF, v11;
	v7 =	vld.idx.msk [tilespmem:v18+s14+$0x0], $0xffff  }
0x520: {  	v12 =	vand.u32 $0x3FFF, v12;
	[tilespmem:v20+s29+$0x0] =	vst.idx.add.f32.msk $0xffff, v19  }
0x521: {  	v13 =	vand.u32 $0x3FFF, v13;
	[tilespmem:v21+s29+$0x0] =	vst.idx.add.f32.msk $0xffff, v17  }
0x522: {  	_ =	sdelay $0x3  }
0x523: {  	[tilespmem:v8+s29+$0x0] =	vst.idx.add.f32.msk $0xffff, v2  }
0x524: {  	[tilespmem:v9+s29+$0x0] =	vst.idx.add.f32.msk $0xffff, v3  }
0x525: {  	[tilespmem:v10+s29+$0x0] =	vst.idx.add.f32.msk $0xffff, v5  }
0x526: {  	[tilespmem:v11+s29+$0x0] =	vst.idx.add.f32.msk $0xffff, v6  }
0x527: {  	[tilespmem:v12+s29+$0x0] =	vst.idx.add.f32.msk $0xffff, v7  }
0x528: {  	[tilespmem:v13+s29+$0x0] =	vst.idx.add.f32.msk $0xffff, v4  }
0x529: {  	v2 =	vld [tilespmem:$0xDE40]  }
0x52a: {  	v3 =	vld [tilespmem:$0xDE50]  }
0x52b: {  	v4 =	vld [tilespmem:$0xDE60]  }
0x52c: {  	v5 =	vld [tilespmem:$0xDE70];
	_ =	sdelay $0x1  }
0x52d: {  	v6 =	vshrl.u32 v2, $0xE  }
0x52e: {  	v7 =	vshrl.u32 v3, $0xE  }
0x52f: {  	v8 =	vshrl.u32 v4, $0xE  }
0x530: {  	v9 =	vshrl.u32 v5, $0xE;
	_ =	sdelay $0x1  }
0x531: {  	v2 =	vand.u32 $0x3FFF, v2;
	v6 =	vld.idx.msk [tilespmem:v6+s14+$0x0], $0xffff  }
0x532: {  	v3 =	vand.u32 $0x3FFF, v3;
	v7 =	vld.idx.msk [tilespmem:v7+s14+$0x0], $0xffff  }
0x533: {  	v4 =	vand.u32 $0x3FFF, v4;
	v8 =	vld.idx.msk [tilespmem:v8+s14+$0x0], $0xffff  }
0x534: {  	v5 =	vand.u32 $0x3FFF, v5;
	v9 =	vld.idx.msk [tilespmem:v9+s14+$0x0], $0xffff;
	_ =	sdelay $0x1  }
0x535: {  	[tilespmem:v2+s29+$0x0] =	vst.idx.add.f32.msk $0xffff, v6  }
0x536: {  	[tilespmem:v3+s29+$0x0] =	vst.idx.add.f32.msk $0xffff, v7  }
0x537: {  	[tilespmem:v4+s29+$0x0] =	vst.idx.add.f32.msk $0xffff, v8  }
0x538: {  	[tilespmem:v5+s29+$0x0] =	vst.idx.add.f32.msk $0xffff, v9  }
0x539: {  	_ =	swait.ge [sflag:s28], $0x1F40  }
0x53a: {  	[sflag:s28] =	ssyncset.done $0x0  }
0x53b: {  	s1 =	simm.s32 $0x0;
	[sflag:s28] =	ssyncadd.s32 $0xFFFFE0C0  }
0x53c: {  	v8 =	vld [tilespmem:s1+$0xA020]  }
0x53d: {  	v4 =	vld [tilespmem:s1+$0xA010]  }
0x53e: {  	v3 =	vld [tilespmem:s1+$0xA000]  }
0x53f: {  	v9 =	vld [tilespmem:s1+$0xA030]  }
0x540: {  	v10 =	vld [tilespmem:s1+$0xA040]  }
0x541: {  	v11 =	vld [tilespmem:s1+$0xA050];
	v2 =	vshrl.u32 v8, $0xE  }
0x542: {  	v13 =	vld [tilespmem:s1+$0xA070];
	v5 =	vshrl.u32 v4, $0xE  }
0x543: {  	v12 =	vld [tilespmem:s1+$0xA060];
	v6 =	vshrl.u32 v3, $0xE  }
0x544: {  	v7 =	vshrl.u32 v9, $0xE  }
0x545: {  	v14 =	vshrl.u32 v10, $0xE  }
0x546: {  	v15 =	vshrl.u32 v11, $0xE;
	v2 =	vld.idx.msk [tilespmem:v2+s14+$0x0], $0xffff  }
0x547: {  	v16 =	vshrl.u32 v13, $0xE;
	v17 =	vld.idx.msk [tilespmem:v5+s14+$0x0], $0xffff  }
0x548: {  	v18 =	vshrl.u32 v12, $0xE;
	v19 =	vld.idx.msk [tilespmem:v6+s14+$0x0], $0xffff  }
0x549: {  	v20 =	vand.u32 $0x3FFF, v3;
	v3 =	vld.idx.msk [tilespmem:v7+s14+$0x0], $0xffff  }
0x54a: {  	v21 =	vand.u32 $0x3FFF, v4;
	v5 =	vld.idx.msk [tilespmem:v14+s14+$0x0], $0xffff  }
0x54b: {  	v8 =	vand.u32 $0x3FFF, v8;
	v6 =	vld.idx.msk [tilespmem:v15+s14+$0x0], $0xffff  }
0x54c: {  	v9 =	vand.u32 $0x3FFF, v9;
	v4 =	vld.idx.msk [tilespmem:v16+s14+$0x0], $0xffff  }
0x54d: {  	v10 =	vand.u32 $0x3FFF, v10;
	v7 =	vld.idx.msk [tilespmem:v18+s14+$0x0], $0xffff  }
0x54e: {  	v11 =	vand.u32 $0x3FFF, v11;
	[tilespmem:v20+s29+$0x0] =	vst.idx.add.f32.msk $0xffff, v19  }
0x54f: {  	s18 =	smov.u32 s13;
	s15 =	smov.u32 s12;
	s11 =	simm.s32 $0x200;
	v12 =	vand.u32 $0x3FFF, v12;
	v13 =	vand.u32 $0x3FFF, v13;
	[tilespmem:v21+s29+$0x0] =	vst.idx.add.f32.msk $0xffff, v17  }
.LBB2_52:
0x550: {  	s1 =	sshra.s32 s11, $0x2;
	p1 =	sne.s32 s11, $0x7A00;
	s11 =	sadd.s32 $0x200, s11;
	[tilespmem:v8+s29+$0x0] =	vst.idx.add.f32.msk $0xffff, v2  }
0x551: {  	[tilespmem:v9+s29+$0x0] =	vst.idx.add.f32.msk $0xffff, v3  }
0x552: {  	[tilespmem:v10+s29+$0x0] =	vst.idx.add.f32.msk $0xffff, v5  }
0x553: {  	[tilespmem:v11+s29+$0x0] =	vst.idx.add.f32.msk $0xffff, v6  }
0x554: {  	[tilespmem:v12+s29+$0x0] =	vst.idx.add.f32.msk $0xffff, v7  }
0x555: {  	[tilespmem:v13+s29+$0x0] =	vst.idx.add.f32.msk $0xffff, v4  }
0x556: {  	v4 =	vld [tilespmem:s1+$0xA020]  }
0x557: {  	v5 =	vld [tilespmem:s1+$0xA010]  }
0x558: {  	v3 =	vld [tilespmem:s1+$0xA000]  }
0x559: {  	v7 =	vld [tilespmem:s1+$0xA030]  }
0x55a: {  	v10 =	vld [tilespmem:s1+$0xA040]  }
0x55b: {  	v11 =	vld [tilespmem:s1+$0xA050];
	v2 =	vshrl.u32 v4, $0xE  }
0x55c: {  	v13 =	vld [tilespmem:s1+$0xA070];
	v6 =	vshrl.u32 v5, $0xE  }
0x55d: {  	v12 =	vld [tilespmem:s1+$0xA060];
	v8 =	vshrl.u32 v3, $0xE  }
0x55e: {  	v9 =	vshrl.u32 v7, $0xE  }
0x55f: {  	v14 =	vshrl.u32 v10, $0xE  }
0x560: {  	v15 =	vshrl.u32 v11, $0xE;
	v2 =	vld.idx.msk [tilespmem:v2+s14+$0x0], $0xffff  }
0x561: {  	v16 =	vshrl.u32 v13, $0xE;
	v17 =	vld.idx.msk [tilespmem:v6+s14+$0x0], $0xffff  }
0x562: {  	v20 =	vand.u32 $0x3FFF, v3;
	v18 =	vshrl.u32 v12, $0xE;
	v19 =	vld.idx.msk [tilespmem:v8+s14+$0x0], $0xffff  }
0x563: {  	v21 =	vand.u32 $0x3FFF, v5;
	v3 =	vld.idx.msk [tilespmem:v9+s14+$0x0], $0xffff  }
0x564: {  	v8 =	vand.u32 $0x3FFF, v4;
	v5 =	vld.idx.msk [tilespmem:v14+s14+$0x0], $0xffff  }
.Ltmp25:
0x565: {  	v9 =	vand.u32 $0x3FFF, v7;
	v6 =	vld.idx.msk [tilespmem:v15+s14+$0x0], $0xffff;
	(pc) =	sbr.rel @p1 .LBB2_52-.Ltmp25, $4  }
0x566: {  	v10 =	vand.u32 $0x3FFF, v10;
	v4 =	vld.idx.msk [tilespmem:v16+s14+$0x0], $0xffff  }
0x567: {  	v11 =	vand.u32 $0x3FFF, v11;
	v7 =	vld.idx.msk [tilespmem:v18+s14+$0x0], $0xffff  }
0x568: {  	v12 =	vand.u32 $0x3FFF, v12;
	[tilespmem:v20+s29+$0x0] =	vst.idx.add.f32.msk $0xffff, v19  }
0x569: {  	v13 =	vand.u32 $0x3FFF, v13;
	[tilespmem:v21+s29+$0x0] =	vst.idx.add.f32.msk $0xffff, v17  }
0x56a: {  	_ =	sdelay $0x3  }
0x56b: {  	[tilespmem:v8+s29+$0x0] =	vst.idx.add.f32.msk $0xffff, v2  }
0x56c: {  	[tilespmem:v9+s29+$0x0] =	vst.idx.add.f32.msk $0xffff, v3  }
0x56d: {  	[tilespmem:v10+s29+$0x0] =	vst.idx.add.f32.msk $0xffff, v5  }
0x56e: {  	[tilespmem:v11+s29+$0x0] =	vst.idx.add.f32.msk $0xffff, v6  }
0x56f: {  	[tilespmem:v12+s29+$0x0] =	vst.idx.add.f32.msk $0xffff, v7  }
0x570: {  	[tilespmem:v13+s29+$0x0] =	vst.idx.add.f32.msk $0xffff, v4  }
0x571: {  	v2 =	vld [tilespmem:$0xBF00]  }
0x572: {  	v3 =	vld [tilespmem:$0xBF10]  }
0x573: {  	v4 =	vld [tilespmem:$0xBF20]  }
0x574: {  	v5 =	vld [tilespmem:$0xBF30];
	_ =	sdelay $0x1  }
0x575: {  	v60 =	vshrl.u32 v2, $0xE  }
0x576: {  	v61 =	vshrl.u32 v3, $0xE  }
0x577: {  	v62 =	vshrl.u32 v4, $0xE  }
0x578: {  	v63 =	vshrl.u32 v5, $0xE;
	_ =	sdelay $0x1  }
0x579: {  	v2 =	vand.u32 $0x3FFF, v2;
	v6 =	vld.idx.msk [tilespmem:v60+s14+$0x0], $0xffff  }
0x57a: {  	v3 =	vand.u32 $0x3FFF, v3;
	v7 =	vld.idx.msk [tilespmem:v61+s14+$0x0], $0xffff  }
0x57b: {  	v4 =	vand.u32 $0x3FFF, v4;
	v8 =	vld.idx.msk [tilespmem:v62+s14+$0x0], $0xffff  }
0x57c: {  	v5 =	vand.u32 $0x3FFF, v5;
	v9 =	vld.idx.msk [tilespmem:v63+s14+$0x0], $0xffff;
	_ =	sdelay $0x1  }
0x57d: {  	[tilespmem:v2+s29+$0x0] =	vst.idx.add.f32.msk $0xffff, v6  }
0x57e: {  	[tilespmem:v3+s29+$0x0] =	vst.idx.add.f32.msk $0xffff, v7  }
0x57f: {  	[tilespmem:v4+s29+$0x0] =	vst.idx.add.f32.msk $0xffff, v8  }
0x580: {  	[tilespmem:v5+s29+$0x0] =	vst.idx.add.f32.msk $0xffff, v9  }
0x581: {  	[spmem:s7] =	stream.strided.scatter [tilespmem:s29], [sflag:$0x3], $0x2800, s0, s31, $0x38;
	[tilespmem:$0x19500] =	vst v63  }
0x582: {  	_ =	swait.ge [sflag:s2], $0x2800  }
0x583: {  	[sflag:s2] =	ssyncset.done $0x0  }
0x584: {  	[sflag:s2] =	ssyncadd.s32 $0xFFFFD800  }
0x585: {  	[bflag:$0x0] =	sbarrier.arrive $0xFFFF  }
0x586: {  	s6 =	simm.s32 $0x10680;
	s16 =	simm.s32 $0x0;
	s1 =	rddreg [dreg:$0xd]  }
0x587: {  	[tilespmem:s6], [sflag:$0x3] =	stream.strided.gather [spmem:s1], $0x2800, s0, s5, $0x38;
	[tilespmem:$0x19500] =	vst v63  }
0x588: {  	s23 =	sand.u32 $0x70, s16;
	s24 =	sand.u32 $0x3E00, s16;
	_ =	swait.ge [sflag:s2], $0x2800  }
0x589: {  	s6 =	sor.u32 s23, s24;
	[sflag:s2] =	ssyncset.done $0x0  }
0x58a: {  	s24 =	sadd.s32 $0x10680, s6;
	[sflag:s2] =	ssyncadd.s32 $0xFFFFD800  }
0x58b: {  	s22 =	simm.s32 $0x10;
	s11 =	simm.s32 $0x0;
	s23 =	simm.s32 $0x0;
	v2 =	vld [tilespmem:s24+$0x80]  }
.LBB2_54:
0x58c: {  	p1 =	sne.s32 s22, $0x9F0;
	v3 =	vld [tilespmem:s6+$0x10680]  }
0x58d: {  	v4 =	vld [tilespmem:s24+$0x100]  }
0x58e: {  	v5 =	vld [tilespmem:s24+$0x180];
	_ =	sdelay $0x4  }
0x58f: {  	v2 =	vadd.f32 v2, v3;
	v3 =	vadd.f32 v5, v4  }
.Ltmp26:
0x590: {  	s23 =	sadd.s32 $0x40, s23;
	(pc) =	sbr.rel @p1 .LBB2_54-.Ltmp26, $4  }
0x591: {  	s1 =	sand.u32 $0x70, s22;
	s5 =	sand.u32 $0x3E00, s23;
	v2 =	vadd.f32 v3, v2  }
0x592: {  	s6 =	sor.u32 s1, s5;
	s1 =	sshra.s32 s11, $0x2;
	s11 =	smov.u32 s23  }
0x593: {  	s24 =	sadd.s32 $0x10680, s6;
	[tilespmem:s1+$0x12E80] =	vst v2  }
0x594: {  	s22 =	sadd.s32 $0x10, s22;
	v2 =	vld [tilespmem:s24+$0x80]  }
0x595: {  	v3 =	vld [tilespmem:s6+$0x10680]  }
0x596: {  	v4 =	vld [tilespmem:s24+$0x100]  }
0x597: {  	v5 =	vld [tilespmem:s24+$0x180];
	_ =	sdelay $0x4  }
0x598: {  	v2 =	vadd.f32 v2, v3;
	v3 =	vadd.f32 v5, v4;
	_ =	sdelay $0x1  }
0x599: {  	v2 =	vadd.f32 v3, v2  }
0x59a: {  	s1 =	sshra.s32 s11, $0x2  }
0x59b: {  	s11 =	simm.s32 $0x12EA0;
	[tilespmem:s1+$0x12E80] =	vst v2  }
0x59c: {  	v2 =	vld [tilespmem:s11+$0xFFFFFFF0]  }
0x59d: {  	s13 =	sadd.s32 $0x0, s21;
	v3 =	vld [tilespmem:s11+$0xFFFFFFE0]  }
0x59e: {  	s5 =	sand.u32 $0x40, s16;
	s22 =	simm.s32 $0x20;
	s1 =	sand.u32 $0x3F80, s13;
	v5 =	vld [tilespmem:s11+$0x0]  }
0x59f: {  	s6 =	sand.u32 $0x60, s22;
	s5 =	sor.u32 s5, s1;
	v4 =	vld [tilespmem:s11+$0x10]  }
0x5a0: {  	s6 =	sor.u32 s6, s1;
	v7 =	vld [tilespmem:s5+$0x0]  }
0x5a1: {  	s23 =	simm.s32 $0x30;
	v6 =	vld [tilespmem:s6+$0x0]  }
0x5a2: {  	s22 =	simm.s32 $0x10;
	s16 =	sand.u32 $0x70, s23;
	v10 =	vld [tilespmem:s5+$0x2800]  }
0x5a3: {  	s24 =	sand.u32 $0x50, s22;
	s23 =	sor.u32 s16, s1;
	v9 =	vld [tilespmem:s6+$0x2800]  }
0x5a4: {  	s22 =	simm.s32 $0x12EA0;
	s16 =	simm.s32 $0x40;
	s24 =	sor.u32 s24, s1;
	v8 =	vld [tilespmem:s23+$0x2800]  }
.LBB2_56:
0x5a5: {  	p1 =	sne.s32 s16, $0x9C0  }
0x5a6: {  	v11 =	vld [tilespmem:s24+$0x2800];
	s11 =	sadd.s32 $0x40, s11;
	s1 =	smov.u32 s16;
	s16 =	sadd.s32 $0x40, s16  }
0x5a7: {  	v12 =	vld [tilespmem:s23+$0x0]  }
0x5a8: {  	s5 =	sadd.s32 $0x10, s1;
	s6 =	sadd.s32 s1, s21;
	s23 =	sand.u32 $0x40, s1;
	v13 =	vld [tilespmem:s24+$0x0];
	v3 =	vadd.f32 v10, v3  }
0x5a9: {  	s24 =	sadd.s32 $0x20, s1;
	s1 =	sadd.s32 $0x30, s1;
	s5 =	sand.u32 $0x50, s5;
	v10 =	vld [tilespmem:s11+$0xFFFFFFF0];
	v5 =	vadd.f32 v9, v5  }
0x5aa: {  	s6 =	sand.u32 $0x3F80, s6;
	s24 =	sand.u32 $0x60, s24;
	s1 =	sand.u32 $0x70, s1;
	v3 =	vmul.f32 v3, v7;
	v4 =	vadd.f32 v8, v4  }
0x5ab: {  	s12 =	sor.u32 s23, s6;
	s13 =	sor.u32 s24, s6;
	s23 =	sor.u32 s1, s6;
	v7 =	vadd.f32 v11, v2;
	v5 =	vmul.f32 v5, v6  }
0x5ac: {  	s24 =	sor.u32 s5, s6;
	[tilespmem:s22+$0xFFFFFFE0] =	vst v3;
	v4 =	vmul.f32 v4, v12  }
0x5ad: {  	v3 =	vld [tilespmem:s11+$0xFFFFFFE0];
	v6 =	vmul.f32 v7, v13;
	[tilespmem:s22+$0x0] =	vst v5  }
0x5ae: {  	v5 =	vld [tilespmem:s11+$0x0];
	[tilespmem:s22+$0x10] =	vst v4;
	v2 =	vmov v10  }
0x5af: {  	v4 =	vld [tilespmem:s11+$0x10];
	[tilespmem:s22+$0xFFFFFFF0] =	vst v6;
	s22 =	smov.u32 s11  }
.Ltmp27:
0x5b0: {  	v7 =	vld [tilespmem:s12+$0x0];
	(pc) =	sbr.rel @p1 .LBB2_56-.Ltmp27, $4  }
0x5b1: {  	v6 =	vld [tilespmem:s13+$0x0]  }
0x5b2: {  	v10 =	vld [tilespmem:s12+$0x2800]  }
0x5b3: {  	v9 =	vld [tilespmem:s13+$0x2800]  }
0x5b4: {  	v8 =	vld [tilespmem:s23+$0x2800]  }
0x5b5: {  	v11 =	vld [tilespmem:s24+$0x2800]  }
0x5b6: {  	v12 =	vld [tilespmem:s23+$0x0]  }
0x5b7: {  	v13 =	vld [tilespmem:s24+$0x0];
	v3 =	vadd.f32 v10, v3  }
0x5b8: {  	v5 =	vadd.f32 v9, v5  }
0x5b9: {  	v3 =	vmul.f32 v3, v7;
	v4 =	vadd.f32 v8, v4  }
0x5ba: {  	v2 =	vadd.f32 v11, v2;
	v5 =	vmul.f32 v5, v6  }
0x5bb: {  	[tilespmem:s22+$0xFFFFFFE0] =	vst v3;
	v3 =	vmul.f32 v4, v12  }
0x5bc: {  	v2 =	vmul.f32 v2, v13;
	[tilespmem:s22+$0x0] =	vst v5  }
0x5bd: {  	[tilespmem:s22+$0x10] =	vst v3  }
0x5be: {  	s1 =	rddreg [dreg:$0x11];
	s5 =	simm.s32 $0x12E80;
	[tilespmem:s22+$0xFFFFFFF0] =	vst v2  }
0x5bf: {  	[hbm4b:s1+s31] =	stream.strided.scatter [tilespmem:s5], [sflag:$0x3], $0xA00, s0, s31, $0x38;
	[tilespmem:$0x19500] =	vst v63  }
0x5c0: {  	_ =	swait.ge [sflag:s2], $0xA00  }
0x5c1: {  	s10 =	sadd.s32 $0x1, s10;
	s24 =	rddreg [dreg:$0x12]  }
0x5c2: {  	p1 =	sne.s32 s10, s24  }
.Ltmp28:
0x5c3: {  	_ = 	snop;
	(pc) =	sbr.rel @p1 .LBB2_1-.Ltmp28, $4  }
0x5c4: {  	_ = 	snop  }
0x5c5: {  	s12 =	smov.u32 s15  }
0x5c6: {  	s13 =	smov.u32 s18;
	s15 =	smov.u32 s8;
	[sflag:s2] =	ssyncset.done $0x0  }
0x5c7: {  	s8 =	simm.s32 $0xDE80;
	s18 =	simm.s32 $0x200;
	[sflag:s2] =	ssyncadd.s32 $0xFFFFF600  }
0x5c8: {  	_ =	sfence.sel $0x180000  }
0x5c9: {  	[bflag:$0x0] =	sbarrier.arrive $0xFFFF  }
0x5ca: {  	_ =	strace $0x90000047  }
0x5cb: {  	s0 =	stileid.u32;
	[bflag:$0x2] =	sbarrier.arrive $0xFFFF  }
0x5cc: {  	p0 =	sne.s32 s0, $0x0;
	s0 =	rddreg [dreg:$0x6]  }
0x5cd: {  	s0 =	sadd.s32 @!p0 $0x100000, s0  }
0x5ce: {  	[sflag:s0] =	ssyncadd.tile.s32 @!p0 $0x1;
	_ =	shalt  }
.Lfunc_end2:
_tile_overlayer_lowered:
.L_overlay_start_2:
0x5cf: {  	(tag) =	ssettag $0x2  }
0x5d0: {  	s0 =	rddreg [dreg:$0x0];
	s2 =	stileid.u32  }
0x5d1: {  	s1 =	rddreg [dreg:$0x1];
	p0 =	sne.s32 s2, $0x0  }
0x5d2: {  	s3 =	rddreg [dreg:$0x2];
	[bflag:$0x3] =	sbarrier.arrive $0xFFFF;
	s2 =	simm.s32 @!p0 $0x1C03  }
0x5d3: {  	[timem:s3], [sflag:s2] =	dma.local @!p0 [hbm:s0], s1  }
0x5d4: {  	s0 =	simm.s32 @!p0 $0x3  }
0x5d5: {  	_ =	swait.ge @!p0 [sflag:s0], s1  }
0x5d6: {  	s1 =	ssub.s32 @!p0 $0x0, s1;
	[sflag:s0] =	ssyncset.done @!p0 $0x0  }
0x5d7: {  	[sflag:s0] =	ssyncadd.s32 @!p0 s1  }
0x5d8: {  	[bflag:$0x3] =	sbarrier.arrive $0xFFFF  }
0x5d9: {  	_ =	shalt  }

</sc_bundles>
